<compile_context>
chip_gen: v7x
topology: tpu7x:2x2x1
jax: 0.10.2.dev20260603
libtpu: 0.0.44.dev20260713+nightly
codegen_flags: <defaults>
</compile_context>

<pallas_src>
import functools

import jax
import jax.numpy as jnp
from jax import lax
from jax.experimental import pallas as pl
from jax.experimental.pallas import tpu as pltpu
from jax.experimental.pallas import tpu_sc as plsc

_R, _C = 128, 100000
_NW = 32
_CPW = 3000
_SCCOLS = _NW * _CPW
_CHW = 200
_NCH = _CPW // _CHW
_TBLK = 4000
_TGRID = (_C - _SCCOLS) // _TBLK
_TOFF = _SCCOLS // _TBLK
_NEG = -3.4e38
_BIG = 2**30

def _sc_body(tout_hbm, val_hbm, idx_hbm, buf0, buf1, valv, idxv, sem0, sem1):
    cid = lax.axis_index("c")
    sid = lax.axis_index("s")
    wid = cid * 16 + sid
    col0 = wid * _CPW

    bufs = (buf0, buf1)
    sems = (sem0, sem1)

    def cstart(j):
        return pl.multiple_of(col0 + j * _CHW, 8)

    def scan_cols(buf, pos0, carry, ncols):
        def body(i, c):
            st = list(c[:-1])
            pos = c[-1]
            for u in range(2):
                col = i * 2 + u
                p = pos + u
                for g in range(8):
                    v = buf[col, pl.ds(g * 16, 16)]
                    upd = v > st[2 * g]
                    st[2 * g] = jnp.where(upd, v, st[2 * g])
                    st[2 * g + 1] = jnp.where(upd, p, st[2 * g + 1])
            return tuple(st) + (pos + 2,)

        out = lax.fori_loop(0, ncols // 2, body, tuple(carry) + (pos0,))
        return out[:-1]

    pltpu.async_copy(tout_hbm.at[pl.ds(cstart(0), _CHW)], bufs[0], sems[0])
    pltpu.async_copy(tout_hbm.at[pl.ds(cstart(1), _CHW)], bufs[1], sems[1])

    carry = []
    for g in range(8):
        carry += [jnp.full((16,), _NEG, jnp.float32),
                  jnp.zeros((16,), jnp.int32)]
    carry = tuple(carry)

    def outer(jp, carry):
        for b in range(2):
            j = jp * 2 + b
            pltpu.make_async_copy(
                tout_hbm.at[pl.ds(cstart(0), _CHW)], bufs[b],
                sems[b]).wait()
            c2 = scan_cols(bufs[b], jnp.full((16,), 0, jnp.int32)
                           + (col0 + j * _CHW), carry, _CHW)

            @pl.when(j + 2 < _NCH)
            def _():
                pltpu.async_copy(
                    tout_hbm.at[pl.ds(cstart(j + 2), _CHW)], bufs[b],
                    sems[b])

            carry = c2
        return carry

    carry = lax.fori_loop(0, _NCH // 2, outer, carry)
    if _NCH % 2:
        j = _NCH - 1
        pltpu.make_async_copy(
            tout_hbm.at[pl.ds(cstart(0), _CHW)], bufs[0], sems[0]).wait()
        carry = scan_cols(bufs[0], jnp.full((16,), 0, jnp.int32)
                          + (col0 + j * _CHW), carry, _CHW)

    for g in range(8):
        valv[pl.ds(g * 16, 16)] = carry[2 * g]
        idxv[pl.ds(g * 16, 16)] = carry[2 * g + 1]
    pltpu.sync_copy(valv, val_hbm.at[pl.ds(wid * 128, 128)])
    pltpu.sync_copy(idxv, idx_hbm.at[pl.ds(wid * 128, 128)])


_sc_argmax = functools.partial(
    pl.kernel,
    out_type=[
        jax.ShapeDtypeStruct((_NW * 128,), jnp.float32),
        jax.ShapeDtypeStruct((_NW * 128,), jnp.int32),
    ],
    mesh=plsc.VectorSubcoreMesh(core_axis_name="c", subcore_axis_name="s"),
    scratch_types=[
        pltpu.VMEM((_CHW, 128), jnp.float32),
        pltpu.VMEM((_CHW, 128), jnp.float32),
        pltpu.VMEM((128,), jnp.float32),
        pltpu.VMEM((128,), jnp.int32),
        pltpu.SemaphoreType.DMA,
        pltpu.SemaphoreType.DMA,
    ],
)(_sc_body)


_SBLK = 10000


def _tc_sums_body(l_ref, s_ref, sll_ref):
    l = l_ref[...]
    ps = jnp.sum(l, axis=0, keepdims=True)
    psll = jnp.sum(l * jnp.log(l), axis=0, keepdims=True)

    @pl.when(pl.program_id(0) == 0)
    def _():
        s_ref[...] = jnp.zeros_like(s_ref)
        sll_ref[...] = jnp.zeros_like(sll_ref)

    s_ref[...] += ps
    sll_ref[...] += psll


def _tc_argmax_body(o_ref, tval_ref, tidx_ref, rm_s, ri_s):
    i = pl.program_id(0)
    o = o_ref[...]
    base = _SCCOLS + i * _TBLK
    bm = jnp.max(o, axis=0, keepdims=True)
    iota = lax.broadcasted_iota(jnp.int32, (_TBLK, 128), 0) + base
    bi = jnp.min(jnp.where(o == bm, iota, _BIG), axis=0, keepdims=True)

    @pl.when(i == 0)
    def _():
        rm_s[...] = jnp.full_like(rm_s, _NEG)
        ri_s[...] = jnp.zeros_like(ri_s)

    upd = bm > rm_s[...]
    rm_s[...] = jnp.where(upd, bm, rm_s[...])
    ri_s[...] = jnp.where(upd, bi, ri_s[...])

    @pl.when(i == _TGRID - 1)
    def _():
        tval_ref[...] = rm_s[...]
        tidx_ref[...] = ri_s[...]


def _merge_body(val_ref, idx_ref, tval_ref, tidx_ref, s_ref, sll_ref,
                ri_ref, ent_ref, logs_ref):
    val = val_ref[...]
    idx = idx_ref[...]
    tval = tval_ref[...]
    tidx = tidx_ref[...]
    m = jnp.maximum(jnp.max(val, axis=0, keepdims=True), tval)
    ri = jnp.min(jnp.where(val == m, idx, _BIG), axis=0, keepdims=True)
    ri = jnp.minimum(ri, jnp.where(tval == m, tidx, _BIG))
    s = s_ref[...]
    logs = jnp.log(s)
    ri_ref[...] = ri
    ent_ref[...] = logs - sll_ref[...] / s
    logs_ref[...] = logs


def _gather_body(ri_smem, ri_vmem, tl_hbm, logs_ref, alp_ref, gbuf, sem):
    copies = []
    for r in range(_R):
        base = pl.multiple_of((ri_smem[0, r] >> 3) << 3, 8)
        copies.append(pltpu.make_async_copy(
            tl_hbm.at[pl.ds(base, 8)], gbuf.at[r], sem))
        copies[-1].start()
    for c in copies:
        c.wait()
    g = gbuf[...]
    sub = ri_vmem[...] & 7
    row_i = lax.broadcasted_iota(jnp.int32, (_R, 8, 128), 0)
    sub_i = lax.broadcasted_iota(jnp.int32, (_R, 8, 128), 1)
    lane_i = lax.broadcasted_iota(jnp.int32, (_R, 8, 128), 2)
    pick = (lane_i == row_i) & (sub_i == sub.reshape(_R)[:, None, None])
    lsel = jnp.sum(jnp.where(pick, g, 0.0), axis=(1, 2))
    alp_ref[...] = jnp.log(lsel).reshape(1, _R) - logs_ref[...]


def kernel(logits, outputs):
    tl = logits.T
    tout = outputs.T
    val, idx = _sc_argmax(tout)
    s, sll = pl.pallas_call(
        _tc_sums_body,
        grid=(_C // _SBLK,),
        in_specs=[pl.BlockSpec((_SBLK, 128), lambda i: (i, 0))],
        out_specs=[
            pl.BlockSpec((1, 128), lambda i: (0, 0)),
            pl.BlockSpec((1, 128), lambda i: (0, 0)),
        ],
        out_shape=[
            jax.ShapeDtypeStruct((1, 128), jnp.float32),
            jax.ShapeDtypeStruct((1, 128), jnp.float32),
        ],
    )(tl)
    tval, tidx = pl.pallas_call(
        _tc_argmax_body,
        grid=(_TGRID,),
        in_specs=[pl.BlockSpec((_TBLK, 128), lambda i: (i + _TOFF, 0))],
        out_specs=[
            pl.BlockSpec((1, 128), lambda i: (0, 0)),
            pl.BlockSpec((1, 128), lambda i: (0, 0)),
        ],
        out_shape=[
            jax.ShapeDtypeStruct((1, 128), jnp.float32),
            jax.ShapeDtypeStruct((1, 128), jnp.int32),
        ],
        scratch_shapes=[
            pltpu.VMEM((1, 128), jnp.float32),
            pltpu.VMEM((1, 128), jnp.int32),
        ],
    )(tout)
    ri, ent, logs = pl.pallas_call(
        _merge_body,
        out_shape=[
            jax.ShapeDtypeStruct((1, 128), jnp.int32),
            jax.ShapeDtypeStruct((1, 128), jnp.float32),
            jax.ShapeDtypeStruct((1, 128), jnp.float32),
        ],
    )(val.reshape(_NW, 128), idx.reshape(_NW, 128), tval, tidx, s, sll)
    alp = pl.pallas_call(
        _gather_body,
        in_specs=[
            pl.BlockSpec(memory_space=pltpu.SMEM),
            pl.BlockSpec(memory_space=pltpu.VMEM),
            pl.BlockSpec(memory_space=pltpu.MemorySpace.HBM),
            pl.BlockSpec(memory_space=pltpu.VMEM),
        ],
        out_specs=pl.BlockSpec(memory_space=pltpu.VMEM),
        out_shape=jax.ShapeDtypeStruct((1, _R), jnp.float32),
        scratch_shapes=[
            pltpu.VMEM((_R, 8, 128), jnp.float32),
            pltpu.SemaphoreType.DMA,
        ],
    )(ri, ri, tl, logs)
    return (alp.reshape(_R), ent.reshape(_R))

# --- scband reference (transcript-rebuilt; emitter-appended) ---
"""Pipeline reference for scband-discrete-distribution-58085137711464 (READ-ONLY COPY).

The authoritative reference and input builder live on the scoring server;
editing this copy changes nothing except your own understanding.
"""

import jax, jax.numpy as jnp
import numpy as np


def setup_inputs(seed: int = 0) -> dict:
    key = jax.random.key(seed)
    k1, k2 = jax.random.split(key)
    # logits here are Categorical *probs* (unnormalized, strictly positive)
    logits = jax.random.uniform(k1, (128, 100000), dtype=jnp.float32, minval=1e-6, maxval=1.0)
    outputs = jax.random.normal(k2, (128, 100000), dtype=jnp.float32)
    return {"logits": logits, "outputs": outputs}


def reference(logits, outputs):
    # torch.distributions.Categorical(probs=logits) normalizes along the last dim
    p = logits / jnp.sum(logits, axis=-1, keepdims=True)
    logp = jnp.log(p)
    # actions = argmax of sampled one-hot-ish outputs
    actions = jnp.argmax(outputs, axis=1)
    # log_prob of the selected action per row (gather)
    actions_log_prob = jnp.take_along_axis(logp, actions[:, None], axis=1)[:, 0]
    # Categorical entropy: -sum p * log p
    entropy = -jnp.sum(p * logp, axis=-1)
    return (actions_log_prob, entropy)

if __name__ == "__main__":
    import jax
    _d = setup_inputs()
    print(jax.jit(kernel)(*tuple(_d.values())))

</pallas_src>

<mosaic_0001>
#map = affine_map<(d0, d1) -> (0, 0)>
#map1 = affine_map<(d0, d1) -> (0)>
module attributes {stable_mosaic.version = 14 : i64} {
  func.func @_sc_body(%arg0: i32, %arg1: i32, %arg2: memref<100000x128xf32, #tpu.memory_space<hbm>>, %arg3: memref<4096xf32, #tpu.memory_space<hbm>>, %arg4: memref<4096xi32, #tpu.memory_space<hbm>>, %arg5: memref<200x128xf32, #tpu.memory_space<vmem>>, %arg6: memref<200x128xf32, #tpu.memory_space<vmem>>, %arg7: memref<128xf32, #tpu.memory_space<vmem>>, %arg8: memref<128xi32, #tpu.memory_space<vmem>>, %arg9: memref<!tpu.dma_semaphore, #tpu.memory_space<semaphore_mem>>, %arg10: memref<!tpu.dma_semaphore, #tpu.memory_space<semaphore_mem>>) attributes {dimension_semantics = [#tpu.dimension_semantics<core_parallel>, #tpu.dimension_semantics<subcore_parallel>], iteration_bounds = array<i64: 2, 16>, scalar_prefetch = 0 : i64, scratch_operands = 6 : i64, tpu.core_type = #tpu.core_type<sc_vector_subcore>, window_params = [{transform_indices = #map}, {transform_indices = #map1}, {transform_indices = #map1}]} {
    %mul3A = arith.constant 16 : i32
    %mul3A_0 = arith.muli %arg0, %mul3A : i32
    %add3A = arith.addi %mul3A_0, %arg1 : i32
    %mul3A_1 = arith.constant 3000 : i32
    %mul3A_2 = arith.muli %add3A, %mul3A_1 : i32
    %add3A_3 = arith.constant 0 : i32
    %add3A_4 = arith.addi %mul3A_2, %add3A_3 : i32
    %multiple_of3A = tpu.assume_multiple %add3A_4, 8 : i32
    %dma_start3A = arith.constant 0 : i32
    %dma_start3A_5 = tpu.memref_slice %arg2[%multiple_of3A, %dma_start3A] : memref<100000x128xf32, #tpu.memory_space<hbm>> -> memref<200x128xf32, #tpu.memory_space<hbm>>
    %dma_start3A_6 = arith.constant 0 : i32
    %dma_start3A_7 = tpu.memref_slice %arg2[%multiple_of3A, %dma_start3A_6] : memref<100000x128xf32, #tpu.memory_space<hbm>> -> memref<200x128xf32, #tpu.memory_space<hbm>>
    tpu.enqueue_dma source(%dma_start3A_7 : memref<200x128xf32, #tpu.memory_space<hbm>>) target(%arg5 : memref<200x128xf32, #tpu.memory_space<vmem>>) target_semaphore(%arg9 : memref<!tpu.dma_semaphore, #tpu.memory_space<semaphore_mem>>)
    %add3A_8 = arith.constant 200 : i32
    %add3A_9 = arith.addi %mul3A_2, %add3A_8 : i32
    %multiple_of3A_10 = tpu.assume_multiple %add3A_9, 8 : i32
    %dma_start3A_11 = arith.constant 0 : i32
    %dma_start3A_12 = tpu.memref_slice %arg2[%multiple_of3A_10, %dma_start3A_11] : memref<100000x128xf32, #tpu.memory_space<hbm>> -> memref<200x128xf32, #tpu.memory_space<hbm>>
    %dma_start3A_13 = arith.constant 0 : i32
    %dma_start3A_14 = tpu.memref_slice %arg2[%multiple_of3A_10, %dma_start3A_13] : memref<100000x128xf32, #tpu.memory_space<hbm>> -> memref<200x128xf32, #tpu.memory_space<hbm>>
    tpu.enqueue_dma source(%dma_start3A_14 : memref<200x128xf32, #tpu.memory_space<hbm>>) target(%arg6 : memref<200x128xf32, #tpu.memory_space<vmem>>) target_semaphore(%arg10 : memref<!tpu.dma_semaphore, #tpu.memory_space<semaphore_mem>>)
    %broadcast_in_dim3A = arith.constant -3.400000e+38 : f32
    %broadcast_in_dim3A_15 = vector.broadcast %broadcast_in_dim3A : f32 to vector<16xf32>
    %broadcast_in_dim3A_16 = arith.constant 0 : i32
    %broadcast_in_dim3A_17 = vector.broadcast %broadcast_in_dim3A_16 : i32 to vector<16xi32>
    %broadcast_in_dim3A_18 = arith.constant -3.400000e+38 : f32
    %broadcast_in_dim3A_19 = vector.broadcast %broadcast_in_dim3A_18 : f32 to vector<16xf32>
    %broadcast_in_dim3A_20 = arith.constant 0 : i32
    %broadcast_in_dim3A_21 = vector.broadcast %broadcast_in_dim3A_20 : i32 to vector<16xi32>
    %broadcast_in_dim3A_22 = arith.constant -3.400000e+38 : f32
    %broadcast_in_dim3A_23 = vector.broadcast %broadcast_in_dim3A_22 : f32 to vector<16xf32>
    %broadcast_in_dim3A_24 = arith.constant 0 : i32
    %broadcast_in_dim3A_25 = vector.broadcast %broadcast_in_dim3A_24 : i32 to vector<16xi32>
    %broadcast_in_dim3A_26 = arith.constant -3.400000e+38 : f32
    %broadcast_in_dim3A_27 = vector.broadcast %broadcast_in_dim3A_26 : f32 to vector<16xf32>
    %broadcast_in_dim3A_28 = arith.constant 0 : i32
    %broadcast_in_dim3A_29 = vector.broadcast %broadcast_in_dim3A_28 : i32 to vector<16xi32>
    %broadcast_in_dim3A_30 = arith.constant -3.400000e+38 : f32
    %broadcast_in_dim3A_31 = vector.broadcast %broadcast_in_dim3A_30 : f32 to vector<16xf32>
    %broadcast_in_dim3A_32 = arith.constant 0 : i32
    %broadcast_in_dim3A_33 = vector.broadcast %broadcast_in_dim3A_32 : i32 to vector<16xi32>
    %broadcast_in_dim3A_34 = arith.constant -3.400000e+38 : f32
    %broadcast_in_dim3A_35 = vector.broadcast %broadcast_in_dim3A_34 : f32 to vector<16xf32>
    %broadcast_in_dim3A_36 = arith.constant 0 : i32
    %broadcast_in_dim3A_37 = vector.broadcast %broadcast_in_dim3A_36 : i32 to vector<16xi32>
    %broadcast_in_dim3A_38 = arith.constant -3.400000e+38 : f32
    %broadcast_in_dim3A_39 = vector.broadcast %broadcast_in_dim3A_38 : f32 to vector<16xf32>
    %broadcast_in_dim3A_40 = arith.constant 0 : i32
    %broadcast_in_dim3A_41 = vector.broadcast %broadcast_in_dim3A_40 : i32 to vector<16xi32>
    %broadcast_in_dim3A_42 = arith.constant -3.400000e+38 : f32
    %broadcast_in_dim3A_43 = vector.broadcast %broadcast_in_dim3A_42 : f32 to vector<16xf32>
    %broadcast_in_dim3A_44 = arith.constant 0 : i32
    %broadcast_in_dim3A_45 = vector.broadcast %broadcast_in_dim3A_44 : i32 to vector<16xi32>
    %scan3A = arith.constant 0 : i32
    %scan3A_46 = arith.constant 7 : i32
    %scan3A_47 = arith.addi %scan3A, %scan3A_46 : i32
    %scan3A_48 = arith.constant 1 : i32
    %scan3A_49:16 = scf.for %scan3A_136 = %scan3A to %scan3A_47 step %scan3A_48 iter_args(%scan3A_137 = %broadcast_in_dim3A_15, %scan3A_138 = %broadcast_in_dim3A_17, %scan3A_139 = %broadcast_in_dim3A_19, %scan3A_140 = %broadcast_in_dim3A_21, %scan3A_141 = %broadcast_in_dim3A_23, %scan3A_142 = %broadcast_in_dim3A_25, %scan3A_143 = %broadcast_in_dim3A_27, %scan3A_144 = %broadcast_in_dim3A_29, %scan3A_145 = %broadcast_in_dim3A_31, %scan3A_146 = %broadcast_in_dim3A_33, %scan3A_147 = %broadcast_in_dim3A_35, %scan3A_148 = %broadcast_in_dim3A_37, %scan3A_149 = %broadcast_in_dim3A_39, %scan3A_150 = %broadcast_in_dim3A_41, %scan3A_151 = %broadcast_in_dim3A_43, %scan3A_152 = %broadcast_in_dim3A_45) -> (vector<16xf32>, vector<16xi32>, vector<16xf32>, vector<16xi32>, vector<16xf32>, vector<16xi32>, vector<16xf32>, vector<16xi32>, vector<16xf32>, vector<16xi32>, vector<16xf32>, vector<16xi32>, vector<16xf32>, vector<16xi32>, vector<16xf32>, vector<16xi32>)  : i32 {
      %mul3A_153 = arith.constant 2 : i32
      %mul3A_154 = arith.muli %scan3A_136, %mul3A_153 : i32
      %add3A_155 = arith.constant 0 : i32
      %add3A_156 = arith.addi %mul3A_154, %add3A_155 : i32
      %add3A_157 = arith.constant 0 : i32
      %add3A_158 = arith.addi %mul3A_2, %add3A_157 : i32
      %multiple_of3A_159 = tpu.assume_multiple %add3A_158, 8 : i32
      %dma_wait3A_160 = arith.constant 0 : i32
      %dma_wait3A_161 = tpu.memref_slice %arg2[%multiple_of3A_159, %dma_wait3A_160] : memref<100000x128xf32, #tpu.memory_space<hbm>> -> memref<200x128xf32, #tpu.memory_space<hbm>>
      %dma_wait3A_162 = arith.constant 0 : i32
      %dma_wait3A_163 = tpu.memref_slice %arg2[%multiple_of3A_159, %dma_wait3A_162] : memref<100000x128xf32, #tpu.memory_space<hbm>> -> memref<200x128xf32, #tpu.memory_space<hbm>>
      tpu.wait_dma2 semaphore(%arg9 : memref<!tpu.dma_semaphore, #tpu.memory_space<semaphore_mem>>) src(%dma_wait3A_163 : memref<200x128xf32, #tpu.memory_space<hbm>>) dst(%arg5 : memref<200x128xf32, #tpu.memory_space<vmem>>)
      %broadcast_in_dim3A_164 = arith.constant 0 : i32
      %broadcast_in_dim3A_165 = vector.broadcast %broadcast_in_dim3A_164 : i32 to vector<16xi32>
      %mul3A_166 = arith.constant 200 : i32
      %mul3A_167 = arith.muli %add3A_156, %mul3A_166 : i32
      %add3A_168 = arith.addi %mul3A_2, %mul3A_167 : i32
      %add3A_169 = vector.broadcast %add3A_168 : i32 to vector<16xi32>
      %add3A_170 = arith.addi %broadcast_in_dim3A_165, %add3A_169 : vector<16xi32>
      %scan3A_171 = arith.constant 0 : i32
      %scan3A_172 = arith.constant 100 : i32
      %scan3A_173 = arith.addi %scan3A_171, %scan3A_172 : i32
      %scan3A_174 = arith.constant 1 : i32
      %scan3A_175:17 = scf.for %scan3A_212 = %scan3A_171 to %scan3A_173 step %scan3A_174 iter_args(%scan3A_213 = %scan3A_137, %scan3A_214 = %scan3A_138, %scan3A_215 = %scan3A_139, %scan3A_216 = %scan3A_140, %scan3A_217 = %scan3A_141, %scan3A_218 = %scan3A_142, %scan3A_219 = %scan3A_143, %scan3A_220 = %scan3A_144, %scan3A_221 = %scan3A_145, %scan3A_222 = %scan3A_146, %scan3A_223 = %scan3A_147, %scan3A_224 = %scan3A_148, %scan3A_225 = %scan3A_149, %scan3A_226 = %scan3A_150, %scan3A_227 = %scan3A_151, %scan3A_228 = %scan3A_152, %scan3A_229 = %add3A_170) -> (vector<16xf32>, vector<16xi32>, vector<16xf32>, vector<16xi32>, vector<16xf32>, vector<16xi32>, vector<16xf32>, vector<16xi32>, vector<16xf32>, vector<16xi32>, vector<16xf32>, vector<16xi32>, vector<16xf32>, vector<16xi32>, vector<16xf32>, vector<16xi32>, vector<16xi32>)  : i32 {
        %mul3A_230 = arith.constant 2 : i32
        %mul3A_231 = arith.muli %scan3A_212, %mul3A_230 : i32
        %add3A_232 = arith.constant 0 : i32
        %add3A_233 = arith.addi %mul3A_231, %add3A_232 : i32
        %add3A_234 = arith.constant 0 : i32
        %add3A_235 = vector.broadcast %add3A_234 : i32 to vector<16xi32>
        %add3A_236 = arith.addi %scan3A_229, %add3A_235 : vector<16xi32>
        %get3A = arith.index_cast %add3A_233 : i32 to index
        %get3A_237 = arith.constant 0 : index
        %get3A_238 = tpu.vector_load %arg5[%get3A, %get3A_237] {strides = array<i32>} : memref<200x128xf32, #tpu.memory_space<vmem>>, vector<1x16xf32>,
        %get3A_239 = vector.shape_cast %get3A_238 : vector<1x16xf32> to vector<16xf32>
        %gt3A = arith.cmpf ogt, %get3A_239, %scan3A_213 : vector<16xf32>
        %select_n3A = arith.select %gt3A, %get3A_239, %scan3A_213 : vector<16xi1>, vector<16xf32>
        %select_n3A_240 = arith.select %gt3A, %add3A_236, %scan3A_214 : vector<16xi1>, vector<16xi32>
        %get3A_241 = arith.index_cast %add3A_233 : i32 to index
        %get3A_242 = arith.constant 16 : index
        %get3A_243 = tpu.vector_load %arg5[%get3A_241, %get3A_242] {strides = array<i32>} : memref<200x128xf32, #tpu.memory_space<vmem>>, vector<1x16xf32>,
        %get3A_244 = vector.shape_cast %get3A_243 : vector<1x16xf32> to vector<16xf32>
        %gt3A_245 = arith.cmpf ogt, %get3A_244, %scan3A_215 : vector<16xf32>
        %select_n3A_246 = arith.select %gt3A_245, %get3A_244, %scan3A_215 : vector<16xi1>, vector<16xf32>
        %select_n3A_247 = arith.select %gt3A_245, %add3A_236, %scan3A_216 : vector<16xi1>, vector<16xi32>
        %get3A_248 = arith.index_cast %add3A_233 : i32 to index
        %get3A_249 = arith.constant 32 : index
        %get3A_250 = tpu.vector_load %arg5[%get3A_248, %get3A_249] {strides = array<i32>} : memref<200x128xf32, #tpu.memory_space<vmem>>, vector<1x16xf32>,
        %get3A_251 = vector.shape_cast %get3A_250 : vector<1x16xf32> to vector<16xf32>
        %gt3A_252 = arith.cmpf ogt, %get3A_251, %scan3A_217 : vector<16xf32>
        %select_n3A_253 = arith.select %gt3A_252, %get3A_251, %scan3A_217 : vector<16xi1>, vector<16xf32>
        %select_n3A_254 = arith.select %gt3A_252, %add3A_236, %scan3A_218 : vector<16xi1>, vector<16xi32>
        %get3A_255 = arith.index_cast %add3A_233 : i32 to index
        %get3A_256 = arith.constant 48 : index
        %get3A_257 = tpu.vector_load %arg5[%get3A_255, %get3A_256] {strides = array<i32>} : memref<200x128xf32, #tpu.memory_space<vmem>>, vector<1x16xf32>,
        %get3A_258 = vector.shape_cast %get3A_257 : vector<1x16xf32> to vector<16xf32>
        %gt3A_259 = arith.cmpf ogt, %get3A_258, %scan3A_219 : vector<16xf32>
        %select_n3A_260 = arith.select %gt3A_259, %get3A_258, %scan3A_219 : vector<16xi1>, vector<16xf32>
        %select_n3A_261 = arith.select %gt3A_259, %add3A_236, %scan3A_220 : vector<16xi1>, vector<16xi32>
        %get3A_262 = arith.index_cast %add3A_233 : i32 to index
        %get3A_263 = arith.constant 64 : index
        %get3A_264 = tpu.vector_load %arg5[%get3A_262, %get3A_263] {strides = array<i32>} : memref<200x128xf32, #tpu.memory_space<vmem>>, vector<1x16xf32>,
        %get3A_265 = vector.shape_cast %get3A_264 : vector<1x16xf32> to vector<16xf32>
        %gt3A_266 = arith.cmpf ogt, %get3A_265, %scan3A_221 : vector<16xf32>
        %select_n3A_267 = arith.select %gt3A_266, %get3A_265, %scan3A_221 : vector<16xi1>, vector<16xf32>
        %select_n3A_268 = arith.select %gt3A_266, %add3A_236, %scan3A_222 : vector<16xi1>, vector<16xi32>
        %get3A_269 = arith.index_cast %add3A_233 : i32 to index
        %get3A_270 = arith.constant 80 : index
        %get3A_271 = tpu.vector_load %arg5[%get3A_269, %get3A_270] {strides = array<i32>} : memref<200x128xf32, #tpu.memory_space<vmem>>, vector<1x16xf32>,
        %get3A_272 = vector.shape_cast %get3A_271 : vector<1x16xf32> to vector<16xf32>
        %gt3A_273 = arith.cmpf ogt, %get3A_272, %scan3A_223 : vector<16xf32>
        %select_n3A_274 = arith.select %gt3A_273, %get3A_272, %scan3A_223 : vector<16xi1>, vector<16xf32>
        %select_n3A_275 = arith.select %gt3A_273, %add3A_236, %scan3A_224 : vector<16xi1>, vector<16xi32>
        %get3A_276 = arith.index_cast %add3A_233 : i32 to index
        %get3A_277 = arith.constant 96 : index
        %get3A_278 = tpu.vector_load %arg5[%get3A_276, %get3A_277] {strides = array<i32>} : memref<200x128xf32, #tpu.memory_space<vmem>>, vector<1x16xf32>,
        %get3A_279 = vector.shape_cast %get3A_278 : vector<1x16xf32> to vector<16xf32>
        %gt3A_280 = arith.cmpf ogt, %get3A_279, %scan3A_225 : vector<16xf32>
        %select_n3A_281 = arith.select %gt3A_280, %get3A_279, %scan3A_225 : vector<16xi1>, vector<16xf32>
        %select_n3A_282 = arith.select %gt3A_280, %add3A_236, %scan3A_226 : vector<16xi1>, vector<16xi32>
        %get3A_283 = arith.index_cast %add3A_233 : i32 to index
        %get3A_284 = arith.constant 112 : index
        %get3A_285 = tpu.vector_load %arg5[%get3A_283, %get3A_284] {strides = array<i32>} : memref<200x128xf32, #tpu.memory_space<vmem>>, vector<1x16xf32>,
        %get3A_286 = vector.shape_cast %get3A_285 : vector<1x16xf32> to vector<16xf32>
        %gt3A_287 = arith.cmpf ogt, %get3A_286, %scan3A_227 : vector<16xf32>
        %select_n3A_288 = arith.select %gt3A_287, %get3A_286, %scan3A_227 : vector<16xi1>, vector<16xf32>
        %select_n3A_289 = arith.select %gt3A_287, %add3A_236, %scan3A_228 : vector<16xi1>, vector<16xi32>
        %mul3A_290 = arith.constant 2 : i32
        %mul3A_291 = arith.muli %scan3A_212, %mul3A_290 : i32
        %add3A_292 = arith.constant 1 : i32
        %add3A_293 = arith.addi %mul3A_291, %add3A_292 : i32
        %add3A_294 = arith.constant 1 : i32
        %add3A_295 = vector.broadcast %add3A_294 : i32 to vector<16xi32>
        %add3A_296 = arith.addi %scan3A_229, %add3A_295 : vector<16xi32>
        %get3A_297 = arith.index_cast %add3A_293 : i32 to index
        %get3A_298 = arith.constant 0 : index
        %get3A_299 = tpu.vector_load %arg5[%get3A_297, %get3A_298] {strides = array<i32>} : memref<200x128xf32, #tpu.memory_space<vmem>>, vector<1x16xf32>,
        %get3A_300 = vector.shape_cast %get3A_299 : vector<1x16xf32> to vector<16xf32>
        %gt3A_301 = arith.cmpf ogt, %get3A_300, %select_n3A : vector<16xf32>
        %select_n3A_302 = arith.select %gt3A_301, %get3A_300, %select_n3A : vector<16xi1>, vector<16xf32>
        %select_n3A_303 = arith.select %gt3A_301, %add3A_296, %select_n3A_240 : vector<16xi1>, vector<16xi32>
        %get3A_304 = arith.index_cast %add3A_293 : i32 to index
        %get3A_305 = arith.constant 16 : index
        %get3A_306 = tpu.vector_load %arg5[%get3A_304, %get3A_305] {strides = array<i32>} : memref<200x128xf32, #tpu.memory_space<vmem>>, vector<1x16xf32>,
        %get3A_307 = vector.shape_cast %get3A_306 : vector<1x16xf32> to vector<16xf32>
        %gt3A_308 = arith.cmpf ogt, %get3A_307, %select_n3A_246 : vector<16xf32>
        %select_n3A_309 = arith.select %gt3A_308, %get3A_307, %select_n3A_246 : vector<16xi1>, vector<16xf32>
        %select_n3A_310 = arith.select %gt3A_308, %add3A_296, %select_n3A_247 : vector<16xi1>, vector<16xi32>
        %get3A_311 = arith.index_cast %add3A_293 : i32 to index
        %get3A_312 = arith.constant 32 : index
        %get3A_313 = tpu.vector_load %arg5[%get3A_311, %get3A_312] {strides = array<i32>} : memref<200x128xf32, #tpu.memory_space<vmem>>, vector<1x16xf32>,
        %get3A_314 = vector.shape_cast %get3A_313 : vector<1x16xf32> to vector<16xf32>
        %gt3A_315 = arith.cmpf ogt, %get3A_314, %select_n3A_253 : vector<16xf32>
        %select_n3A_316 = arith.select %gt3A_315, %get3A_314, %select_n3A_253 : vector<16xi1>, vector<16xf32>
        %select_n3A_317 = arith.select %gt3A_315, %add3A_296, %select_n3A_254 : vector<16xi1>, vector<16xi32>
        %get3A_318 = arith.index_cast %add3A_293 : i32 to index
        %get3A_319 = arith.constant 48 : index
        %get3A_320 = tpu.vector_load %arg5[%get3A_318, %get3A_319] {strides = array<i32>} : memref<200x128xf32, #tpu.memory_space<vmem>>, vector<1x16xf32>,
        %get3A_321 = vector.shape_cast %get3A_320 : vector<1x16xf32> to vector<16xf32>
        %gt3A_322 = arith.cmpf ogt, %get3A_321, %select_n3A_260 : vector<16xf32>
        %select_n3A_323 = arith.select %gt3A_322, %get3A_321, %select_n3A_260 : vector<16xi1>, vector<16xf32>
        %select_n3A_324 = arith.select %gt3A_322, %add3A_296, %select_n3A_261 : vector<16xi1>, vector<16xi32>
        %get3A_325 = arith.index_cast %add3A_293 : i32 to index
        %get3A_326 = arith.constant 64 : index
        %get3A_327 = tpu.vector_load %arg5[%get3A_325, %get3A_326] {strides = array<i32>} : memref<200x128xf32, #tpu.memory_space<vmem>>, vector<1x16xf32>,
        %get3A_328 = vector.shape_cast %get3A_327 : vector<1x16xf32> to vector<16xf32>
        %gt3A_329 = arith.cmpf ogt, %get3A_328, %select_n3A_267 : vector<16xf32>
        %select_n3A_330 = arith.select %gt3A_329, %get3A_328, %select_n3A_267 : vector<16xi1>, vector<16xf32>
        %select_n3A_331 = arith.select %gt3A_329, %add3A_296, %select_n3A_268 : vector<16xi1>, vector<16xi32>
        %get3A_332 = arith.index_cast %add3A_293 : i32 to index
        %get3A_333 = arith.constant 80 : index
        %get3A_334 = tpu.vector_load %arg5[%get3A_332, %get3A_333] {strides = array<i32>} : memref<200x128xf32, #tpu.memory_space<vmem>>, vector<1x16xf32>,
        %get3A_335 = vector.shape_cast %get3A_334 : vector<1x16xf32> to vector<16xf32>
        %gt3A_336 = arith.cmpf ogt, %get3A_335, %select_n3A_274 : vector<16xf32>
        %select_n3A_337 = arith.select %gt3A_336, %get3A_335, %select_n3A_274 : vector<16xi1>, vector<16xf32>
        %select_n3A_338 = arith.select %gt3A_336, %add3A_296, %select_n3A_275 : vector<16xi1>, vector<16xi32>
        %get3A_339 = arith.index_cast %add3A_293 : i32 to index
        %get3A_340 = arith.constant 96 : index
        %get3A_341 = tpu.vector_load %arg5[%get3A_339, %get3A_340] {strides = array<i32>} : memref<200x128xf32, #tpu.memory_space<vmem>>, vector<1x16xf32>,
        %get3A_342 = vector.shape_cast %get3A_341 : vector<1x16xf32> to vector<16xf32>
        %gt3A_343 = arith.cmpf ogt, %get3A_342, %select_n3A_281 : vector<16xf32>
        %select_n3A_344 = arith.select %gt3A_343, %get3A_342, %select_n3A_281 : vector<16xi1>, vector<16xf32>
        %select_n3A_345 = arith.select %gt3A_343, %add3A_296, %select_n3A_282 : vector<16xi1>, vector<16xi32>
        %get3A_346 = arith.index_cast %add3A_293 : i32 to index
        %get3A_347 = arith.constant 112 : index
        %get3A_348 = tpu.vector_load %arg5[%get3A_346, %get3A_347] {strides = array<i32>} : memref<200x128xf32, #tpu.memory_space<vmem>>, vector<1x16xf32>,
        %get3A_349 = vector.shape_cast %get3A_348 : vector<1x16xf32> to vector<16xf32>
        %gt3A_350 = arith.cmpf ogt, %get3A_349, %select_n3A_288 : vector<16xf32>
        %select_n3A_351 = arith.select %gt3A_350, %get3A_349, %select_n3A_288 : vector<16xi1>, vector<16xf32>
        %select_n3A_352 = arith.select %gt3A_350, %add3A_296, %select_n3A_289 : vector<16xi1>, vector<16xi32>
        %add3A_353 = arith.constant 2 : i32
        %add3A_354 = vector.broadcast %add3A_353 : i32 to vector<16xi32>
        %add3A_355 = arith.addi %scan3A_229, %add3A_354 : vector<16xi32>
        scf.yield %select_n3A_302, %select_n3A_303, %select_n3A_309, %select_n3A_310, %select_n3A_316, %select_n3A_317, %select_n3A_323, %select_n3A_324, %select_n3A_330, %select_n3A_331, %select_n3A_337, %select_n3A_338, %select_n3A_344, %select_n3A_345, %select_n3A_351, %select_n3A_352, %add3A_355 : vector<16xf32>, vector<16xi32>, vector<16xf32>, vector<16xi32>, vector<16xf32>, vector<16xi32>, vector<16xf32>, vector<16xi32>, vector<16xf32>, vector<16xi32>, vector<16xf32>, vector<16xi32>, vector<16xf32>, vector<16xi32>, vector<16xf32>, vector<16xi32>, vector<16xi32>
      }
      %scan3A_176 = arith.constant 100 : i32
      %add3A_177 = arith.constant 2 : i32
      %add3A_178 = arith.addi %add3A_156, %add3A_177 : i32
      %lt3A = arith.constant 15 : i32
      %lt3A_179 = arith.cmpi slt, %add3A_178, %lt3A : i32
      %convert_element_type3A = arith.extui %lt3A_179 : i1 to i32
      %cond3A = arith.constant 0 : i32
      %cond3A_180 = arith.cmpi ne, %convert_element_type3A, %cond3A : i32
      scf.if %cond3A_180 {
        %add3A_212 = arith.constant 2 : i32
        %add3A_213 = arith.addi %add3A_156, %add3A_212 : i32
        %mul3A_214 = arith.constant 200 : i32
        %mul3A_215 = arith.muli %add3A_213, %mul3A_214 : i32
        %add3A_216 = arith.addi %mul3A_2, %mul3A_215 : i32
        %multiple_of3A_217 = tpu.assume_multiple %add3A_216, 8 : i32
        %dma_start3A_218 = arith.constant 0 : i32
        %dma_start3A_219 = tpu.memref_slice %arg2[%multiple_of3A_217, %dma_start3A_218] : memref<100000x128xf32, #tpu.memory_space<hbm>> -> memref<200x128xf32, #tpu.memory_space<hbm>>
        %dma_start3A_220 = arith.constant 0 : i32
        %dma_start3A_221 = tpu.memref_slice %arg2[%multiple_of3A_217, %dma_start3A_220] : memref<100000x128xf32, #tpu.memory_space<hbm>> -> memref<200x128xf32, #tpu.memory_space<hbm>>
        tpu.enqueue_dma source(%dma_start3A_221 : memref<200x128xf32, #tpu.memory_space<hbm>>) target(%arg5 : memref<200x128xf32, #tpu.memory_space<vmem>>) target_semaphore(%arg9 : memref<!tpu.dma_semaphore, #tpu.memory_space<semaphore_mem>>)
      } else {
      }
      %mul3A_181 = arith.constant 2 : i32
      %mul3A_182 = arith.muli %scan3A_136, %mul3A_181 : i32
      %add3A_183 = arith.constant 1 : i32
      %add3A_184 = arith.addi %mul3A_182, %add3A_183 : i32
      %add3A_185 = arith.constant 0 : i32
      %add3A_186 = arith.addi %mul3A_2, %add3A_185 : i32
      %multiple_of3A_187 = tpu.assume_multiple %add3A_186, 8 : i32
      %dma_wait3A_188 = arith.constant 0 : i32
      %dma_wait3A_189 = tpu.memref_slice %arg2[%multiple_of3A_187, %dma_wait3A_188] : memref<100000x128xf32, #tpu.memory_space<hbm>> -> memref<200x128xf32, #tpu.memory_space<hbm>>
      %dma_wait3A_190 = arith.constant 0 : i32
      %dma_wait3A_191 = tpu.memref_slice %arg2[%multiple_of3A_187, %dma_wait3A_190] : memref<100000x128xf32, #tpu.memory_space<hbm>> -> memref<200x128xf32, #tpu.memory_space<hbm>>
      tpu.wait_dma2 semaphore(%arg10 : memref<!tpu.dma_semaphore, #tpu.memory_space<semaphore_mem>>) src(%dma_wait3A_191 : memref<200x128xf32, #tpu.memory_space<hbm>>) dst(%arg6 : memref<200x128xf32, #tpu.memory_space<vmem>>)
      %broadcast_in_dim3A_192 = arith.constant 0 : i32
      %broadcast_in_dim3A_193 = vector.broadcast %broadcast_in_dim3A_192 : i32 to vector<16xi32>
      %mul3A_194 = arith.constant 200 : i32
      %mul3A_195 = arith.muli %add3A_184, %mul3A_194 : i32
      %add3A_196 = arith.addi %mul3A_2, %mul3A_195 : i32
      %add3A_197 = vector.broadcast %add3A_196 : i32 to vector<16xi32>
      %add3A_198 = arith.addi %broadcast_in_dim3A_193, %add3A_197 : vector<16xi32>
      %scan3A_199 = arith.constant 0 : i32
      %scan3A_200 = arith.constant 100 : i32
      %scan3A_201 = arith.addi %scan3A_199, %scan3A_200 : i32
      %scan3A_202 = arith.constant 1 : i32
      %scan3A_203:17 = scf.for %scan3A_212 = %scan3A_199 to %scan3A_201 step %scan3A_202 iter_args(%scan3A_213 = %scan3A_175#0, %scan3A_214 = %scan3A_175#1, %scan3A_215 = %scan3A_175#2, %scan3A_216 = %scan3A_175#3, %scan3A_217 = %scan3A_175#4, %scan3A_218 = %scan3A_175#5, %scan3A_219 = %scan3A_175#6, %scan3A_220 = %scan3A_175#7, %scan3A_221 = %scan3A_175#8, %scan3A_222 = %scan3A_175#9, %scan3A_223 = %scan3A_175#10, %scan3A_224 = %scan3A_175#11, %scan3A_225 = %scan3A_175#12, %scan3A_226 = %scan3A_175#13, %scan3A_227 = %scan3A_175#14, %scan3A_228 = %scan3A_175#15, %scan3A_229 = %add3A_198) -> (vector<16xf32>, vector<16xi32>, vector<16xf32>, vector<16xi32>, vector<16xf32>, vector<16xi32>, vector<16xf32>, vector<16xi32>, vector<16xf32>, vector<16xi32>, vector<16xf32>, vector<16xi32>, vector<16xf32>, vector<16xi32>, vector<16xf32>, vector<16xi32>, vector<16xi32>)  : i32 {
        %mul3A_230 = arith.constant 2 : i32
        %mul3A_231 = arith.muli %scan3A_212, %mul3A_230 : i32
        %add3A_232 = arith.constant 0 : i32
        %add3A_233 = arith.addi %mul3A_231, %add3A_232 : i32
        %add3A_234 = arith.constant 0 : i32
        %add3A_235 = vector.broadcast %add3A_234 : i32 to vector<16xi32>
        %add3A_236 = arith.addi %scan3A_229, %add3A_235 : vector<16xi32>
        %get3A = arith.index_cast %add3A_233 : i32 to index
        %get3A_237 = arith.constant 0 : index
        %get3A_238 = tpu.vector_load %arg6[%get3A, %get3A_237] {strides = array<i32>} : memref<200x128xf32, #tpu.memory_space<vmem>>, vector<1x16xf32>,
        %get3A_239 = vector.shape_cast %get3A_238 : vector<1x16xf32> to vector<16xf32>
        %gt3A = arith.cmpf ogt, %get3A_239, %scan3A_213 : vector<16xf32>
        %select_n3A = arith.select %gt3A, %get3A_239, %scan3A_213 : vector<16xi1>, vector<16xf32>
        %select_n3A_240 = arith.select %gt3A, %add3A_236, %scan3A_214 : vector<16xi1>, vector<16xi32>
        %get3A_241 = arith.index_cast %add3A_233 : i32 to index
        %get3A_242 = arith.constant 16 : index
        %get3A_243 = tpu.vector_load %arg6[%get3A_241, %get3A_242] {strides = array<i32>} : memref<200x128xf32, #tpu.memory_space<vmem>>, vector<1x16xf32>,
        %get3A_244 = vector.shape_cast %get3A_243 : vector<1x16xf32> to vector<16xf32>
        %gt3A_245 = arith.cmpf ogt, %get3A_244, %scan3A_215 : vector<16xf32>
        %select_n3A_246 = arith.select %gt3A_245, %get3A_244, %scan3A_215 : vector<16xi1>, vector<16xf32>
        %select_n3A_247 = arith.select %gt3A_245, %add3A_236, %scan3A_216 : vector<16xi1>, vector<16xi32>
        %get3A_248 = arith.index_cast %add3A_233 : i32 to index
        %get3A_249 = arith.constant 32 : index
        %get3A_250 = tpu.vector_load %arg6[%get3A_248, %get3A_249] {strides = array<i32>} : memref<200x128xf32, #tpu.memory_space<vmem>>, vector<1x16xf32>,
        %get3A_251 = vector.shape_cast %get3A_250 : vector<1x16xf32> to vector<16xf32>
        %gt3A_252 = arith.cmpf ogt, %get3A_251, %scan3A_217 : vector<16xf32>
        %select_n3A_253 = arith.select %gt3A_252, %get3A_251, %scan3A_217 : vector<16xi1>, vector<16xf32>
        %select_n3A_254 = arith.select %gt3A_252, %add3A_236, %scan3A_218 : vector<16xi1>, vector<16xi32>
        %get3A_255 = arith.index_cast %add3A_233 : i32 to index
        %get3A_256 = arith.constant 48 : index
        %get3A_257 = tpu.vector_load %arg6[%get3A_255, %get3A_256] {strides = array<i32>} : memref<200x128xf32, #tpu.memory_space<vmem>>, vector<1x16xf32>,
        %get3A_258 = vector.shape_cast %get3A_257 : vector<1x16xf32> to vector<16xf32>
        %gt3A_259 = arith.cmpf ogt, %get3A_258, %scan3A_219 : vector<16xf32>
        %select_n3A_260 = arith.select %gt3A_259, %get3A_258, %scan3A_219 : vector<16xi1>, vector<16xf32>
        %select_n3A_261 = arith.select %gt3A_259, %add3A_236, %scan3A_220 : vector<16xi1>, vector<16xi32>
        %get3A_262 = arith.index_cast %add3A_233 : i32 to index
        %get3A_263 = arith.constant 64 : index
        %get3A_264 = tpu.vector_load %arg6[%get3A_262, %get3A_263] {strides = array<i32>} : memref<200x128xf32, #tpu.memory_space<vmem>>, vector<1x16xf32>,
        %get3A_265 = vector.shape_cast %get3A_264 : vector<1x16xf32> to vector<16xf32>
        %gt3A_266 = arith.cmpf ogt, %get3A_265, %scan3A_221 : vector<16xf32>
        %select_n3A_267 = arith.select %gt3A_266, %get3A_265, %scan3A_221 : vector<16xi1>, vector<16xf32>
        %select_n3A_268 = arith.select %gt3A_266, %add3A_236, %scan3A_222 : vector<16xi1>, vector<16xi32>
        %get3A_269 = arith.index_cast %add3A_233 : i32 to index
        %get3A_270 = arith.constant 80 : index
        %get3A_271 = tpu.vector_load %arg6[%get3A_269, %get3A_270] {strides = array<i32>} : memref<200x128xf32, #tpu.memory_space<vmem>>, vector<1x16xf32>,
        %get3A_272 = vector.shape_cast %get3A_271 : vector<1x16xf32> to vector<16xf32>
        %gt3A_273 = arith.cmpf ogt, %get3A_272, %scan3A_223 : vector<16xf32>
        %select_n3A_274 = arith.select %gt3A_273, %get3A_272, %scan3A_223 : vector<16xi1>, vector<16xf32>
        %select_n3A_275 = arith.select %gt3A_273, %add3A_236, %scan3A_224 : vector<16xi1>, vector<16xi32>
        %get3A_276 = arith.index_cast %add3A_233 : i32 to index
        %get3A_277 = arith.constant 96 : index
        %get3A_278 = tpu.vector_load %arg6[%get3A_276, %get3A_277] {strides = array<i32>} : memref<200x128xf32, #tpu.memory_space<vmem>>, vector<1x16xf32>,
        %get3A_279 = vector.shape_cast %get3A_278 : vector<1x16xf32> to vector<16xf32>
        %gt3A_280 = arith.cmpf ogt, %get3A_279, %scan3A_225 : vector<16xf32>
        %select_n3A_281 = arith.select %gt3A_280, %get3A_279, %scan3A_225 : vector<16xi1>, vector<16xf32>
        %select_n3A_282 = arith.select %gt3A_280, %add3A_236, %scan3A_226 : vector<16xi1>, vector<16xi32>
        %get3A_283 = arith.index_cast %add3A_233 : i32 to index
        %get3A_284 = arith.constant 112 : index
        %get3A_285 = tpu.vector_load %arg6[%get3A_283, %get3A_284] {strides = array<i32>} : memref<200x128xf32, #tpu.memory_space<vmem>>, vector<1x16xf32>,
        %get3A_286 = vector.shape_cast %get3A_285 : vector<1x16xf32> to vector<16xf32>
        %gt3A_287 = arith.cmpf ogt, %get3A_286, %scan3A_227 : vector<16xf32>
        %select_n3A_288 = arith.select %gt3A_287, %get3A_286, %scan3A_227 : vector<16xi1>, vector<16xf32>
        %select_n3A_289 = arith.select %gt3A_287, %add3A_236, %scan3A_228 : vector<16xi1>, vector<16xi32>
        %mul3A_290 = arith.constant 2 : i32
        %mul3A_291 = arith.muli %scan3A_212, %mul3A_290 : i32
        %add3A_292 = arith.constant 1 : i32
        %add3A_293 = arith.addi %mul3A_291, %add3A_292 : i32
        %add3A_294 = arith.constant 1 : i32
        %add3A_295 = vector.broadcast %add3A_294 : i32 to vector<16xi32>
        %add3A_296 = arith.addi %scan3A_229, %add3A_295 : vector<16xi32>
        %get3A_297 = arith.index_cast %add3A_293 : i32 to index
        %get3A_298 = arith.constant 0 : index
        %get3A_299 = tpu.vector_load %arg6[%get3A_297, %get3A_298] {strides = array<i32>} : memref<200x128xf32, #tpu.memory_space<vmem>>, vector<1x16xf32>,
        %get3A_300 = vector.shape_cast %get3A_299 : vector<1x16xf32> to vector<16xf32>
        %gt3A_301 = arith.cmpf ogt, %get3A_300, %select_n3A : vector<16xf32>
        %select_n3A_302 = arith.select %gt3A_301, %get3A_300, %select_n3A : vector<16xi1>, vector<16xf32>
        %select_n3A_303 = arith.select %gt3A_301, %add3A_296, %select_n3A_240 : vector<16xi1>, vector<16xi32>
        %get3A_304 = arith.index_cast %add3A_293 : i32 to index
        %get3A_305 = arith.constant 16 : index
        %get3A_306 = tpu.vector_load %arg6[%get3A_304, %get3A_305] {strides = array<i32>} : memref<200x128xf32, #tpu.memory_space<vmem>>, vector<1x16xf32>,
        %get3A_307 = vector.shape_cast %get3A_306 : vector<1x16xf32> to vector<16xf32>
        %gt3A_308 = arith.cmpf ogt, %get3A_307, %select_n3A_246 : vector<16xf32>
        %select_n3A_309 = arith.select %gt3A_308, %get3A_307, %select_n3A_246 : vector<16xi1>, vector<16xf32>
        %select_n3A_310 = arith.select %gt3A_308, %add3A_296, %select_n3A_247 : vector<16xi1>, vector<16xi32>
        %get3A_311 = arith.index_cast %add3A_293 : i32 to index
        %get3A_312 = arith.constant 32 : index
        %get3A_313 = tpu.vector_load %arg6[%get3A_311, %get3A_312] {strides = array<i32>} : memref<200x128xf32, #tpu.memory_space<vmem>>, vector<1x16xf32>,
        %get3A_314 = vector.shape_cast %get3A_313 : vector<1x16xf32> to vector<16xf32>
        %gt3A_315 = arith.cmpf ogt, %get3A_314, %select_n3A_253 : vector<16xf32>
        %select_n3A_316 = arith.select %gt3A_315, %get3A_314, %select_n3A_253 : vector<16xi1>, vector<16xf32>
        %select_n3A_317 = arith.select %gt3A_315, %add3A_296, %select_n3A_254 : vector<16xi1>, vector<16xi32>
        %get3A_318 = arith.index_cast %add3A_293 : i32 to index
        %get3A_319 = arith.constant 48 : index
        %get3A_320 = tpu.vector_load %arg6[%get3A_318, %get3A_319] {strides = array<i32>} : memref<200x128xf32, #tpu.memory_space<vmem>>, vector<1x16xf32>,
        %get3A_321 = vector.shape_cast %get3A_320 : vector<1x16xf32> to vector<16xf32>
        %gt3A_322 = arith.cmpf ogt, %get3A_321, %select_n3A_260 : vector<16xf32>
        %select_n3A_323 = arith.select %gt3A_322, %get3A_321, %select_n3A_260 : vector<16xi1>, vector<16xf32>
        %select_n3A_324 = arith.select %gt3A_322, %add3A_296, %select_n3A_261 : vector<16xi1>, vector<16xi32>
        %get3A_325 = arith.index_cast %add3A_293 : i32 to index
        %get3A_326 = arith.constant 64 : index
        %get3A_327 = tpu.vector_load %arg6[%get3A_325, %get3A_326] {strides = array<i32>} : memref<200x128xf32, #tpu.memory_space<vmem>>, vector<1x16xf32>,
        %get3A_328 = vector.shape_cast %get3A_327 : vector<1x16xf32> to vector<16xf32>
        %gt3A_329 = arith.cmpf ogt, %get3A_328, %select_n3A_267 : vector<16xf32>
        %select_n3A_330 = arith.select %gt3A_329, %get3A_328, %select_n3A_267 : vector<16xi1>, vector<16xf32>
        %select_n3A_331 = arith.select %gt3A_329, %add3A_296, %select_n3A_268 : vector<16xi1>, vector<16xi32>
        %get3A_332 = arith.index_cast %add3A_293 : i32 to index
        %get3A_333 = arith.constant 80 : index
        %get3A_334 = tpu.vector_load %arg6[%get3A_332, %get3A_333] {strides = array<i32>} : memref<200x128xf32, #tpu.memory_space<vmem>>, vector<1x16xf32>,
        %get3A_335 = vector.shape_cast %get3A_334 : vector<1x16xf32> to vector<16xf32>
        %gt3A_336 = arith.cmpf ogt, %get3A_335, %select_n3A_274 : vector<16xf32>
        %select_n3A_337 = arith.select %gt3A_336, %get3A_335, %select_n3A_274 : vector<16xi1>, vector<16xf32>
        %select_n3A_338 = arith.select %gt3A_336, %add3A_296, %select_n3A_275 : vector<16xi1>, vector<16xi32>
        %get3A_339 = arith.index_cast %add3A_293 : i32 to index
        %get3A_340 = arith.constant 96 : index
        %get3A_341 = tpu.vector_load %arg6[%get3A_339, %get3A_340] {strides = array<i32>} : memref<200x128xf32, #tpu.memory_space<vmem>>, vector<1x16xf32>,
        %get3A_342 = vector.shape_cast %get3A_341 : vector<1x16xf32> to vector<16xf32>
        %gt3A_343 = arith.cmpf ogt, %get3A_342, %select_n3A_281 : vector<16xf32>
        %select_n3A_344 = arith.select %gt3A_343, %get3A_342, %select_n3A_281 : vector<16xi1>, vector<16xf32>
        %select_n3A_345 = arith.select %gt3A_343, %add3A_296, %select_n3A_282 : vector<16xi1>, vector<16xi32>
        %get3A_346 = arith.index_cast %add3A_293 : i32 to index
        %get3A_347 = arith.constant 112 : index
        %get3A_348 = tpu.vector_load %arg6[%get3A_346, %get3A_347] {strides = array<i32>} : memref<200x128xf32, #tpu.memory_space<vmem>>, vector<1x16xf32>,
        %get3A_349 = vector.shape_cast %get3A_348 : vector<1x16xf32> to vector<16xf32>
        %gt3A_350 = arith.cmpf ogt, %get3A_349, %select_n3A_288 : vector<16xf32>
        %select_n3A_351 = arith.select %gt3A_350, %get3A_349, %select_n3A_288 : vector<16xi1>, vector<16xf32>
        %select_n3A_352 = arith.select %gt3A_350, %add3A_296, %select_n3A_289 : vector<16xi1>, vector<16xi32>
        %add3A_353 = arith.constant 2 : i32
        %add3A_354 = vector.broadcast %add3A_353 : i32 to vector<16xi32>
        %add3A_355 = arith.addi %scan3A_229, %add3A_354 : vector<16xi32>
        scf.yield %select_n3A_302, %select_n3A_303, %select_n3A_309, %select_n3A_310, %select_n3A_316, %select_n3A_317, %select_n3A_323, %select_n3A_324, %select_n3A_330, %select_n3A_331, %select_n3A_337, %select_n3A_338, %select_n3A_344, %select_n3A_345, %select_n3A_351, %select_n3A_352, %add3A_355 : vector<16xf32>, vector<16xi32>, vector<16xf32>, vector<16xi32>, vector<16xf32>, vector<16xi32>, vector<16xf32>, vector<16xi32>, vector<16xf32>, vector<16xi32>, vector<16xf32>, vector<16xi32>, vector<16xf32>, vector<16xi32>, vector<16xf32>, vector<16xi32>, vector<16xi32>
      }
      %scan3A_204 = arith.constant 100 : i32
      %add3A_205 = arith.constant 2 : i32
      %add3A_206 = arith.addi %add3A_184, %add3A_205 : i32
      %lt3A_207 = arith.constant 15 : i32
      %lt3A_208 = arith.cmpi slt, %add3A_206, %lt3A_207 : i32
      %convert_element_type3A_209 = arith.extui %lt3A_208 : i1 to i32
      %cond3A_210 = arith.constant 0 : i32
      %cond3A_211 = arith.cmpi ne, %convert_element_type3A_209, %cond3A_210 : i32
      scf.if %cond3A_211 {
        %add3A_212 = arith.constant 2 : i32
        %add3A_213 = arith.addi %add3A_184, %add3A_212 : i32
        %mul3A_214 = arith.constant 200 : i32
        %mul3A_215 = arith.muli %add3A_213, %mul3A_214 : i32
        %add3A_216 = arith.addi %mul3A_2, %mul3A_215 : i32
        %multiple_of3A_217 = tpu.assume_multiple %add3A_216, 8 : i32
        %dma_start3A_218 = arith.constant 0 : i32
        %dma_start3A_219 = tpu.memref_slice %arg2[%multiple_of3A_217, %dma_start3A_218] : memref<100000x128xf32, #tpu.memory_space<hbm>> -> memref<200x128xf32, #tpu.memory_space<hbm>>
        %dma_start3A_220 = arith.constant 0 : i32
        %dma_start3A_221 = tpu.memref_slice %arg2[%multiple_of3A_217, %dma_start3A_220] : memref<100000x128xf32, #tpu.memory_space<hbm>> -> memref<200x128xf32, #tpu.memory_space<hbm>>
        tpu.enqueue_dma source(%dma_start3A_221 : memref<200x128xf32, #tpu.memory_space<hbm>>) target(%arg6 : memref<200x128xf32, #tpu.memory_space<vmem>>) target_semaphore(%arg10 : memref<!tpu.dma_semaphore, #tpu.memory_space<semaphore_mem>>)
      } else {
      }
      scf.yield %scan3A_203#0, %scan3A_203#1, %scan3A_203#2, %scan3A_203#3, %scan3A_203#4, %scan3A_203#5, %scan3A_203#6, %scan3A_203#7, %scan3A_203#8, %scan3A_203#9, %scan3A_203#10, %scan3A_203#11, %scan3A_203#12, %scan3A_203#13, %scan3A_203#14, %scan3A_203#15 : vector<16xf32>, vector<16xi32>, vector<16xf32>, vector<16xi32>, vector<16xf32>, vector<16xi32>, vector<16xf32>, vector<16xi32>, vector<16xf32>, vector<16xi32>, vector<16xf32>, vector<16xi32>, vector<16xf32>, vector<16xi32>, vector<16xf32>, vector<16xi32>
    }
    %scan3A_50 = arith.constant 7 : i32
    %add3A_51 = arith.constant 0 : i32
    %add3A_52 = arith.addi %mul3A_2, %add3A_51 : i32
    %multiple_of3A_53 = tpu.assume_multiple %add3A_52, 8 : i32
    %dma_wait3A = arith.constant 0 : i32
    %dma_wait3A_54 = tpu.memref_slice %arg2[%multiple_of3A_53, %dma_wait3A] : memref<100000x128xf32, #tpu.memory_space<hbm>> -> memref<200x128xf32, #tpu.memory_space<hbm>>
    %dma_wait3A_55 = arith.constant 0 : i32
    %dma_wait3A_56 = tpu.memref_slice %arg2[%multiple_of3A_53, %dma_wait3A_55] : memref<100000x128xf32, #tpu.memory_space<hbm>> -> memref<200x128xf32, #tpu.memory_space<hbm>>
    tpu.wait_dma2 semaphore(%arg9 : memref<!tpu.dma_semaphore, #tpu.memory_space<semaphore_mem>>) src(%dma_wait3A_56 : memref<200x128xf32, #tpu.memory_space<hbm>>) dst(%arg5 : memref<200x128xf32, #tpu.memory_space<vmem>>)
    %broadcast_in_dim3A_57 = arith.constant 0 : i32
    %broadcast_in_dim3A_58 = vector.broadcast %broadcast_in_dim3A_57 : i32 to vector<16xi32>
    %add3A_59 = arith.constant 2800 : i32
    %add3A_60 = arith.addi %mul3A_2, %add3A_59 : i32
    %add3A_61 = vector.broadcast %add3A_60 : i32 to vector<16xi32>
    %add3A_62 = arith.addi %broadcast_in_dim3A_58, %add3A_61 : vector<16xi32>
    %scan3A_63 = arith.constant 0 : i32
    %scan3A_64 = arith.constant 100 : i32
    %scan3A_65 = arith.addi %scan3A_63, %scan3A_64 : i32
    %scan3A_66 = arith.constant 1 : i32
    %scan3A_67:17 = scf.for %scan3A_136 = %scan3A_63 to %scan3A_65 step %scan3A_66 iter_args(%scan3A_137 = %scan3A_49#0, %scan3A_138 = %scan3A_49#1, %scan3A_139 = %scan3A_49#2, %scan3A_140 = %scan3A_49#3, %scan3A_141 = %scan3A_49#4, %scan3A_142 = %scan3A_49#5, %scan3A_143 = %scan3A_49#6, %scan3A_144 = %scan3A_49#7, %scan3A_145 = %scan3A_49#8, %scan3A_146 = %scan3A_49#9, %scan3A_147 = %scan3A_49#10, %scan3A_148 = %scan3A_49#11, %scan3A_149 = %scan3A_49#12, %scan3A_150 = %scan3A_49#13, %scan3A_151 = %scan3A_49#14, %scan3A_152 = %scan3A_49#15, %scan3A_153 = %add3A_62) -> (vector<16xf32>, vector<16xi32>, vector<16xf32>, vector<16xi32>, vector<16xf32>, vector<16xi32>, vector<16xf32>, vector<16xi32>, vector<16xf32>, vector<16xi32>, vector<16xf32>, vector<16xi32>, vector<16xf32>, vector<16xi32>, vector<16xf32>, vector<16xi32>, vector<16xi32>)  : i32 {
      %mul3A_154 = arith.constant 2 : i32
      %mul3A_155 = arith.muli %scan3A_136, %mul3A_154 : i32
      %add3A_156 = arith.constant 0 : i32
      %add3A_157 = arith.addi %mul3A_155, %add3A_156 : i32
      %add3A_158 = arith.constant 0 : i32
      %add3A_159 = vector.broadcast %add3A_158 : i32 to vector<16xi32>
      %add3A_160 = arith.addi %scan3A_153, %add3A_159 : vector<16xi32>
      %get3A = arith.index_cast %add3A_157 : i32 to index
      %get3A_161 = arith.constant 0 : index
      %get3A_162 = tpu.vector_load %arg5[%get3A, %get3A_161] {strides = array<i32>} : memref<200x128xf32, #tpu.memory_space<vmem>>, vector<1x16xf32>,
      %get3A_163 = vector.shape_cast %get3A_162 : vector<1x16xf32> to vector<16xf32>
      %gt3A = arith.cmpf ogt, %get3A_163, %scan3A_137 : vector<16xf32>
      %select_n3A = arith.select %gt3A, %get3A_163, %scan3A_137 : vector<16xi1>, vector<16xf32>
      %select_n3A_164 = arith.select %gt3A, %add3A_160, %scan3A_138 : vector<16xi1>, vector<16xi32>
      %get3A_165 = arith.index_cast %add3A_157 : i32 to index
      %get3A_166 = arith.constant 16 : index
      %get3A_167 = tpu.vector_load %arg5[%get3A_165, %get3A_166] {strides = array<i32>} : memref<200x128xf32, #tpu.memory_space<vmem>>, vector<1x16xf32>,
      %get3A_168 = vector.shape_cast %get3A_167 : vector<1x16xf32> to vector<16xf32>
      %gt3A_169 = arith.cmpf ogt, %get3A_168, %scan3A_139 : vector<16xf32>
      %select_n3A_170 = arith.select %gt3A_169, %get3A_168, %scan3A_139 : vector<16xi1>, vector<16xf32>
      %select_n3A_171 = arith.select %gt3A_169, %add3A_160, %scan3A_140 : vector<16xi1>, vector<16xi32>
      %get3A_172 = arith.index_cast %add3A_157 : i32 to index
      %get3A_173 = arith.constant 32 : index
      %get3A_174 = tpu.vector_load %arg5[%get3A_172, %get3A_173] {strides = array<i32>} : memref<200x128xf32, #tpu.memory_space<vmem>>, vector<1x16xf32>,
      %get3A_175 = vector.shape_cast %get3A_174 : vector<1x16xf32> to vector<16xf32>
      %gt3A_176 = arith.cmpf ogt, %get3A_175, %scan3A_141 : vector<16xf32>
      %select_n3A_177 = arith.select %gt3A_176, %get3A_175, %scan3A_141 : vector<16xi1>, vector<16xf32>
      %select_n3A_178 = arith.select %gt3A_176, %add3A_160, %scan3A_142 : vector<16xi1>, vector<16xi32>
      %get3A_179 = arith.index_cast %add3A_157 : i32 to index
      %get3A_180 = arith.constant 48 : index
      %get3A_181 = tpu.vector_load %arg5[%get3A_179, %get3A_180] {strides = array<i32>} : memref<200x128xf32, #tpu.memory_space<vmem>>, vector<1x16xf32>,
      %get3A_182 = vector.shape_cast %get3A_181 : vector<1x16xf32> to vector<16xf32>
      %gt3A_183 = arith.cmpf ogt, %get3A_182, %scan3A_143 : vector<16xf32>
      %select_n3A_184 = arith.select %gt3A_183, %get3A_182, %scan3A_143 : vector<16xi1>, vector<16xf32>
      %select_n3A_185 = arith.select %gt3A_183, %add3A_160, %scan3A_144 : vector<16xi1>, vector<16xi32>
      %get3A_186 = arith.index_cast %add3A_157 : i32 to index
      %get3A_187 = arith.constant 64 : index
      %get3A_188 = tpu.vector_load %arg5[%get3A_186, %get3A_187] {strides = array<i32>} : memref<200x128xf32, #tpu.memory_space<vmem>>, vector<1x16xf32>,
      %get3A_189 = vector.shape_cast %get3A_188 : vector<1x16xf32> to vector<16xf32>
      %gt3A_190 = arith.cmpf ogt, %get3A_189, %scan3A_145 : vector<16xf32>
      %select_n3A_191 = arith.select %gt3A_190, %get3A_189, %scan3A_145 : vector<16xi1>, vector<16xf32>
      %select_n3A_192 = arith.select %gt3A_190, %add3A_160, %scan3A_146 : vector<16xi1>, vector<16xi32>
      %get3A_193 = arith.index_cast %add3A_157 : i32 to index
      %get3A_194 = arith.constant 80 : index
      %get3A_195 = tpu.vector_load %arg5[%get3A_193, %get3A_194] {strides = array<i32>} : memref<200x128xf32, #tpu.memory_space<vmem>>, vector<1x16xf32>,
      %get3A_196 = vector.shape_cast %get3A_195 : vector<1x16xf32> to vector<16xf32>
      %gt3A_197 = arith.cmpf ogt, %get3A_196, %scan3A_147 : vector<16xf32>
      %select_n3A_198 = arith.select %gt3A_197, %get3A_196, %scan3A_147 : vector<16xi1>, vector<16xf32>
      %select_n3A_199 = arith.select %gt3A_197, %add3A_160, %scan3A_148 : vector<16xi1>, vector<16xi32>
      %get3A_200 = arith.index_cast %add3A_157 : i32 to index
      %get3A_201 = arith.constant 96 : index
      %get3A_202 = tpu.vector_load %arg5[%get3A_200, %get3A_201] {strides = array<i32>} : memref<200x128xf32, #tpu.memory_space<vmem>>, vector<1x16xf32>,
      %get3A_203 = vector.shape_cast %get3A_202 : vector<1x16xf32> to vector<16xf32>
      %gt3A_204 = arith.cmpf ogt, %get3A_203, %scan3A_149 : vector<16xf32>
      %select_n3A_205 = arith.select %gt3A_204, %get3A_203, %scan3A_149 : vector<16xi1>, vector<16xf32>
      %select_n3A_206 = arith.select %gt3A_204, %add3A_160, %scan3A_150 : vector<16xi1>, vector<16xi32>
      %get3A_207 = arith.index_cast %add3A_157 : i32 to index
      %get3A_208 = arith.constant 112 : index
      %get3A_209 = tpu.vector_load %arg5[%get3A_207, %get3A_208] {strides = array<i32>} : memref<200x128xf32, #tpu.memory_space<vmem>>, vector<1x16xf32>,
      %get3A_210 = vector.shape_cast %get3A_209 : vector<1x16xf32> to vector<16xf32>
      %gt3A_211 = arith.cmpf ogt, %get3A_210, %scan3A_151 : vector<16xf32>
      %select_n3A_212 = arith.select %gt3A_211, %get3A_210, %scan3A_151 : vector<16xi1>, vector<16xf32>
      %select_n3A_213 = arith.select %gt3A_211, %add3A_160, %scan3A_152 : vector<16xi1>, vector<16xi32>
      %mul3A_214 = arith.constant 2 : i32
      %mul3A_215 = arith.muli %scan3A_136, %mul3A_214 : i32
      %add3A_216 = arith.constant 1 : i32
      %add3A_217 = arith.addi %mul3A_215, %add3A_216 : i32
      %add3A_218 = arith.constant 1 : i32
      %add3A_219 = vector.broadcast %add3A_218 : i32 to vector<16xi32>
      %add3A_220 = arith.addi %scan3A_153, %add3A_219 : vector<16xi32>
      %get3A_221 = arith.index_cast %add3A_217 : i32 to index
      %get3A_222 = arith.constant 0 : index
      %get3A_223 = tpu.vector_load %arg5[%get3A_221, %get3A_222] {strides = array<i32>} : memref<200x128xf32, #tpu.memory_space<vmem>>, vector<1x16xf32>,
      %get3A_224 = vector.shape_cast %get3A_223 : vector<1x16xf32> to vector<16xf32>
      %gt3A_225 = arith.cmpf ogt, %get3A_224, %select_n3A : vector<16xf32>
      %select_n3A_226 = arith.select %gt3A_225, %get3A_224, %select_n3A : vector<16xi1>, vector<16xf32>
      %select_n3A_227 = arith.select %gt3A_225, %add3A_220, %select_n3A_164 : vector<16xi1>, vector<16xi32>
      %get3A_228 = arith.index_cast %add3A_217 : i32 to index
      %get3A_229 = arith.constant 16 : index
      %get3A_230 = tpu.vector_load %arg5[%get3A_228, %get3A_229] {strides = array<i32>} : memref<200x128xf32, #tpu.memory_space<vmem>>, vector<1x16xf32>,
      %get3A_231 = vector.shape_cast %get3A_230 : vector<1x16xf32> to vector<16xf32>
      %gt3A_232 = arith.cmpf ogt, %get3A_231, %select_n3A_170 : vector<16xf32>
      %select_n3A_233 = arith.select %gt3A_232, %get3A_231, %select_n3A_170 : vector<16xi1>, vector<16xf32>
      %select_n3A_234 = arith.select %gt3A_232, %add3A_220, %select_n3A_171 : vector<16xi1>, vector<16xi32>
      %get3A_235 = arith.index_cast %add3A_217 : i32 to index
      %get3A_236 = arith.constant 32 : index
      %get3A_237 = tpu.vector_load %arg5[%get3A_235, %get3A_236] {strides = array<i32>} : memref<200x128xf32, #tpu.memory_space<vmem>>, vector<1x16xf32>,
      %get3A_238 = vector.shape_cast %get3A_237 : vector<1x16xf32> to vector<16xf32>
      %gt3A_239 = arith.cmpf ogt, %get3A_238, %select_n3A_177 : vector<16xf32>
      %select_n3A_240 = arith.select %gt3A_239, %get3A_238, %select_n3A_177 : vector<16xi1>, vector<16xf32>
      %select_n3A_241 = arith.select %gt3A_239, %add3A_220, %select_n3A_178 : vector<16xi1>, vector<16xi32>
      %get3A_242 = arith.index_cast %add3A_217 : i32 to index
      %get3A_243 = arith.constant 48 : index
      %get3A_244 = tpu.vector_load %arg5[%get3A_242, %get3A_243] {strides = array<i32>} : memref<200x128xf32, #tpu.memory_space<vmem>>, vector<1x16xf32>,
      %get3A_245 = vector.shape_cast %get3A_244 : vector<1x16xf32> to vector<16xf32>
      %gt3A_246 = arith.cmpf ogt, %get3A_245, %select_n3A_184 : vector<16xf32>
      %select_n3A_247 = arith.select %gt3A_246, %get3A_245, %select_n3A_184 : vector<16xi1>, vector<16xf32>
      %select_n3A_248 = arith.select %gt3A_246, %add3A_220, %select_n3A_185 : vector<16xi1>, vector<16xi32>
      %get3A_249 = arith.index_cast %add3A_217 : i32 to index
      %get3A_250 = arith.constant 64 : index
      %get3A_251 = tpu.vector_load %arg5[%get3A_249, %get3A_250] {strides = array<i32>} : memref<200x128xf32, #tpu.memory_space<vmem>>, vector<1x16xf32>,
      %get3A_252 = vector.shape_cast %get3A_251 : vector<1x16xf32> to vector<16xf32>
      %gt3A_253 = arith.cmpf ogt, %get3A_252, %select_n3A_191 : vector<16xf32>
      %select_n3A_254 = arith.select %gt3A_253, %get3A_252, %select_n3A_191 : vector<16xi1>, vector<16xf32>
      %select_n3A_255 = arith.select %gt3A_253, %add3A_220, %select_n3A_192 : vector<16xi1>, vector<16xi32>
      %get3A_256 = arith.index_cast %add3A_217 : i32 to index
      %get3A_257 = arith.constant 80 : index
      %get3A_258 = tpu.vector_load %arg5[%get3A_256, %get3A_257] {strides = array<i32>} : memref<200x128xf32, #tpu.memory_space<vmem>>, vector<1x16xf32>,
      %get3A_259 = vector.shape_cast %get3A_258 : vector<1x16xf32> to vector<16xf32>
      %gt3A_260 = arith.cmpf ogt, %get3A_259, %select_n3A_198 : vector<16xf32>
      %select_n3A_261 = arith.select %gt3A_260, %get3A_259, %select_n3A_198 : vector<16xi1>, vector<16xf32>
      %select_n3A_262 = arith.select %gt3A_260, %add3A_220, %select_n3A_199 : vector<16xi1>, vector<16xi32>
      %get3A_263 = arith.index_cast %add3A_217 : i32 to index
      %get3A_264 = arith.constant 96 : index
      %get3A_265 = tpu.vector_load %arg5[%get3A_263, %get3A_264] {strides = array<i32>} : memref<200x128xf32, #tpu.memory_space<vmem>>, vector<1x16xf32>,
      %get3A_266 = vector.shape_cast %get3A_265 : vector<1x16xf32> to vector<16xf32>
      %gt3A_267 = arith.cmpf ogt, %get3A_266, %select_n3A_205 : vector<16xf32>
      %select_n3A_268 = arith.select %gt3A_267, %get3A_266, %select_n3A_205 : vector<16xi1>, vector<16xf32>
      %select_n3A_269 = arith.select %gt3A_267, %add3A_220, %select_n3A_206 : vector<16xi1>, vector<16xi32>
      %get3A_270 = arith.index_cast %add3A_217 : i32 to index
      %get3A_271 = arith.constant 112 : index
      %get3A_272 = tpu.vector_load %arg5[%get3A_270, %get3A_271] {strides = array<i32>} : memref<200x128xf32, #tpu.memory_space<vmem>>, vector<1x16xf32>,
      %get3A_273 = vector.shape_cast %get3A_272 : vector<1x16xf32> to vector<16xf32>
      %gt3A_274 = arith.cmpf ogt, %get3A_273, %select_n3A_212 : vector<16xf32>
      %select_n3A_275 = arith.select %gt3A_274, %get3A_273, %select_n3A_212 : vector<16xi1>, vector<16xf32>
      %select_n3A_276 = arith.select %gt3A_274, %add3A_220, %select_n3A_213 : vector<16xi1>, vector<16xi32>
      %add3A_277 = arith.constant 2 : i32
      %add3A_278 = vector.broadcast %add3A_277 : i32 to vector<16xi32>
      %add3A_279 = arith.addi %scan3A_153, %add3A_278 : vector<16xi32>
      scf.yield %select_n3A_226, %select_n3A_227, %select_n3A_233, %select_n3A_234, %select_n3A_240, %select_n3A_241, %select_n3A_247, %select_n3A_248, %select_n3A_254, %select_n3A_255, %select_n3A_261, %select_n3A_262, %select_n3A_268, %select_n3A_269, %select_n3A_275, %select_n3A_276, %add3A_279 : vector<16xf32>, vector<16xi32>, vector<16xf32>, vector<16xi32>, vector<16xf32>, vector<16xi32>, vector<16xf32>, vector<16xi32>, vector<16xf32>, vector<16xi32>, vector<16xf32>, vector<16xi32>, vector<16xf32>, vector<16xi32>, vector<16xf32>, vector<16xi32>, vector<16xi32>
    }
    %scan3A_68 = arith.constant 100 : i32
    %swap3A = arith.constant 0 : index
    %swap3A_69 = tpu.vector_load %arg7[%swap3A] {strides = array<i32>} : memref<128xf32, #tpu.memory_space<vmem>>, vector<16xf32>,
    %swap3A_70 = vector.shape_cast %swap3A_69 : vector<16xf32> to vector<16xf32>
    %swap3A_71 = vector.shape_cast %scan3A_67#0 : vector<16xf32> to vector<16xf32>
    tpu.vector_store %arg7[%swap3A], %swap3A_71 {strides = array<i32>} : memref<128xf32, #tpu.memory_space<vmem>>, vector<16xf32>,
    %swap3A_72 = arith.constant 0 : index
    %swap3A_73 = tpu.vector_load %arg8[%swap3A_72] {strides = array<i32>} : memref<128xi32, #tpu.memory_space<vmem>>, vector<16xi32>,
    %swap3A_74 = vector.shape_cast %swap3A_73 : vector<16xi32> to vector<16xi32>
    %swap3A_75 = vector.shape_cast %scan3A_67#1 : vector<16xi32> to vector<16xi32>
    tpu.vector_store %arg8[%swap3A_72], %swap3A_75 {strides = array<i32>} : memref<128xi32, #tpu.memory_space<vmem>>, vector<16xi32>,
    %swap3A_76 = arith.constant 16 : index
    %swap3A_77 = tpu.vector_load %arg7[%swap3A_76] {strides = array<i32>} : memref<128xf32, #tpu.memory_space<vmem>>, vector<16xf32>,
    %swap3A_78 = vector.shape_cast %swap3A_77 : vector<16xf32> to vector<16xf32>
    %swap3A_79 = vector.shape_cast %scan3A_67#2 : vector<16xf32> to vector<16xf32>
    tpu.vector_store %arg7[%swap3A_76], %swap3A_79 {strides = array<i32>} : memref<128xf32, #tpu.memory_space<vmem>>, vector<16xf32>,
    %swap3A_80 = arith.constant 16 : index
    %swap3A_81 = tpu.vector_load %arg8[%swap3A_80] {strides = array<i32>} : memref<128xi32, #tpu.memory_space<vmem>>, vector<16xi32>,
    %swap3A_82 = vector.shape_cast %swap3A_81 : vector<16xi32> to vector<16xi32>
    %swap3A_83 = vector.shape_cast %scan3A_67#3 : vector<16xi32> to vector<16xi32>
    tpu.vector_store %arg8[%swap3A_80], %swap3A_83 {strides = array<i32>} : memref<128xi32, #tpu.memory_space<vmem>>, vector<16xi32>,
    %swap3A_84 = arith.constant 32 : index
    %swap3A_85 = tpu.vector_load %arg7[%swap3A_84] {strides = array<i32>} : memref<128xf32, #tpu.memory_space<vmem>>, vector<16xf32>,
    %swap3A_86 = vector.shape_cast %swap3A_85 : vector<16xf32> to vector<16xf32>
    %swap3A_87 = vector.shape_cast %scan3A_67#4 : vector<16xf32> to vector<16xf32>
    tpu.vector_store %arg7[%swap3A_84], %swap3A_87 {strides = array<i32>} : memref<128xf32, #tpu.memory_space<vmem>>, vector<16xf32>,
    %swap3A_88 = arith.constant 32 : index
    %swap3A_89 = tpu.vector_load %arg8[%swap3A_88] {strides = array<i32>} : memref<128xi32, #tpu.memory_space<vmem>>, vector<16xi32>,
    %swap3A_90 = vector.shape_cast %swap3A_89 : vector<16xi32> to vector<16xi32>
    %swap3A_91 = vector.shape_cast %scan3A_67#5 : vector<16xi32> to vector<16xi32>
    tpu.vector_store %arg8[%swap3A_88], %swap3A_91 {strides = array<i32>} : memref<128xi32, #tpu.memory_space<vmem>>, vector<16xi32>,
    %swap3A_92 = arith.constant 48 : index
    %swap3A_93 = tpu.vector_load %arg7[%swap3A_92] {strides = array<i32>} : memref<128xf32, #tpu.memory_space<vmem>>, vector<16xf32>,
    %swap3A_94 = vector.shape_cast %swap3A_93 : vector<16xf32> to vector<16xf32>
    %swap3A_95 = vector.shape_cast %scan3A_67#6 : vector<16xf32> to vector<16xf32>
    tpu.vector_store %arg7[%swap3A_92], %swap3A_95 {strides = array<i32>} : memref<128xf32, #tpu.memory_space<vmem>>, vector<16xf32>,
    %swap3A_96 = arith.constant 48 : index
    %swap3A_97 = tpu.vector_load %arg8[%swap3A_96] {strides = array<i32>} : memref<128xi32, #tpu.memory_space<vmem>>, vector<16xi32>,
    %swap3A_98 = vector.shape_cast %swap3A_97 : vector<16xi32> to vector<16xi32>
    %swap3A_99 = vector.shape_cast %scan3A_67#7 : vector<16xi32> to vector<16xi32>
    tpu.vector_store %arg8[%swap3A_96], %swap3A_99 {strides = array<i32>} : memref<128xi32, #tpu.memory_space<vmem>>, vector<16xi32>,
    %swap3A_100 = arith.constant 64 : index
    %swap3A_101 = tpu.vector_load %arg7[%swap3A_100] {strides = array<i32>} : memref<128xf32, #tpu.memory_space<vmem>>, vector<16xf32>,
    %swap3A_102 = vector.shape_cast %swap3A_101 : vector<16xf32> to vector<16xf32>
    %swap3A_103 = vector.shape_cast %scan3A_67#8 : vector<16xf32> to vector<16xf32>
    tpu.vector_store %arg7[%swap3A_100], %swap3A_103 {strides = array<i32>} : memref<128xf32, #tpu.memory_space<vmem>>, vector<16xf32>,
    %swap3A_104 = arith.constant 64 : index
    %swap3A_105 = tpu.vector_load %arg8[%swap3A_104] {strides = array<i32>} : memref<128xi32, #tpu.memory_space<vmem>>, vector<16xi32>,
    %swap3A_106 = vector.shape_cast %swap3A_105 : vector<16xi32> to vector<16xi32>
    %swap3A_107 = vector.shape_cast %scan3A_67#9 : vector<16xi32> to vector<16xi32>
    tpu.vector_store %arg8[%swap3A_104], %swap3A_107 {strides = array<i32>} : memref<128xi32, #tpu.memory_space<vmem>>, vector<16xi32>,
    %swap3A_108 = arith.constant 80 : index
    %swap3A_109 = tpu.vector_load %arg7[%swap3A_108] {strides = array<i32>} : memref<128xf32, #tpu.memory_space<vmem>>, vector<16xf32>,
    %swap3A_110 = vector.shape_cast %swap3A_109 : vector<16xf32> to vector<16xf32>
    %swap3A_111 = vector.shape_cast %scan3A_67#10 : vector<16xf32> to vector<16xf32>
    tpu.vector_store %arg7[%swap3A_108], %swap3A_111 {strides = array<i32>} : memref<128xf32, #tpu.memory_space<vmem>>, vector<16xf32>,
    %swap3A_112 = arith.constant 80 : index
    %swap3A_113 = tpu.vector_load %arg8[%swap3A_112] {strides = array<i32>} : memref<128xi32, #tpu.memory_space<vmem>>, vector<16xi32>,
    %swap3A_114 = vector.shape_cast %swap3A_113 : vector<16xi32> to vector<16xi32>
    %swap3A_115 = vector.shape_cast %scan3A_67#11 : vector<16xi32> to vector<16xi32>
    tpu.vector_store %arg8[%swap3A_112], %swap3A_115 {strides = array<i32>} : memref<128xi32, #tpu.memory_space<vmem>>, vector<16xi32>,
    %swap3A_116 = arith.constant 96 : index
    %swap3A_117 = tpu.vector_load %arg7[%swap3A_116] {strides = array<i32>} : memref<128xf32, #tpu.memory_space<vmem>>, vector<16xf32>,
    %swap3A_118 = vector.shape_cast %swap3A_117 : vector<16xf32> to vector<16xf32>
    %swap3A_119 = vector.shape_cast %scan3A_67#12 : vector<16xf32> to vector<16xf32>
    tpu.vector_store %arg7[%swap3A_116], %swap3A_119 {strides = array<i32>} : memref<128xf32, #tpu.memory_space<vmem>>, vector<16xf32>,
    %swap3A_120 = arith.constant 96 : index
    %swap3A_121 = tpu.vector_load %arg8[%swap3A_120] {strides = array<i32>} : memref<128xi32, #tpu.memory_space<vmem>>, vector<16xi32>,
    %swap3A_122 = vector.shape_cast %swap3A_121 : vector<16xi32> to vector<16xi32>
    %swap3A_123 = vector.shape_cast %scan3A_67#13 : vector<16xi32> to vector<16xi32>
    tpu.vector_store %arg8[%swap3A_120], %swap3A_123 {strides = array<i32>} : memref<128xi32, #tpu.memory_space<vmem>>, vector<16xi32>,
    %swap3A_124 = arith.constant 112 : index
    %swap3A_125 = tpu.vector_load %arg7[%swap3A_124] {strides = array<i32>} : memref<128xf32, #tpu.memory_space<vmem>>, vector<16xf32>,
    %swap3A_126 = vector.shape_cast %swap3A_125 : vector<16xf32> to vector<16xf32>
    %swap3A_127 = vector.shape_cast %scan3A_67#14 : vector<16xf32> to vector<16xf32>
    tpu.vector_store %arg7[%swap3A_124], %swap3A_127 {strides = array<i32>} : memref<128xf32, #tpu.memory_space<vmem>>, vector<16xf32>,
    %swap3A_128 = arith.constant 112 : index
    %swap3A_129 = tpu.vector_load %arg8[%swap3A_128] {strides = array<i32>} : memref<128xi32, #tpu.memory_space<vmem>>, vector<16xi32>,
    %swap3A_130 = vector.shape_cast %swap3A_129 : vector<16xi32> to vector<16xi32>
    %swap3A_131 = vector.shape_cast %scan3A_67#15 : vector<16xi32> to vector<16xi32>
    tpu.vector_store %arg8[%swap3A_128], %swap3A_131 {strides = array<i32>} : memref<128xi32, #tpu.memory_space<vmem>>, vector<16xi32>,
    %mul3A_132 = arith.constant 128 : i32
    %mul3A_133 = arith.muli %add3A, %mul3A_132 : i32
    "tpu.region"() ({
      %run_scoped3A = tpu.sem_alloc : memref<!tpu.dma_semaphore, #tpu.memory_space<semaphore_mem>>
      %dma_start3A_136 = tpu.memref_slice %arg3[%mul3A_133] : memref<4096xf32, #tpu.memory_space<hbm>> -> memref<128xf32, #tpu.memory_space<hbm>>
      %dma_start3A_137 = tpu.memref_slice %arg3[%mul3A_133] : memref<4096xf32, #tpu.memory_space<hbm>> -> memref<128xf32, #tpu.memory_space<hbm>>
      tpu.enqueue_dma source(%arg7 : memref<128xf32, #tpu.memory_space<vmem>>) target(%dma_start3A_137 : memref<128xf32, #tpu.memory_space<hbm>>) target_semaphore(%run_scoped3A : memref<!tpu.dma_semaphore, #tpu.memory_space<semaphore_mem>>)
      %dma_wait3A_138 = tpu.memref_slice %arg3[%mul3A_133] : memref<4096xf32, #tpu.memory_space<hbm>> -> memref<128xf32, #tpu.memory_space<hbm>>
      %dma_wait3A_139 = tpu.memref_slice %arg3[%mul3A_133] : memref<4096xf32, #tpu.memory_space<hbm>> -> memref<128xf32, #tpu.memory_space<hbm>>
      tpu.wait_dma2 semaphore(%run_scoped3A : memref<!tpu.dma_semaphore, #tpu.memory_space<semaphore_mem>>) src(%arg7 : memref<128xf32, #tpu.memory_space<vmem>>) dst(%dma_wait3A_139 : memref<128xf32, #tpu.memory_space<hbm>>)
      tpu.yield
    }) : () -> ()
    %mul3A_134 = arith.constant 128 : i32
    %mul3A_135 = arith.muli %add3A, %mul3A_134 : i32
    "tpu.region"() ({
      %run_scoped3A = tpu.sem_alloc : memref<!tpu.dma_semaphore, #tpu.memory_space<semaphore_mem>>
      %dma_start3A_136 = tpu.memref_slice %arg4[%mul3A_135] : memref<4096xi32, #tpu.memory_space<hbm>> -> memref<128xi32, #tpu.memory_space<hbm>>
      %dma_start3A_137 = tpu.memref_slice %arg4[%mul3A_135] : memref<4096xi32, #tpu.memory_space<hbm>> -> memref<128xi32, #tpu.memory_space<hbm>>
      tpu.enqueue_dma source(%arg8 : memref<128xi32, #tpu.memory_space<vmem>>) target(%dma_start3A_137 : memref<128xi32, #tpu.memory_space<hbm>>) target_semaphore(%run_scoped3A : memref<!tpu.dma_semaphore, #tpu.memory_space<semaphore_mem>>)
      %dma_wait3A_138 = tpu.memref_slice %arg4[%mul3A_135] : memref<4096xi32, #tpu.memory_space<hbm>> -> memref<128xi32, #tpu.memory_space<hbm>>
      %dma_wait3A_139 = tpu.memref_slice %arg4[%mul3A_135] : memref<4096xi32, #tpu.memory_space<hbm>> -> memref<128xi32, #tpu.memory_space<hbm>>
      tpu.wait_dma2 semaphore(%run_scoped3A : memref<!tpu.dma_semaphore, #tpu.memory_space<semaphore_mem>>) src(%arg8 : memref<128xi32, #tpu.memory_space<vmem>>) dst(%dma_wait3A_139 : memref<128xi32, #tpu.memory_space<hbm>>)
      tpu.yield
    }) : () -> ()
    return
  }
}

module attributes {stable_mosaic.version = 14 : i64} {
  func.func @_tc_argmax_body(%arg0: i32, %arg1: memref<4000x128xf32, #tpu.memory_space<vmem>>, %arg2: memref<1x128xf32, #tpu.memory_space<vmem>>, %arg3: memref<1x128xi32, #tpu.memory_space<vmem>>, %arg4: memref<1x128xf32, #tpu.memory_space<vmem>>, %arg5: memref<1x128xi32, #tpu.memory_space<vmem>>) attributes {dimension_semantics = [#tpu.dimension_semantics<arbitrary>], iteration_bounds = array<i64: 1>, scalar_prefetch = 0 : i64, scratch_operands = 2 : i64, tpu.core_type = #tpu.core_type<tc>, window_params = [{transform_indices = @transform_0, window_bounds = array<i64: 4000, 128>}, {pipeline_mode = #tpu.pipeline_mode<synchronous>, transform_indices = @transform_1, window_bounds = array<i64: 1, 128>}, {pipeline_mode = #tpu.pipeline_mode<synchronous>, transform_indices = @transform_2, window_bounds = array<i64: 1, 128>}]} {
    %get3A = arith.constant 0 : index
    %get3A_0 = arith.constant 0 : index
    %get3A_1 = vector.load %arg1[%get3A, %get3A_0] : memref<4000x128xf32, #tpu.memory_space<vmem>>, vector<4000x128xf32>
    %mul3A = arith.constant 4000 : i32
    %mul3A_2 = arith.muli %arg0, %mul3A : i32
    %add3A = arith.constant 96000 : i32
    %add3A_3 = arith.addi %add3A, %mul3A_2 : i32
    %reduce_max3A = arith.constant dense<0xFF800000> : vector<128xf32>
    %reduce_max3A_4 = vector.multi_reduction <maximumf>, %get3A_1, %reduce_max3A [0] : vector<4000x128xf32> to vector<128xf32>
    %broadcast_in_dim3A = vector.shape_cast %reduce_max3A_4 : vector<128xf32> to vector<1x128xf32>
    %iota3A = tpu.iota {dimensions = array<i32: 0>} : vector<4000x128xi32>
    %add3A_5 = vector.broadcast %add3A_3 : i32 to vector<4000x128xi32>
    %add3A_6 = arith.addi %iota3A, %add3A_5 : vector<4000x128xi32>
    %eq3A = vector.broadcast %broadcast_in_dim3A : vector<1x128xf32> to vector<4000x128xf32>
    %eq3A_7 = arith.cmpf oeq, %get3A_1, %eq3A : vector<4000x128xf32>
    %jit3A = arith.constant 1073741824 : i32
    %broadcast_in_dim3A_8 = vector.broadcast %jit3A : i32 to vector<4000x128xi32>
    %select_n3A = arith.select %eq3A_7, %add3A_6, %broadcast_in_dim3A_8 : vector<4000x128xi1>, vector<4000x128xi32>
    %reduce_min3A = arith.constant dense<2147483647> : vector<128xi32>
    %reduce_min3A_9 = vector.multi_reduction <minsi>, %select_n3A, %reduce_min3A [0] : vector<4000x128xi32> to vector<128xi32>
    %broadcast_in_dim3A_10 = vector.shape_cast %reduce_min3A_9 : vector<128xi32> to vector<1x128xi32>
    %eq3A_11 = arith.constant 0 : i32
    %eq3A_12 = arith.cmpi eq, %arg0, %eq3A_11 : i32
    %convert_element_type3A = arith.extui %eq3A_12 : i1 to i32
    %cond3A = arith.constant 0 : i32
    %cond3A_13 = arith.cmpi ne, %convert_element_type3A, %cond3A : i32
    scf.if %cond3A_13 {
      %broadcast_in_dim3A_35 = arith.constant -3.400000e+38 : f32
      %broadcast_in_dim3A_36 = vector.broadcast %broadcast_in_dim3A_35 : f32 to vector<1x128xf32>
      %swap3A_37 = arith.constant 0 : index
      %swap3A_38 = arith.constant 0 : index
      %swap3A_39 = vector.load %arg4[%swap3A_37, %swap3A_38] : memref<1x128xf32, #tpu.memory_space<vmem>>, vector<1x128xf32>
      tpu.vector_store %arg4[%swap3A_37, %swap3A_38], %broadcast_in_dim3A_36 {strides = array<i32>} : memref<1x128xf32, #tpu.memory_space<vmem>>, vector<1x128xf32>,
      %broadcast_in_dim3A_40 = arith.constant 0 : i32
      %broadcast_in_dim3A_41 = vector.broadcast %broadcast_in_dim3A_40 : i32 to vector<1x128xi32>
      %swap3A_42 = arith.constant 0 : index
      %swap3A_43 = arith.constant 0 : index
      %swap3A_44 = vector.load %arg5[%swap3A_42, %swap3A_43] : memref<1x128xi32, #tpu.memory_space<vmem>>, vector<1x128xi32>
      tpu.vector_store %arg5[%swap3A_42, %swap3A_43], %broadcast_in_dim3A_41 {strides = array<i32>} : memref<1x128xi32, #tpu.memory_space<vmem>>, vector<1x128xi32>,
    } else {
    }
    %get3A_14 = arith.constant 0 : index
    %get3A_15 = arith.constant 0 : index
    %get3A_16 = vector.load %arg4[%get3A_14, %get3A_15] : memref<1x128xf32, #tpu.memory_space<vmem>>, vector<1x128xf32>
    %gt3A = arith.cmpf ogt, %broadcast_in_dim3A, %get3A_16 : vector<1x128xf32>
    %get3A_17 = arith.constant 0 : index
    %get3A_18 = arith.constant 0 : index
    %get3A_19 = vector.load %arg4[%get3A_17, %get3A_18] : memref<1x128xf32, #tpu.memory_space<vmem>>, vector<1x128xf32>
    %select_n3A_20 = arith.select %gt3A, %broadcast_in_dim3A, %get3A_19 : vector<1x128xi1>, vector<1x128xf32>
    %swap3A = arith.constant 0 : index
    %swap3A_21 = arith.constant 0 : index
    %swap3A_22 = vector.load %arg4[%swap3A, %swap3A_21] : memref<1x128xf32, #tpu.memory_space<vmem>>, vector<1x128xf32>
    tpu.vector_store %arg4[%swap3A, %swap3A_21], %select_n3A_20 {strides = array<i32>} : memref<1x128xf32, #tpu.memory_space<vmem>>, vector<1x128xf32>,
    %get3A_23 = arith.constant 0 : index
    %get3A_24 = arith.constant 0 : index
    %get3A_25 = vector.load %arg5[%get3A_23, %get3A_24] : memref<1x128xi32, #tpu.memory_space<vmem>>, vector<1x128xi32>
    %select_n3A_26 = arith.select %gt3A, %broadcast_in_dim3A_10, %get3A_25 : vector<1x128xi1>, vector<1x128xi32>
    %swap3A_27 = arith.constant 0 : index
    %swap3A_28 = arith.constant 0 : index
    %swap3A_29 = vector.load %arg5[%swap3A_27, %swap3A_28] : memref<1x128xi32, #tpu.memory_space<vmem>>, vector<1x128xi32>
    tpu.vector_store %arg5[%swap3A_27, %swap3A_28], %select_n3A_26 {strides = array<i32>} : memref<1x128xi32, #tpu.memory_space<vmem>>, vector<1x128xi32>,
    %eq3A_30 = arith.constant 0 : i32
    %eq3A_31 = arith.cmpi eq, %arg0, %eq3A_30 : i32
    %convert_element_type3A_32 = arith.extui %eq3A_31 : i1 to i32
    %cond3A_33 = arith.constant 0 : i32
    %cond3A_34 = arith.cmpi ne, %convert_element_type3A_32, %cond3A_33 : i32
    scf.if %cond3A_34 {
      %get3A_35 = arith.constant 0 : index
      %get3A_36 = arith.constant 0 : index
      %get3A_37 = vector.load %arg4[%get3A_35, %get3A_36] : memref<1x128xf32, #tpu.memory_space<vmem>>, vector<1x128xf32>
      %swap3A_38 = arith.constant 0 : index
      %swap3A_39 = arith.constant 0 : index
      %swap3A_40 = vector.load %arg2[%swap3A_38, %swap3A_39] : memref<1x128xf32, #tpu.memory_space<vmem>>, vector<1x128xf32>
      tpu.vector_store %arg2[%swap3A_38, %swap3A_39], %get3A_37 {strides = array<i32>} : memref<1x128xf32, #tpu.memory_space<vmem>>, vector<1x128xf32>,
      %get3A_41 = arith.constant 0 : index
      %get3A_42 = arith.constant 0 : index
      %get3A_43 = vector.load %arg5[%get3A_41, %get3A_42] : memref<1x128xi32, #tpu.memory_space<vmem>>, vector<1x128xi32>
      %swap3A_44 = arith.constant 0 : index
      %swap3A_45 = arith.constant 0 : index
      %swap3A_46 = vector.load %arg3[%swap3A_44, %swap3A_45] : memref<1x128xi32, #tpu.memory_space<vmem>>, vector<1x128xi32>
      tpu.vector_store %arg3[%swap3A_44, %swap3A_45], %get3A_43 {strides = array<i32>} : memref<1x128xi32, #tpu.memory_space<vmem>>, vector<1x128xi32>,
    } else {
    }
    return
  }
  func.func @transform_0(%arg0: i32) -> (i32, i32) {
    %add3A = arith.constant 24 : i32
    %add3A_0 = arith.addi %arg0, %add3A : i32
    %c0_i32 = arith.constant 0 : i32
    %c0_i32_1 = arith.constant 0 : i32
    return %add3A_0, %c0_i32 : i32, i32
  }
  func.func @transform_1(%arg0: i32) -> (i32, i32) {
    %c0_i32 = arith.constant 0 : i32
    %c0_i32_0 = arith.constant 0 : i32
    %c0_i32_1 = arith.constant 0 : i32
    return %c0_i32, %c0_i32_0 : i32, i32
  }
  func.func @transform_2(%arg0: i32) -> (i32, i32) {
    %c0_i32 = arith.constant 0 : i32
    %c0_i32_0 = arith.constant 0 : i32
    %c0_i32_1 = arith.constant 0 : i32
    return %c0_i32, %c0_i32_0 : i32, i32
  }
}

module attributes {stable_mosaic.version = 14 : i64} {
  func.func @_merge_body(%arg0: memref<32x128xf32, #tpu.memory_space<vmem>>, %arg1: memref<32x128xi32, #tpu.memory_space<vmem>>, %arg2: memref<1x128xf32, #tpu.memory_space<vmem>>, %arg3: memref<1x128xi32, #tpu.memory_space<vmem>>, %arg4: memref<1x128xf32, #tpu.memory_space<vmem>>, %arg5: memref<1x128xf32, #tpu.memory_space<vmem>>, %arg6: memref<1x128xi32, #tpu.memory_space<vmem>>, %arg7: memref<1x128xf32, #tpu.memory_space<vmem>>, %arg8: memref<1x128xf32, #tpu.memory_space<vmem>>) attributes {dimension_semantics = [], scalar_prefetch = 0 : i64, scratch_operands = 0 : i64, tpu.core_type = #tpu.core_type<tc>} {
    %get3A = arith.constant 0 : index
    %get3A_0 = arith.constant 0 : index
    %get3A_1 = vector.load %arg0[%get3A, %get3A_0] : memref<32x128xf32, #tpu.memory_space<vmem>>, vector<32x128xf32>
    %get3A_2 = arith.constant 0 : index
    %get3A_3 = arith.constant 0 : index
    %get3A_4 = vector.load %arg1[%get3A_2, %get3A_3] : memref<32x128xi32, #tpu.memory_space<vmem>>, vector<32x128xi32>
    %get3A_5 = arith.constant 0 : index
    %get3A_6 = arith.constant 0 : index
    %get3A_7 = vector.load %arg2[%get3A_5, %get3A_6] : memref<1x128xf32, #tpu.memory_space<vmem>>, vector<1x128xf32>
    %get3A_8 = arith.constant 0 : index
    %get3A_9 = arith.constant 0 : index
    %get3A_10 = vector.load %arg3[%get3A_8, %get3A_9] : memref<1x128xi32, #tpu.memory_space<vmem>>, vector<1x128xi32>
    %reduce_max3A = arith.constant dense<0xFF800000> : vector<128xf32>
    %reduce_max3A_11 = vector.multi_reduction <maximumf>, %get3A_1, %reduce_max3A [0] : vector<32x128xf32> to vector<128xf32>
    %broadcast_in_dim3A = vector.shape_cast %reduce_max3A_11 : vector<128xf32> to vector<1x128xf32>
    %max3A = arith.maximumf %broadcast_in_dim3A, %get3A_7 : vector<1x128xf32>
    %eq3A = vector.broadcast %max3A : vector<1x128xf32> to vector<32x128xf32>
    %eq3A_12 = arith.cmpf oeq, %get3A_1, %eq3A : vector<32x128xf32>
    %jit3A = arith.constant 1073741824 : i32
    %broadcast_in_dim3A_13 = vector.broadcast %jit3A : i32 to vector<32x128xi32>
    %select_n3A = arith.select %eq3A_12, %get3A_4, %broadcast_in_dim3A_13 : vector<32x128xi1>, vector<32x128xi32>
    %reduce_min3A = arith.constant dense<2147483647> : vector<128xi32>
    %reduce_min3A_14 = vector.multi_reduction <minsi>, %select_n3A, %reduce_min3A [0] : vector<32x128xi32> to vector<128xi32>
    %broadcast_in_dim3A_15 = vector.shape_cast %reduce_min3A_14 : vector<128xi32> to vector<1x128xi32>
    %eq3A_16 = arith.cmpf oeq, %get3A_7, %max3A : vector<1x128xf32>
    %jit3A_17 = arith.constant 1073741824 : i32
    %broadcast_in_dim3A_18 = vector.broadcast %jit3A_17 : i32 to vector<1x128xi32>
    %select_n3A_19 = arith.select %eq3A_16, %get3A_10, %broadcast_in_dim3A_18 : vector<1x128xi1>, vector<1x128xi32>
    %min3A = arith.minsi %broadcast_in_dim3A_15, %select_n3A_19 : vector<1x128xi32>
    %get3A_20 = arith.constant 0 : index
    %get3A_21 = arith.constant 0 : index
    %get3A_22 = vector.load %arg4[%get3A_20, %get3A_21] : memref<1x128xf32, #tpu.memory_space<vmem>>, vector<1x128xf32>
    %log3A = math.log %get3A_22 : vector<1x128xf32>
    %swap3A = arith.constant 0 : index
    %swap3A_23 = arith.constant 0 : index
    %swap3A_24 = vector.load %arg6[%swap3A, %swap3A_23] : memref<1x128xi32, #tpu.memory_space<vmem>>, vector<1x128xi32>
    tpu.vector_store %arg6[%swap3A, %swap3A_23], %min3A {strides = array<i32>} : memref<1x128xi32, #tpu.memory_space<vmem>>, vector<1x128xi32>,
    %get3A_25 = arith.constant 0 : index
    %get3A_26 = arith.constant 0 : index
    %get3A_27 = vector.load %arg5[%get3A_25, %get3A_26] : memref<1x128xf32, #tpu.memory_space<vmem>>, vector<1x128xf32>
    %div3A = arith.divf %get3A_27, %get3A_22 : vector<1x128xf32>
    %sub3A = arith.subf %log3A, %div3A : vector<1x128xf32>
    %swap3A_28 = arith.constant 0 : index
    %swap3A_29 = arith.constant 0 : index
    %swap3A_30 = vector.load %arg7[%swap3A_28, %swap3A_29] : memref<1x128xf32, #tpu.memory_space<vmem>>, vector<1x128xf32>
    tpu.vector_store %arg7[%swap3A_28, %swap3A_29], %sub3A {strides = array<i32>} : memref<1x128xf32, #tpu.memory_space<vmem>>, vector<1x128xf32>,
    %swap3A_31 = arith.constant 0 : index
    %swap3A_32 = arith.constant 0 : index
    %swap3A_33 = vector.load %arg8[%swap3A_31, %swap3A_32] : memref<1x128xf32, #tpu.memory_space<vmem>>, vector<1x128xf32>
    tpu.vector_store %arg8[%swap3A_31, %swap3A_32], %log3A {strides = array<i32>} : memref<1x128xf32, #tpu.memory_space<vmem>>, vector<1x128xf32>,
    return
  }
}

module attributes {stable_mosaic.version = 14 : i64} {
  func.func @_tc_sums_body(%arg0: i32, %arg1: memref<10000x128xf32, #tpu.memory_space<vmem>>, %arg2: memref<1x128xf32, #tpu.memory_space<vmem>>, %arg3: memref<1x128xf32, #tpu.memory_space<vmem>>) attributes {dimension_semantics = [#tpu.dimension_semantics<arbitrary>], iteration_bounds = array<i64: 10>, scalar_prefetch = 0 : i64, scratch_operands = 0 : i64, tpu.core_type = #tpu.core_type<tc>, window_params = [{transform_indices = @transform_0, window_bounds = array<i64: 10000, 128>}, {pipeline_mode = #tpu.pipeline_mode<synchronous>, transform_indices = @transform_1, window_bounds = array<i64: 1, 128>}, {pipeline_mode = #tpu.pipeline_mode<synchronous>, transform_indices = @transform_2, window_bounds = array<i64: 1, 128>}]} {
    %get3A = arith.constant 0 : index
    %get3A_0 = arith.constant 0 : index
    %get3A_1 = vector.load %arg1[%get3A, %get3A_0] : memref<10000x128xf32, #tpu.memory_space<vmem>>, vector<10000x128xf32>
    %reduce_sum3A = arith.constant dense<0.000000e+00> : vector<128xf32>
    %reduce_sum3A_2 = vector.multi_reduction <add>, %get3A_1, %reduce_sum3A [0] : vector<10000x128xf32> to vector<128xf32>
    %broadcast_in_dim3A = vector.shape_cast %reduce_sum3A_2 : vector<128xf32> to vector<1x128xf32>
    %log3A = math.log %get3A_1 : vector<10000x128xf32>
    %mul3A = arith.mulf %get3A_1, %log3A : vector<10000x128xf32>
    %reduce_sum3A_3 = arith.constant dense<0.000000e+00> : vector<128xf32>
    %reduce_sum3A_4 = vector.multi_reduction <add>, %mul3A, %reduce_sum3A_3 [0] : vector<10000x128xf32> to vector<128xf32>
    %broadcast_in_dim3A_5 = vector.shape_cast %reduce_sum3A_4 : vector<128xf32> to vector<1x128xf32>
    %eq3A = arith.constant 0 : i32
    %eq3A_6 = arith.cmpi eq, %arg0, %eq3A : i32
    %convert_element_type3A = arith.extui %eq3A_6 : i1 to i32
    %cond3A = arith.constant 0 : i32
    %cond3A_7 = arith.cmpi ne, %convert_element_type3A, %cond3A : i32
    scf.if %cond3A_7 {
      %broadcast_in_dim3A_20 = arith.constant 0.000000e+00 : f32
      %broadcast_in_dim3A_21 = vector.broadcast %broadcast_in_dim3A_20 : f32 to vector<1x128xf32>
      %swap3A_22 = arith.constant 0 : index
      %swap3A_23 = arith.constant 0 : index
      %swap3A_24 = vector.load %arg2[%swap3A_22, %swap3A_23] : memref<1x128xf32, #tpu.memory_space<vmem>>, vector<1x128xf32>
      tpu.vector_store %arg2[%swap3A_22, %swap3A_23], %broadcast_in_dim3A_21 {strides = array<i32>} : memref<1x128xf32, #tpu.memory_space<vmem>>, vector<1x128xf32>,
      %broadcast_in_dim3A_25 = arith.constant 0.000000e+00 : f32
      %broadcast_in_dim3A_26 = vector.broadcast %broadcast_in_dim3A_25 : f32 to vector<1x128xf32>
      %swap3A_27 = arith.constant 0 : index
      %swap3A_28 = arith.constant 0 : index
      %swap3A_29 = vector.load %arg3[%swap3A_27, %swap3A_28] : memref<1x128xf32, #tpu.memory_space<vmem>>, vector<1x128xf32>
      tpu.vector_store %arg3[%swap3A_27, %swap3A_28], %broadcast_in_dim3A_26 {strides = array<i32>} : memref<1x128xf32, #tpu.memory_space<vmem>>, vector<1x128xf32>,
    } else {
    }
    %get3A_8 = arith.constant 0 : index
    %get3A_9 = arith.constant 0 : index
    %get3A_10 = vector.load %arg2[%get3A_8, %get3A_9] : memref<1x128xf32, #tpu.memory_space<vmem>>, vector<1x128xf32>
    %add3A = arith.addf %get3A_10, %broadcast_in_dim3A : vector<1x128xf32>
    %swap3A = arith.constant 0 : index
    %swap3A_11 = arith.constant 0 : index
    %swap3A_12 = vector.load %arg2[%swap3A, %swap3A_11] : memref<1x128xf32, #tpu.memory_space<vmem>>, vector<1x128xf32>
    tpu.vector_store %arg2[%swap3A, %swap3A_11], %add3A {strides = array<i32>} : memref<1x128xf32, #tpu.memory_space<vmem>>, vector<1x128xf32>,
    %get3A_13 = arith.constant 0 : index
    %get3A_14 = arith.constant 0 : index
    %get3A_15 = vector.load %arg3[%get3A_13, %get3A_14] : memref<1x128xf32, #tpu.memory_space<vmem>>, vector<1x128xf32>
    %add3A_16 = arith.addf %get3A_15, %broadcast_in_dim3A_5 : vector<1x128xf32>
    %swap3A_17 = arith.constant 0 : index
    %swap3A_18 = arith.constant 0 : index
    %swap3A_19 = vector.load %arg3[%swap3A_17, %swap3A_18] : memref<1x128xf32, #tpu.memory_space<vmem>>, vector<1x128xf32>
    tpu.vector_store %arg3[%swap3A_17, %swap3A_18], %add3A_16 {strides = array<i32>} : memref<1x128xf32, #tpu.memory_space<vmem>>, vector<1x128xf32>,
    return
  }
  func.func @transform_0(%arg0: i32) -> (i32, i32) {
    %c0_i32 = arith.constant 0 : i32
    %c0_i32_0 = arith.constant 0 : i32
    return %arg0, %c0_i32 : i32, i32
  }
  func.func @transform_1(%arg0: i32) -> (i32, i32) {
    %c0_i32 = arith.constant 0 : i32
    %c0_i32_0 = arith.constant 0 : i32
    %c0_i32_1 = arith.constant 0 : i32
    return %c0_i32, %c0_i32_0 : i32, i32
  }
  func.func @transform_2(%arg0: i32) -> (i32, i32) {
    %c0_i32 = arith.constant 0 : i32
    %c0_i32_0 = arith.constant 0 : i32
    %c0_i32_1 = arith.constant 0 : i32
    return %c0_i32, %c0_i32_0 : i32, i32
  }
}

module attributes {stable_mosaic.version = 14 : i64} {
  func.func @_gather_body(%arg0: memref<1x128xi32, #tpu.memory_space<smem>>, %arg1: memref<1x128xi32, #tpu.memory_space<vmem>>, %arg2: memref<100000x128xf32, #tpu.memory_space<hbm>>, %arg3: memref<1x128xf32, #tpu.memory_space<vmem>>, %arg4: memref<1x128xf32, #tpu.memory_space<vmem>>, %arg5: memref<128x8x128xf32, #tpu.memory_space<vmem>>, %arg6: memref<!tpu.dma_semaphore, #tpu.memory_space<semaphore_mem>>) attributes {dimension_semantics = [], scalar_prefetch = 0 : i64, scratch_operands = 2 : i64, tpu.core_type = #tpu.core_type<tc>} {
    %get3A = arith.constant 0 : index
    %get3A_0 = arith.constant 0 : index
    %get3A_1 = memref.load %arg0[%get3A, %get3A_0] : memref<1x128xi32, #tpu.memory_space<smem>>
    %shift_right_arithmetic3A = arith.constant 3 : i32
    %shift_right_arithmetic3A_2 = arith.shrsi %get3A_1, %shift_right_arithmetic3A : i32
    %shift_left3A = arith.constant 3 : i32
    %shift_left3A_3 = arith.shli %shift_right_arithmetic3A_2, %shift_left3A : i32
    %multiple_of3A = tpu.assume_multiple %shift_left3A_3, 8 : i32
    %dma_start3A = arith.constant 0 : i32
    %dma_start3A_4 = arith.constant 0 : i32
    %dma_start3A_5 = arith.constant 0 : i32
    %dma_start3A_6 = tpu.memref_slice %arg5[%dma_start3A, %dma_start3A_4, %dma_start3A_5] : memref<128x8x128xf32, #tpu.memory_space<vmem>> -> memref<1x8x128xf32, #tpu.memory_space<vmem>>
    %dma_start3A_7 = tpu.memref_squeeze %dma_start3A_6 : memref<1x8x128xf32, #tpu.memory_space<vmem>> -> memref<8x128xf32, #tpu.memory_space<vmem>>
    %dma_start3A_8 = arith.constant 0 : i32
    %dma_start3A_9 = tpu.memref_slice %arg2[%multiple_of3A, %dma_start3A_8] : memref<100000x128xf32, #tpu.memory_space<hbm>> -> memref<8x128xf32, #tpu.memory_space<hbm>>
    tpu.enqueue_dma source(%dma_start3A_9 : memref<8x128xf32, #tpu.memory_space<hbm>>) target(%dma_start3A_7 : memref<8x128xf32, #tpu.memory_space<vmem>>) target_semaphore(%arg6 : memref<!tpu.dma_semaphore, #tpu.memory_space<semaphore_mem>>)
    %get3A_10 = arith.constant 0 : index
    %get3A_11 = arith.constant 1 : index
    %get3A_12 = memref.load %arg0[%get3A_10, %get3A_11] : memref<1x128xi32, #tpu.memory_space<smem>>
    %shift_right_arithmetic3A_13 = arith.constant 3 : i32
    %shift_right_arithmetic3A_14 = arith.shrsi %get3A_12, %shift_right_arithmetic3A_13 : i32
    %shift_left3A_15 = arith.constant 3 : i32
    %shift_left3A_16 = arith.shli %shift_right_arithmetic3A_14, %shift_left3A_15 : i32
    %multiple_of3A_17 = tpu.assume_multiple %shift_left3A_16, 8 : i32
    %dma_start3A_18 = arith.constant 1 : i32
    %dma_start3A_19 = arith.constant 0 : i32
    %dma_start3A_20 = arith.constant 0 : i32
    %dma_start3A_21 = tpu.memref_slice %arg5[%dma_start3A_18, %dma_start3A_19, %dma_start3A_20] : memref<128x8x128xf32, #tpu.memory_space<vmem>> -> memref<1x8x128xf32, #tpu.memory_space<vmem>>
    %dma_start3A_22 = tpu.memref_squeeze %dma_start3A_21 : memref<1x8x128xf32, #tpu.memory_space<vmem>> -> memref<8x128xf32, #tpu.memory_space<vmem>>
    %dma_start3A_23 = arith.constant 0 : i32
    %dma_start3A_24 = tpu.memref_slice %arg2[%multiple_of3A_17, %dma_start3A_23] : memref<100000x128xf32, #tpu.memory_space<hbm>> -> memref<8x128xf32, #tpu.memory_space<hbm>>
    tpu.enqueue_dma source(%dma_start3A_24 : memref<8x128xf32, #tpu.memory_space<hbm>>) target(%dma_start3A_22 : memref<8x128xf32, #tpu.memory_space<vmem>>) target_semaphore(%arg6 : memref<!tpu.dma_semaphore, #tpu.memory_space<semaphore_mem>>)
    %get3A_25 = arith.constant 0 : index
    %get3A_26 = arith.constant 2 : index
    %get3A_27 = memref.load %arg0[%get3A_25, %get3A_26] : memref<1x128xi32, #tpu.memory_space<smem>>
    %shift_right_arithmetic3A_28 = arith.constant 3 : i32
    %shift_right_arithmetic3A_29 = arith.shrsi %get3A_27, %shift_right_arithmetic3A_28 : i32
    %shift_left3A_30 = arith.constant 3 : i32
    %shift_left3A_31 = arith.shli %shift_right_arithmetic3A_29, %shift_left3A_30 : i32
    %multiple_of3A_32 = tpu.assume_multiple %shift_left3A_31, 8 : i32
    %dma_start3A_33 = arith.constant 2 : i32
    %dma_start3A_34 = arith.constant 0 : i32
    %dma_start3A_35 = arith.constant 0 : i32
    %dma_start3A_36 = tpu.memref_slice %arg5[%dma_start3A_33, %dma_start3A_34, %dma_start3A_35] : memref<128x8x128xf32, #tpu.memory_space<vmem>> -> memref<1x8x128xf32, #tpu.memory_space<vmem>>
    %dma_start3A_37 = tpu.memref_squeeze %dma_start3A_36 : memref<1x8x128xf32, #tpu.memory_space<vmem>> -> memref<8x128xf32, #tpu.memory_space<vmem>>
    %dma_start3A_38 = arith.constant 0 : i32
    %dma_start3A_39 = tpu.memref_slice %arg2[%multiple_of3A_32, %dma_start3A_38] : memref<100000x128xf32, #tpu.memory_space<hbm>> -> memref<8x128xf32, #tpu.memory_space<hbm>>
    tpu.enqueue_dma source(%dma_start3A_39 : memref<8x128xf32, #tpu.memory_space<hbm>>) target(%dma_start3A_37 : memref<8x128xf32, #tpu.memory_space<vmem>>) target_semaphore(%arg6 : memref<!tpu.dma_semaphore, #tpu.memory_space<semaphore_mem>>)
    %get3A_40 = arith.constant 0 : index
    %get3A_41 = arith.constant 3 : index
    %get3A_42 = memref.load %arg0[%get3A_40, %get3A_41] : memref<1x128xi32, #tpu.memory_space<smem>>
    %shift_right_arithmetic3A_43 = arith.constant 3 : i32
    %shift_right_arithmetic3A_44 = arith.shrsi %get3A_42, %shift_right_arithmetic3A_43 : i32
    %shift_left3A_45 = arith.constant 3 : i32
    %shift_left3A_46 = arith.shli %shift_right_arithmetic3A_44, %shift_left3A_45 : i32
    %multiple_of3A_47 = tpu.assume_multiple %shift_left3A_46, 8 : i32
    %dma_start3A_48 = arith.constant 3 : i32
    %dma_start3A_49 = arith.constant 0 : i32
    %dma_start3A_50 = arith.constant 0 : i32
    %dma_start3A_51 = tpu.memref_slice %arg5[%dma_start3A_48, %dma_start3A_49, %dma_start3A_50] : memref<128x8x128xf32, #tpu.memory_space<vmem>> -> memref<1x8x128xf32, #tpu.memory_space<vmem>>
    %dma_start3A_52 = tpu.memref_squeeze %dma_start3A_51 : memref<1x8x128xf32, #tpu.memory_space<vmem>> -> memref<8x128xf32, #tpu.memory_space<vmem>>
    %dma_start3A_53 = arith.constant 0 : i32
    %dma_start3A_54 = tpu.memref_slice %arg2[%multiple_of3A_47, %dma_start3A_53] : memref<100000x128xf32, #tpu.memory_space<hbm>> -> memref<8x128xf32, #tpu.memory_space<hbm>>
    tpu.enqueue_dma source(%dma_start3A_54 : memref<8x128xf32, #tpu.memory_space<hbm>>) target(%dma_start3A_52 : memref<8x128xf32, #tpu.memory_space<vmem>>) target_semaphore(%arg6 : memref<!tpu.dma_semaphore, #tpu.memory_space<semaphore_mem>>)
    %get3A_55 = arith.constant 0 : index
    %get3A_56 = arith.constant 4 : index
    %get3A_57 = memref.load %arg0[%get3A_55, %get3A_56] : memref<1x128xi32, #tpu.memory_space<smem>>
    %shift_right_arithmetic3A_58 = arith.constant 3 : i32
    %shift_right_arithmetic3A_59 = arith.shrsi %get3A_57, %shift_right_arithmetic3A_58 : i32
    %shift_left3A_60 = arith.constant 3 : i32
    %shift_left3A_61 = arith.shli %shift_right_arithmetic3A_59, %shift_left3A_60 : i32
    %multiple_of3A_62 = tpu.assume_multiple %shift_left3A_61, 8 : i32
    %dma_start3A_63 = arith.constant 4 : i32
    %dma_start3A_64 = arith.constant 0 : i32
    %dma_start3A_65 = arith.constant 0 : i32
    %dma_start3A_66 = tpu.memref_slice %arg5[%dma_start3A_63, %dma_start3A_64, %dma_start3A_65] : memref<128x8x128xf32, #tpu.memory_space<vmem>> -> memref<1x8x128xf32, #tpu.memory_space<vmem>>
    %dma_start3A_67 = tpu.memref_squeeze %dma_start3A_66 : memref<1x8x128xf32, #tpu.memory_space<vmem>> -> memref<8x128xf32, #tpu.memory_space<vmem>>
    %dma_start3A_68 = arith.constant 0 : i32
    %dma_start3A_69 = tpu.memref_slice %arg2[%multiple_of3A_62, %dma_start3A_68] : memref<100000x128xf32, #tpu.memory_space<hbm>> -> memref<8x128xf32, #tpu.memory_space<hbm>>
    tpu.enqueue_dma source(%dma_start3A_69 : memref<8x128xf32, #tpu.memory_space<hbm>>) target(%dma_start3A_67 : memref<8x128xf32, #tpu.memory_space<vmem>>) target_semaphore(%arg6 : memref<!tpu.dma_semaphore, #tpu.memory_space<semaphore_mem>>)
    %get3A_70 = arith.constant 0 : index
    %get3A_71 = arith.constant 5 : index
    %get3A_72 = memref.load %arg0[%get3A_70, %get3A_71] : memref<1x128xi32, #tpu.memory_space<smem>>
    %shift_right_arithmetic3A_73 = arith.constant 3 : i32
    %shift_right_arithmetic3A_74 = arith.shrsi %get3A_72, %shift_right_arithmetic3A_73 : i32
    %shift_left3A_75 = arith.constant 3 : i32
    %shift_left3A_76 = arith.shli %shift_right_arithmetic3A_74, %shift_left3A_75 : i32
    %multiple_of3A_77 = tpu.assume_multiple %shift_left3A_76, 8 : i32
    %dma_start3A_78 = arith.constant 5 : i32
    %dma_start3A_79 = arith.constant 0 : i32
    %dma_start3A_80 = arith.constant 0 : i32
    %dma_start3A_81 = tpu.memref_slice %arg5[%dma_start3A_78, %dma_start3A_79, %dma_start3A_80] : memref<128x8x128xf32, #tpu.memory_space<vmem>> -> memref<1x8x128xf32, #tpu.memory_space<vmem>>
    %dma_start3A_82 = tpu.memref_squeeze %dma_start3A_81 : memref<1x8x128xf32, #tpu.memory_space<vmem>> -> memref<8x128xf32, #tpu.memory_space<vmem>>
    %dma_start3A_83 = arith.constant 0 : i32
    %dma_start3A_84 = tpu.memref_slice %arg2[%multiple_of3A_77, %dma_start3A_83] : memref<100000x128xf32, #tpu.memory_space<hbm>> -> memref<8x128xf32, #tpu.memory_space<hbm>>
    tpu.enqueue_dma source(%dma_start3A_84 : memref<8x128xf32, #tpu.memory_space<hbm>>) target(%dma_start3A_82 : memref<8x128xf32, #tpu.memory_space<vmem>>) target_semaphore(%arg6 : memref<!tpu.dma_semaphore, #tpu.memory_space<semaphore_mem>>)
    %get3A_85 = arith.constant 0 : index
    %get3A_86 = arith.constant 6 : index
    %get3A_87 = memref.load %arg0[%get3A_85, %get3A_86] : memref<1x128xi32, #tpu.memory_space<smem>>
    %shift_right_arithmetic3A_88 = arith.constant 3 : i32
    %shift_right_arithmetic3A_89 = arith.shrsi %get3A_87, %shift_right_arithmetic3A_88 : i32
    %shift_left3A_90 = arith.constant 3 : i32
    %shift_left3A_91 = arith.shli %shift_right_arithmetic3A_89, %shift_left3A_90 : i32
    %multiple_of3A_92 = tpu.assume_multiple %shift_left3A_91, 8 : i32
    %dma_start3A_93 = arith.constant 6 : i32
    %dma_start3A_94 = arith.constant 0 : i32
    %dma_start3A_95 = arith.constant 0 : i32
    %dma_start3A_96 = tpu.memref_slice %arg5[%dma_start3A_93, %dma_start3A_94, %dma_start3A_95] : memref<128x8x128xf32, #tpu.memory_space<vmem>> -> memref<1x8x128xf32, #tpu.memory_space<vmem>>
    %dma_start3A_97 = tpu.memref_squeeze %dma_start3A_96 : memref<1x8x128xf32, #tpu.memory_space<vmem>> -> memref<8x128xf32, #tpu.memory_space<vmem>>
    %dma_start3A_98 = arith.constant 0 : i32
    %dma_start3A_99 = tpu.memref_slice %arg2[%multiple_of3A_92, %dma_start3A_98] : memref<100000x128xf32, #tpu.memory_space<hbm>> -> memref<8x128xf32, #tpu.memory_space<hbm>>
    tpu.enqueue_dma source(%dma_start3A_99 : memref<8x128xf32, #tpu.memory_space<hbm>>) target(%dma_start3A_97 : memref<8x128xf32, #tpu.memory_space<vmem>>) target_semaphore(%arg6 : memref<!tpu.dma_semaphore, #tpu.memory_space<semaphore_mem>>)
    %get3A_100 = arith.constant 0 : index
    %get3A_101 = arith.constant 7 : index
    %get3A_102 = memref.load %arg0[%get3A_100, %get3A_101] : memref<1x128xi32, #tpu.memory_space<smem>>
    %shift_right_arithmetic3A_103 = arith.constant 3 : i32
    %shift_right_arithmetic3A_104 = arith.shrsi %get3A_102, %shift_right_arithmetic3A_103 : i32
    %shift_left3A_105 = arith.constant 3 : i32
    %shift_left3A_106 = arith.shli %shift_right_arithmetic3A_104, %shift_left3A_105 : i32
    %multiple_of3A_107 = tpu.assume_multiple %shift_left3A_106, 8 : i32
    %dma_start3A_108 = arith.constant 7 : i32
    %dma_start3A_109 = arith.constant 0 : i32
    %dma_start3A_110 = arith.constant 0 : i32
    %dma_start3A_111 = tpu.memref_slice %arg5[%dma_start3A_108, %dma_start3A_109, %dma_start3A_110] : memref<128x8x128xf32, #tpu.memory_space<vmem>> -> memref<1x8x128xf32, #tpu.memory_space<vmem>>
    %dma_start3A_112 = tpu.memref_squeeze %dma_start3A_111 : memref<1x8x128xf32, #tpu.memory_space<vmem>> -> memref<8x128xf32, #tpu.memory_space<vmem>>
    %dma_start3A_113 = arith.constant 0 : i32
    %dma_start3A_114 = tpu.memref_slice %arg2[%multiple_of3A_107, %dma_start3A_113] : memref<100000x128xf32, #tpu.memory_space<hbm>> -> memref<8x128xf32, #tpu.memory_space<hbm>>
    tpu.enqueue_dma source(%dma_start3A_114 : memref<8x128xf32, #tpu.memory_space<hbm>>) target(%dma_start3A_112 : memref<8x128xf32, #tpu.memory_space<vmem>>) target_semaphore(%arg6 : memref<!tpu.dma_semaphore, #tpu.memory_space<semaphore_mem>>)
    %get3A_115 = arith.constant 0 : index
    %get3A_116 = arith.constant 8 : index
    %get3A_117 = memref.load %arg0[%get3A_115, %get3A_116] : memref<1x128xi32, #tpu.memory_space<smem>>
    %shift_right_arithmetic3A_118 = arith.constant 3 : i32
    %shift_right_arithmetic3A_119 = arith.shrsi %get3A_117, %shift_right_arithmetic3A_118 : i32
    %shift_left3A_120 = arith.constant 3 : i32
    %shift_left3A_121 = arith.shli %shift_right_arithmetic3A_119, %shift_left3A_120 : i32
    %multiple_of3A_122 = tpu.assume_multiple %shift_left3A_121, 8 : i32
    %dma_start3A_123 = arith.constant 8 : i32
    %dma_start3A_124 = arith.constant 0 : i32
    %dma_start3A_125 = arith.constant 0 : i32
    %dma_start3A_126 = tpu.memref_slice %arg5[%dma_start3A_123, %dma_start3A_124, %dma_start3A_125] : memref<128x8x128xf32, #tpu.memory_space<vmem>> -> memref<1x8x128xf32, #tpu.memory_space<vmem>>
    %dma_start3A_127 = tpu.memref_squeeze %dma_start3A_126 : memref<1x8x128xf32, #tpu.memory_space<vmem>> -> memref<8x128xf32, #tpu.memory_space<vmem>>
    %dma_start3A_128 = arith.constant 0 : i32
    %dma_start3A_129 = tpu.memref_slice %arg2[%multiple_of3A_122, %dma_start3A_128] : memref<100000x128xf32, #tpu.memory_space<hbm>> -> memref<8x128xf32, #tpu.memory_space<hbm>>
    tpu.enqueue_dma source(%dma_start3A_129 : memref<8x128xf32, #tpu.memory_space<hbm>>) target(%dma_start3A_127 : memref<8x128xf32, #tpu.memory_space<vmem>>) target_semaphore(%arg6 : memref<!tpu.dma_semaphore, #tpu.memory_space<semaphore_mem>>)
    %get3A_130 = arith.constant 0 : index
    %get3A_131 = arith.constant 9 : index
    %get3A_132 = memref.load %arg0[%get3A_130, %get3A_131] : memref<1x128xi32, #tpu.memory_space<smem>>
    %shift_right_arithmetic3A_133 = arith.constant 3 : i32
    %shift_right_arithmetic3A_134 = arith.shrsi %get3A_132, %shift_right_arithmetic3A_133 : i32
    %shift_left3A_135 = arith.constant 3 : i32
    %shift_left3A_136 = arith.shli %shift_right_arithmetic3A_134, %shift_left3A_135 : i32
    %multiple_of3A_137 = tpu.assume_multiple %shift_left3A_136, 8 : i32
    %dma_start3A_138 = arith.constant 9 : i32
    %dma_start3A_139 = arith.constant 0 : i32
    %dma_start3A_140 = arith.constant 0 : i32
    %dma_start3A_141 = tpu.memref_slice %arg5[%dma_start3A_138, %dma_start3A_139, %dma_start3A_140] : memref<128x8x128xf32, #tpu.memory_space<vmem>> -> memref<1x8x128xf32, #tpu.memory_space<vmem>>
    %dma_start3A_142 = tpu.memref_squeeze %dma_start3A_141 : memref<1x8x128xf32, #tpu.memory_space<vmem>> -> memref<8x128xf32, #tpu.memory_space<vmem>>
    %dma_start3A_143 = arith.constant 0 : i32
    %dma_start3A_144 = tpu.memref_slice %arg2[%multiple_of3A_137, %dma_start3A_143] : memref<100000x128xf32, #tpu.memory_space<hbm>> -> memref<8x128xf32, #tpu.memory_space<hbm>>
    tpu.enqueue_dma source(%dma_start3A_144 : memref<8x128xf32, #tpu.memory_space<hbm>>) target(%dma_start3A_142 : memref<8x128xf32, #tpu.memory_space<vmem>>) target_semaphore(%arg6 : memref<!tpu.dma_semaphore, #tpu.memory_space<semaphore_mem>>)
    %get3A_145 = arith.constant 0 : index
    %get3A_146 = arith.constant 10 : index
    %get3A_147 = memref.load %arg0[%get3A_145, %get3A_146] : memref<1x128xi32, #tpu.memory_space<smem>>
    %shift_right_arithmetic3A_148 = arith.constant 3 : i32
    %shift_right_arithmetic3A_149 = arith.shrsi %get3A_147, %shift_right_arithmetic3A_148 : i32
    %shift_left3A_150 = arith.constant 3 : i32
    %shift_left3A_151 = arith.shli %shift_right_arithmetic3A_149, %shift_left3A_150 : i32
    %multiple_of3A_152 = tpu.assume_multiple %shift_left3A_151, 8 : i32
    %dma_start3A_153 = arith.constant 10 : i32
    %dma_start3A_154 = arith.constant 0 : i32
    %dma_start3A_155 = arith.constant 0 : i32
    %dma_start3A_156 = tpu.memref_slice %arg5[%dma_start3A_153, %dma_start3A_154, %dma_start3A_155] : memref<128x8x128xf32, #tpu.memory_space<vmem>> -> memref<1x8x128xf32, #tpu.memory_space<vmem>>
    %dma_start3A_157 = tpu.memref_squeeze %dma_start3A_156 : memref<1x8x128xf32, #tpu.memory_space<vmem>> -> memref<8x128xf32, #tpu.memory_space<vmem>>
    %dma_start3A_158 = arith.constant 0 : i32
    %dma_start3A_159 = tpu.memref_slice %arg2[%multiple_of3A_152, %dma_start3A_158] : memref<100000x128xf32, #tpu.memory_space<hbm>> -> memref<8x128xf32, #tpu.memory_space<hbm>>
    tpu.enqueue_dma source(%dma_start3A_159 : memref<8x128xf32, #tpu.memory_space<hbm>>) target(%dma_start3A_157 : memref<8x128xf32, #tpu.memory_space<vmem>>) target_semaphore(%arg6 : memref<!tpu.dma_semaphore, #tpu.memory_space<semaphore_mem>>)
    %get3A_160 = arith.constant 0 : index
    %get3A_161 = arith.constant 11 : index
    %get3A_162 = memref.load %arg0[%get3A_160, %get3A_161] : memref<1x128xi32, #tpu.memory_space<smem>>
    %shift_right_arithmetic3A_163 = arith.constant 3 : i32
    %shift_right_arithmetic3A_164 = arith.shrsi %get3A_162, %shift_right_arithmetic3A_163 : i32
    %shift_left3A_165 = arith.constant 3 : i32
    %shift_left3A_166 = arith.shli %shift_right_arithmetic3A_164, %shift_left3A_165 : i32
    %multiple_of3A_167 = tpu.assume_multiple %shift_left3A_166, 8 : i32
    %dma_start3A_168 = arith.constant 11 : i32
    %dma_start3A_169 = arith.constant 0 : i32
    %dma_start3A_170 = arith.constant 0 : i32
    %dma_start3A_171 = tpu.memref_slice %arg5[%dma_start3A_168, %dma_start3A_169, %dma_start3A_170] : memref<128x8x128xf32, #tpu.memory_space<vmem>> -> memref<1x8x128xf32, #tpu.memory_space<vmem>>
    %dma_start3A_172 = tpu.memref_squeeze %dma_start3A_171 : memref<1x8x128xf32, #tpu.memory_space<vmem>> -> memref<8x128xf32, #tpu.memory_space<vmem>>
    %dma_start3A_173 = arith.constant 0 : i32
    %dma_start3A_174 = tpu.memref_slice %arg2[%multiple_of3A_167, %dma_start3A_173] : memref<100000x128xf32, #tpu.memory_space<hbm>> -> memref<8x128xf32, #tpu.memory_space<hbm>>
    tpu.enqueue_dma source(%dma_start3A_174 : memref<8x128xf32, #tpu.memory_space<hbm>>) target(%dma_start3A_172 : memref<8x128xf32, #tpu.memory_space<vmem>>) target_semaphore(%arg6 : memref<!tpu.dma_semaphore, #tpu.memory_space<semaphore_mem>>)
    %get3A_175 = arith.constant 0 : index
    %get3A_176 = arith.constant 12 : index
    %get3A_177 = memref.load %arg0[%get3A_175, %get3A_176] : memref<1x128xi32, #tpu.memory_space<smem>>
    %shift_right_arithmetic3A_178 = arith.constant 3 : i32
    %shift_right_arithmetic3A_179 = arith.shrsi %get3A_177, %shift_right_arithmetic3A_178 : i32
    %shift_left3A_180 = arith.constant 3 : i32
    %shift_left3A_181 = arith.shli %shift_right_arithmetic3A_179, %shift_left3A_180 : i32
    %multiple_of3A_182 = tpu.assume_multiple %shift_left3A_181, 8 : i32
    %dma_start3A_183 = arith.constant 12 : i32
    %dma_start3A_184 = arith.constant 0 : i32
    %dma_start3A_185 = arith.constant 0 : i32
    %dma_start3A_186 = tpu.memref_slice %arg5[%dma_start3A_183, %dma_start3A_184, %dma_start3A_185] : memref<128x8x128xf32, #tpu.memory_space<vmem>> -> memref<1x8x128xf32, #tpu.memory_space<vmem>>
    %dma_start3A_187 = tpu.memref_squeeze %dma_start3A_186 : memref<1x8x128xf32, #tpu.memory_space<vmem>> -> memref<8x128xf32, #tpu.memory_space<vmem>>
    %dma_start3A_188 = arith.constant 0 : i32
    %dma_start3A_189 = tpu.memref_slice %arg2[%multiple_of3A_182, %dma_start3A_188] : memref<100000x128xf32, #tpu.memory_space<hbm>> -> memref<8x128xf32, #tpu.memory_space<hbm>>
    tpu.enqueue_dma source(%dma_start3A_189 : memref<8x128xf32, #tpu.memory_space<hbm>>) target(%dma_start3A_187 : memref<8x128xf32, #tpu.memory_space<vmem>>) target_semaphore(%arg6 : memref<!tpu.dma_semaphore, #tpu.memory_space<semaphore_mem>>)
    %get3A_190 = arith.constant 0 : index
    %get3A_191 = arith.constant 13 : index
    %get3A_192 = memref.load %arg0[%get3A_190, %get3A_191] : memref<1x128xi32, #tpu.memory_space<smem>>
    %shift_right_arithmetic3A_193 = arith.constant 3 : i32
    %shift_right_arithmetic3A_194 = arith.shrsi %get3A_192, %shift_right_arithmetic3A_193 : i32
    %shift_left3A_195 = arith.constant 3 : i32
    %shift_left3A_196 = arith.shli %shift_right_arithmetic3A_194, %shift_left3A_195 : i32
    %multiple_of3A_197 = tpu.assume_multiple %shift_left3A_196, 8 : i32
    %dma_start3A_198 = arith.constant 13 : i32
    %dma_start3A_199 = arith.constant 0 : i32
    %dma_start3A_200 = arith.constant 0 : i32
    %dma_start3A_201 = tpu.memref_slice %arg5[%dma_start3A_198, %dma_start3A_199, %dma_start3A_200] : memref<128x8x128xf32, #tpu.memory_space<vmem>> -> memref<1x8x128xf32, #tpu.memory_space<vmem>>
    %dma_start3A_202 = tpu.memref_squeeze %dma_start3A_201 : memref<1x8x128xf32, #tpu.memory_space<vmem>> -> memref<8x128xf32, #tpu.memory_space<vmem>>
    %dma_start3A_203 = arith.constant 0 : i32
    %dma_start3A_204 = tpu.memref_slice %arg2[%multiple_of3A_197, %dma_start3A_203] : memref<100000x128xf32, #tpu.memory_space<hbm>> -> memref<8x128xf32, #tpu.memory_space<hbm>>
    tpu.enqueue_dma source(%dma_start3A_204 : memref<8x128xf32, #tpu.memory_space<hbm>>) target(%dma_start3A_202 : memref<8x128xf32, #tpu.memory_space<vmem>>) target_semaphore(%arg6 : memref<!tpu.dma_semaphore, #tpu.memory_space<semaphore_mem>>)
    %get3A_205 = arith.constant 0 : index
    %get3A_206 = arith.constant 14 : index
    %get3A_207 = memref.load %arg0[%get3A_205, %get3A_206] : memref<1x128xi32, #tpu.memory_space<smem>>
    %shift_right_arithmetic3A_208 = arith.constant 3 : i32
    %shift_right_arithmetic3A_209 = arith.shrsi %get3A_207, %shift_right_arithmetic3A_208 : i32
    %shift_left3A_210 = arith.constant 3 : i32
    %shift_left3A_211 = arith.shli %shift_right_arithmetic3A_209, %shift_left3A_210 : i32
    %multiple_of3A_212 = tpu.assume_multiple %shift_left3A_211, 8 : i32
    %dma_start3A_213 = arith.constant 14 : i32
    %dma_start3A_214 = arith.constant 0 : i32
    %dma_start3A_215 = arith.constant 0 : i32
    %dma_start3A_216 = tpu.memref_slice %arg5[%dma_start3A_213, %dma_start3A_214, %dma_start3A_215] : memref<128x8x128xf32, #tpu.memory_space<vmem>> -> memref<1x8x128xf32, #tpu.memory_space<vmem>>
    %dma_start3A_217 = tpu.memref_squeeze %dma_start3A_216 : memref<1x8x128xf32, #tpu.memory_space<vmem>> -> memref<8x128xf32, #tpu.memory_space<vmem>>
    %dma_start3A_218 = arith.constant 0 : i32
    %dma_start3A_219 = tpu.memref_slice %arg2[%multiple_of3A_212, %dma_start3A_218] : memref<100000x128xf32, #tpu.memory_space<hbm>> -> memref<8x128xf32, #tpu.memory_space<hbm>>
    tpu.enqueue_dma source(%dma_start3A_219 : memref<8x128xf32, #tpu.memory_space<hbm>>) target(%dma_start3A_217 : memref<8x128xf32, #tpu.memory_space<vmem>>) target_semaphore(%arg6 : memref<!tpu.dma_semaphore, #tpu.memory_space<semaphore_mem>>)
    %get3A_220 = arith.constant 0 : index
    %get3A_221 = arith.constant 15 : index
    %get3A_222 = memref.load %arg0[%get3A_220, %get3A_221] : memref<1x128xi32, #tpu.memory_space<smem>>
    %shift_right_arithmetic3A_223 = arith.constant 3 : i32
    %shift_right_arithmetic3A_224 = arith.shrsi %get3A_222, %shift_right_arithmetic3A_223 : i32
    %shift_left3A_225 = arith.constant 3 : i32
    %shift_left3A_226 = arith.shli %shift_right_arithmetic3A_224, %shift_left3A_225 : i32
    %multiple_of3A_227 = tpu.assume_multiple %shift_left3A_226, 8 : i32
    %dma_start3A_228 = arith.constant 15 : i32
    %dma_start3A_229 = arith.constant 0 : i32
    %dma_start3A_230 = arith.constant 0 : i32
    %dma_start3A_231 = tpu.memref_slice %arg5[%dma_start3A_228, %dma_start3A_229, %dma_start3A_230] : memref<128x8x128xf32, #tpu.memory_space<vmem>> -> memref<1x8x128xf32, #tpu.memory_space<vmem>>
    %dma_start3A_232 = tpu.memref_squeeze %dma_start3A_231 : memref<1x8x128xf32, #tpu.memory_space<vmem>> -> memref<8x128xf32, #tpu.memory_space<vmem>>
    %dma_start3A_233 = arith.constant 0 : i32
    %dma_start3A_234 = tpu.memref_slice %arg2[%multiple_of3A_227, %dma_start3A_233] : memref<100000x128xf32, #tpu.memory_space<hbm>> -> memref<8x128xf32, #tpu.memory_space<hbm>>
    tpu.enqueue_dma source(%dma_start3A_234 : memref<8x128xf32, #tpu.memory_space<hbm>>) target(%dma_start3A_232 : memref<8x128xf32, #tpu.memory_space<vmem>>) target_semaphore(%arg6 : memref<!tpu.dma_semaphore, #tpu.memory_space<semaphore_mem>>)
    %get3A_235 = arith.constant 0 : index
    %get3A_236 = arith.constant 16 : index
    %get3A_237 = memref.load %arg0[%get3A_235, %get3A_236] : memref<1x128xi32, #tpu.memory_space<smem>>
    %shift_right_arithmetic3A_238 = arith.constant 3 : i32
    %shift_right_arithmetic3A_239 = arith.shrsi %get3A_237, %shift_right_arithmetic3A_238 : i32
    %shift_left3A_240 = arith.constant 3 : i32
    %shift_left3A_241 = arith.shli %shift_right_arithmetic3A_239, %shift_left3A_240 : i32
    %multiple_of3A_242 = tpu.assume_multiple %shift_left3A_241, 8 : i32
    %dma_start3A_243 = arith.constant 16 : i32
    %dma_start3A_244 = arith.constant 0 : i32
    %dma_start3A_245 = arith.constant 0 : i32
    %dma_start3A_246 = tpu.memref_slice %arg5[%dma_start3A_243, %dma_start3A_244, %dma_start3A_245] : memref<128x8x128xf32, #tpu.memory_space<vmem>> -> memref<1x8x128xf32, #tpu.memory_space<vmem>>
    %dma_start3A_247 = tpu.memref_squeeze %dma_start3A_246 : memref<1x8x128xf32, #tpu.memory_space<vmem>> -> memref<8x128xf32, #tpu.memory_space<vmem>>
    %dma_start3A_248 = arith.constant 0 : i32
    %dma_start3A_249 = tpu.memref_slice %arg2[%multiple_of3A_242, %dma_start3A_248] : memref<100000x128xf32, #tpu.memory_space<hbm>> -> memref<8x128xf32, #tpu.memory_space<hbm>>
    tpu.enqueue_dma source(%dma_start3A_249 : memref<8x128xf32, #tpu.memory_space<hbm>>) target(%dma_start3A_247 : memref<8x128xf32, #tpu.memory_space<vmem>>) target_semaphore(%arg6 : memref<!tpu.dma_semaphore, #tpu.memory_space<semaphore_mem>>)
    %get3A_250 = arith.constant 0 : index
    %get3A_251 = arith.constant 17 : index
    %get3A_252 = memref.load %arg0[%get3A_250, %get3A_251] : memref<1x128xi32, #tpu.memory_space<smem>>
    %shift_right_arithmetic3A_253 = arith.constant 3 : i32
    %shift_right_arithmetic3A_254 = arith.shrsi %get3A_252, %shift_right_arithmetic3A_253 : i32
    %shift_left3A_255 = arith.constant 3 : i32
    %shift_left3A_256 = arith.shli %shift_right_arithmetic3A_254, %shift_left3A_255 : i32
    %multiple_of3A_257 = tpu.assume_multiple %shift_left3A_256, 8 : i32
    %dma_start3A_258 = arith.constant 17 : i32
    %dma_start3A_259 = arith.constant 0 : i32
    %dma_start3A_260 = arith.constant 0 : i32
    %dma_start3A_261 = tpu.memref_slice %arg5[%dma_start3A_258, %dma_start3A_259, %dma_start3A_260] : memref<128x8x128xf32, #tpu.memory_space<vmem>> -> memref<1x8x128xf32, #tpu.memory_space<vmem>>
    %dma_start3A_262 = tpu.memref_squeeze %dma_start3A_261 : memref<1x8x128xf32, #tpu.memory_space<vmem>> -> memref<8x128xf32, #tpu.memory_space<vmem>>
    %dma_start3A_263 = arith.constant 0 : i32
    %dma_start3A_264 = tpu.memref_slice %arg2[%multiple_of3A_257, %dma_start3A_263] : memref<100000x128xf32, #tpu.memory_space<hbm>> -> memref<8x128xf32, #tpu.memory_space<hbm>>
    tpu.enqueue_dma source(%dma_start3A_264 : memref<8x128xf32, #tpu.memory_space<hbm>>) target(%dma_start3A_262 : memref<8x128xf32, #tpu.memory_space<vmem>>) target_semaphore(%arg6 : memref<!tpu.dma_semaphore, #tpu.memory_space<semaphore_mem>>)
    %get3A_265 = arith.constant 0 : index
    %get3A_266 = arith.constant 18 : index
    %get3A_267 = memref.load %arg0[%get3A_265, %get3A_266] : memref<1x128xi32, #tpu.memory_space<smem>>
    %shift_right_arithmetic3A_268 = arith.constant 3 : i32
    %shift_right_arithmetic3A_269 = arith.shrsi %get3A_267, %shift_right_arithmetic3A_268 : i32
    %shift_left3A_270 = arith.constant 3 : i32
    %shift_left3A_271 = arith.shli %shift_right_arithmetic3A_269, %shift_left3A_270 : i32
    %multiple_of3A_272 = tpu.assume_multiple %shift_left3A_271, 8 : i32
    %dma_start3A_273 = arith.constant 18 : i32
    %dma_start3A_274 = arith.constant 0 : i32
    %dma_start3A_275 = arith.constant 0 : i32
    %dma_start3A_276 = tpu.memref_slice %arg5[%dma_start3A_273, %dma_start3A_274, %dma_start3A_275] : memref<128x8x128xf32, #tpu.memory_space<vmem>> -> memref<1x8x128xf32, #tpu.memory_space<vmem>>
    %dma_start3A_277 = tpu.memref_squeeze %dma_start3A_276 : memref<1x8x128xf32, #tpu.memory_space<vmem>> -> memref<8x128xf32, #tpu.memory_space<vmem>>
    %dma_start3A_278 = arith.constant 0 : i32
    %dma_start3A_279 = tpu.memref_slice %arg2[%multiple_of3A_272, %dma_start3A_278] : memref<100000x128xf32, #tpu.memory_space<hbm>> -> memref<8x128xf32, #tpu.memory_space<hbm>>
    tpu.enqueue_dma source(%dma_start3A_279 : memref<8x128xf32, #tpu.memory_space<hbm>>) target(%dma_start3A_277 : memref<8x128xf32, #tpu.memory_space<vmem>>) target_semaphore(%arg6 : memref<!tpu.dma_semaphore, #tpu.memory_space<semaphore_mem>>)
    %get3A_280 = arith.constant 0 : index
    %get3A_281 = arith.constant 19 : index
    %get3A_282 = memref.load %arg0[%get3A_280, %get3A_281] : memref<1x128xi32, #tpu.memory_space<smem>>
    %shift_right_arithmetic3A_283 = arith.constant 3 : i32
    %shift_right_arithmetic3A_284 = arith.shrsi %get3A_282, %shift_right_arithmetic3A_283 : i32
    %shift_left3A_285 = arith.constant 3 : i32
    %shift_left3A_286 = arith.shli %shift_right_arithmetic3A_284, %shift_left3A_285 : i32
    %multiple_of3A_287 = tpu.assume_multiple %shift_left3A_286, 8 : i32
    %dma_start3A_288 = arith.constant 19 : i32
    %dma_start3A_289 = arith.constant 0 : i32
    %dma_start3A_290 = arith.constant 0 : i32
    %dma_start3A_291 = tpu.memref_slice %arg5[%dma_start3A_288, %dma_start3A_289, %dma_start3A_290] : memref<128x8x128xf32, #tpu.memory_space<vmem>> -> memref<1x8x128xf32, #tpu.memory_space<vmem>>
    %dma_start3A_292 = tpu.memref_squeeze %dma_start3A_291 : memref<1x8x128xf32, #tpu.memory_space<vmem>> -> memref<8x128xf32, #tpu.memory_space<vmem>>
    %dma_start3A_293 = arith.constant 0 : i32
    %dma_start3A_294 = tpu.memref_slice %arg2[%multiple_of3A_287, %dma_start3A_293] : memref<100000x128xf32, #tpu.memory_space<hbm>> -> memref<8x128xf32, #tpu.memory_space<hbm>>
    tpu.enqueue_dma source(%dma_start3A_294 : memref<8x128xf32, #tpu.memory_space<hbm>>) target(%dma_start3A_292 : memref<8x128xf32, #tpu.memory_space<vmem>>) target_semaphore(%arg6 : memref<!tpu.dma_semaphore, #tpu.memory_space<semaphore_mem>>)
    %get3A_295 = arith.constant 0 : index
    %get3A_296 = arith.constant 20 : index
    %get3A_297 = memref.load %arg0[%get3A_295, %get3A_296] : memref<1x128xi32, #tpu.memory_space<smem>>
    %shift_right_arithmetic3A_298 = arith.constant 3 : i32
    %shift_right_arithmetic3A_299 = arith.shrsi %get3A_297, %shift_right_arithmetic3A_298 : i32
    %shift_left3A_300 = arith.constant 3 : i32
    %shift_left3A_301 = arith.shli %shift_right_arithmetic3A_299, %shift_left3A_300 : i32
    %multiple_of3A_302 = tpu.assume_multiple %shift_left3A_301, 8 : i32
    %dma_start3A_303 = arith.constant 20 : i32
    %dma_start3A_304 = arith.constant 0 : i32
    %dma_start3A_305 = arith.constant 0 : i32
    %dma_start3A_306 = tpu.memref_slice %arg5[%dma_start3A_303, %dma_start3A_304, %dma_start3A_305] : memref<128x8x128xf32, #tpu.memory_space<vmem>> -> memref<1x8x128xf32, #tpu.memory_space<vmem>>
    %dma_start3A_307 = tpu.memref_squeeze %dma_start3A_306 : memref<1x8x128xf32, #tpu.memory_space<vmem>> -> memref<8x128xf32, #tpu.memory_space<vmem>>
    %dma_start3A_308 = arith.constant 0 : i32
    %dma_start3A_309 = tpu.memref_slice %arg2[%multiple_of3A_302, %dma_start3A_308] : memref<100000x128xf32, #tpu.memory_space<hbm>> -> memref<8x128xf32, #tpu.memory_space<hbm>>
    tpu.enqueue_dma source(%dma_start3A_309 : memref<8x128xf32, #tpu.memory_space<hbm>>) target(%dma_start3A_307 : memref<8x128xf32, #tpu.memory_space<vmem>>) target_semaphore(%arg6 : memref<!tpu.dma_semaphore, #tpu.memory_space<semaphore_mem>>)
    %get3A_310 = arith.constant 0 : index
    %get3A_311 = arith.constant 21 : index
    %get3A_312 = memref.load %arg0[%get3A_310, %get3A_311] : memref<1x128xi32, #tpu.memory_space<smem>>
    %shift_right_arithmetic3A_313 = arith.constant 3 : i32
    %shift_right_arithmetic3A_314 = arith.shrsi %get3A_312, %shift_right_arithmetic3A_313 : i32
    %shift_left3A_315 = arith.constant 3 : i32
    %shift_left3A_316 = arith.shli %shift_right_arithmetic3A_314, %shift_left3A_315 : i32
    %multiple_of3A_317 = tpu.assume_multiple %shift_left3A_316, 8 : i32
    %dma_start3A_318 = arith.constant 21 : i32
    %dma_start3A_319 = arith.constant 0 : i32
    %dma_start3A_320 = arith.constant 0 : i32
    %dma_start3A_321 = tpu.memref_slice %arg5[%dma_start3A_318, %dma_start3A_319, %dma_start3A_320] : memref<128x8x128xf32, #tpu.memory_space<vmem>> -> memref<1x8x128xf32, #tpu.memory_space<vmem>>
    %dma_start3A_322 = tpu.memref_squeeze %dma_start3A_321 : memref<1x8x128xf32, #tpu.memory_space<vmem>> -> memref<8x128xf32, #tpu.memory_space<vmem>>
    %dma_start3A_323 = arith.constant 0 : i32
    %dma_start3A_324 = tpu.memref_slice %arg2[%multiple_of3A_317, %dma_start3A_323] : memref<100000x128xf32, #tpu.memory_space<hbm>> -> memref<8x128xf32, #tpu.memory_space<hbm>>
    tpu.enqueue_dma source(%dma_start3A_324 : memref<8x128xf32, #tpu.memory_space<hbm>>) target(%dma_start3A_322 : memref<8x128xf32, #tpu.memory_space<vmem>>) target_semaphore(%arg6 : memref<!tpu.dma_semaphore, #tpu.memory_space<semaphore_mem>>)
    %get3A_325 = arith.constant 0 : index
    %get3A_326 = arith.constant 22 : index
    %get3A_327 = memref.load %arg0[%get3A_325, %get3A_326] : memref<1x128xi32, #tpu.memory_space<smem>>
    %shift_right_arithmetic3A_328 = arith.constant 3 : i32
    %shift_right_arithmetic3A_329 = arith.shrsi %get3A_327, %shift_right_arithmetic3A_328 : i32
    %shift_left3A_330 = arith.constant 3 : i32
    %shift_left3A_331 = arith.shli %shift_right_arithmetic3A_329, %shift_left3A_330 : i32
    %multiple_of3A_332 = tpu.assume_multiple %shift_left3A_331, 8 : i32
    %dma_start3A_333 = arith.constant 22 : i32
    %dma_start3A_334 = arith.constant 0 : i32
    %dma_start3A_335 = arith.constant 0 : i32
    %dma_start3A_336 = tpu.memref_slice %arg5[%dma_start3A_333, %dma_start3A_334, %dma_start3A_335] : memref<128x8x128xf32, #tpu.memory_space<vmem>> -> memref<1x8x128xf32, #tpu.memory_space<vmem>>
    %dma_start3A_337 = tpu.memref_squeeze %dma_start3A_336 : memref<1x8x128xf32, #tpu.memory_space<vmem>> -> memref<8x128xf32, #tpu.memory_space<vmem>>
    %dma_start3A_338 = arith.constant 0 : i32
    %dma_start3A_339 = tpu.memref_slice %arg2[%multiple_of3A_332, %dma_start3A_338] : memref<100000x128xf32, #tpu.memory_space<hbm>> -> memref<8x128xf32, #tpu.memory_space<hbm>>
    tpu.enqueue_dma source(%dma_start3A_339 : memref<8x128xf32, #tpu.memory_space<hbm>>) target(%dma_start3A_337 : memref<8x128xf32, #tpu.memory_space<vmem>>) target_semaphore(%arg6 : memref<!tpu.dma_semaphore, #tpu.memory_space<semaphore_mem>>)
    %get3A_340 = arith.constant 0 : index
    %get3A_341 = arith.constant 23 : index
    %get3A_342 = memref.load %arg0[%get3A_340, %get3A_341] : memref<1x128xi32, #tpu.memory_space<smem>>
    %shift_right_arithmetic3A_343 = arith.constant 3 : i32
    %shift_right_arithmetic3A_344 = arith.shrsi %get3A_342, %shift_right_arithmetic3A_343 : i32
    %shift_left3A_345 = arith.constant 3 : i32
    %shift_left3A_346 = arith.shli %shift_right_arithmetic3A_344, %shift_left3A_345 : i32
    %multiple_of3A_347 = tpu.assume_multiple %shift_left3A_346, 8 : i32
    %dma_start3A_348 = arith.constant 23 : i32
    %dma_start3A_349 = arith.constant 0 : i32
    %dma_start3A_350 = arith.constant 0 : i32
    %dma_start3A_351 = tpu.memref_slice %arg5[%dma_start3A_348, %dma_start3A_349, %dma_start3A_350] : memref<128x8x128xf32, #tpu.memory_space<vmem>> -> memref<1x8x128xf32, #tpu.memory_space<vmem>>
    %dma_start3A_352 = tpu.memref_squeeze %dma_start3A_351 : memref<1x8x128xf32, #tpu.memory_space<vmem>> -> memref<8x128xf32, #tpu.memory_space<vmem>>
    %dma_start3A_353 = arith.constant 0 : i32
    %dma_start3A_354 = tpu.memref_slice %arg2[%multiple_of3A_347, %dma_start3A_353] : memref<100000x128xf32, #tpu.memory_space<hbm>> -> memref<8x128xf32, #tpu.memory_space<hbm>>
    tpu.enqueue_dma source(%dma_start3A_354 : memref<8x128xf32, #tpu.memory_space<hbm>>) target(%dma_start3A_352 : memref<8x128xf32, #tpu.memory_space<vmem>>) target_semaphore(%arg6 : memref<!tpu.dma_semaphore, #tpu.memory_space<semaphore_mem>>)
    %get3A_355 = arith.constant 0 : index
    %get3A_356 = arith.constant 24 : index
    %get3A_357 = memref.load %arg0[%get3A_355, %get3A_356] : memref<1x128xi32, #tpu.memory_space<smem>>
    %shift_right_arithmetic3A_358 = arith.constant 3 : i32
    %shift_right_arithmetic3A_359 = arith.shrsi %get3A_357, %shift_right_arithmetic3A_358 : i32
    %shift_left3A_360 = arith.constant 3 : i32
    %shift_left3A_361 = arith.shli %shift_right_arithmetic3A_359, %shift_left3A_360 : i32
    %multiple_of3A_362 = tpu.assume_multiple %shift_left3A_361, 8 : i32
    %dma_start3A_363 = arith.constant 24 : i32
    %dma_start3A_364 = arith.constant 0 : i32
    %dma_start3A_365 = arith.constant 0 : i32
    %dma_start3A_366 = tpu.memref_slice %arg5[%dma_start3A_363, %dma_start3A_364, %dma_start3A_365] : memref<128x8x128xf32, #tpu.memory_space<vmem>> -> memref<1x8x128xf32, #tpu.memory_space<vmem>>
    %dma_start3A_367 = tpu.memref_squeeze %dma_start3A_366 : memref<1x8x128xf32, #tpu.memory_space<vmem>> -> memref<8x128xf32, #tpu.memory_space<vmem>>
    %dma_start3A_368 = arith.constant 0 : i32
    %dma_start3A_369 = tpu.memref_slice %arg2[%multiple_of3A_362, %dma_start3A_368] : memref<100000x128xf32, #tpu.memory_space<hbm>> -> memref<8x128xf32, #tpu.memory_space<hbm>>
    tpu.enqueue_dma source(%dma_start3A_369 : memref<8x128xf32, #tpu.memory_space<hbm>>) target(%dma_start3A_367 : memref<8x128xf32, #tpu.memory_space<vmem>>) target_semaphore(%arg6 : memref<!tpu.dma_semaphore, #tpu.memory_space<semaphore_mem>>)
    %get3A_370 = arith.constant 0 : index
    %get3A_371 = arith.constant 25 : index
    %get3A_372 = memref.load %arg0[%get3A_370, %get3A_371] : memref<1x128xi32, #tpu.memory_space<smem>>
    %shift_right_arithmetic3A_373 = arith.constant 3 : i32
    %shift_right_arithmetic3A_374 = arith.shrsi %get3A_372, %shift_right_arithmetic3A_373 : i32
    %shift_left3A_375 = arith.constant 3 : i32
    %shift_left3A_376 = arith.shli %shift_right_arithmetic3A_374, %shift_left3A_375 : i32
    %multiple_of3A_377 = tpu.assume_multiple %shift_left3A_376, 8 : i32
    %dma_start3A_378 = arith.constant 25 : i32
    %dma_start3A_379 = arith.constant 0 : i32
    %dma_start3A_380 = arith.constant 0 : i32
    %dma_start3A_381 = tpu.memref_slice %arg5[%dma_start3A_378, %dma_start3A_379, %dma_start3A_380] : memref<128x8x128xf32, #tpu.memory_space<vmem>> -> memref<1x8x128xf32, #tpu.memory_space<vmem>>
    %dma_start3A_382 = tpu.memref_squeeze %dma_start3A_381 : memref<1x8x128xf32, #tpu.memory_space<vmem>> -> memref<8x128xf32, #tpu.memory_space<vmem>>
    %dma_start3A_383 = arith.constant 0 : i32
    %dma_start3A_384 = tpu.memref_slice %arg2[%multiple_of3A_377, %dma_start3A_383] : memref<100000x128xf32, #tpu.memory_space<hbm>> -> memref<8x128xf32, #tpu.memory_space<hbm>>
    tpu.enqueue_dma source(%dma_start3A_384 : memref<8x128xf32, #tpu.memory_space<hbm>>) target(%dma_start3A_382 : memref<8x128xf32, #tpu.memory_space<vmem>>) target_semaphore(%arg6 : memref<!tpu.dma_semaphore, #tpu.memory_space<semaphore_mem>>)
    %get3A_385 = arith.constant 0 : index
    %get3A_386 = arith.constant 26 : index
    %get3A_387 = memref.load %arg0[%get3A_385, %get3A_386] : memref<1x128xi32, #tpu.memory_space<smem>>
    %shift_right_arithmetic3A_388 = arith.constant 3 : i32
    %shift_right_arithmetic3A_389 = arith.shrsi %get3A_387, %shift_right_arithmetic3A_388 : i32
    %shift_left3A_390 = arith.constant 3 : i32
    %shift_left3A_391 = arith.shli %shift_right_arithmetic3A_389, %shift_left3A_390 : i32
    %multiple_of3A_392 = tpu.assume_multiple %shift_left3A_391, 8 : i32
    %dma_start3A_393 = arith.constant 26 : i32
    %dma_start3A_394 = arith.constant 0 : i32
    %dma_start3A_395 = arith.constant 0 : i32
    %dma_start3A_396 = tpu.memref_slice %arg5[%dma_start3A_393, %dma_start3A_394, %dma_start3A_395] : memref<128x8x128xf32, #tpu.memory_space<vmem>> -> memref<1x8x128xf32, #tpu.memory_space<vmem>>
    %dma_start3A_397 = tpu.memref_squeeze %dma_start3A_396 : memref<1x8x128xf32, #tpu.memory_space<vmem>> -> memref<8x128xf32, #tpu.memory_space<vmem>>
    %dma_start3A_398 = arith.constant 0 : i32
    %dma_start3A_399 = tpu.memref_slice %arg2[%multiple_of3A_392, %dma_start3A_398] : memref<100000x128xf32, #tpu.memory_space<hbm>> -> memref<8x128xf32, #tpu.memory_space<hbm>>
    tpu.enqueue_dma source(%dma_start3A_399 : memref<8x128xf32, #tpu.memory_space<hbm>>) target(%dma_start3A_397 : memref<8x128xf32, #tpu.memory_space<vmem>>) target_semaphore(%arg6 : memref<!tpu.dma_semaphore, #tpu.memory_space<semaphore_mem>>)
    %get3A_400 = arith.constant 0 : index
    %get3A_401 = arith.constant 27 : index
    %get3A_402 = memref.load %arg0[%get3A_400, %get3A_401] : memref<1x128xi32, #tpu.memory_space<smem>>
    %shift_right_arithmetic3A_403 = arith.constant 3 : i32
    %shift_right_arithmetic3A_404 = arith.shrsi %get3A_402, %shift_right_arithmetic3A_403 : i32
    %shift_left3A_405 = arith.constant 3 : i32
    %shift_left3A_406 = arith.shli %shift_right_arithmetic3A_404, %shift_left3A_405 : i32
    %multiple_of3A_407 = tpu.assume_multiple %shift_left3A_406, 8 : i32
    %dma_start3A_408 = arith.constant 27 : i32
    %dma_start3A_409 = arith.constant 0 : i32
    %dma_start3A_410 = arith.constant 0 : i32
    %dma_start3A_411 = tpu.memref_slice %arg5[%dma_start3A_408, %dma_start3A_409, %dma_start3A_410] : memref<128x8x128xf32, #tpu.memory_space<vmem>> -> memref<1x8x128xf32, #tpu.memory_space<vmem>>
    %dma_start3A_412 = tpu.memref_squeeze %dma_start3A_411 : memref<1x8x128xf32, #tpu.memory_space<vmem>> -> memref<8x128xf32, #tpu.memory_space<vmem>>
    %dma_start3A_413 = arith.constant 0 : i32
    %dma_start3A_414 = tpu.memref_slice %arg2[%multiple_of3A_407, %dma_start3A_413] : memref<100000x128xf32, #tpu.memory_space<hbm>> -> memref<8x128xf32, #tpu.memory_space<hbm>>
    tpu.enqueue_dma source(%dma_start3A_414 : memref<8x128xf32, #tpu.memory_space<hbm>>) target(%dma_start3A_412 : memref<8x128xf32, #tpu.memory_space<vmem>>) target_semaphore(%arg6 : memref<!tpu.dma_semaphore, #tpu.memory_space<semaphore_mem>>)
    %get3A_415 = arith.constant 0 : index
    %get3A_416 = arith.constant 28 : index
    %get3A_417 = memref.load %arg0[%get3A_415, %get3A_416] : memref<1x128xi32, #tpu.memory_space<smem>>
    %shift_right_arithmetic3A_418 = arith.constant 3 : i32
    %shift_right_arithmetic3A_419 = arith.shrsi %get3A_417, %shift_right_arithmetic3A_418 : i32
    %shift_left3A_420 = arith.constant 3 : i32
    %shift_left3A_421 = arith.shli %shift_right_arithmetic3A_419, %shift_left3A_420 : i32
    %multiple_of3A_422 = tpu.assume_multiple %shift_left3A_421, 8 : i32
    %dma_start3A_423 = arith.constant 28 : i32
    %dma_start3A_424 = arith.constant 0 : i32
    %dma_start3A_425 = arith.constant 0 : i32
    %dma_start3A_426 = tpu.memref_slice %arg5[%dma_start3A_423, %dma_start3A_424, %dma_start3A_425] : memref<128x8x128xf32, #tpu.memory_space<vmem>> -> memref<1x8x128xf32, #tpu.memory_space<vmem>>
    %dma_start3A_427 = tpu.memref_squeeze %dma_start3A_426 : memref<1x8x128xf32, #tpu.memory_space<vmem>> -> memref<8x128xf32, #tpu.memory_space<vmem>>
    %dma_start3A_428 = arith.constant 0 : i32
    %dma_start3A_429 = tpu.memref_slice %arg2[%multiple_of3A_422, %dma_start3A_428] : memref<100000x128xf32, #tpu.memory_space<hbm>> -> memref<8x128xf32, #tpu.memory_space<hbm>>
    tpu.enqueue_dma source(%dma_start3A_429 : memref<8x128xf32, #tpu.memory_space<hbm>>) target(%dma_start3A_427 : memref<8x128xf32, #tpu.memory_space<vmem>>) target_semaphore(%arg6 : memref<!tpu.dma_semaphore, #tpu.memory_space<semaphore_mem>>)
    %get3A_430 = arith.constant 0 : index
    %get3A_431 = arith.constant 29 : index
    %get3A_432 = memref.load %arg0[%get3A_430, %get3A_431] : memref<1x128xi32, #tpu.memory_space<smem>>
    %shift_right_arithmetic3A_433 = arith.constant 3 : i32
    %shift_right_arithmetic3A_434 = arith.shrsi %get3A_432, %shift_right_arithmetic3A_433 : i32
    %shift_left3A_435 = arith.constant 3 : i32
    %shift_left3A_436 = arith.shli %shift_right_arithmetic3A_434, %shift_left3A_435 : i32
    %multiple_of3A_437 = tpu.assume_multiple %shift_left3A_436, 8 : i32
    %dma_start3A_438 = arith.constant 29 : i32
    %dma_start3A_439 = arith.constant 0 : i32
    %dma_start3A_440 = arith.constant 0 : i32
    %dma_start3A_441 = tpu.memref_slice %arg5[%dma_start3A_438, %dma_start3A_439, %dma_start3A_440] : memref<128x8x128xf32, #tpu.memory_space<vmem>> -> memref<1x8x128xf32, #tpu.memory_space<vmem>>
    %dma_start3A_442 = tpu.memref_squeeze %dma_start3A_441 : memref<1x8x128xf32, #tpu.memory_space<vmem>> -> memref<8x128xf32, #tpu.memory_space<vmem>>
    %dma_start3A_443 = arith.constant 0 : i32
    %dma_start3A_444 = tpu.memref_slice %arg2[%multiple_of3A_437, %dma_start3A_443] : memref<100000x128xf32, #tpu.memory_space<hbm>> -> memref<8x128xf32, #tpu.memory_space<hbm>>
    tpu.enqueue_dma source(%dma_start3A_444 : memref<8x128xf32, #tpu.memory_space<hbm>>) target(%dma_start3A_442 : memref<8x128xf32, #tpu.memory_space<vmem>>) target_semaphore(%arg6 : memref<!tpu.dma_semaphore, #tpu.memory_space<semaphore_mem>>)
    %get3A_445 = arith.constant 0 : index
    %get3A_446 = arith.constant 30 : index
    %get3A_447 = memref.load %arg0[%get3A_445, %get3A_446] : memref<1x128xi32, #tpu.memory_space<smem>>
    %shift_right_arithmetic3A_448 = arith.constant 3 : i32
    %shift_right_arithmetic3A_449 = arith.shrsi %get3A_447, %shift_right_arithmetic3A_448 : i32
    %shift_left3A_450 = arith.constant 3 : i32
    %shift_left3A_451 = arith.shli %shift_right_arithmetic3A_449, %shift_left3A_450 : i32
    %multiple_of3A_452 = tpu.assume_multiple %shift_left3A_451, 8 : i32
    %dma_start3A_453 = arith.constant 30 : i32
    %dma_start3A_454 = arith.constant 0 : i32
    %dma_start3A_455 = arith.constant 0 : i32
    %dma_start3A_456 = tpu.memref_slice %arg5[%dma_start3A_453, %dma_start3A_454, %dma_start3A_455] : memref<128x8x128xf32, #tpu.memory_space<vmem>> -> memref<1x8x128xf32, #tpu.memory_space<vmem>>
    %dma_start3A_457 = tpu.memref_squeeze %dma_start3A_456 : memref<1x8x128xf32, #tpu.memory_space<vmem>> -> memref<8x128xf32, #tpu.memory_space<vmem>>
    %dma_start3A_458 = arith.constant 0 : i32
    %dma_start3A_459 = tpu.memref_slice %arg2[%multiple_of3A_452, %dma_start3A_458] : memref<100000x128xf32, #tpu.memory_space<hbm>> -> memref<8x128xf32, #tpu.memory_space<hbm>>
    tpu.enqueue_dma source(%dma_start3A_459 : memref<8x128xf32, #tpu.memory_space<hbm>>) target(%dma_start3A_457 : memref<8x128xf32, #tpu.memory_space<vmem>>) target_semaphore(%arg6 : memref<!tpu.dma_semaphore, #tpu.memory_space<semaphore_mem>>)
    %get3A_460 = arith.constant 0 : index
    %get3A_461 = arith.constant 31 : index
    %get3A_462 = memref.load %arg0[%get3A_460, %get3A_461] : memref<1x128xi32, #tpu.memory_space<smem>>
    %shift_right_arithmetic3A_463 = arith.constant 3 : i32
    %shift_right_arithmetic3A_464 = arith.shrsi %get3A_462, %shift_right_arithmetic3A_463 : i32
    %shift_left3A_465 = arith.constant 3 : i32
    %shift_left3A_466 = arith.shli %shift_right_arithmetic3A_464, %shift_left3A_465 : i32
    %multiple_of3A_467 = tpu.assume_multiple %shift_left3A_466, 8 : i32
    %dma_start3A_468 = arith.constant 31 : i32
    %dma_start3A_469 = arith.constant 0 : i32
    %dma_start3A_470 = arith.constant 0 : i32
    %dma_start3A_471 = tpu.memref_slice %arg5[%dma_start3A_468, %dma_start3A_469, %dma_start3A_470] : memref<128x8x128xf32, #tpu.memory_space<vmem>> -> memref<1x8x128xf32, #tpu.memory_space<vmem>>
    %dma_start3A_472 = tpu.memref_squeeze %dma_start3A_471 : memref<1x8x128xf32, #tpu.memory_space<vmem>> -> memref<8x128xf32, #tpu.memory_space<vmem>>
    %dma_start3A_473 = arith.constant 0 : i32
    %dma_start3A_474 = tpu.memref_slice %arg2[%multiple_of3A_467, %dma_start3A_473] : memref<100000x128xf32, #tpu.memory_space<hbm>> -> memref<8x128xf32, #tpu.memory_space<hbm>>
    tpu.enqueue_dma source(%dma_start3A_474 : memref<8x128xf32, #tpu.memory_space<hbm>>) target(%dma_start3A_472 : memref<8x128xf32, #tpu.memory_space<vmem>>) target_semaphore(%arg6 : memref<!tpu.dma_semaphore, #tpu.memory_space<semaphore_mem>>)
    %get3A_475 = arith.constant 0 : index
    %get3A_476 = arith.constant 32 : index
    %get3A_477 = memref.load %arg0[%get3A_475, %get3A_476] : memref<1x128xi32, #tpu.memory_space<smem>>
    %shift_right_arithmetic3A_478 = arith.constant 3 : i32
    %shift_right_arithmetic3A_479 = arith.shrsi %get3A_477, %shift_right_arithmetic3A_478 : i32
    %shift_left3A_480 = arith.constant 3 : i32
    %shift_left3A_481 = arith.shli %shift_right_arithmetic3A_479, %shift_left3A_480 : i32
    %multiple_of3A_482 = tpu.assume_multiple %shift_left3A_481, 8 : i32
    %dma_start3A_483 = arith.constant 32 : i32
    %dma_start3A_484 = arith.constant 0 : i32
    %dma_start3A_485 = arith.constant 0 : i32
    %dma_start3A_486 = tpu.memref_slice %arg5[%dma_start3A_483, %dma_start3A_484, %dma_start3A_485] : memref<128x8x128xf32, #tpu.memory_space<vmem>> -> memref<1x8x128xf32, #tpu.memory_space<vmem>>
    %dma_start3A_487 = tpu.memref_squeeze %dma_start3A_486 : memref<1x8x128xf32, #tpu.memory_space<vmem>> -> memref<8x128xf32, #tpu.memory_space<vmem>>
    %dma_start3A_488 = arith.constant 0 : i32
    %dma_start3A_489 = tpu.memref_slice %arg2[%multiple_of3A_482, %dma_start3A_488] : memref<100000x128xf32, #tpu.memory_space<hbm>> -> memref<8x128xf32, #tpu.memory_space<hbm>>
    tpu.enqueue_dma source(%dma_start3A_489 : memref<8x128xf32, #tpu.memory_space<hbm>>) target(%dma_start3A_487 : memref<8x128xf32, #tpu.memory_space<vmem>>) target_semaphore(%arg6 : memref<!tpu.dma_semaphore, #tpu.memory_space<semaphore_mem>>)
    %get3A_490 = arith.constant 0 : index
    %get3A_491 = arith.constant 33 : index
    %get3A_492 = memref.load %arg0[%get3A_490, %get3A_491] : memref<1x128xi32, #tpu.memory_space<smem>>
    %shift_right_arithmetic3A_493 = arith.constant 3 : i32
    %shift_right_arithmetic3A_494 = arith.shrsi %get3A_492, %shift_right_arithmetic3A_493 : i32
    %shift_left3A_495 = arith.constant 3 : i32
    %shift_left3A_496 = arith.shli %shift_right_arithmetic3A_494, %shift_left3A_495 : i32
    %multiple_of3A_497 = tpu.assume_multiple %shift_left3A_496, 8 : i32
    %dma_start3A_498 = arith.constant 33 : i32
    %dma_start3A_499 = arith.constant 0 : i32
    %dma_start3A_500 = arith.constant 0 : i32
    %dma_start3A_501 = tpu.memref_slice %arg5[%dma_start3A_498, %dma_start3A_499, %dma_start3A_500] : memref<128x8x128xf32, #tpu.memory_space<vmem>> -> memref<1x8x128xf32, #tpu.memory_space<vmem>>
    %dma_start3A_502 = tpu.memref_squeeze %dma_start3A_501 : memref<1x8x128xf32, #tpu.memory_space<vmem>> -> memref<8x128xf32, #tpu.memory_space<vmem>>
    %dma_start3A_503 = arith.constant 0 : i32
    %dma_start3A_504 = tpu.memref_slice %arg2[%multiple_of3A_497, %dma_start3A_503] : memref<100000x128xf32, #tpu.memory_space<hbm>> -> memref<8x128xf32, #tpu.memory_space<hbm>>
    tpu.enqueue_dma source(%dma_start3A_504 : memref<8x128xf32, #tpu.memory_space<hbm>>) target(%dma_start3A_502 : memref<8x128xf32, #tpu.memory_space<vmem>>) target_semaphore(%arg6 : memref<!tpu.dma_semaphore, #tpu.memory_space<semaphore_mem>>)
    %get3A_505 = arith.constant 0 : index
    %get3A_506 = arith.constant 34 : index
    %get3A_507 = memref.load %arg0[%get3A_505, %get3A_506] : memref<1x128xi32, #tpu.memory_space<smem>>
    %shift_right_arithmetic3A_508 = arith.constant 3 : i32
    %shift_right_arithmetic3A_509 = arith.shrsi %get3A_507, %shift_right_arithmetic3A_508 : i32
    %shift_left3A_510 = arith.constant 3 : i32
    %shift_left3A_511 = arith.shli %shift_right_arithmetic3A_509, %shift_left3A_510 : i32
    %multiple_of3A_512 = tpu.assume_multiple %shift_left3A_511, 8 : i32
    %dma_start3A_513 = arith.constant 34 : i32
    %dma_start3A_514 = arith.constant 0 : i32
    %dma_start3A_515 = arith.constant 0 : i32
    %dma_start3A_516 = tpu.memref_slice %arg5[%dma_start3A_513, %dma_start3A_514, %dma_start3A_515] : memref<128x8x128xf32, #tpu.memory_space<vmem>> -> memref<1x8x128xf32, #tpu.memory_space<vmem>>
    %dma_start3A_517 = tpu.memref_squeeze %dma_start3A_516 : memref<1x8x128xf32, #tpu.memory_space<vmem>> -> memref<8x128xf32, #tpu.memory_space<vmem>>
    %dma_start3A_518 = arith.constant 0 : i32
    %dma_start3A_519 = tpu.memref_slice %arg2[%multiple_of3A_512, %dma_start3A_518] : memref<100000x128xf32, #tpu.memory_space<hbm>> -> memref<8x128xf32, #tpu.memory_space<hbm>>
    tpu.enqueue_dma source(%dma_start3A_519 : memref<8x128xf32, #tpu.memory_space<hbm>>) target(%dma_start3A_517 : memref<8x128xf32, #tpu.memory_space<vmem>>) target_semaphore(%arg6 : memref<!tpu.dma_semaphore, #tpu.memory_space<semaphore_mem>>)
    %get3A_520 = arith.constant 0 : index
    %get3A_521 = arith.constant 35 : index
    %get3A_522 = memref.load %arg0[%get3A_520, %get3A_521] : memref<1x128xi32, #tpu.memory_space<smem>>
    %shift_right_arithmetic3A_523 = arith.constant 3 : i32
    %shift_right_arithmetic3A_524 = arith.shrsi %get3A_522, %shift_right_arithmetic3A_523 : i32
    %shift_left3A_525 = arith.constant 3 : i32
    %shift_left3A_526 = arith.shli %shift_right_arithmetic3A_524, %shift_left3A_525 : i32
    %multiple_of3A_527 = tpu.assume_multiple %shift_left3A_526, 8 : i32
    %dma_start3A_528 = arith.constant 35 : i32
    %dma_start3A_529 = arith.constant 0 : i32
    %dma_start3A_530 = arith.constant 0 : i32
    %dma_start3A_531 = tpu.memref_slice %arg5[%dma_start3A_528, %dma_start3A_529, %dma_start3A_530] : memref<128x8x128xf32, #tpu.memory_space<vmem>> -> memref<1x8x128xf32, #tpu.memory_space<vmem>>
    %dma_start3A_532 = tpu.memref_squeeze %dma_start3A_531 : memref<1x8x128xf32, #tpu.memory_space<vmem>> -> memref<8x128xf32, #tpu.memory_space<vmem>>
    %dma_start3A_533 = arith.constant 0 : i32
    %dma_start3A_534 = tpu.memref_slice %arg2[%multiple_of3A_527, %dma_start3A_533] : memref<100000x128xf32, #tpu.memory_space<hbm>> -> memref<8x128xf32, #tpu.memory_space<hbm>>
    tpu.enqueue_dma source(%dma_start3A_534 : memref<8x128xf32, #tpu.memory_space<hbm>>) target(%dma_start3A_532 : memref<8x128xf32, #tpu.memory_space<vmem>>) target_semaphore(%arg6 : memref<!tpu.dma_semaphore, #tpu.memory_space<semaphore_mem>>)
    %get3A_535 = arith.constant 0 : index
    %get3A_536 = arith.constant 36 : index
    %get3A_537 = memref.load %arg0[%get3A_535, %get3A_536] : memref<1x128xi32, #tpu.memory_space<smem>>
    %shift_right_arithmetic3A_538 = arith.constant 3 : i32
    %shift_right_arithmetic3A_539 = arith.shrsi %get3A_537, %shift_right_arithmetic3A_538 : i32
    %shift_left3A_540 = arith.constant 3 : i32
    %shift_left3A_541 = arith.shli %shift_right_arithmetic3A_539, %shift_left3A_540 : i32
    %multiple_of3A_542 = tpu.assume_multiple %shift_left3A_541, 8 : i32
    %dma_start3A_543 = arith.constant 36 : i32
    %dma_start3A_544 = arith.constant 0 : i32
    %dma_start3A_545 = arith.constant 0 : i32
    %dma_start3A_546 = tpu.memref_slice %arg5[%dma_start3A_543, %dma_start3A_544, %dma_start3A_545] : memref<128x8x128xf32, #tpu.memory_space<vmem>> -> memref<1x8x128xf32, #tpu.memory_space<vmem>>
    %dma_start3A_547 = tpu.memref_squeeze %dma_start3A_546 : memref<1x8x128xf32, #tpu.memory_space<vmem>> -> memref<8x128xf32, #tpu.memory_space<vmem>>
    %dma_start3A_548 = arith.constant 0 : i32
    %dma_start3A_549 = tpu.memref_slice %arg2[%multiple_of3A_542, %dma_start3A_548] : memref<100000x128xf32, #tpu.memory_space<hbm>> -> memref<8x128xf32, #tpu.memory_space<hbm>>
    tpu.enqueue_dma source(%dma_start3A_549 : memref<8x128xf32, #tpu.memory_space<hbm>>) target(%dma_start3A_547 : memref<8x128xf32, #tpu.memory_space<vmem>>) target_semaphore(%arg6 : memref<!tpu.dma_semaphore, #tpu.memory_space<semaphore_mem>>)
    %get3A_550 = arith.constant 0 : index
    %get3A_551 = arith.constant 37 : index
    %get3A_552 = memref.load %arg0[%get3A_550, %get3A_551] : memref<1x128xi32, #tpu.memory_space<smem>>
    %shift_right_arithmetic3A_553 = arith.constant 3 : i32
    %shift_right_arithmetic3A_554 = arith.shrsi %get3A_552, %shift_right_arithmetic3A_553 : i32
    %shift_left3A_555 = arith.constant 3 : i32
    %shift_left3A_556 = arith.shli %shift_right_arithmetic3A_554, %shift_left3A_555 : i32
    %multiple_of3A_557 = tpu.assume_multiple %shift_left3A_556, 8 : i32
    %dma_start3A_558 = arith.constant 37 : i32
    %dma_start3A_559 = arith.constant 0 : i32
    %dma_start3A_560 = arith.constant 0 : i32
    %dma_start3A_561 = tpu.memref_slice %arg5[%dma_start3A_558, %dma_start3A_559, %dma_start3A_560] : memref<128x8x128xf32, #tpu.memory_space<vmem>> -> memref<1x8x128xf32, #tpu.memory_space<vmem>>
    %dma_start3A_562 = tpu.memref_squeeze %dma_start3A_561 : memref<1x8x128xf32, #tpu.memory_space<vmem>> -> memref<8x128xf32, #tpu.memory_space<vmem>>
    %dma_start3A_563 = arith.constant 0 : i32
    %dma_start3A_564 = tpu.memref_slice %arg2[%multiple_of3A_557, %dma_start3A_563] : memref<100000x128xf32, #tpu.memory_space<hbm>> -> memref<8x128xf32, #tpu.memory_space<hbm>>
    tpu.enqueue_dma source(%dma_start3A_564 : memref<8x128xf32, #tpu.memory_space<hbm>>) target(%dma_start3A_562 : memref<8x128xf32, #tpu.memory_space<vmem>>) target_semaphore(%arg6 : memref<!tpu.dma_semaphore, #tpu.memory_space<semaphore_mem>>)
    %get3A_565 = arith.constant 0 : index
    %get3A_566 = arith.constant 38 : index
    %get3A_567 = memref.load %arg0[%get3A_565, %get3A_566] : memref<1x128xi32, #tpu.memory_space<smem>>
    %shift_right_arithmetic3A_568 = arith.constant 3 : i32
    %shift_right_arithmetic3A_569 = arith.shrsi %get3A_567, %shift_right_arithmetic3A_568 : i32
    %shift_left3A_570 = arith.constant 3 : i32
    %shift_left3A_571 = arith.shli %shift_right_arithmetic3A_569, %shift_left3A_570 : i32
    %multiple_of3A_572 = tpu.assume_multiple %shift_left3A_571, 8 : i32
    %dma_start3A_573 = arith.constant 38 : i32
    %dma_start3A_574 = arith.constant 0 : i32
    %dma_start3A_575 = arith.constant 0 : i32
    %dma_start3A_576 = tpu.memref_slice %arg5[%dma_start3A_573, %dma_start3A_574, %dma_start3A_575] : memref<128x8x128xf32, #tpu.memory_space<vmem>> -> memref<1x8x128xf32, #tpu.memory_space<vmem>>
    %dma_start3A_577 = tpu.memref_squeeze %dma_start3A_576 : memref<1x8x128xf32, #tpu.memory_space<vmem>> -> memref<8x128xf32, #tpu.memory_space<vmem>>
    %dma_start3A_578 = arith.constant 0 : i32
    %dma_start3A_579 = tpu.memref_slice %arg2[%multiple_of3A_572, %dma_start3A_578] : memref<100000x128xf32, #tpu.memory_space<hbm>> -> memref<8x128xf32, #tpu.memory_space<hbm>>
    tpu.enqueue_dma source(%dma_start3A_579 : memref<8x128xf32, #tpu.memory_space<hbm>>) target(%dma_start3A_577 : memref<8x128xf32, #tpu.memory_space<vmem>>) target_semaphore(%arg6 : memref<!tpu.dma_semaphore, #tpu.memory_space<semaphore_mem>>)
    %get3A_580 = arith.constant 0 : index
    %get3A_581 = arith.constant 39 : index
    %get3A_582 = memref.load %arg0[%get3A_580, %get3A_581] : memref<1x128xi32, #tpu.memory_space<smem>>
    %shift_right_arithmetic3A_583 = arith.constant 3 : i32
    %shift_right_arithmetic3A_584 = arith.shrsi %get3A_582, %shift_right_arithmetic3A_583 : i32
    %shift_left3A_585 = arith.constant 3 : i32
    %shift_left3A_586 = arith.shli %shift_right_arithmetic3A_584, %shift_left3A_585 : i32
    %multiple_of3A_587 = tpu.assume_multiple %shift_left3A_586, 8 : i32
    %dma_start3A_588 = arith.constant 39 : i32
    %dma_start3A_589 = arith.constant 0 : i32
    %dma_start3A_590 = arith.constant 0 : i32
    %dma_start3A_591 = tpu.memref_slice %arg5[%dma_start3A_588, %dma_start3A_589, %dma_start3A_590] : memref<128x8x128xf32, #tpu.memory_space<vmem>> -> memref<1x8x128xf32, #tpu.memory_space<vmem>>
    %dma_start3A_592 = tpu.memref_squeeze %dma_start3A_591 : memref<1x8x128xf32, #tpu.memory_space<vmem>> -> memref<8x128xf32, #tpu.memory_space<vmem>>
    %dma_start3A_593 = arith.constant 0 : i32
    %dma_start3A_594 = tpu.memref_slice %arg2[%multiple_of3A_587, %dma_start3A_593] : memref<100000x128xf32, #tpu.memory_space<hbm>> -> memref<8x128xf32, #tpu.memory_space<hbm>>
    tpu.enqueue_dma source(%dma_start3A_594 : memref<8x128xf32, #tpu.memory_space<hbm>>) target(%dma_start3A_592 : memref<8x128xf32, #tpu.memory_space<vmem>>) target_semaphore(%arg6 : memref<!tpu.dma_semaphore, #tpu.memory_space<semaphore_mem>>)
    %get3A_595 = arith.constant 0 : index
    %get3A_596 = arith.constant 40 : index
    %get3A_597 = memref.load %arg0[%get3A_595, %get3A_596] : memref<1x128xi32, #tpu.memory_space<smem>>
    %shift_right_arithmetic3A_598 = arith.constant 3 : i32
    %shift_right_arithmetic3A_599 = arith.shrsi %get3A_597, %shift_right_arithmetic3A_598 : i32
    %shift_left3A_600 = arith.constant 3 : i32
    %shift_left3A_601 = arith.shli %shift_right_arithmetic3A_599, %shift_left3A_600 : i32
    %multiple_of3A_602 = tpu.assume_multiple %shift_left3A_601, 8 : i32
    %dma_start3A_603 = arith.constant 40 : i32
    %dma_start3A_604 = arith.constant 0 : i32
    %dma_start3A_605 = arith.constant 0 : i32
    %dma_start3A_606 = tpu.memref_slice %arg5[%dma_start3A_603, %dma_start3A_604, %dma_start3A_605] : memref<128x8x128xf32, #tpu.memory_space<vmem>> -> memref<1x8x128xf32, #tpu.memory_space<vmem>>
    %dma_start3A_607 = tpu.memref_squeeze %dma_start3A_606 : memref<1x8x128xf32, #tpu.memory_space<vmem>> -> memref<8x128xf32, #tpu.memory_space<vmem>>
    %dma_start3A_608 = arith.constant 0 : i32
    %dma_start3A_609 = tpu.memref_slice %arg2[%multiple_of3A_602, %dma_start3A_608] : memref<100000x128xf32, #tpu.memory_space<hbm>> -> memref<8x128xf32, #tpu.memory_space<hbm>>
    tpu.enqueue_dma source(%dma_start3A_609 : memref<8x128xf32, #tpu.memory_space<hbm>>) target(%dma_start3A_607 : memref<8x128xf32, #tpu.memory_space<vmem>>) target_semaphore(%arg6 : memref<!tpu.dma_semaphore, #tpu.memory_space<semaphore_mem>>)
    %get3A_610 = arith.constant 0 : index
    %get3A_611 = arith.constant 41 : index
    %get3A_612 = memref.load %arg0[%get3A_610, %get3A_611] : memref<1x128xi32, #tpu.memory_space<smem>>
    %shift_right_arithmetic3A_613 = arith.constant 3 : i32
    %shift_right_arithmetic3A_614 = arith.shrsi %get3A_612, %shift_right_arithmetic3A_613 : i32
    %shift_left3A_615 = arith.constant 3 : i32
    %shift_left3A_616 = arith.shli %shift_right_arithmetic3A_614, %shift_left3A_615 : i32
    %multiple_of3A_617 = tpu.assume_multiple %shift_left3A_616, 8 : i32
    %dma_start3A_618 = arith.constant 41 : i32
    %dma_start3A_619 = arith.constant 0 : i32
    %dma_start3A_620 = arith.constant 0 : i32
    %dma_start3A_621 = tpu.memref_slice %arg5[%dma_start3A_618, %dma_start3A_619, %dma_start3A_620] : memref<128x8x128xf32, #tpu.memory_space<vmem>> -> memref<1x8x128xf32, #tpu.memory_space<vmem>>
    %dma_start3A_622 = tpu.memref_squeeze %dma_start3A_621 : memref<1x8x128xf32, #tpu.memory_space<vmem>> -> memref<8x128xf32, #tpu.memory_space<vmem>>
    %dma_start3A_623 = arith.constant 0 : i32
    %dma_start3A_624 = tpu.memref_slice %arg2[%multiple_of3A_617, %dma_start3A_623] : memref<100000x128xf32, #tpu.memory_space<hbm>> -> memref<8x128xf32, #tpu.memory_space<hbm>>
    tpu.enqueue_dma source(%dma_start3A_624 : memref<8x128xf32, #tpu.memory_space<hbm>>) target(%dma_start3A_622 : memref<8x128xf32, #tpu.memory_space<vmem>>) target_semaphore(%arg6 : memref<!tpu.dma_semaphore, #tpu.memory_space<semaphore_mem>>)
    %get3A_625 = arith.constant 0 : index
    %get3A_626 = arith.constant 42 : index
    %get3A_627 = memref.load %arg0[%get3A_625, %get3A_626] : memref<1x128xi32, #tpu.memory_space<smem>>
    %shift_right_arithmetic3A_628 = arith.constant 3 : i32
    %shift_right_arithmetic3A_629 = arith.shrsi %get3A_627, %shift_right_arithmetic3A_628 : i32
    %shift_left3A_630 = arith.constant 3 : i32
    %shift_left3A_631 = arith.shli %shift_right_arithmetic3A_629, %shift_left3A_630 : i32
    %multiple_of3A_632 = tpu.assume_multiple %shift_left3A_631, 8 : i32
    %dma_start3A_633 = arith.constant 42 : i32
    %dma_start3A_634 = arith.constant 0 : i32
    %dma_start3A_635 = arith.constant 0 : i32
    %dma_start3A_636 = tpu.memref_slice %arg5[%dma_start3A_633, %dma_start3A_634, %dma_start3A_635] : memref<128x8x128xf32, #tpu.memory_space<vmem>> -> memref<1x8x128xf32, #tpu.memory_space<vmem>>
    %dma_start3A_637 = tpu.memref_squeeze %dma_start3A_636 : memref<1x8x128xf32, #tpu.memory_space<vmem>> -> memref<8x128xf32, #tpu.memory_space<vmem>>
    %dma_start3A_638 = arith.constant 0 : i32
    %dma_start3A_639 = tpu.memref_slice %arg2[%multiple_of3A_632, %dma_start3A_638] : memref<100000x128xf32, #tpu.memory_space<hbm>> -> memref<8x128xf32, #tpu.memory_space<hbm>>
    tpu.enqueue_dma source(%dma_start3A_639 : memref<8x128xf32, #tpu.memory_space<hbm>>) target(%dma_start3A_637 : memref<8x128xf32, #tpu.memory_space<vmem>>) target_semaphore(%arg6 : memref<!tpu.dma_semaphore, #tpu.memory_space<semaphore_mem>>)
    %get3A_640 = arith.constant 0 : index
    %get3A_641 = arith.constant 43 : index
    %get3A_642 = memref.load %arg0[%get3A_640, %get3A_641] : memref<1x128xi32, #tpu.memory_space<smem>>
    %shift_right_arithmetic3A_643 = arith.constant 3 : i32
    %shift_right_arithmetic3A_644 = arith.shrsi %get3A_642, %shift_right_arithmetic3A_643 : i32
    %shift_left3A_645 = arith.constant 3 : i32
    %shift_left3A_646 = arith.shli %shift_right_arithmetic3A_644, %shift_left3A_645 : i32
    %multiple_of3A_647 = tpu.assume_multiple %shift_left3A_646, 8 : i32
    %dma_start3A_648 = arith.constant 43 : i32
    %dma_start3A_649 = arith.constant 0 : i32
    %dma_start3A_650 = arith.constant 0 : i32
    %dma_start3A_651 = tpu.memref_slice %arg5[%dma_start3A_648, %dma_start3A_649, %dma_start3A_650] : memref<128x8x128xf32, #tpu.memory_space<vmem>> -> memref<1x8x128xf32, #tpu.memory_space<vmem>>
    %dma_start3A_652 = tpu.memref_squeeze %dma_start3A_651 : memref<1x8x128xf32, #tpu.memory_space<vmem>> -> memref<8x128xf32, #tpu.memory_space<vmem>>
    %dma_start3A_653 = arith.constant 0 : i32
    %dma_start3A_654 = tpu.memref_slice %arg2[%multiple_of3A_647, %dma_start3A_653] : memref<100000x128xf32, #tpu.memory_space<hbm>> -> memref<8x128xf32, #tpu.memory_space<hbm>>
    tpu.enqueue_dma source(%dma_start3A_654 : memref<8x128xf32, #tpu.memory_space<hbm>>) target(%dma_start3A_652 : memref<8x128xf32, #tpu.memory_space<vmem>>) target_semaphore(%arg6 : memref<!tpu.dma_semaphore, #tpu.memory_space<semaphore_mem>>)
    %get3A_655 = arith.constant 0 : index
    %get3A_656 = arith.constant 44 : index
    %get3A_657 = memref.load %arg0[%get3A_655, %get3A_656] : memref<1x128xi32, #tpu.memory_space<smem>>
    %shift_right_arithmetic3A_658 = arith.constant 3 : i32
    %shift_right_arithmetic3A_659 = arith.shrsi %get3A_657, %shift_right_arithmetic3A_658 : i32
    %shift_left3A_660 = arith.constant 3 : i32
    %shift_left3A_661 = arith.shli %shift_right_arithmetic3A_659, %shift_left3A_660 : i32
    %multiple_of3A_662 = tpu.assume_multiple %shift_left3A_661, 8 : i32
    %dma_start3A_663 = arith.constant 44 : i32
    %dma_start3A_664 = arith.constant 0 : i32
    %dma_start3A_665 = arith.constant 0 : i32
    %dma_start3A_666 = tpu.memref_slice %arg5[%dma_start3A_663, %dma_start3A_664, %dma_start3A_665] : memref<128x8x128xf32, #tpu.memory_space<vmem>> -> memref<1x8x128xf32, #tpu.memory_space<vmem>>
    %dma_start3A_667 = tpu.memref_squeeze %dma_start3A_666 : memref<1x8x128xf32, #tpu.memory_space<vmem>> -> memref<8x128xf32, #tpu.memory_space<vmem>>
    %dma_start3A_668 = arith.constant 0 : i32
    %dma_start3A_669 = tpu.memref_slice %arg2[%multiple_of3A_662, %dma_start3A_668] : memref<100000x128xf32, #tpu.memory_space<hbm>> -> memref<8x128xf32, #tpu.memory_space<hbm>>
    tpu.enqueue_dma source(%dma_start3A_669 : memref<8x128xf32, #tpu.memory_space<hbm>>) target(%dma_start3A_667 : memref<8x128xf32, #tpu.memory_space<vmem>>) target_semaphore(%arg6 : memref<!tpu.dma_semaphore, #tpu.memory_space<semaphore_mem>>)
    %get3A_670 = arith.constant 0 : index
    %get3A_671 = arith.constant 45 : index
    %get3A_672 = memref.load %arg0[%get3A_670, %get3A_671] : memref<1x128xi32, #tpu.memory_space<smem>>
    %shift_right_arithmetic3A_673 = arith.constant 3 : i32
    %shift_right_arithmetic3A_674 = arith.shrsi %get3A_672, %shift_right_arithmetic3A_673 : i32
    %shift_left3A_675 = arith.constant 3 : i32
    %shift_left3A_676 = arith.shli %shift_right_arithmetic3A_674, %shift_left3A_675 : i32
    %multiple_of3A_677 = tpu.assume_multiple %shift_left3A_676, 8 : i32
    %dma_start3A_678 = arith.constant 45 : i32
    %dma_start3A_679 = arith.constant 0 : i32
    %dma_start3A_680 = arith.constant 0 : i32
    %dma_start3A_681 = tpu.memref_slice %arg5[%dma_start3A_678, %dma_start3A_679, %dma_start3A_680] : memref<128x8x128xf32, #tpu.memory_space<vmem>> -> memref<1x8x128xf32, #tpu.memory_space<vmem>>
    %dma_start3A_682 = tpu.memref_squeeze %dma_start3A_681 : memref<1x8x128xf32, #tpu.memory_space<vmem>> -> memref<8x128xf32, #tpu.memory_space<vmem>>
    %dma_start3A_683 = arith.constant 0 : i32
    %dma_start3A_684 = tpu.memref_slice %arg2[%multiple_of3A_677, %dma_start3A_683] : memref<100000x128xf32, #tpu.memory_space<hbm>> -> memref<8x128xf32, #tpu.memory_space<hbm>>
    tpu.enqueue_dma source(%dma_start3A_684 : memref<8x128xf32, #tpu.memory_space<hbm>>) target(%dma_start3A_682 : memref<8x128xf32, #tpu.memory_space<vmem>>) target_semaphore(%arg6 : memref<!tpu.dma_semaphore, #tpu.memory_space<semaphore_mem>>)
    %get3A_685 = arith.constant 0 : index
    %get3A_686 = arith.constant 46 : index
    %get3A_687 = memref.load %arg0[%get3A_685, %get3A_686] : memref<1x128xi32, #tpu.memory_space<smem>>
    %shift_right_arithmetic3A_688 = arith.constant 3 : i32
    %shift_right_arithmetic3A_689 = arith.shrsi %get3A_687, %shift_right_arithmetic3A_688 : i32
    %shift_left3A_690 = arith.constant 3 : i32
    %shift_left3A_691 = arith.shli %shift_right_arithmetic3A_689, %shift_left3A_690 : i32
    %multiple_of3A_692 = tpu.assume_multiple %shift_left3A_691, 8 : i32
    %dma_start3A_693 = arith.constant 46 : i32
    %dma_start3A_694 = arith.constant 0 : i32
    %dma_start3A_695 = arith.constant 0 : i32
    %dma_start3A_696 = tpu.memref_slice %arg5[%dma_start3A_693, %dma_start3A_694, %dma_start3A_695] : memref<128x8x128xf32, #tpu.memory_space<vmem>> -> memref<1x8x128xf32, #tpu.memory_space<vmem>>
    %dma_start3A_697 = tpu.memref_squeeze %dma_start3A_696 : memref<1x8x128xf32, #tpu.memory_space<vmem>> -> memref<8x128xf32, #tpu.memory_space<vmem>>
    %dma_start3A_698 = arith.constant 0 : i32
    %dma_start3A_699 = tpu.memref_slice %arg2[%multiple_of3A_692, %dma_start3A_698] : memref<100000x128xf32, #tpu.memory_space<hbm>> -> memref<8x128xf32, #tpu.memory_space<hbm>>
    tpu.enqueue_dma source(%dma_start3A_699 : memref<8x128xf32, #tpu.memory_space<hbm>>) target(%dma_start3A_697 : memref<8x128xf32, #tpu.memory_space<vmem>>) target_semaphore(%arg6 : memref<!tpu.dma_semaphore, #tpu.memory_space<semaphore_mem>>)
    %get3A_700 = arith.constant 0 : index
    %get3A_701 = arith.constant 47 : index
    %get3A_702 = memref.load %arg0[%get3A_700, %get3A_701] : memref<1x128xi32, #tpu.memory_space<smem>>
    %shift_right_arithmetic3A_703 = arith.constant 3 : i32
    %shift_right_arithmetic3A_704 = arith.shrsi %get3A_702, %shift_right_arithmetic3A_703 : i32
    %shift_left3A_705 = arith.constant 3 : i32
    %shift_left3A_706 = arith.shli %shift_right_arithmetic3A_704, %shift_left3A_705 : i32
    %multiple_of3A_707 = tpu.assume_multiple %shift_left3A_706, 8 : i32
    %dma_start3A_708 = arith.constant 47 : i32
    %dma_start3A_709 = arith.constant 0 : i32
    %dma_start3A_710 = arith.constant 0 : i32
    %dma_start3A_711 = tpu.memref_slice %arg5[%dma_start3A_708, %dma_start3A_709, %dma_start3A_710] : memref<128x8x128xf32, #tpu.memory_space<vmem>> -> memref<1x8x128xf32, #tpu.memory_space<vmem>>
    %dma_start3A_712 = tpu.memref_squeeze %dma_start3A_711 : memref<1x8x128xf32, #tpu.memory_space<vmem>> -> memref<8x128xf32, #tpu.memory_space<vmem>>
    %dma_start3A_713 = arith.constant 0 : i32
    %dma_start3A_714 = tpu.memref_slice %arg2[%multiple_of3A_707, %dma_start3A_713] : memref<100000x128xf32, #tpu.memory_space<hbm>> -> memref<8x128xf32, #tpu.memory_space<hbm>>
    tpu.enqueue_dma source(%dma_start3A_714 : memref<8x128xf32, #tpu.memory_space<hbm>>) target(%dma_start3A_712 : memref<8x128xf32, #tpu.memory_space<vmem>>) target_semaphore(%arg6 : memref<!tpu.dma_semaphore, #tpu.memory_space<semaphore_mem>>)
    %get3A_715 = arith.constant 0 : index
    %get3A_716 = arith.constant 48 : index
    %get3A_717 = memref.load %arg0[%get3A_715, %get3A_716] : memref<1x128xi32, #tpu.memory_space<smem>>
    %shift_right_arithmetic3A_718 = arith.constant 3 : i32
    %shift_right_arithmetic3A_719 = arith.shrsi %get3A_717, %shift_right_arithmetic3A_718 : i32
    %shift_left3A_720 = arith.constant 3 : i32
    %shift_left3A_721 = arith.shli %shift_right_arithmetic3A_719, %shift_left3A_720 : i32
    %multiple_of3A_722 = tpu.assume_multiple %shift_left3A_721, 8 : i32
    %dma_start3A_723 = arith.constant 48 : i32
    %dma_start3A_724 = arith.constant 0 : i32
    %dma_start3A_725 = arith.constant 0 : i32
    %dma_start3A_726 = tpu.memref_slice %arg5[%dma_start3A_723, %dma_start3A_724, %dma_start3A_725] : memref<128x8x128xf32, #tpu.memory_space<vmem>> -> memref<1x8x128xf32, #tpu.memory_space<vmem>>
    %dma_start3A_727 = tpu.memref_squeeze %dma_start3A_726 : memref<1x8x128xf32, #tpu.memory_space<vmem>> -> memref<8x128xf32, #tpu.memory_space<vmem>>
    %dma_start3A_728 = arith.constant 0 : i32
    %dma_start3A_729 = tpu.memref_slice %arg2[%multiple_of3A_722, %dma_start3A_728] : memref<100000x128xf32, #tpu.memory_space<hbm>> -> memref<8x128xf32, #tpu.memory_space<hbm>>
    tpu.enqueue_dma source(%dma_start3A_729 : memref<8x128xf32, #tpu.memory_space<hbm>>) target(%dma_start3A_727 : memref<8x128xf32, #tpu.memory_space<vmem>>) target_semaphore(%arg6 : memref<!tpu.dma_semaphore, #tpu.memory_space<semaphore_mem>>)
    %get3A_730 = arith.constant 0 : index
    %get3A_731 = arith.constant 49 : index
    %get3A_732 = memref.load %arg0[%get3A_730, %get3A_731] : memref<1x128xi32, #tpu.memory_space<smem>>
    %shift_right_arithmetic3A_733 = arith.constant 3 : i32
    %shift_right_arithmetic3A_734 = arith.shrsi %get3A_732, %shift_right_arithmetic3A_733 : i32
    %shift_left3A_735 = arith.constant 3 : i32
    %shift_left3A_736 = arith.shli %shift_right_arithmetic3A_734, %shift_left3A_735 : i32
    %multiple_of3A_737 = tpu.assume_multiple %shift_left3A_736, 8 : i32
    %dma_start3A_738 = arith.constant 49 : i32
    %dma_start3A_739 = arith.constant 0 : i32
    %dma_start3A_740 = arith.constant 0 : i32
    %dma_start3A_741 = tpu.memref_slice %arg5[%dma_start3A_738, %dma_start3A_739, %dma_start3A_740] : memref<128x8x128xf32, #tpu.memory_space<vmem>> -> memref<1x8x128xf32, #tpu.memory_space<vmem>>
    %dma_start3A_742 = tpu.memref_squeeze %dma_start3A_741 : memref<1x8x128xf32, #tpu.memory_space<vmem>> -> memref<8x128xf32, #tpu.memory_space<vmem>>
    %dma_start3A_743 = arith.constant 0 : i32
    %dma_start3A_744 = tpu.memref_slice %arg2[%multiple_of3A_737, %dma_start3A_743] : memref<100000x128xf32, #tpu.memory_space<hbm>> -> memref<8x128xf32, #tpu.memory_space<hbm>>
    tpu.enqueue_dma source(%dma_start3A_744 : memref<8x128xf32, #tpu.memory_space<hbm>>) target(%dma_start3A_742 : memref<8x128xf32, #tpu.memory_space<vmem>>) target_semaphore(%arg6 : memref<!tpu.dma_semaphore, #tpu.memory_space<semaphore_mem>>)
    %get3A_745 = arith.constant 0 : index
    %get3A_746 = arith.constant 50 : index
    %get3A_747 = memref.load %arg0[%get3A_745, %get3A_746] : memref<1x128xi32, #tpu.memory_space<smem>>
    %shift_right_arithmetic3A_748 = arith.constant 3 : i32
    %shift_right_arithmetic3A_749 = arith.shrsi %get3A_747, %shift_right_arithmetic3A_748 : i32
    %shift_left3A_750 = arith.constant 3 : i32
    %shift_left3A_751 = arith.shli %shift_right_arithmetic3A_749, %shift_left3A_750 : i32
    %multiple_of3A_752 = tpu.assume_multiple %shift_left3A_751, 8 : i32
    %dma_start3A_753 = arith.constant 50 : i32
    %dma_start3A_754 = arith.constant 0 : i32
    %dma_start3A_755 = arith.constant 0 : i32
    %dma_start3A_756 = tpu.memref_slice %arg5[%dma_start3A_753, %dma_start3A_754, %dma_start3A_755] : memref<128x8x128xf32, #tpu.memory_space<vmem>> -> memref<1x8x128xf32, #tpu.memory_space<vmem>>
    %dma_start3A_757 = tpu.memref_squeeze %dma_start3A_756 : memref<1x8x128xf32, #tpu.memory_space<vmem>> -> memref<8x128xf32, #tpu.memory_space<vmem>>
    %dma_start3A_758 = arith.constant 0 : i32
    %dma_start3A_759 = tpu.memref_slice %arg2[%multiple_of3A_752, %dma_start3A_758] : memref<100000x128xf32, #tpu.memory_space<hbm>> -> memref<8x128xf32, #tpu.memory_space<hbm>>
    tpu.enqueue_dma source(%dma_start3A_759 : memref<8x128xf32, #tpu.memory_space<hbm>>) target(%dma_start3A_757 : memref<8x128xf32, #tpu.memory_space<vmem>>) target_semaphore(%arg6 : memref<!tpu.dma_semaphore, #tpu.memory_space<semaphore_mem>>)
    %get3A_760 = arith.constant 0 : index
    %get3A_761 = arith.constant 51 : index
    %get3A_762 = memref.load %arg0[%get3A_760, %get3A_761] : memref<1x128xi32, #tpu.memory_space<smem>>
    %shift_right_arithmetic3A_763 = arith.constant 3 : i32
    %shift_right_arithmetic3A_764 = arith.shrsi %get3A_762, %shift_right_arithmetic3A_763 : i32
    %shift_left3A_765 = arith.constant 3 : i32
    %shift_left3A_766 = arith.shli %shift_right_arithmetic3A_764, %shift_left3A_765 : i32
    %multiple_of3A_767 = tpu.assume_multiple %shift_left3A_766, 8 : i32
    %dma_start3A_768 = arith.constant 51 : i32
    %dma_start3A_769 = arith.constant 0 : i32
    %dma_start3A_770 = arith.constant 0 : i32
    %dma_start3A_771 = tpu.memref_slice %arg5[%dma_start3A_768, %dma_start3A_769, %dma_start3A_770] : memref<128x8x128xf32, #tpu.memory_space<vmem>> -> memref<1x8x128xf32, #tpu.memory_space<vmem>>
    %dma_start3A_772 = tpu.memref_squeeze %dma_start3A_771 : memref<1x8x128xf32, #tpu.memory_space<vmem>> -> memref<8x128xf32, #tpu.memory_space<vmem>>
    %dma_start3A_773 = arith.constant 0 : i32
    %dma_start3A_774 = tpu.memref_slice %arg2[%multiple_of3A_767, %dma_start3A_773] : memref<100000x128xf32, #tpu.memory_space<hbm>> -> memref<8x128xf32, #tpu.memory_space<hbm>>
    tpu.enqueue_dma source(%dma_start3A_774 : memref<8x128xf32, #tpu.memory_space<hbm>>) target(%dma_start3A_772 : memref<8x128xf32, #tpu.memory_space<vmem>>) target_semaphore(%arg6 : memref<!tpu.dma_semaphore, #tpu.memory_space<semaphore_mem>>)
    %get3A_775 = arith.constant 0 : index
    %get3A_776 = arith.constant 52 : index
    %get3A_777 = memref.load %arg0[%get3A_775, %get3A_776] : memref<1x128xi32, #tpu.memory_space<smem>>
    %shift_right_arithmetic3A_778 = arith.constant 3 : i32
    %shift_right_arithmetic3A_779 = arith.shrsi %get3A_777, %shift_right_arithmetic3A_778 : i32
    %shift_left3A_780 = arith.constant 3 : i32
    %shift_left3A_781 = arith.shli %shift_right_arithmetic3A_779, %shift_left3A_780 : i32
    %multiple_of3A_782 = tpu.assume_multiple %shift_left3A_781, 8 : i32
    %dma_start3A_783 = arith.constant 52 : i32
    %dma_start3A_784 = arith.constant 0 : i32
    %dma_start3A_785 = arith.constant 0 : i32
    %dma_start3A_786 = tpu.memref_slice %arg5[%dma_start3A_783, %dma_start3A_784, %dma_start3A_785] : memref<128x8x128xf32, #tpu.memory_space<vmem>> -> memref<1x8x128xf32, #tpu.memory_space<vmem>>
    %dma_start3A_787 = tpu.memref_squeeze %dma_start3A_786 : memref<1x8x128xf32, #tpu.memory_space<vmem>> -> memref<8x128xf32, #tpu.memory_space<vmem>>
    %dma_start3A_788 = arith.constant 0 : i32
    %dma_start3A_789 = tpu.memref_slice %arg2[%multiple_of3A_782, %dma_start3A_788] : memref<100000x128xf32, #tpu.memory_space<hbm>> -> memref<8x128xf32, #tpu.memory_space<hbm>>
    tpu.enqueue_dma source(%dma_start3A_789 : memref<8x128xf32, #tpu.memory_space<hbm>>) target(%dma_start3A_787 : memref<8x128xf32, #tpu.memory_space<vmem>>) target_semaphore(%arg6 : memref<!tpu.dma_semaphore, #tpu.memory_space<semaphore_mem>>)
    %get3A_790 = arith.constant 0 : index
    %get3A_791 = arith.constant 53 : index
    %get3A_792 = memref.load %arg0[%get3A_790, %get3A_791] : memref<1x128xi32, #tpu.memory_space<smem>>
    %shift_right_arithmetic3A_793 = arith.constant 3 : i32
    %shift_right_arithmetic3A_794 = arith.shrsi %get3A_792, %shift_right_arithmetic3A_793 : i32
    %shift_left3A_795 = arith.constant 3 : i32
    %shift_left3A_796 = arith.shli %shift_right_arithmetic3A_794, %shift_left3A_795 : i32
    %multiple_of3A_797 = tpu.assume_multiple %shift_left3A_796, 8 : i32
    %dma_start3A_798 = arith.constant 53 : i32
    %dma_start3A_799 = arith.constant 0 : i32
    %dma_start3A_800 = arith.constant 0 : i32
    %dma_start3A_801 = tpu.memref_slice %arg5[%dma_start3A_798, %dma_start3A_799, %dma_start3A_800] : memref<128x8x128xf32, #tpu.memory_space<vmem>> -> memref<1x8x128xf32, #tpu.memory_space<vmem>>
    %dma_start3A_802 = tpu.memref_squeeze %dma_start3A_801 : memref<1x8x128xf32, #tpu.memory_space<vmem>> -> memref<8x128xf32, #tpu.memory_space<vmem>>
    %dma_start3A_803 = arith.constant 0 : i32
    %dma_start3A_804 = tpu.memref_slice %arg2[%multiple_of3A_797, %dma_start3A_803] : memref<100000x128xf32, #tpu.memory_space<hbm>> -> memref<8x128xf32, #tpu.memory_space<hbm>>
    tpu.enqueue_dma source(%dma_start3A_804 : memref<8x128xf32, #tpu.memory_space<hbm>>) target(%dma_start3A_802 : memref<8x128xf32, #tpu.memory_space<vmem>>) target_semaphore(%arg6 : memref<!tpu.dma_semaphore, #tpu.memory_space<semaphore_mem>>)
    %get3A_805 = arith.constant 0 : index
    %get3A_806 = arith.constant 54 : index
    %get3A_807 = memref.load %arg0[%get3A_805, %get3A_806] : memref<1x128xi32, #tpu.memory_space<smem>>
    %shift_right_arithmetic3A_808 = arith.constant 3 : i32
    %shift_right_arithmetic3A_809 = arith.shrsi %get3A_807, %shift_right_arithmetic3A_808 : i32
    %shift_left3A_810 = arith.constant 3 : i32
    %shift_left3A_811 = arith.shli %shift_right_arithmetic3A_809, %shift_left3A_810 : i32
    %multiple_of3A_812 = tpu.assume_multiple %shift_left3A_811, 8 : i32
    %dma_start3A_813 = arith.constant 54 : i32
    %dma_start3A_814 = arith.constant 0 : i32
    %dma_start3A_815 = arith.constant 0 : i32
    %dma_start3A_816 = tpu.memref_slice %arg5[%dma_start3A_813, %dma_start3A_814, %dma_start3A_815] : memref<128x8x128xf32, #tpu.memory_space<vmem>> -> memref<1x8x128xf32, #tpu.memory_space<vmem>>
    %dma_start3A_817 = tpu.memref_squeeze %dma_start3A_816 : memref<1x8x128xf32, #tpu.memory_space<vmem>> -> memref<8x128xf32, #tpu.memory_space<vmem>>
    %dma_start3A_818 = arith.constant 0 : i32
    %dma_start3A_819 = tpu.memref_slice %arg2[%multiple_of3A_812, %dma_start3A_818] : memref<100000x128xf32, #tpu.memory_space<hbm>> -> memref<8x128xf32, #tpu.memory_space<hbm>>
    tpu.enqueue_dma source(%dma_start3A_819 : memref<8x128xf32, #tpu.memory_space<hbm>>) target(%dma_start3A_817 : memref<8x128xf32, #tpu.memory_space<vmem>>) target_semaphore(%arg6 : memref<!tpu.dma_semaphore, #tpu.memory_space<semaphore_mem>>)
    %get3A_820 = arith.constant 0 : index
    %get3A_821 = arith.constant 55 : index
    %get3A_822 = memref.load %arg0[%get3A_820, %get3A_821] : memref<1x128xi32, #tpu.memory_space<smem>>
    %shift_right_arithmetic3A_823 = arith.constant 3 : i32
    %shift_right_arithmetic3A_824 = arith.shrsi %get3A_822, %shift_right_arithmetic3A_823 : i32
    %shift_left3A_825 = arith.constant 3 : i32
    %shift_left3A_826 = arith.shli %shift_right_arithmetic3A_824, %shift_left3A_825 : i32
    %multiple_of3A_827 = tpu.assume_multiple %shift_left3A_826, 8 : i32
    %dma_start3A_828 = arith.constant 55 : i32
    %dma_start3A_829 = arith.constant 0 : i32
    %dma_start3A_830 = arith.constant 0 : i32
    %dma_start3A_831 = tpu.memref_slice %arg5[%dma_start3A_828, %dma_start3A_829, %dma_start3A_830] : memref<128x8x128xf32, #tpu.memory_space<vmem>> -> memref<1x8x128xf32, #tpu.memory_space<vmem>>
    %dma_start3A_832 = tpu.memref_squeeze %dma_start3A_831 : memref<1x8x128xf32, #tpu.memory_space<vmem>> -> memref<8x128xf32, #tpu.memory_space<vmem>>
    %dma_start3A_833 = arith.constant 0 : i32
    %dma_start3A_834 = tpu.memref_slice %arg2[%multiple_of3A_827, %dma_start3A_833] : memref<100000x128xf32, #tpu.memory_space<hbm>> -> memref<8x128xf32, #tpu.memory_space<hbm>>
    tpu.enqueue_dma source(%dma_start3A_834 : memref<8x128xf32, #tpu.memory_space<hbm>>) target(%dma_start3A_832 : memref<8x128xf32, #tpu.memory_space<vmem>>) target_semaphore(%arg6 : memref<!tpu.dma_semaphore, #tpu.memory_space<semaphore_mem>>)
    %get3A_835 = arith.constant 0 : index
    %get3A_836 = arith.constant 56 : index
    %get3A_837 = memref.load %arg0[%get3A_835, %get3A_836] : memref<1x128xi32, #tpu.memory_space<smem>>
    %shift_right_arithmetic3A_838 = arith.constant 3 : i32
    %shift_right_arithmetic3A_839 = arith.shrsi %get3A_837, %shift_right_arithmetic3A_838 : i32
    %shift_left3A_840 = arith.constant 3 : i32
    %shift_left3A_841 = arith.shli %shift_right_arithmetic3A_839, %shift_left3A_840 : i32
    %multiple_of3A_842 = tpu.assume_multiple %shift_left3A_841, 8 : i32
    %dma_start3A_843 = arith.constant 56 : i32
    %dma_start3A_844 = arith.constant 0 : i32
    %dma_start3A_845 = arith.constant 0 : i32
    %dma_start3A_846 = tpu.memref_slice %arg5[%dma_start3A_843, %dma_start3A_844, %dma_start3A_845] : memref<128x8x128xf32, #tpu.memory_space<vmem>> -> memref<1x8x128xf32, #tpu.memory_space<vmem>>
    %dma_start3A_847 = tpu.memref_squeeze %dma_start3A_846 : memref<1x8x128xf32, #tpu.memory_space<vmem>> -> memref<8x128xf32, #tpu.memory_space<vmem>>
    %dma_start3A_848 = arith.constant 0 : i32
    %dma_start3A_849 = tpu.memref_slice %arg2[%multiple_of3A_842, %dma_start3A_848] : memref<100000x128xf32, #tpu.memory_space<hbm>> -> memref<8x128xf32, #tpu.memory_space<hbm>>
    tpu.enqueue_dma source(%dma_start3A_849 : memref<8x128xf32, #tpu.memory_space<hbm>>) target(%dma_start3A_847 : memref<8x128xf32, #tpu.memory_space<vmem>>) target_semaphore(%arg6 : memref<!tpu.dma_semaphore, #tpu.memory_space<semaphore_mem>>)
    %get3A_850 = arith.constant 0 : index
    %get3A_851 = arith.constant 57 : index
    %get3A_852 = memref.load %arg0[%get3A_850, %get3A_851] : memref<1x128xi32, #tpu.memory_space<smem>>
    %shift_right_arithmetic3A_853 = arith.constant 3 : i32
    %shift_right_arithmetic3A_854 = arith.shrsi %get3A_852, %shift_right_arithmetic3A_853 : i32
    %shift_left3A_855 = arith.constant 3 : i32
    %shift_left3A_856 = arith.shli %shift_right_arithmetic3A_854, %shift_left3A_855 : i32
    %multiple_of3A_857 = tpu.assume_multiple %shift_left3A_856, 8 : i32
    %dma_start3A_858 = arith.constant 57 : i32
    %dma_start3A_859 = arith.constant 0 : i32
    %dma_start3A_860 = arith.constant 0 : i32
    %dma_start3A_861 = tpu.memref_slice %arg5[%dma_start3A_858, %dma_start3A_859, %dma_start3A_860] : memref<128x8x128xf32, #tpu.memory_space<vmem>> -> memref<1x8x128xf32, #tpu.memory_space<vmem>>
    %dma_start3A_862 = tpu.memref_squeeze %dma_start3A_861 : memref<1x8x128xf32, #tpu.memory_space<vmem>> -> memref<8x128xf32, #tpu.memory_space<vmem>>
    %dma_start3A_863 = arith.constant 0 : i32
    %dma_start3A_864 = tpu.memref_slice %arg2[%multiple_of3A_857, %dma_start3A_863] : memref<100000x128xf32, #tpu.memory_space<hbm>> -> memref<8x128xf32, #tpu.memory_space<hbm>>
    tpu.enqueue_dma source(%dma_start3A_864 : memref<8x128xf32, #tpu.memory_space<hbm>>) target(%dma_start3A_862 : memref<8x128xf32, #tpu.memory_space<vmem>>) target_semaphore(%arg6 : memref<!tpu.dma_semaphore, #tpu.memory_space<semaphore_mem>>)
    %get3A_865 = arith.constant 0 : index
    %get3A_866 = arith.constant 58 : index
    %get3A_867 = memref.load %arg0[%get3A_865, %get3A_866] : memref<1x128xi32, #tpu.memory_space<smem>>
    %shift_right_arithmetic3A_868 = arith.constant 3 : i32
    %shift_right_arithmetic3A_869 = arith.shrsi %get3A_867, %shift_right_arithmetic3A_868 : i32
    %shift_left3A_870 = arith.constant 3 : i32
    %shift_left3A_871 = arith.shli %shift_right_arithmetic3A_869, %shift_left3A_870 : i32
    %multiple_of3A_872 = tpu.assume_multiple %shift_left3A_871, 8 : i32
    %dma_start3A_873 = arith.constant 58 : i32
    %dma_start3A_874 = arith.constant 0 : i32
    %dma_start3A_875 = arith.constant 0 : i32
    %dma_start3A_876 = tpu.memref_slice %arg5[%dma_start3A_873, %dma_start3A_874, %dma_start3A_875] : memref<128x8x128xf32, #tpu.memory_space<vmem>> -> memref<1x8x128xf32, #tpu.memory_space<vmem>>
    %dma_start3A_877 = tpu.memref_squeeze %dma_start3A_876 : memref<1x8x128xf32, #tpu.memory_space<vmem>> -> memref<8x128xf32, #tpu.memory_space<vmem>>
    %dma_start3A_878 = arith.constant 0 : i32
    %dma_start3A_879 = tpu.memref_slice %arg2[%multiple_of3A_872, %dma_start3A_878] : memref<100000x128xf32, #tpu.memory_space<hbm>> -> memref<8x128xf32, #tpu.memory_space<hbm>>
    tpu.enqueue_dma source(%dma_start3A_879 : memref<8x128xf32, #tpu.memory_space<hbm>>) target(%dma_start3A_877 : memref<8x128xf32, #tpu.memory_space<vmem>>) target_semaphore(%arg6 : memref<!tpu.dma_semaphore, #tpu.memory_space<semaphore_mem>>)
    %get3A_880 = arith.constant 0 : index
    %get3A_881 = arith.constant 59 : index
    %get3A_882 = memref.load %arg0[%get3A_880, %get3A_881] : memref<1x128xi32, #tpu.memory_space<smem>>
    %shift_right_arithmetic3A_883 = arith.constant 3 : i32
    %shift_right_arithmetic3A_884 = arith.shrsi %get3A_882, %shift_right_arithmetic3A_883 : i32
    %shift_left3A_885 = arith.constant 3 : i32
    %shift_left3A_886 = arith.shli %shift_right_arithmetic3A_884, %shift_left3A_885 : i32
    %multiple_of3A_887 = tpu.assume_multiple %shift_left3A_886, 8 : i32
    %dma_start3A_888 = arith.constant 59 : i32
    %dma_start3A_889 = arith.constant 0 : i32
    %dma_start3A_890 = arith.constant 0 : i32
    %dma_start3A_891 = tpu.memref_slice %arg5[%dma_start3A_888, %dma_start3A_889, %dma_start3A_890] : memref<128x8x128xf32, #tpu.memory_space<vmem>> -> memref<1x8x128xf32, #tpu.memory_space<vmem>>
    %dma_start3A_892 = tpu.memref_squeeze %dma_start3A_891 : memref<1x8x128xf32, #tpu.memory_space<vmem>> -> memref<8x128xf32, #tpu.memory_space<vmem>>
    %dma_start3A_893 = arith.constant 0 : i32
    %dma_start3A_894 = tpu.memref_slice %arg2[%multiple_of3A_887, %dma_start3A_893] : memref<100000x128xf32, #tpu.memory_space<hbm>> -> memref<8x128xf32, #tpu.memory_space<hbm>>
    tpu.enqueue_dma source(%dma_start3A_894 : memref<8x128xf32, #tpu.memory_space<hbm>>) target(%dma_start3A_892 : memref<8x128xf32, #tpu.memory_space<vmem>>) target_semaphore(%arg6 : memref<!tpu.dma_semaphore, #tpu.memory_space<semaphore_mem>>)
    %get3A_895 = arith.constant 0 : index
    %get3A_896 = arith.constant 60 : index
    %get3A_897 = memref.load %arg0[%get3A_895, %get3A_896] : memref<1x128xi32, #tpu.memory_space<smem>>
    %shift_right_arithmetic3A_898 = arith.constant 3 : i32
    %shift_right_arithmetic3A_899 = arith.shrsi %get3A_897, %shift_right_arithmetic3A_898 : i32
    %shift_left3A_900 = arith.constant 3 : i32
    %shift_left3A_901 = arith.shli %shift_right_arithmetic3A_899, %shift_left3A_900 : i32
    %multiple_of3A_902 = tpu.assume_multiple %shift_left3A_901, 8 : i32
    %dma_start3A_903 = arith.constant 60 : i32
    %dma_start3A_904 = arith.constant 0 : i32
    %dma_start3A_905 = arith.constant 0 : i32
    %dma_start3A_906 = tpu.memref_slice %arg5[%dma_start3A_903, %dma_start3A_904, %dma_start3A_905] : memref<128x8x128xf32, #tpu.memory_space<vmem>> -> memref<1x8x128xf32, #tpu.memory_space<vmem>>
    %dma_start3A_907 = tpu.memref_squeeze %dma_start3A_906 : memref<1x8x128xf32, #tpu.memory_space<vmem>> -> memref<8x128xf32, #tpu.memory_space<vmem>>
    %dma_start3A_908 = arith.constant 0 : i32
    %dma_start3A_909 = tpu.memref_slice %arg2[%multiple_of3A_902, %dma_start3A_908] : memref<100000x128xf32, #tpu.memory_space<hbm>> -> memref<8x128xf32, #tpu.memory_space<hbm>>
    tpu.enqueue_dma source(%dma_start3A_909 : memref<8x128xf32, #tpu.memory_space<hbm>>) target(%dma_start3A_907 : memref<8x128xf32, #tpu.memory_space<vmem>>) target_semaphore(%arg6 : memref<!tpu.dma_semaphore, #tpu.memory_space<semaphore_mem>>)
    %get3A_910 = arith.constant 0 : index
    %get3A_911 = arith.constant 61 : index
    %get3A_912 = memref.load %arg0[%get3A_910, %get3A_911] : memref<1x128xi32, #tpu.memory_space<smem>>
    %shift_right_arithmetic3A_913 = arith.constant 3 : i32
    %shift_right_arithmetic3A_914 = arith.shrsi %get3A_912, %shift_right_arithmetic3A_913 : i32
    %shift_left3A_915 = arith.constant 3 : i32
    %shift_left3A_916 = arith.shli %shift_right_arithmetic3A_914, %shift_left3A_915 : i32
    %multiple_of3A_917 = tpu.assume_multiple %shift_left3A_916, 8 : i32
    %dma_start3A_918 = arith.constant 61 : i32
    %dma_start3A_919 = arith.constant 0 : i32
    %dma_start3A_920 = arith.constant 0 : i32
    %dma_start3A_921 = tpu.memref_slice %arg5[%dma_start3A_918, %dma_start3A_919, %dma_start3A_920] : memref<128x8x128xf32, #tpu.memory_space<vmem>> -> memref<1x8x128xf32, #tpu.memory_space<vmem>>
    %dma_start3A_922 = tpu.memref_squeeze %dma_start3A_921 : memref<1x8x128xf32, #tpu.memory_space<vmem>> -> memref<8x128xf32, #tpu.memory_space<vmem>>
    %dma_start3A_923 = arith.constant 0 : i32
    %dma_start3A_924 = tpu.memref_slice %arg2[%multiple_of3A_917, %dma_start3A_923] : memref<100000x128xf32, #tpu.memory_space<hbm>> -> memref<8x128xf32, #tpu.memory_space<hbm>>
    tpu.enqueue_dma source(%dma_start3A_924 : memref<8x128xf32, #tpu.memory_space<hbm>>) target(%dma_start3A_922 : memref<8x128xf32, #tpu.memory_space<vmem>>) target_semaphore(%arg6 : memref<!tpu.dma_semaphore, #tpu.memory_space<semaphore_mem>>)
    %get3A_925 = arith.constant 0 : index
    %get3A_926 = arith.constant 62 : index
    %get3A_927 = memref.load %arg0[%get3A_925, %get3A_926] : memref<1x128xi32, #tpu.memory_space<smem>>
    %shift_right_arithmetic3A_928 = arith.constant 3 : i32
    %shift_right_arithmetic3A_929 = arith.shrsi %get3A_927, %shift_right_arithmetic3A_928 : i32
    %shift_left3A_930 = arith.constant 3 : i32
    %shift_left3A_931 = arith.shli %shift_right_arithmetic3A_929, %shift_left3A_930 : i32
    %multiple_of3A_932 = tpu.assume_multiple %shift_left3A_931, 8 : i32
    %dma_start3A_933 = arith.constant 62 : i32
    %dma_start3A_934 = arith.constant 0 : i32
    %dma_start3A_935 = arith.constant 0 : i32
    %dma_start3A_936 = tpu.memref_slice %arg5[%dma_start3A_933, %dma_start3A_934, %dma_start3A_935] : memref<128x8x128xf32, #tpu.memory_space<vmem>> -> memref<1x8x128xf32, #tpu.memory_space<vmem>>
    %dma_start3A_937 = tpu.memref_squeeze %dma_start3A_936 : memref<1x8x128xf32, #tpu.memory_space<vmem>> -> memref<8x128xf32, #tpu.memory_space<vmem>>
    %dma_start3A_938 = arith.constant 0 : i32
    %dma_start3A_939 = tpu.memref_slice %arg2[%multiple_of3A_932, %dma_start3A_938] : memref<100000x128xf32, #tpu.memory_space<hbm>> -> memref<8x128xf32, #tpu.memory_space<hbm>>
    tpu.enqueue_dma source(%dma_start3A_939 : memref<8x128xf32, #tpu.memory_space<hbm>>) target(%dma_start3A_937 : memref<8x128xf32, #tpu.memory_space<vmem>>) target_semaphore(%arg6 : memref<!tpu.dma_semaphore, #tpu.memory_space<semaphore_mem>>)
    %get3A_940 = arith.constant 0 : index
    %get3A_941 = arith.constant 63 : index
    %get3A_942 = memref.load %arg0[%get3A_940, %get3A_941] : memref<1x128xi32, #tpu.memory_space<smem>>
    %shift_right_arithmetic3A_943 = arith.constant 3 : i32
    %shift_right_arithmetic3A_944 = arith.shrsi %get3A_942, %shift_right_arithmetic3A_943 : i32
    %shift_left3A_945 = arith.constant 3 : i32
    %shift_left3A_946 = arith.shli %shift_right_arithmetic3A_944, %shift_left3A_945 : i32
    %multiple_of3A_947 = tpu.assume_multiple %shift_left3A_946, 8 : i32
    %dma_start3A_948 = arith.constant 63 : i32
    %dma_start3A_949 = arith.constant 0 : i32
    %dma_start3A_950 = arith.constant 0 : i32
    %dma_start3A_951 = tpu.memref_slice %arg5[%dma_start3A_948, %dma_start3A_949, %dma_start3A_950] : memref<128x8x128xf32, #tpu.memory_space<vmem>> -> memref<1x8x128xf32, #tpu.memory_space<vmem>>
    %dma_start3A_952 = tpu.memref_squeeze %dma_start3A_951 : memref<1x8x128xf32, #tpu.memory_space<vmem>> -> memref<8x128xf32, #tpu.memory_space<vmem>>
    %dma_start3A_953 = arith.constant 0 : i32
    %dma_start3A_954 = tpu.memref_slice %arg2[%multiple_of3A_947, %dma_start3A_953] : memref<100000x128xf32, #tpu.memory_space<hbm>> -> memref<8x128xf32, #tpu.memory_space<hbm>>
    tpu.enqueue_dma source(%dma_start3A_954 : memref<8x128xf32, #tpu.memory_space<hbm>>) target(%dma_start3A_952 : memref<8x128xf32, #tpu.memory_space<vmem>>) target_semaphore(%arg6 : memref<!tpu.dma_semaphore, #tpu.memory_space<semaphore_mem>>)
    %get3A_955 = arith.constant 0 : index
    %get3A_956 = arith.constant 64 : index
    %get3A_957 = memref.load %arg0[%get3A_955, %get3A_956] : memref<1x128xi32, #tpu.memory_space<smem>>
    %shift_right_arithmetic3A_958 = arith.constant 3 : i32
    %shift_right_arithmetic3A_959 = arith.shrsi %get3A_957, %shift_right_arithmetic3A_958 : i32
    %shift_left3A_960 = arith.constant 3 : i32
    %shift_left3A_961 = arith.shli %shift_right_arithmetic3A_959, %shift_left3A_960 : i32
    %multiple_of3A_962 = tpu.assume_multiple %shift_left3A_961, 8 : i32
    %dma_start3A_963 = arith.constant 64 : i32
    %dma_start3A_964 = arith.constant 0 : i32
    %dma_start3A_965 = arith.constant 0 : i32
    %dma_start3A_966 = tpu.memref_slice %arg5[%dma_start3A_963, %dma_start3A_964, %dma_start3A_965] : memref<128x8x128xf32, #tpu.memory_space<vmem>> -> memref<1x8x128xf32, #tpu.memory_space<vmem>>
    %dma_start3A_967 = tpu.memref_squeeze %dma_start3A_966 : memref<1x8x128xf32, #tpu.memory_space<vmem>> -> memref<8x128xf32, #tpu.memory_space<vmem>>
    %dma_start3A_968 = arith.constant 0 : i32
    %dma_start3A_969 = tpu.memref_slice %arg2[%multiple_of3A_962, %dma_start3A_968] : memref<100000x128xf32, #tpu.memory_space<hbm>> -> memref<8x128xf32, #tpu.memory_space<hbm>>
    tpu.enqueue_dma source(%dma_start3A_969 : memref<8x128xf32, #tpu.memory_space<hbm>>) target(%dma_start3A_967 : memref<8x128xf32, #tpu.memory_space<vmem>>) target_semaphore(%arg6 : memref<!tpu.dma_semaphore, #tpu.memory_space<semaphore_mem>>)
    %get3A_970 = arith.constant 0 : index
    %get3A_971 = arith.constant 65 : index
    %get3A_972 = memref.load %arg0[%get3A_970, %get3A_971] : memref<1x128xi32, #tpu.memory_space<smem>>
    %shift_right_arithmetic3A_973 = arith.constant 3 : i32
    %shift_right_arithmetic3A_974 = arith.shrsi %get3A_972, %shift_right_arithmetic3A_973 : i32
    %shift_left3A_975 = arith.constant 3 : i32
    %shift_left3A_976 = arith.shli %shift_right_arithmetic3A_974, %shift_left3A_975 : i32
    %multiple_of3A_977 = tpu.assume_multiple %shift_left3A_976, 8 : i32
    %dma_start3A_978 = arith.constant 65 : i32
    %dma_start3A_979 = arith.constant 0 : i32
    %dma_start3A_980 = arith.constant 0 : i32
    %dma_start3A_981 = tpu.memref_slice %arg5[%dma_start3A_978, %dma_start3A_979, %dma_start3A_980] : memref<128x8x128xf32, #tpu.memory_space<vmem>> -> memref<1x8x128xf32, #tpu.memory_space<vmem>>
    %dma_start3A_982 = tpu.memref_squeeze %dma_start3A_981 : memref<1x8x128xf32, #tpu.memory_space<vmem>> -> memref<8x128xf32, #tpu.memory_space<vmem>>
    %dma_start3A_983 = arith.constant 0 : i32
    %dma_start3A_984 = tpu.memref_slice %arg2[%multiple_of3A_977, %dma_start3A_983] : memref<100000x128xf32, #tpu.memory_space<hbm>> -> memref<8x128xf32, #tpu.memory_space<hbm>>
    tpu.enqueue_dma source(%dma_start3A_984 : memref<8x128xf32, #tpu.memory_space<hbm>>) target(%dma_start3A_982 : memref<8x128xf32, #tpu.memory_space<vmem>>) target_semaphore(%arg6 : memref<!tpu.dma_semaphore, #tpu.memory_space<semaphore_mem>>)
    %get3A_985 = arith.constant 0 : index
    %get3A_986 = arith.constant 66 : index
    %get3A_987 = memref.load %arg0[%get3A_985, %get3A_986] : memref<1x128xi32, #tpu.memory_space<smem>>
    %shift_right_arithmetic3A_988 = arith.constant 3 : i32
    %shift_right_arithmetic3A_989 = arith.shrsi %get3A_987, %shift_right_arithmetic3A_988 : i32
    %shift_left3A_990 = arith.constant 3 : i32
    %shift_left3A_991 = arith.shli %shift_right_arithmetic3A_989, %shift_left3A_990 : i32
    %multiple_of3A_992 = tpu.assume_multiple %shift_left3A_991, 8 : i32
    %dma_start3A_993 = arith.constant 66 : i32
    %dma_start3A_994 = arith.constant 0 : i32
    %dma_start3A_995 = arith.constant 0 : i32
    %dma_start3A_996 = tpu.memref_slice %arg5[%dma_start3A_993, %dma_start3A_994, %dma_start3A_995] : memref<128x8x128xf32, #tpu.memory_space<vmem>> -> memref<1x8x128xf32, #tpu.memory_space<vmem>>
    %dma_start3A_997 = tpu.memref_squeeze %dma_start3A_996 : memref<1x8x128xf32, #tpu.memory_space<vmem>> -> memref<8x128xf32, #tpu.memory_space<vmem>>
    %dma_start3A_998 = arith.constant 0 : i32
    %dma_start3A_999 = tpu.memref_slice %arg2[%multiple_of3A_992, %dma_start3A_998] : memref<100000x128xf32, #tpu.memory_space<hbm>> -> memref<8x128xf32, #tpu.memory_space<hbm>>
    tpu.enqueue_dma source(%dma_start3A_999 : memref<8x128xf32, #tpu.memory_space<hbm>>) target(%dma_start3A_997 : memref<8x128xf32, #tpu.memory_space<vmem>>) target_semaphore(%arg6 : memref<!tpu.dma_semaphore, #tpu.memory_space<semaphore_mem>>)
    %get3A_1000 = arith.constant 0 : index
    %get3A_1001 = arith.constant 67 : index
    %get3A_1002 = memref.load %arg0[%get3A_1000, %get3A_1001] : memref<1x128xi32, #tpu.memory_space<smem>>
    %shift_right_arithmetic3A_1003 = arith.constant 3 : i32
    %shift_right_arithmetic3A_1004 = arith.shrsi %get3A_1002, %shift_right_arithmetic3A_1003 : i32
    %shift_left3A_1005 = arith.constant 3 : i32
    %shift_left3A_1006 = arith.shli %shift_right_arithmetic3A_1004, %shift_left3A_1005 : i32
    %multiple_of3A_1007 = tpu.assume_multiple %shift_left3A_1006, 8 : i32
    %dma_start3A_1008 = arith.constant 67 : i32
    %dma_start3A_1009 = arith.constant 0 : i32
    %dma_start3A_1010 = arith.constant 0 : i32
    %dma_start3A_1011 = tpu.memref_slice %arg5[%dma_start3A_1008, %dma_start3A_1009, %dma_start3A_1010] : memref<128x8x128xf32, #tpu.memory_space<vmem>> -> memref<1x8x128xf32, #tpu.memory_space<vmem>>
    %dma_start3A_1012 = tpu.memref_squeeze %dma_start3A_1011 : memref<1x8x128xf32, #tpu.memory_space<vmem>> -> memref<8x128xf32, #tpu.memory_space<vmem>>
    %dma_start3A_1013 = arith.constant 0 : i32
    %dma_start3A_1014 = tpu.memref_slice %arg2[%multiple_of3A_1007, %dma_start3A_1013] : memref<100000x128xf32, #tpu.memory_space<hbm>> -> memref<8x128xf32, #tpu.memory_space<hbm>>
    tpu.enqueue_dma source(%dma_start3A_1014 : memref<8x128xf32, #tpu.memory_space<hbm>>) target(%dma_start3A_1012 : memref<8x128xf32, #tpu.memory_space<vmem>>) target_semaphore(%arg6 : memref<!tpu.dma_semaphore, #tpu.memory_space<semaphore_mem>>)
    %get3A_1015 = arith.constant 0 : index
    %get3A_1016 = arith.constant 68 : index
    %get3A_1017 = memref.load %arg0[%get3A_1015, %get3A_1016] : memref<1x128xi32, #tpu.memory_space<smem>>
    %shift_right_arithmetic3A_1018 = arith.constant 3 : i32
    %shift_right_arithmetic3A_1019 = arith.shrsi %get3A_1017, %shift_right_arithmetic3A_1018 : i32
    %shift_left3A_1020 = arith.constant 3 : i32
    %shift_left3A_1021 = arith.shli %shift_right_arithmetic3A_1019, %shift_left3A_1020 : i32
    %multiple_of3A_1022 = tpu.assume_multiple %shift_left3A_1021, 8 : i32
    %dma_start3A_1023 = arith.constant 68 : i32
    %dma_start3A_1024 = arith.constant 0 : i32
    %dma_start3A_1025 = arith.constant 0 : i32
    %dma_start3A_1026 = tpu.memref_slice %arg5[%dma_start3A_1023, %dma_start3A_1024, %dma_start3A_1025] : memref<128x8x128xf32, #tpu.memory_space<vmem>> -> memref<1x8x128xf32, #tpu.memory_space<vmem>>
    %dma_start3A_1027 = tpu.memref_squeeze %dma_start3A_1026 : memref<1x8x128xf32, #tpu.memory_space<vmem>> -> memref<8x128xf32, #tpu.memory_space<vmem>>
    %dma_start3A_1028 = arith.constant 0 : i32
    %dma_start3A_1029 = tpu.memref_slice %arg2[%multiple_of3A_1022, %dma_start3A_1028] : memref<100000x128xf32, #tpu.memory_space<hbm>> -> memref<8x128xf32, #tpu.memory_space<hbm>>
    tpu.enqueue_dma source(%dma_start3A_1029 : memref<8x128xf32, #tpu.memory_space<hbm>>) target(%dma_start3A_1027 : memref<8x128xf32, #tpu.memory_space<vmem>>) target_semaphore(%arg6 : memref<!tpu.dma_semaphore, #tpu.memory_space<semaphore_mem>>)
    %get3A_1030 = arith.constant 0 : index
    %get3A_1031 = arith.constant 69 : index
    %get3A_1032 = memref.load %arg0[%get3A_1030, %get3A_1031] : memref<1x128xi32, #tpu.memory_space<smem>>
    %shift_right_arithmetic3A_1033 = arith.constant 3 : i32
    %shift_right_arithmetic3A_1034 = arith.shrsi %get3A_1032, %shift_right_arithmetic3A_1033 : i32
    %shift_left3A_1035 = arith.constant 3 : i32
    %shift_left3A_1036 = arith.shli %shift_right_arithmetic3A_1034, %shift_left3A_1035 : i32
    %multiple_of3A_1037 = tpu.assume_multiple %shift_left3A_1036, 8 : i32
    %dma_start3A_1038 = arith.constant 69 : i32
    %dma_start3A_1039 = arith.constant 0 : i32
    %dma_start3A_1040 = arith.constant 0 : i32
    %dma_start3A_1041 = tpu.memref_slice %arg5[%dma_start3A_1038, %dma_start3A_1039, %dma_start3A_1040] : memref<128x8x128xf32, #tpu.memory_space<vmem>> -> memref<1x8x128xf32, #tpu.memory_space<vmem>>
    %dma_start3A_1042 = tpu.memref_squeeze %dma_start3A_1041 : memref<1x8x128xf32, #tpu.memory_space<vmem>> -> memref<8x128xf32, #tpu.memory_space<vmem>>
    %dma_start3A_1043 = arith.constant 0 : i32
    %dma_start3A_1044 = tpu.memref_slice %arg2[%multiple_of3A_1037, %dma_start3A_1043] : memref<100000x128xf32, #tpu.memory_space<hbm>> -> memref<8x128xf32, #tpu.memory_space<hbm>>
    tpu.enqueue_dma source(%dma_start3A_1044 : memref<8x128xf32, #tpu.memory_space<hbm>>) target(%dma_start3A_1042 : memref<8x128xf32, #tpu.memory_space<vmem>>) target_semaphore(%arg6 : memref<!tpu.dma_semaphore, #tpu.memory_space<semaphore_mem>>)
    %get3A_1045 = arith.constant 0 : index
    %get3A_1046 = arith.constant 70 : index
    %get3A_1047 = memref.load %arg0[%get3A_1045, %get3A_1046] : memref<1x128xi32, #tpu.memory_space<smem>>
    %shift_right_arithmetic3A_1048 = arith.constant 3 : i32
    %shift_right_arithmetic3A_1049 = arith.shrsi %get3A_1047, %shift_right_arithmetic3A_1048 : i32
    %shift_left3A_1050 = arith.constant 3 : i32
    %shift_left3A_1051 = arith.shli %shift_right_arithmetic3A_1049, %shift_left3A_1050 : i32
    %multiple_of3A_1052 = tpu.assume_multiple %shift_left3A_1051, 8 : i32
    %dma_start3A_1053 = arith.constant 70 : i32
    %dma_start3A_1054 = arith.constant 0 : i32
    %dma_start3A_1055 = arith.constant 0 : i32
    %dma_start3A_1056 = tpu.memref_slice %arg5[%dma_start3A_1053, %dma_start3A_1054, %dma_start3A_1055] : memref<128x8x128xf32, #tpu.memory_space<vmem>> -> memref<1x8x128xf32, #tpu.memory_space<vmem>>
    %dma_start3A_1057 = tpu.memref_squeeze %dma_start3A_1056 : memref<1x8x128xf32, #tpu.memory_space<vmem>> -> memref<8x128xf32, #tpu.memory_space<vmem>>
    %dma_start3A_1058 = arith.constant 0 : i32
    %dma_start3A_1059 = tpu.memref_slice %arg2[%multiple_of3A_1052, %dma_start3A_1058] : memref<100000x128xf32, #tpu.memory_space<hbm>> -> memref<8x128xf32, #tpu.memory_space<hbm>>
    tpu.enqueue_dma source(%dma_start3A_1059 : memref<8x128xf32, #tpu.memory_space<hbm>>) target(%dma_start3A_1057 : memref<8x128xf32, #tpu.memory_space<vmem>>) target_semaphore(%arg6 : memref<!tpu.dma_semaphore, #tpu.memory_space<semaphore_mem>>)
    %get3A_1060 = arith.constant 0 : index
    %get3A_1061 = arith.constant 71 : index
    %get3A_1062 = memref.load %arg0[%get3A_1060, %get3A_1061] : memref<1x128xi32, #tpu.memory_space<smem>>
    %shift_right_arithmetic3A_1063 = arith.constant 3 : i32
    %shift_right_arithmetic3A_1064 = arith.shrsi %get3A_1062, %shift_right_arithmetic3A_1063 : i32
    %shift_left3A_1065 = arith.constant 3 : i32
    %shift_left3A_1066 = arith.shli %shift_right_arithmetic3A_1064, %shift_left3A_1065 : i32
    %multiple_of3A_1067 = tpu.assume_multiple %shift_left3A_1066, 8 : i32
    %dma_start3A_1068 = arith.constant 71 : i32
    %dma_start3A_1069 = arith.constant 0 : i32
    %dma_start3A_1070 = arith.constant 0 : i32
    %dma_start3A_1071 = tpu.memref_slice %arg5[%dma_start3A_1068, %dma_start3A_1069, %dma_start3A_1070] : memref<128x8x128xf32, #tpu.memory_space<vmem>> -> memref<1x8x128xf32, #tpu.memory_space<vmem>>
    %dma_start3A_1072 = tpu.memref_squeeze %dma_start3A_1071 : memref<1x8x128xf32, #tpu.memory_space<vmem>> -> memref<8x128xf32, #tpu.memory_space<vmem>>
    %dma_start3A_1073 = arith.constant 0 : i32
    %dma_start3A_1074 = tpu.memref_slice %arg2[%multiple_of3A_1067, %dma_start3A_1073] : memref<100000x128xf32, #tpu.memory_space<hbm>> -> memref<8x128xf32, #tpu.memory_space<hbm>>
    tpu.enqueue_dma source(%dma_start3A_1074 : memref<8x128xf32, #tpu.memory_space<hbm>>) target(%dma_start3A_1072 : memref<8x128xf32, #tpu.memory_space<vmem>>) target_semaphore(%arg6 : memref<!tpu.dma_semaphore, #tpu.memory_space<semaphore_mem>>)
    %get3A_1075 = arith.constant 0 : index
    %get3A_1076 = arith.constant 72 : index
    %get3A_1077 = memref.load %arg0[%get3A_1075, %get3A_1076] : memref<1x128xi32, #tpu.memory_space<smem>>
    %shift_right_arithmetic3A_1078 = arith.constant 3 : i32
    %shift_right_arithmetic3A_1079 = arith.shrsi %get3A_1077, %shift_right_arithmetic3A_1078 : i32
    %shift_left3A_1080 = arith.constant 3 : i32
    %shift_left3A_1081 = arith.shli %shift_right_arithmetic3A_1079, %shift_left3A_1080 : i32
    %multiple_of3A_1082 = tpu.assume_multiple %shift_left3A_1081, 8 : i32
    %dma_start3A_1083 = arith.constant 72 : i32
    %dma_start3A_1084 = arith.constant 0 : i32
    %dma_start3A_1085 = arith.constant 0 : i32
    %dma_start3A_1086 = tpu.memref_slice %arg5[%dma_start3A_1083, %dma_start3A_1084, %dma_start3A_1085] : memref<128x8x128xf32, #tpu.memory_space<vmem>> -> memref<1x8x128xf32, #tpu.memory_space<vmem>>
    %dma_start3A_1087 = tpu.memref_squeeze %dma_start3A_1086 : memref<1x8x128xf32, #tpu.memory_space<vmem>> -> memref<8x128xf32, #tpu.memory_space<vmem>>
    %dma_start3A_1088 = arith.constant 0 : i32
    %dma_start3A_1089 = tpu.memref_slice %arg2[%multiple_of3A_1082, %dma_start3A_1088] : memref<100000x128xf32, #tpu.memory_space<hbm>> -> memref<8x128xf32, #tpu.memory_space<hbm>>
    tpu.enqueue_dma source(%dma_start3A_1089 : memref<8x128xf32, #tpu.memory_space<hbm>>) target(%dma_start3A_1087 : memref<8x128xf32, #tpu.memory_space<vmem>>) target_semaphore(%arg6 : memref<!tpu.dma_semaphore, #tpu.memory_space<semaphore_mem>>)
    %get3A_1090 = arith.constant 0 : index
    %get3A_1091 = arith.constant 73 : index
    %get3A_1092 = memref.load %arg0[%get3A_1090, %get3A_1091] : memref<1x128xi32, #tpu.memory_space<smem>>
    %shift_right_arithmetic3A_1093 = arith.constant 3 : i32
    %shift_right_arithmetic3A_1094 = arith.shrsi %get3A_1092, %shift_right_arithmetic3A_1093 : i32
    %shift_left3A_1095 = arith.constant 3 : i32
    %shift_left3A_1096 = arith.shli %shift_right_arithmetic3A_1094, %shift_left3A_1095 : i32
    %multiple_of3A_1097 = tpu.assume_multiple %shift_left3A_1096, 8 : i32
    %dma_start3A_1098 = arith.constant 73 : i32
    %dma_start3A_1099 = arith.constant 0 : i32
    %dma_start3A_1100 = arith.constant 0 : i32
    %dma_start3A_1101 = tpu.memref_slice %arg5[%dma_start3A_1098, %dma_start3A_1099, %dma_start3A_1100] : memref<128x8x128xf32, #tpu.memory_space<vmem>> -> memref<1x8x128xf32, #tpu.memory_space<vmem>>
    %dma_start3A_1102 = tpu.memref_squeeze %dma_start3A_1101 : memref<1x8x128xf32, #tpu.memory_space<vmem>> -> memref<8x128xf32, #tpu.memory_space<vmem>>
    %dma_start3A_1103 = arith.constant 0 : i32
    %dma_start3A_1104 = tpu.memref_slice %arg2[%multiple_of3A_1097, %dma_start3A_1103] : memref<100000x128xf32, #tpu.memory_space<hbm>> -> memref<8x128xf32, #tpu.memory_space<hbm>>
    tpu.enqueue_dma source(%dma_start3A_1104 : memref<8x128xf32, #tpu.memory_space<hbm>>) target(%dma_start3A_1102 : memref<8x128xf32, #tpu.memory_space<vmem>>) target_semaphore(%arg6 : memref<!tpu.dma_semaphore, #tpu.memory_space<semaphore_mem>>)
    %get3A_1105 = arith.constant 0 : index
    %get3A_1106 = arith.constant 74 : index
    %get3A_1107 = memref.load %arg0[%get3A_1105, %get3A_1106] : memref<1x128xi32, #tpu.memory_space<smem>>
    %shift_right_arithmetic3A_1108 = arith.constant 3 : i32
    %shift_right_arithmetic3A_1109 = arith.shrsi %get3A_1107, %shift_right_arithmetic3A_1108 : i32
    %shift_left3A_1110 = arith.constant 3 : i32
    %shift_left3A_1111 = arith.shli %shift_right_arithmetic3A_1109, %shift_left3A_1110 : i32
    %multiple_of3A_1112 = tpu.assume_multiple %shift_left3A_1111, 8 : i32
    %dma_start3A_1113 = arith.constant 74 : i32
    %dma_start3A_1114 = arith.constant 0 : i32
    %dma_start3A_1115 = arith.constant 0 : i32
    %dma_start3A_1116 = tpu.memref_slice %arg5[%dma_start3A_1113, %dma_start3A_1114, %dma_start3A_1115] : memref<128x8x128xf32, #tpu.memory_space<vmem>> -> memref<1x8x128xf32, #tpu.memory_space<vmem>>
    %dma_start3A_1117 = tpu.memref_squeeze %dma_start3A_1116 : memref<1x8x128xf32, #tpu.memory_space<vmem>> -> memref<8x128xf32, #tpu.memory_space<vmem>>
    %dma_start3A_1118 = arith.constant 0 : i32
    %dma_start3A_1119 = tpu.memref_slice %arg2[%multiple_of3A_1112, %dma_start3A_1118] : memref<100000x128xf32, #tpu.memory_space<hbm>> -> memref<8x128xf32, #tpu.memory_space<hbm>>
    tpu.enqueue_dma source(%dma_start3A_1119 : memref<8x128xf32, #tpu.memory_space<hbm>>) target(%dma_start3A_1117 : memref<8x128xf32, #tpu.memory_space<vmem>>) target_semaphore(%arg6 : memref<!tpu.dma_semaphore, #tpu.memory_space<semaphore_mem>>)
    %get3A_1120 = arith.constant 0 : index
    %get3A_1121 = arith.constant 75 : index
    %get3A_1122 = memref.load %arg0[%get3A_1120, %get3A_1121] : memref<1x128xi32, #tpu.memory_space<smem>>
    %shift_right_arithmetic3A_1123 = arith.constant 3 : i32
    %shift_right_arithmetic3A_1124 = arith.shrsi %get3A_1122, %shift_right_arithmetic3A_1123 : i32
    %shift_left3A_1125 = arith.constant 3 : i32
    %shift_left3A_1126 = arith.shli %shift_right_arithmetic3A_1124, %shift_left3A_1125 : i32
    %multiple_of3A_1127 = tpu.assume_multiple %shift_left3A_1126, 8 : i32
    %dma_start3A_1128 = arith.constant 75 : i32
    %dma_start3A_1129 = arith.constant 0 : i32
    %dma_start3A_1130 = arith.constant 0 : i32
    %dma_start3A_1131 = tpu.memref_slice %arg5[%dma_start3A_1128, %dma_start3A_1129, %dma_start3A_1130] : memref<128x8x128xf32, #tpu.memory_space<vmem>> -> memref<1x8x128xf32, #tpu.memory_space<vmem>>
    %dma_start3A_1132 = tpu.memref_squeeze %dma_start3A_1131 : memref<1x8x128xf32, #tpu.memory_space<vmem>> -> memref<8x128xf32, #tpu.memory_space<vmem>>
    %dma_start3A_1133 = arith.constant 0 : i32
    %dma_start3A_1134 = tpu.memref_slice %arg2[%multiple_of3A_1127, %dma_start3A_1133] : memref<100000x128xf32, #tpu.memory_space<hbm>> -> memref<8x128xf32, #tpu.memory_space<hbm>>
    tpu.enqueue_dma source(%dma_start3A_1134 : memref<8x128xf32, #tpu.memory_space<hbm>>) target(%dma_start3A_1132 : memref<8x128xf32, #tpu.memory_space<vmem>>) target_semaphore(%arg6 : memref<!tpu.dma_semaphore, #tpu.memory_space<semaphore_mem>>)
    %get3A_1135 = arith.constant 0 : index
    %get3A_1136 = arith.constant 76 : index
    %get3A_1137 = memref.load %arg0[%get3A_1135, %get3A_1136] : memref<1x128xi32, #tpu.memory_space<smem>>
    %shift_right_arithmetic3A_1138 = arith.constant 3 : i32
    %shift_right_arithmetic3A_1139 = arith.shrsi %get3A_1137, %shift_right_arithmetic3A_1138 : i32
    %shift_left3A_1140 = arith.constant 3 : i32
    %shift_left3A_1141 = arith.shli %shift_right_arithmetic3A_1139, %shift_left3A_1140 : i32
    %multiple_of3A_1142 = tpu.assume_multiple %shift_left3A_1141, 8 : i32
    %dma_start3A_1143 = arith.constant 76 : i32
    %dma_start3A_1144 = arith.constant 0 : i32
    %dma_start3A_1145 = arith.constant 0 : i32
    %dma_start3A_1146 = tpu.memref_slice %arg5[%dma_start3A_1143, %dma_start3A_1144, %dma_start3A_1145] : memref<128x8x128xf32, #tpu.memory_space<vmem>> -> memref<1x8x128xf32, #tpu.memory_space<vmem>>
    %dma_start3A_1147 = tpu.memref_squeeze %dma_start3A_1146 : memref<1x8x128xf32, #tpu.memory_space<vmem>> -> memref<8x128xf32, #tpu.memory_space<vmem>>
    %dma_start3A_1148 = arith.constant 0 : i32
    %dma_start3A_1149 = tpu.memref_slice %arg2[%multiple_of3A_1142, %dma_start3A_1148] : memref<100000x128xf32, #tpu.memory_space<hbm>> -> memref<8x128xf32, #tpu.memory_space<hbm>>
    tpu.enqueue_dma source(%dma_start3A_1149 : memref<8x128xf32, #tpu.memory_space<hbm>>) target(%dma_start3A_1147 : memref<8x128xf32, #tpu.memory_space<vmem>>) target_semaphore(%arg6 : memref<!tpu.dma_semaphore, #tpu.memory_space<semaphore_mem>>)
    %get3A_1150 = arith.constant 0 : index
    %get3A_1151 = arith.constant 77 : index
    %get3A_1152 = memref.load %arg0[%get3A_1150, %get3A_1151] : memref<1x128xi32, #tpu.memory_space<smem>>
    %shift_right_arithmetic3A_1153 = arith.constant 3 : i32
    %shift_right_arithmetic3A_1154 = arith.shrsi %get3A_1152, %shift_right_arithmetic3A_1153 : i32
    %shift_left3A_1155 = arith.constant 3 : i32
    %shift_left3A_1156 = arith.shli %shift_right_arithmetic3A_1154, %shift_left3A_1155 : i32
    %multiple_of3A_1157 = tpu.assume_multiple %shift_left3A_1156, 8 : i32
    %dma_start3A_1158 = arith.constant 77 : i32
    %dma_start3A_1159 = arith.constant 0 : i32
    %dma_start3A_1160 = arith.constant 0 : i32
    %dma_start3A_1161 = tpu.memref_slice %arg5[%dma_start3A_1158, %dma_start3A_1159, %dma_start3A_1160] : memref<128x8x128xf32, #tpu.memory_space<vmem>> -> memref<1x8x128xf32, #tpu.memory_space<vmem>>
    %dma_start3A_1162 = tpu.memref_squeeze %dma_start3A_1161 : memref<1x8x128xf32, #tpu.memory_space<vmem>> -> memref<8x128xf32, #tpu.memory_space<vmem>>
    %dma_start3A_1163 = arith.constant 0 : i32
    %dma_start3A_1164 = tpu.memref_slice %arg2[%multiple_of3A_1157, %dma_start3A_1163] : memref<100000x128xf32, #tpu.memory_space<hbm>> -> memref<8x128xf32, #tpu.memory_space<hbm>>
    tpu.enqueue_dma source(%dma_start3A_1164 : memref<8x128xf32, #tpu.memory_space<hbm>>) target(%dma_start3A_1162 : memref<8x128xf32, #tpu.memory_space<vmem>>) target_semaphore(%arg6 : memref<!tpu.dma_semaphore, #tpu.memory_space<semaphore_mem>>)
    %get3A_1165 = arith.constant 0 : index
    %get3A_1166 = arith.constant 78 : index
    %get3A_1167 = memref.load %arg0[%get3A_1165, %get3A_1166] : memref<1x128xi32, #tpu.memory_space<smem>>
    %shift_right_arithmetic3A_1168 = arith.constant 3 : i32
    %shift_right_arithmetic3A_1169 = arith.shrsi %get3A_1167, %shift_right_arithmetic3A_1168 : i32
    %shift_left3A_1170 = arith.constant 3 : i32
    %shift_left3A_1171 = arith.shli %shift_right_arithmetic3A_1169, %shift_left3A_1170 : i32
    %multiple_of3A_1172 = tpu.assume_multiple %shift_left3A_1171, 8 : i32
    %dma_start3A_1173 = arith.constant 78 : i32
    %dma_start3A_1174 = arith.constant 0 : i32
    %dma_start3A_1175 = arith.constant 0 : i32
    %dma_start3A_1176 = tpu.memref_slice %arg5[%dma_start3A_1173, %dma_start3A_1174, %dma_start3A_1175] : memref<128x8x128xf32, #tpu.memory_space<vmem>> -> memref<1x8x128xf32, #tpu.memory_space<vmem>>
    %dma_start3A_1177 = tpu.memref_squeeze %dma_start3A_1176 : memref<1x8x128xf32, #tpu.memory_space<vmem>> -> memref<8x128xf32, #tpu.memory_space<vmem>>
    %dma_start3A_1178 = arith.constant 0 : i32
    %dma_start3A_1179 = tpu.memref_slice %arg2[%multiple_of3A_1172, %dma_start3A_1178] : memref<100000x128xf32, #tpu.memory_space<hbm>> -> memref<8x128xf32, #tpu.memory_space<hbm>>
    tpu.enqueue_dma source(%dma_start3A_1179 : memref<8x128xf32, #tpu.memory_space<hbm>>) target(%dma_start3A_1177 : memref<8x128xf32, #tpu.memory_space<vmem>>) target_semaphore(%arg6 : memref<!tpu.dma_semaphore, #tpu.memory_space<semaphore_mem>>)
    %get3A_1180 = arith.constant 0 : index
    %get3A_1181 = arith.constant 79 : index
    %get3A_1182 = memref.load %arg0[%get3A_1180, %get3A_1181] : memref<1x128xi32, #tpu.memory_space<smem>>
    %shift_right_arithmetic3A_1183 = arith.constant 3 : i32
    %shift_right_arithmetic3A_1184 = arith.shrsi %get3A_1182, %shift_right_arithmetic3A_1183 : i32
    %shift_left3A_1185 = arith.constant 3 : i32
    %shift_left3A_1186 = arith.shli %shift_right_arithmetic3A_1184, %shift_left3A_1185 : i32
    %multiple_of3A_1187 = tpu.assume_multiple %shift_left3A_1186, 8 : i32
    %dma_start3A_1188 = arith.constant 79 : i32
    %dma_start3A_1189 = arith.constant 0 : i32
    %dma_start3A_1190 = arith.constant 0 : i32
    %dma_start3A_1191 = tpu.memref_slice %arg5[%dma_start3A_1188, %dma_start3A_1189, %dma_start3A_1190] : memref<128x8x128xf32, #tpu.memory_space<vmem>> -> memref<1x8x128xf32, #tpu.memory_space<vmem>>
    %dma_start3A_1192 = tpu.memref_squeeze %dma_start3A_1191 : memref<1x8x128xf32, #tpu.memory_space<vmem>> -> memref<8x128xf32, #tpu.memory_space<vmem>>
    %dma_start3A_1193 = arith.constant 0 : i32
    %dma_start3A_1194 = tpu.memref_slice %arg2[%multiple_of3A_1187, %dma_start3A_1193] : memref<100000x128xf32, #tpu.memory_space<hbm>> -> memref<8x128xf32, #tpu.memory_space<hbm>>
    tpu.enqueue_dma source(%dma_start3A_1194 : memref<8x128xf32, #tpu.memory_space<hbm>>) target(%dma_start3A_1192 : memref<8x128xf32, #tpu.memory_space<vmem>>) target_semaphore(%arg6 : memref<!tpu.dma_semaphore, #tpu.memory_space<semaphore_mem>>)
    %get3A_1195 = arith.constant 0 : index
    %get3A_1196 = arith.constant 80 : index
    %get3A_1197 = memref.load %arg0[%get3A_1195, %get3A_1196] : memref<1x128xi32, #tpu.memory_space<smem>>
    %shift_right_arithmetic3A_1198 = arith.constant 3 : i32
    %shift_right_arithmetic3A_1199 = arith.shrsi %get3A_1197, %shift_right_arithmetic3A_1198 : i32
    %shift_left3A_1200 = arith.constant 3 : i32
    %shift_left3A_1201 = arith.shli %shift_right_arithmetic3A_1199, %shift_left3A_1200 : i32
    %multiple_of3A_1202 = tpu.assume_multiple %shift_left3A_1201, 8 : i32
    %dma_start3A_1203 = arith.constant 80 : i32
    %dma_start3A_1204 = arith.constant 0 : i32
    %dma_start3A_1205 = arith.constant 0 : i32
    %dma_start3A_1206 = tpu.memref_slice %arg5[%dma_start3A_1203, %dma_start3A_1204, %dma_start3A_1205] : memref<128x8x128xf32, #tpu.memory_space<vmem>> -> memref<1x8x128xf32, #tpu.memory_space<vmem>>
    %dma_start3A_1207 = tpu.memref_squeeze %dma_start3A_1206 : memref<1x8x128xf32, #tpu.memory_space<vmem>> -> memref<8x128xf32, #tpu.memory_space<vmem>>
    %dma_start3A_1208 = arith.constant 0 : i32
    %dma_start3A_1209 = tpu.memref_slice %arg2[%multiple_of3A_1202, %dma_start3A_1208] : memref<100000x128xf32, #tpu.memory_space<hbm>> -> memref<8x128xf32, #tpu.memory_space<hbm>>
    tpu.enqueue_dma source(%dma_start3A_1209 : memref<8x128xf32, #tpu.memory_space<hbm>>) target(%dma_start3A_1207 : memref<8x128xf32, #tpu.memory_space<vmem>>) target_semaphore(%arg6 : memref<!tpu.dma_semaphore, #tpu.memory_space<semaphore_mem>>)
    %get3A_1210 = arith.constant 0 : index
    %get3A_1211 = arith.constant 81 : index
    %get3A_1212 = memref.load %arg0[%get3A_1210, %get3A_1211] : memref<1x128xi32, #tpu.memory_space<smem>>
    %shift_right_arithmetic3A_1213 = arith.constant 3 : i32
    %shift_right_arithmetic3A_1214 = arith.shrsi %get3A_1212, %shift_right_arithmetic3A_1213 : i32
    %shift_left3A_1215 = arith.constant 3 : i32
    %shift_left3A_1216 = arith.shli %shift_right_arithmetic3A_1214, %shift_left3A_1215 : i32
    %multiple_of3A_1217 = tpu.assume_multiple %shift_left3A_1216, 8 : i32
    %dma_start3A_1218 = arith.constant 81 : i32
    %dma_start3A_1219 = arith.constant 0 : i32
    %dma_start3A_1220 = arith.constant 0 : i32
    %dma_start3A_1221 = tpu.memref_slice %arg5[%dma_start3A_1218, %dma_start3A_1219, %dma_start3A_1220] : memref<128x8x128xf32, #tpu.memory_space<vmem>> -> memref<1x8x128xf32, #tpu.memory_space<vmem>>
    %dma_start3A_1222 = tpu.memref_squeeze %dma_start3A_1221 : memref<1x8x128xf32, #tpu.memory_space<vmem>> -> memref<8x128xf32, #tpu.memory_space<vmem>>
    %dma_start3A_1223 = arith.constant 0 : i32
    %dma_start3A_1224 = tpu.memref_slice %arg2[%multiple_of3A_1217, %dma_start3A_1223] : memref<100000x128xf32, #tpu.memory_space<hbm>> -> memref<8x128xf32, #tpu.memory_space<hbm>>
    tpu.enqueue_dma source(%dma_start3A_1224 : memref<8x128xf32, #tpu.memory_space<hbm>>) target(%dma_start3A_1222 : memref<8x128xf32, #tpu.memory_space<vmem>>) target_semaphore(%arg6 : memref<!tpu.dma_semaphore, #tpu.memory_space<semaphore_mem>>)
    %get3A_1225 = arith.constant 0 : index
    %get3A_1226 = arith.constant 82 : index
    %get3A_1227 = memref.load %arg0[%get3A_1225, %get3A_1226] : memref<1x128xi32, #tpu.memory_space<smem>>
    %shift_right_arithmetic3A_1228 = arith.constant 3 : i32
    %shift_right_arithmetic3A_1229 = arith.shrsi %get3A_1227, %shift_right_arithmetic3A_1228 : i32
    %shift_left3A_1230 = arith.constant 3 : i32
    %shift_left3A_1231 = arith.shli %shift_right_arithmetic3A_1229, %shift_left3A_1230 : i32
    %multiple_of3A_1232 = tpu.assume_multiple %shift_left3A_1231, 8 : i32
    %dma_start3A_1233 = arith.constant 82 : i32
    %dma_start3A_1234 = arith.constant 0 : i32
    %dma_start3A_1235 = arith.constant 0 : i32
    %dma_start3A_1236 = tpu.memref_slice %arg5[%dma_start3A_1233, %dma_start3A_1234, %dma_start3A_1235] : memref<128x8x128xf32, #tpu.memory_space<vmem>> -> memref<1x8x128xf32, #tpu.memory_space<vmem>>
    %dma_start3A_1237 = tpu.memref_squeeze %dma_start3A_1236 : memref<1x8x128xf32, #tpu.memory_space<vmem>> -> memref<8x128xf32, #tpu.memory_space<vmem>>
    %dma_start3A_1238 = arith.constant 0 : i32
    %dma_start3A_1239 = tpu.memref_slice %arg2[%multiple_of3A_1232, %dma_start3A_1238] : memref<100000x128xf32, #tpu.memory_space<hbm>> -> memref<8x128xf32, #tpu.memory_space<hbm>>
    tpu.enqueue_dma source(%dma_start3A_1239 : memref<8x128xf32, #tpu.memory_space<hbm>>) target(%dma_start3A_1237 : memref<8x128xf32, #tpu.memory_space<vmem>>) target_semaphore(%arg6 : memref<!tpu.dma_semaphore, #tpu.memory_space<semaphore_mem>>)
    %get3A_1240 = arith.constant 0 : index
    %get3A_1241 = arith.constant 83 : index
    %get3A_1242 = memref.load %arg0[%get3A_1240, %get3A_1241] : memref<1x128xi32, #tpu.memory_space<smem>>
    %shift_right_arithmetic3A_1243 = arith.constant 3 : i32
    %shift_right_arithmetic3A_1244 = arith.shrsi %get3A_1242, %shift_right_arithmetic3A_1243 : i32
    %shift_left3A_1245 = arith.constant 3 : i32
    %shift_left3A_1246 = arith.shli %shift_right_arithmetic3A_1244, %shift_left3A_1245 : i32
    %multiple_of3A_1247 = tpu.assume_multiple %shift_left3A_1246, 8 : i32
    %dma_start3A_1248 = arith.constant 83 : i32
    %dma_start3A_1249 = arith.constant 0 : i32
    %dma_start3A_1250 = arith.constant 0 : i32
    %dma_start3A_1251 = tpu.memref_slice %arg5[%dma_start3A_1248, %dma_start3A_1249, %dma_start3A_1250] : memref<128x8x128xf32, #tpu.memory_space<vmem>> -> memref<1x8x128xf32, #tpu.memory_space<vmem>>
    %dma_start3A_1252 = tpu.memref_squeeze %dma_start3A_1251 : memref<1x8x128xf32, #tpu.memory_space<vmem>> -> memref<8x128xf32, #tpu.memory_space<vmem>>
    %dma_start3A_1253 = arith.constant 0 : i32
    %dma_start3A_1254 = tpu.memref_slice %arg2[%multiple_of3A_1247, %dma_start3A_1253] : memref<100000x128xf32, #tpu.memory_space<hbm>> -> memref<8x128xf32, #tpu.memory_space<hbm>>
    tpu.enqueue_dma source(%dma_start3A_1254 : memref<8x128xf32, #tpu.memory_space<hbm>>) target(%dma_start3A_1252 : memref<8x128xf32, #tpu.memory_space<vmem>>) target_semaphore(%arg6 : memref<!tpu.dma_semaphore, #tpu.memory_space<semaphore_mem>>)
    %get3A_1255 = arith.constant 0 : index
    %get3A_1256 = arith.constant 84 : index
    %get3A_1257 = memref.load %arg0[%get3A_1255, %get3A_1256] : memref<1x128xi32, #tpu.memory_space<smem>>
    %shift_right_arithmetic3A_1258 = arith.constant 3 : i32
    %shift_right_arithmetic3A_1259 = arith.shrsi %get3A_1257, %shift_right_arithmetic3A_1258 : i32
    %shift_left3A_1260 = arith.constant 3 : i32
    %shift_left3A_1261 = arith.shli %shift_right_arithmetic3A_1259, %shift_left3A_1260 : i32
    %multiple_of3A_1262 = tpu.assume_multiple %shift_left3A_1261, 8 : i32
    %dma_start3A_1263 = arith.constant 84 : i32
    %dma_start3A_1264 = arith.constant 0 : i32
    %dma_start3A_1265 = arith.constant 0 : i32
    %dma_start3A_1266 = tpu.memref_slice %arg5[%dma_start3A_1263, %dma_start3A_1264, %dma_start3A_1265] : memref<128x8x128xf32, #tpu.memory_space<vmem>> -> memref<1x8x128xf32, #tpu.memory_space<vmem>>
    %dma_start3A_1267 = tpu.memref_squeeze %dma_start3A_1266 : memref<1x8x128xf32, #tpu.memory_space<vmem>> -> memref<8x128xf32, #tpu.memory_space<vmem>>
    %dma_start3A_1268 = arith.constant 0 : i32
    %dma_start3A_1269 = tpu.memref_slice %arg2[%multiple_of3A_1262, %dma_start3A_1268] : memref<100000x128xf32, #tpu.memory_space<hbm>> -> memref<8x128xf32, #tpu.memory_space<hbm>>
    tpu.enqueue_dma source(%dma_start3A_1269 : memref<8x128xf32, #tpu.memory_space<hbm>>) target(%dma_start3A_1267 : memref<8x128xf32, #tpu.memory_space<vmem>>) target_semaphore(%arg6 : memref<!tpu.dma_semaphore, #tpu.memory_space<semaphore_mem>>)
    %get3A_1270 = arith.constant 0 : index
    %get3A_1271 = arith.constant 85 : index
    %get3A_1272 = memref.load %arg0[%get3A_1270, %get3A_1271] : memref<1x128xi32, #tpu.memory_space<smem>>
    %shift_right_arithmetic3A_1273 = arith.constant 3 : i32
    %shift_right_arithmetic3A_1274 = arith.shrsi %get3A_1272, %shift_right_arithmetic3A_1273 : i32
    %shift_left3A_1275 = arith.constant 3 : i32
    %shift_left3A_1276 = arith.shli %shift_right_arithmetic3A_1274, %shift_left3A_1275 : i32
    %multiple_of3A_1277 = tpu.assume_multiple %shift_left3A_1276, 8 : i32
    %dma_start3A_1278 = arith.constant 85 : i32
    %dma_start3A_1279 = arith.constant 0 : i32
    %dma_start3A_1280 = arith.constant 0 : i32
    %dma_start3A_1281 = tpu.memref_slice %arg5[%dma_start3A_1278, %dma_start3A_1279, %dma_start3A_1280] : memref<128x8x128xf32, #tpu.memory_space<vmem>> -> memref<1x8x128xf32, #tpu.memory_space<vmem>>
    %dma_start3A_1282 = tpu.memref_squeeze %dma_start3A_1281 : memref<1x8x128xf32, #tpu.memory_space<vmem>> -> memref<8x128xf32, #tpu.memory_space<vmem>>
    %dma_start3A_1283 = arith.constant 0 : i32
    %dma_start3A_1284 = tpu.memref_slice %arg2[%multiple_of3A_1277, %dma_start3A_1283] : memref<100000x128xf32, #tpu.memory_space<hbm>> -> memref<8x128xf32, #tpu.memory_space<hbm>>
    tpu.enqueue_dma source(%dma_start3A_1284 : memref<8x128xf32, #tpu.memory_space<hbm>>) target(%dma_start3A_1282 : memref<8x128xf32, #tpu.memory_space<vmem>>) target_semaphore(%arg6 : memref<!tpu.dma_semaphore, #tpu.memory_space<semaphore_mem>>)
    %get3A_1285 = arith.constant 0 : index
    %get3A_1286 = arith.constant 86 : index
    %get3A_1287 = memref.load %arg0[%get3A_1285, %get3A_1286] : memref<1x128xi32, #tpu.memory_space<smem>>
    %shift_right_arithmetic3A_1288 = arith.constant 3 : i32
    %shift_right_arithmetic3A_1289 = arith.shrsi %get3A_1287, %shift_right_arithmetic3A_1288 : i32
    %shift_left3A_1290 = arith.constant 3 : i32
    %shift_left3A_1291 = arith.shli %shift_right_arithmetic3A_1289, %shift_left3A_1290 : i32
    %multiple_of3A_1292 = tpu.assume_multiple %shift_left3A_1291, 8 : i32
    %dma_start3A_1293 = arith.constant 86 : i32
    %dma_start3A_1294 = arith.constant 0 : i32
    %dma_start3A_1295 = arith.constant 0 : i32
    %dma_start3A_1296 = tpu.memref_slice %arg5[%dma_start3A_1293, %dma_start3A_1294, %dma_start3A_1295] : memref<128x8x128xf32, #tpu.memory_space<vmem>> -> memref<1x8x128xf32, #tpu.memory_space<vmem>>
    %dma_start3A_1297 = tpu.memref_squeeze %dma_start3A_1296 : memref<1x8x128xf32, #tpu.memory_space<vmem>> -> memref<8x128xf32, #tpu.memory_space<vmem>>
    %dma_start3A_1298 = arith.constant 0 : i32
    %dma_start3A_1299 = tpu.memref_slice %arg2[%multiple_of3A_1292, %dma_start3A_1298] : memref<100000x128xf32, #tpu.memory_space<hbm>> -> memref<8x128xf32, #tpu.memory_space<hbm>>
    tpu.enqueue_dma source(%dma_start3A_1299 : memref<8x128xf32, #tpu.memory_space<hbm>>) target(%dma_start3A_1297 : memref<8x128xf32, #tpu.memory_space<vmem>>) target_semaphore(%arg6 : memref<!tpu.dma_semaphore, #tpu.memory_space<semaphore_mem>>)
    %get3A_1300 = arith.constant 0 : index
    %get3A_1301 = arith.constant 87 : index
    %get3A_1302 = memref.load %arg0[%get3A_1300, %get3A_1301] : memref<1x128xi32, #tpu.memory_space<smem>>
    %shift_right_arithmetic3A_1303 = arith.constant 3 : i32
    %shift_right_arithmetic3A_1304 = arith.shrsi %get3A_1302, %shift_right_arithmetic3A_1303 : i32
    %shift_left3A_1305 = arith.constant 3 : i32
    %shift_left3A_1306 = arith.shli %shift_right_arithmetic3A_1304, %shift_left3A_1305 : i32
    %multiple_of3A_1307 = tpu.assume_multiple %shift_left3A_1306, 8 : i32
    %dma_start3A_1308 = arith.constant 87 : i32
    %dma_start3A_1309 = arith.constant 0 : i32
    %dma_start3A_1310 = arith.constant 0 : i32
    %dma_start3A_1311 = tpu.memref_slice %arg5[%dma_start3A_1308, %dma_start3A_1309, %dma_start3A_1310] : memref<128x8x128xf32, #tpu.memory_space<vmem>> -> memref<1x8x128xf32, #tpu.memory_space<vmem>>
    %dma_start3A_1312 = tpu.memref_squeeze %dma_start3A_1311 : memref<1x8x128xf32, #tpu.memory_space<vmem>> -> memref<8x128xf32, #tpu.memory_space<vmem>>
    %dma_start3A_1313 = arith.constant 0 : i32
    %dma_start3A_1314 = tpu.memref_slice %arg2[%multiple_of3A_1307, %dma_start3A_1313] : memref<100000x128xf32, #tpu.memory_space<hbm>> -> memref<8x128xf32, #tpu.memory_space<hbm>>
    tpu.enqueue_dma source(%dma_start3A_1314 : memref<8x128xf32, #tpu.memory_space<hbm>>) target(%dma_start3A_1312 : memref<8x128xf32, #tpu.memory_space<vmem>>) target_semaphore(%arg6 : memref<!tpu.dma_semaphore, #tpu.memory_space<semaphore_mem>>)
    %get3A_1315 = arith.constant 0 : index
    %get3A_1316 = arith.constant 88 : index
    %get3A_1317 = memref.load %arg0[%get3A_1315, %get3A_1316] : memref<1x128xi32, #tpu.memory_space<smem>>
    %shift_right_arithmetic3A_1318 = arith.constant 3 : i32
    %shift_right_arithmetic3A_1319 = arith.shrsi %get3A_1317, %shift_right_arithmetic3A_1318 : i32
    %shift_left3A_1320 = arith.constant 3 : i32
    %shift_left3A_1321 = arith.shli %shift_right_arithmetic3A_1319, %shift_left3A_1320 : i32
    %multiple_of3A_1322 = tpu.assume_multiple %shift_left3A_1321, 8 : i32
    %dma_start3A_1323 = arith.constant 88 : i32
    %dma_start3A_1324 = arith.constant 0 : i32
    %dma_start3A_1325 = arith.constant 0 : i32
    %dma_start3A_1326 = tpu.memref_slice %arg5[%dma_start3A_1323, %dma_start3A_1324, %dma_start3A_1325] : memref<128x8x128xf32, #tpu.memory_space<vmem>> -> memref<1x8x128xf32, #tpu.memory_space<vmem>>
    %dma_start3A_1327 = tpu.memref_squeeze %dma_start3A_1326 : memref<1x8x128xf32, #tpu.memory_space<vmem>> -> memref<8x128xf32, #tpu.memory_space<vmem>>
    %dma_start3A_1328 = arith.constant 0 : i32
    %dma_start3A_1329 = tpu.memref_slice %arg2[%multiple_of3A_1322, %dma_start3A_1328] : memref<100000x128xf32, #tpu.memory_space<hbm>> -> memref<8x128xf32, #tpu.memory_space<hbm>>
    tpu.enqueue_dma source(%dma_start3A_1329 : memref<8x128xf32, #tpu.memory_space<hbm>>) target(%dma_start3A_1327 : memref<8x128xf32, #tpu.memory_space<vmem>>) target_semaphore(%arg6 : memref<!tpu.dma_semaphore, #tpu.memory_space<semaphore_mem>>)
    %get3A_1330 = arith.constant 0 : index
    %get3A_1331 = arith.constant 89 : index
    %get3A_1332 = memref.load %arg0[%get3A_1330, %get3A_1331] : memref<1x128xi32, #tpu.memory_space<smem>>
    %shift_right_arithmetic3A_1333 = arith.constant 3 : i32
    %shift_right_arithmetic3A_1334 = arith.shrsi %get3A_1332, %shift_right_arithmetic3A_1333 : i32
    %shift_left3A_1335 = arith.constant 3 : i32
    %shift_left3A_1336 = arith.shli %shift_right_arithmetic3A_1334, %shift_left3A_1335 : i32
    %multiple_of3A_1337 = tpu.assume_multiple %shift_left3A_1336, 8 : i32
    %dma_start3A_1338 = arith.constant 89 : i32
    %dma_start3A_1339 = arith.constant 0 : i32
    %dma_start3A_1340 = arith.constant 0 : i32
    %dma_start3A_1341 = tpu.memref_slice %arg5[%dma_start3A_1338, %dma_start3A_1339, %dma_start3A_1340] : memref<128x8x128xf32, #tpu.memory_space<vmem>> -> memref<1x8x128xf32, #tpu.memory_space<vmem>>
    %dma_start3A_1342 = tpu.memref_squeeze %dma_start3A_1341 : memref<1x8x128xf32, #tpu.memory_space<vmem>> -> memref<8x128xf32, #tpu.memory_space<vmem>>
    %dma_start3A_1343 = arith.constant 0 : i32
    %dma_start3A_1344 = tpu.memref_slice %arg2[%multiple_of3A_1337, %dma_start3A_1343] : memref<100000x128xf32, #tpu.memory_space<hbm>> -> memref<8x128xf32, #tpu.memory_space<hbm>>
    tpu.enqueue_dma source(%dma_start3A_1344 : memref<8x128xf32, #tpu.memory_space<hbm>>) target(%dma_start3A_1342 : memref<8x128xf32, #tpu.memory_space<vmem>>) target_semaphore(%arg6 : memref<!tpu.dma_semaphore, #tpu.memory_space<semaphore_mem>>)
    %get3A_1345 = arith.constant 0 : index
    %get3A_1346 = arith.constant 90 : index
    %get3A_1347 = memref.load %arg0[%get3A_1345, %get3A_1346] : memref<1x128xi32, #tpu.memory_space<smem>>
    %shift_right_arithmetic3A_1348 = arith.constant 3 : i32
    %shift_right_arithmetic3A_1349 = arith.shrsi %get3A_1347, %shift_right_arithmetic3A_1348 : i32
    %shift_left3A_1350 = arith.constant 3 : i32
    %shift_left3A_1351 = arith.shli %shift_right_arithmetic3A_1349, %shift_left3A_1350 : i32
    %multiple_of3A_1352 = tpu.assume_multiple %shift_left3A_1351, 8 : i32
    %dma_start3A_1353 = arith.constant 90 : i32
    %dma_start3A_1354 = arith.constant 0 : i32
    %dma_start3A_1355 = arith.constant 0 : i32
    %dma_start3A_1356 = tpu.memref_slice %arg5[%dma_start3A_1353, %dma_start3A_1354, %dma_start3A_1355] : memref<128x8x128xf32, #tpu.memory_space<vmem>> -> memref<1x8x128xf32, #tpu.memory_space<vmem>>
    %dma_start3A_1357 = tpu.memref_squeeze %dma_start3A_1356 : memref<1x8x128xf32, #tpu.memory_space<vmem>> -> memref<8x128xf32, #tpu.memory_space<vmem>>
    %dma_start3A_1358 = arith.constant 0 : i32
    %dma_start3A_1359 = tpu.memref_slice %arg2[%multiple_of3A_1352, %dma_start3A_1358] : memref<100000x128xf32, #tpu.memory_space<hbm>> -> memref<8x128xf32, #tpu.memory_space<hbm>>
    tpu.enqueue_dma source(%dma_start3A_1359 : memref<8x128xf32, #tpu.memory_space<hbm>>) target(%dma_start3A_1357 : memref<8x128xf32, #tpu.memory_space<vmem>>) target_semaphore(%arg6 : memref<!tpu.dma_semaphore, #tpu.memory_space<semaphore_mem>>)
    %get3A_1360 = arith.constant 0 : index
    %get3A_1361 = arith.constant 91 : index
    %get3A_1362 = memref.load %arg0[%get3A_1360, %get3A_1361] : memref<1x128xi32, #tpu.memory_space<smem>>
    %shift_right_arithmetic3A_1363 = arith.constant 3 : i32
    %shift_right_arithmetic3A_1364 = arith.shrsi %get3A_1362, %shift_right_arithmetic3A_1363 : i32
    %shift_left3A_1365 = arith.constant 3 : i32
    %shift_left3A_1366 = arith.shli %shift_right_arithmetic3A_1364, %shift_left3A_1365 : i32
    %multiple_of3A_1367 = tpu.assume_multiple %shift_left3A_1366, 8 : i32
    %dma_start3A_1368 = arith.constant 91 : i32
    %dma_start3A_1369 = arith.constant 0 : i32
    %dma_start3A_1370 = arith.constant 0 : i32
    %dma_start3A_1371 = tpu.memref_slice %arg5[%dma_start3A_1368, %dma_start3A_1369, %dma_start3A_1370] : memref<128x8x128xf32, #tpu.memory_space<vmem>> -> memref<1x8x128xf32, #tpu.memory_space<vmem>>
    %dma_start3A_1372 = tpu.memref_squeeze %dma_start3A_1371 : memref<1x8x128xf32, #tpu.memory_space<vmem>> -> memref<8x128xf32, #tpu.memory_space<vmem>>
    %dma_start3A_1373 = arith.constant 0 : i32
    %dma_start3A_1374 = tpu.memref_slice %arg2[%multiple_of3A_1367, %dma_start3A_1373] : memref<100000x128xf32, #tpu.memory_space<hbm>> -> memref<8x128xf32, #tpu.memory_space<hbm>>
    tpu.enqueue_dma source(%dma_start3A_1374 : memref<8x128xf32, #tpu.memory_space<hbm>>) target(%dma_start3A_1372 : memref<8x128xf32, #tpu.memory_space<vmem>>) target_semaphore(%arg6 : memref<!tpu.dma_semaphore, #tpu.memory_space<semaphore_mem>>)
    %get3A_1375 = arith.constant 0 : index
    %get3A_1376 = arith.constant 92 : index
    %get3A_1377 = memref.load %arg0[%get3A_1375, %get3A_1376] : memref<1x128xi32, #tpu.memory_space<smem>>
    %shift_right_arithmetic3A_1378 = arith.constant 3 : i32
    %shift_right_arithmetic3A_1379 = arith.shrsi %get3A_1377, %shift_right_arithmetic3A_1378 : i32
    %shift_left3A_1380 = arith.constant 3 : i32
    %shift_left3A_1381 = arith.shli %shift_right_arithmetic3A_1379, %shift_left3A_1380 : i32
    %multiple_of3A_1382 = tpu.assume_multiple %shift_left3A_1381, 8 : i32
    %dma_start3A_1383 = arith.constant 92 : i32
    %dma_start3A_1384 = arith.constant 0 : i32
    %dma_start3A_1385 = arith.constant 0 : i32
    %dma_start3A_1386 = tpu.memref_slice %arg5[%dma_start3A_1383, %dma_start3A_1384, %dma_start3A_1385] : memref<128x8x128xf32, #tpu.memory_space<vmem>> -> memref<1x8x128xf32, #tpu.memory_space<vmem>>
    %dma_start3A_1387 = tpu.memref_squeeze %dma_start3A_1386 : memref<1x8x128xf32, #tpu.memory_space<vmem>> -> memref<8x128xf32, #tpu.memory_space<vmem>>
    %dma_start3A_1388 = arith.constant 0 : i32
    %dma_start3A_1389 = tpu.memref_slice %arg2[%multiple_of3A_1382, %dma_start3A_1388] : memref<100000x128xf32, #tpu.memory_space<hbm>> -> memref<8x128xf32, #tpu.memory_space<hbm>>
    tpu.enqueue_dma source(%dma_start3A_1389 : memref<8x128xf32, #tpu.memory_space<hbm>>) target(%dma_start3A_1387 : memref<8x128xf32, #tpu.memory_space<vmem>>) target_semaphore(%arg6 : memref<!tpu.dma_semaphore, #tpu.memory_space<semaphore_mem>>)
    %get3A_1390 = arith.constant 0 : index
    %get3A_1391 = arith.constant 93 : index
    %get3A_1392 = memref.load %arg0[%get3A_1390, %get3A_1391] : memref<1x128xi32, #tpu.memory_space<smem>>
    %shift_right_arithmetic3A_1393 = arith.constant 3 : i32
    %shift_right_arithmetic3A_1394 = arith.shrsi %get3A_1392, %shift_right_arithmetic3A_1393 : i32
    %shift_left3A_1395 = arith.constant 3 : i32
    %shift_left3A_1396 = arith.shli %shift_right_arithmetic3A_1394, %shift_left3A_1395 : i32
    %multiple_of3A_1397 = tpu.assume_multiple %shift_left3A_1396, 8 : i32
    %dma_start3A_1398 = arith.constant 93 : i32
    %dma_start3A_1399 = arith.constant 0 : i32
    %dma_start3A_1400 = arith.constant 0 : i32
    %dma_start3A_1401 = tpu.memref_slice %arg5[%dma_start3A_1398, %dma_start3A_1399, %dma_start3A_1400] : memref<128x8x128xf32, #tpu.memory_space<vmem>> -> memref<1x8x128xf32, #tpu.memory_space<vmem>>
    %dma_start3A_1402 = tpu.memref_squeeze %dma_start3A_1401 : memref<1x8x128xf32, #tpu.memory_space<vmem>> -> memref<8x128xf32, #tpu.memory_space<vmem>>
    %dma_start3A_1403 = arith.constant 0 : i32
    %dma_start3A_1404 = tpu.memref_slice %arg2[%multiple_of3A_1397, %dma_start3A_1403] : memref<100000x128xf32, #tpu.memory_space<hbm>> -> memref<8x128xf32, #tpu.memory_space<hbm>>
    tpu.enqueue_dma source(%dma_start3A_1404 : memref<8x128xf32, #tpu.memory_space<hbm>>) target(%dma_start3A_1402 : memref<8x128xf32, #tpu.memory_space<vmem>>) target_semaphore(%arg6 : memref<!tpu.dma_semaphore, #tpu.memory_space<semaphore_mem>>)
    %get3A_1405 = arith.constant 0 : index
    %get3A_1406 = arith.constant 94 : index
    %get3A_1407 = memref.load %arg0[%get3A_1405, %get3A_1406] : memref<1x128xi32, #tpu.memory_space<smem>>
    %shift_right_arithmetic3A_1408 = arith.constant 3 : i32
    %shift_right_arithmetic3A_1409 = arith.shrsi %get3A_1407, %shift_right_arithmetic3A_1408 : i32
    %shift_left3A_1410 = arith.constant 3 : i32
    %shift_left3A_1411 = arith.shli %shift_right_arithmetic3A_1409, %shift_left3A_1410 : i32
    %multiple_of3A_1412 = tpu.assume_multiple %shift_left3A_1411, 8 : i32
    %dma_start3A_1413 = arith.constant 94 : i32
    %dma_start3A_1414 = arith.constant 0 : i32
    %dma_start3A_1415 = arith.constant 0 : i32
    %dma_start3A_1416 = tpu.memref_slice %arg5[%dma_start3A_1413, %dma_start3A_1414, %dma_start3A_1415] : memref<128x8x128xf32, #tpu.memory_space<vmem>> -> memref<1x8x128xf32, #tpu.memory_space<vmem>>
    %dma_start3A_1417 = tpu.memref_squeeze %dma_start3A_1416 : memref<1x8x128xf32, #tpu.memory_space<vmem>> -> memref<8x128xf32, #tpu.memory_space<vmem>>
    %dma_start3A_1418 = arith.constant 0 : i32
    %dma_start3A_1419 = tpu.memref_slice %arg2[%multiple_of3A_1412, %dma_start3A_1418] : memref<100000x128xf32, #tpu.memory_space<hbm>> -> memref<8x128xf32, #tpu.memory_space<hbm>>
    tpu.enqueue_dma source(%dma_start3A_1419 : memref<8x128xf32, #tpu.memory_space<hbm>>) target(%dma_start3A_1417 : memref<8x128xf32, #tpu.memory_space<vmem>>) target_semaphore(%arg6 : memref<!tpu.dma_semaphore, #tpu.memory_space<semaphore_mem>>)
    %get3A_1420 = arith.constant 0 : index
    %get3A_1421 = arith.constant 95 : index
    %get3A_1422 = memref.load %arg0[%get3A_1420, %get3A_1421] : memref<1x128xi32, #tpu.memory_space<smem>>
    %shift_right_arithmetic3A_1423 = arith.constant 3 : i32
    %shift_right_arithmetic3A_1424 = arith.shrsi %get3A_1422, %shift_right_arithmetic3A_1423 : i32
    %shift_left3A_1425 = arith.constant 3 : i32
    %shift_left3A_1426 = arith.shli %shift_right_arithmetic3A_1424, %shift_left3A_1425 : i32
    %multiple_of3A_1427 = tpu.assume_multiple %shift_left3A_1426, 8 : i32
    %dma_start3A_1428 = arith.constant 95 : i32
    %dma_start3A_1429 = arith.constant 0 : i32
    %dma_start3A_1430 = arith.constant 0 : i32
    %dma_start3A_1431 = tpu.memref_slice %arg5[%dma_start3A_1428, %dma_start3A_1429, %dma_start3A_1430] : memref<128x8x128xf32, #tpu.memory_space<vmem>> -> memref<1x8x128xf32, #tpu.memory_space<vmem>>
    %dma_start3A_1432 = tpu.memref_squeeze %dma_start3A_1431 : memref<1x8x128xf32, #tpu.memory_space<vmem>> -> memref<8x128xf32, #tpu.memory_space<vmem>>
    %dma_start3A_1433 = arith.constant 0 : i32
    %dma_start3A_1434 = tpu.memref_slice %arg2[%multiple_of3A_1427, %dma_start3A_1433] : memref<100000x128xf32, #tpu.memory_space<hbm>> -> memref<8x128xf32, #tpu.memory_space<hbm>>
    tpu.enqueue_dma source(%dma_start3A_1434 : memref<8x128xf32, #tpu.memory_space<hbm>>) target(%dma_start3A_1432 : memref<8x128xf32, #tpu.memory_space<vmem>>) target_semaphore(%arg6 : memref<!tpu.dma_semaphore, #tpu.memory_space<semaphore_mem>>)
    %get3A_1435 = arith.constant 0 : index
    %get3A_1436 = arith.constant 96 : index
    %get3A_1437 = memref.load %arg0[%get3A_1435, %get3A_1436] : memref<1x128xi32, #tpu.memory_space<smem>>
    %shift_right_arithmetic3A_1438 = arith.constant 3 : i32
    %shift_right_arithmetic3A_1439 = arith.shrsi %get3A_1437, %shift_right_arithmetic3A_1438 : i32
    %shift_left3A_1440 = arith.constant 3 : i32
    %shift_left3A_1441 = arith.shli %shift_right_arithmetic3A_1439, %shift_left3A_1440 : i32
    %multiple_of3A_1442 = tpu.assume_multiple %shift_left3A_1441, 8 : i32
    %dma_start3A_1443 = arith.constant 96 : i32
    %dma_start3A_1444 = arith.constant 0 : i32
    %dma_start3A_1445 = arith.constant 0 : i32
    %dma_start3A_1446 = tpu.memref_slice %arg5[%dma_start3A_1443, %dma_start3A_1444, %dma_start3A_1445] : memref<128x8x128xf32, #tpu.memory_space<vmem>> -> memref<1x8x128xf32, #tpu.memory_space<vmem>>
    %dma_start3A_1447 = tpu.memref_squeeze %dma_start3A_1446 : memref<1x8x128xf32, #tpu.memory_space<vmem>> -> memref<8x128xf32, #tpu.memory_space<vmem>>
    %dma_start3A_1448 = arith.constant 0 : i32
    %dma_start3A_1449 = tpu.memref_slice %arg2[%multiple_of3A_1442, %dma_start3A_1448] : memref<100000x128xf32, #tpu.memory_space<hbm>> -> memref<8x128xf32, #tpu.memory_space<hbm>>
    tpu.enqueue_dma source(%dma_start3A_1449 : memref<8x128xf32, #tpu.memory_space<hbm>>) target(%dma_start3A_1447 : memref<8x128xf32, #tpu.memory_space<vmem>>) target_semaphore(%arg6 : memref<!tpu.dma_semaphore, #tpu.memory_space<semaphore_mem>>)
    %get3A_1450 = arith.constant 0 : index
    %get3A_1451 = arith.constant 97 : index
    %get3A_1452 = memref.load %arg0[%get3A_1450, %get3A_1451] : memref<1x128xi32, #tpu.memory_space<smem>>
    %shift_right_arithmetic3A_1453 = arith.constant 3 : i32
    %shift_right_arithmetic3A_1454 = arith.shrsi %get3A_1452, %shift_right_arithmetic3A_1453 : i32
    %shift_left3A_1455 = arith.constant 3 : i32
    %shift_left3A_1456 = arith.shli %shift_right_arithmetic3A_1454, %shift_left3A_1455 : i32
    %multiple_of3A_1457 = tpu.assume_multiple %shift_left3A_1456, 8 : i32
    %dma_start3A_1458 = arith.constant 97 : i32
    %dma_start3A_1459 = arith.constant 0 : i32
    %dma_start3A_1460 = arith.constant 0 : i32
    %dma_start3A_1461 = tpu.memref_slice %arg5[%dma_start3A_1458, %dma_start3A_1459, %dma_start3A_1460] : memref<128x8x128xf32, #tpu.memory_space<vmem>> -> memref<1x8x128xf32, #tpu.memory_space<vmem>>
    %dma_start3A_1462 = tpu.memref_squeeze %dma_start3A_1461 : memref<1x8x128xf32, #tpu.memory_space<vmem>> -> memref<8x128xf32, #tpu.memory_space<vmem>>
    %dma_start3A_1463 = arith.constant 0 : i32
    %dma_start3A_1464 = tpu.memref_slice %arg2[%multiple_of3A_1457, %dma_start3A_1463] : memref<100000x128xf32, #tpu.memory_space<hbm>> -> memref<8x128xf32, #tpu.memory_space<hbm>>
    tpu.enqueue_dma source(%dma_start3A_1464 : memref<8x128xf32, #tpu.memory_space<hbm>>) target(%dma_start3A_1462 : memref<8x128xf32, #tpu.memory_space<vmem>>) target_semaphore(%arg6 : memref<!tpu.dma_semaphore, #tpu.memory_space<semaphore_mem>>)
    %get3A_1465 = arith.constant 0 : index
    %get3A_1466 = arith.constant 98 : index
    %get3A_1467 = memref.load %arg0[%get3A_1465, %get3A_1466] : memref<1x128xi32, #tpu.memory_space<smem>>
    %shift_right_arithmetic3A_1468 = arith.constant 3 : i32
    %shift_right_arithmetic3A_1469 = arith.shrsi %get3A_1467, %shift_right_arithmetic3A_1468 : i32
    %shift_left3A_1470 = arith.constant 3 : i32
    %shift_left3A_1471 = arith.shli %shift_right_arithmetic3A_1469, %shift_left3A_1470 : i32
    %multiple_of3A_1472 = tpu.assume_multiple %shift_left3A_1471, 8 : i32
    %dma_start3A_1473 = arith.constant 98 : i32
    %dma_start3A_1474 = arith.constant 0 : i32
    %dma_start3A_1475 = arith.constant 0 : i32
    %dma_start3A_1476 = tpu.memref_slice %arg5[%dma_start3A_1473, %dma_start3A_1474, %dma_start3A_1475] : memref<128x8x128xf32, #tpu.memory_space<vmem>> -> memref<1x8x128xf32, #tpu.memory_space<vmem>>
    %dma_start3A_1477 = tpu.memref_squeeze %dma_start3A_1476 : memref<1x8x128xf32, #tpu.memory_space<vmem>> -> memref<8x128xf32, #tpu.memory_space<vmem>>
    %dma_start3A_1478 = arith.constant 0 : i32
    %dma_start3A_1479 = tpu.memref_slice %arg2[%multiple_of3A_1472, %dma_start3A_1478] : memref<100000x128xf32, #tpu.memory_space<hbm>> -> memref<8x128xf32, #tpu.memory_space<hbm>>
    tpu.enqueue_dma source(%dma_start3A_1479 : memref<8x128xf32, #tpu.memory_space<hbm>>) target(%dma_start3A_1477 : memref<8x128xf32, #tpu.memory_space<vmem>>) target_semaphore(%arg6 : memref<!tpu.dma_semaphore, #tpu.memory_space<semaphore_mem>>)
    %get3A_1480 = arith.constant 0 : index
    %get3A_1481 = arith.constant 99 : index
    %get3A_1482 = memref.load %arg0[%get3A_1480, %get3A_1481] : memref<1x128xi32, #tpu.memory_space<smem>>
    %shift_right_arithmetic3A_1483 = arith.constant 3 : i32
    %shift_right_arithmetic3A_1484 = arith.shrsi %get3A_1482, %shift_right_arithmetic3A_1483 : i32
    %shift_left3A_1485 = arith.constant 3 : i32
    %shift_left3A_1486 = arith.shli %shift_right_arithmetic3A_1484, %shift_left3A_1485 : i32
    %multiple_of3A_1487 = tpu.assume_multiple %shift_left3A_1486, 8 : i32
    %dma_start3A_1488 = arith.constant 99 : i32
    %dma_start3A_1489 = arith.constant 0 : i32
    %dma_start3A_1490 = arith.constant 0 : i32
    %dma_start3A_1491 = tpu.memref_slice %arg5[%dma_start3A_1488, %dma_start3A_1489, %dma_start3A_1490] : memref<128x8x128xf32, #tpu.memory_space<vmem>> -> memref<1x8x128xf32, #tpu.memory_space<vmem>>
    %dma_start3A_1492 = tpu.memref_squeeze %dma_start3A_1491 : memref<1x8x128xf32, #tpu.memory_space<vmem>> -> memref<8x128xf32, #tpu.memory_space<vmem>>
    %dma_start3A_1493 = arith.constant 0 : i32
    %dma_start3A_1494 = tpu.memref_slice %arg2[%multiple_of3A_1487, %dma_start3A_1493] : memref<100000x128xf32, #tpu.memory_space<hbm>> -> memref<8x128xf32, #tpu.memory_space<hbm>>
    tpu.enqueue_dma source(%dma_start3A_1494 : memref<8x128xf32, #tpu.memory_space<hbm>>) target(%dma_start3A_1492 : memref<8x128xf32, #tpu.memory_space<vmem>>) target_semaphore(%arg6 : memref<!tpu.dma_semaphore, #tpu.memory_space<semaphore_mem>>)
    %get3A_1495 = arith.constant 0 : index
    %get3A_1496 = arith.constant 100 : index
    %get3A_1497 = memref.load %arg0[%get3A_1495, %get3A_1496] : memref<1x128xi32, #tpu.memory_space<smem>>
    %shift_right_arithmetic3A_1498 = arith.constant 3 : i32
    %shift_right_arithmetic3A_1499 = arith.shrsi %get3A_1497, %shift_right_arithmetic3A_1498 : i32
    %shift_left3A_1500 = arith.constant 3 : i32
    %shift_left3A_1501 = arith.shli %shift_right_arithmetic3A_1499, %shift_left3A_1500 : i32
    %multiple_of3A_1502 = tpu.assume_multiple %shift_left3A_1501, 8 : i32
    %dma_start3A_1503 = arith.constant 100 : i32
    %dma_start3A_1504 = arith.constant 0 : i32
    %dma_start3A_1505 = arith.constant 0 : i32
    %dma_start3A_1506 = tpu.memref_slice %arg5[%dma_start3A_1503, %dma_start3A_1504, %dma_start3A_1505] : memref<128x8x128xf32, #tpu.memory_space<vmem>> -> memref<1x8x128xf32, #tpu.memory_space<vmem>>
    %dma_start3A_1507 = tpu.memref_squeeze %dma_start3A_1506 : memref<1x8x128xf32, #tpu.memory_space<vmem>> -> memref<8x128xf32, #tpu.memory_space<vmem>>
    %dma_start3A_1508 = arith.constant 0 : i32
    %dma_start3A_1509 = tpu.memref_slice %arg2[%multiple_of3A_1502, %dma_start3A_1508] : memref<100000x128xf32, #tpu.memory_space<hbm>> -> memref<8x128xf32, #tpu.memory_space<hbm>>
    tpu.enqueue_dma source(%dma_start3A_1509 : memref<8x128xf32, #tpu.memory_space<hbm>>) target(%dma_start3A_1507 : memref<8x128xf32, #tpu.memory_space<vmem>>) target_semaphore(%arg6 : memref<!tpu.dma_semaphore, #tpu.memory_space<semaphore_mem>>)
    %get3A_1510 = arith.constant 0 : index
    %get3A_1511 = arith.constant 101 : index
    %get3A_1512 = memref.load %arg0[%get3A_1510, %get3A_1511] : memref<1x128xi32, #tpu.memory_space<smem>>
    %shift_right_arithmetic3A_1513 = arith.constant 3 : i32
    %shift_right_arithmetic3A_1514 = arith.shrsi %get3A_1512, %shift_right_arithmetic3A_1513 : i32
    %shift_left3A_1515 = arith.constant 3 : i32
    %shift_left3A_1516 = arith.shli %shift_right_arithmetic3A_1514, %shift_left3A_1515 : i32
    %multiple_of3A_1517 = tpu.assume_multiple %shift_left3A_1516, 8 : i32
    %dma_start3A_1518 = arith.constant 101 : i32
    %dma_start3A_1519 = arith.constant 0 : i32
    %dma_start3A_1520 = arith.constant 0 : i32
    %dma_start3A_1521 = tpu.memref_slice %arg5[%dma_start3A_1518, %dma_start3A_1519, %dma_start3A_1520] : memref<128x8x128xf32, #tpu.memory_space<vmem>> -> memref<1x8x128xf32, #tpu.memory_space<vmem>>
    %dma_start3A_1522 = tpu.memref_squeeze %dma_start3A_1521 : memref<1x8x128xf32, #tpu.memory_space<vmem>> -> memref<8x128xf32, #tpu.memory_space<vmem>>
    %dma_start3A_1523 = arith.constant 0 : i32
    %dma_start3A_1524 = tpu.memref_slice %arg2[%multiple_of3A_1517, %dma_start3A_1523] : memref<100000x128xf32, #tpu.memory_space<hbm>> -> memref<8x128xf32, #tpu.memory_space<hbm>>
    tpu.enqueue_dma source(%dma_start3A_1524 : memref<8x128xf32, #tpu.memory_space<hbm>>) target(%dma_start3A_1522 : memref<8x128xf32, #tpu.memory_space<vmem>>) target_semaphore(%arg6 : memref<!tpu.dma_semaphore, #tpu.memory_space<semaphore_mem>>)
    %get3A_1525 = arith.constant 0 : index
    %get3A_1526 = arith.constant 102 : index
    %get3A_1527 = memref.load %arg0[%get3A_1525, %get3A_1526] : memref<1x128xi32, #tpu.memory_space<smem>>
    %shift_right_arithmetic3A_1528 = arith.constant 3 : i32
    %shift_right_arithmetic3A_1529 = arith.shrsi %get3A_1527, %shift_right_arithmetic3A_1528 : i32
    %shift_left3A_1530 = arith.constant 3 : i32
    %shift_left3A_1531 = arith.shli %shift_right_arithmetic3A_1529, %shift_left3A_1530 : i32
    %multiple_of3A_1532 = tpu.assume_multiple %shift_left3A_1531, 8 : i32
    %dma_start3A_1533 = arith.constant 102 : i32
    %dma_start3A_1534 = arith.constant 0 : i32
    %dma_start3A_1535 = arith.constant 0 : i32
    %dma_start3A_1536 = tpu.memref_slice %arg5[%dma_start3A_1533, %dma_start3A_1534, %dma_start3A_1535] : memref<128x8x128xf32, #tpu.memory_space<vmem>> -> memref<1x8x128xf32, #tpu.memory_space<vmem>>
    %dma_start3A_1537 = tpu.memref_squeeze %dma_start3A_1536 : memref<1x8x128xf32, #tpu.memory_space<vmem>> -> memref<8x128xf32, #tpu.memory_space<vmem>>
    %dma_start3A_1538 = arith.constant 0 : i32
    %dma_start3A_1539 = tpu.memref_slice %arg2[%multiple_of3A_1532, %dma_start3A_1538] : memref<100000x128xf32, #tpu.memory_space<hbm>> -> memref<8x128xf32, #tpu.memory_space<hbm>>
    tpu.enqueue_dma source(%dma_start3A_1539 : memref<8x128xf32, #tpu.memory_space<hbm>>) target(%dma_start3A_1537 : memref<8x128xf32, #tpu.memory_space<vmem>>) target_semaphore(%arg6 : memref<!tpu.dma_semaphore, #tpu.memory_space<semaphore_mem>>)
    %get3A_1540 = arith.constant 0 : index
    %get3A_1541 = arith.constant 103 : index
    %get3A_1542 = memref.load %arg0[%get3A_1540, %get3A_1541] : memref<1x128xi32, #tpu.memory_space<smem>>
    %shift_right_arithmetic3A_1543 = arith.constant 3 : i32
    %shift_right_arithmetic3A_1544 = arith.shrsi %get3A_1542, %shift_right_arithmetic3A_1543 : i32
    %shift_left3A_1545 = arith.constant 3 : i32
    %shift_left3A_1546 = arith.shli %shift_right_arithmetic3A_1544, %shift_left3A_1545 : i32
    %multiple_of3A_1547 = tpu.assume_multiple %shift_left3A_1546, 8 : i32
    %dma_start3A_1548 = arith.constant 103 : i32
    %dma_start3A_1549 = arith.constant 0 : i32
    %dma_start3A_1550 = arith.constant 0 : i32
    %dma_start3A_1551 = tpu.memref_slice %arg5[%dma_start3A_1548, %dma_start3A_1549, %dma_start3A_1550] : memref<128x8x128xf32, #tpu.memory_space<vmem>> -> memref<1x8x128xf32, #tpu.memory_space<vmem>>
    %dma_start3A_1552 = tpu.memref_squeeze %dma_start3A_1551 : memref<1x8x128xf32, #tpu.memory_space<vmem>> -> memref<8x128xf32, #tpu.memory_space<vmem>>
    %dma_start3A_1553 = arith.constant 0 : i32
    %dma_start3A_1554 = tpu.memref_slice %arg2[%multiple_of3A_1547, %dma_start3A_1553] : memref<100000x128xf32, #tpu.memory_space<hbm>> -> memref<8x128xf32, #tpu.memory_space<hbm>>
    tpu.enqueue_dma source(%dma_start3A_1554 : memref<8x128xf32, #tpu.memory_space<hbm>>) target(%dma_start3A_1552 : memref<8x128xf32, #tpu.memory_space<vmem>>) target_semaphore(%arg6 : memref<!tpu.dma_semaphore, #tpu.memory_space<semaphore_mem>>)
    %get3A_1555 = arith.constant 0 : index
    %get3A_1556 = arith.constant 104 : index
    %get3A_1557 = memref.load %arg0[%get3A_1555, %get3A_1556] : memref<1x128xi32, #tpu.memory_space<smem>>
    %shift_right_arithmetic3A_1558 = arith.constant 3 : i32
    %shift_right_arithmetic3A_1559 = arith.shrsi %get3A_1557, %shift_right_arithmetic3A_1558 : i32
    %shift_left3A_1560 = arith.constant 3 : i32
    %shift_left3A_1561 = arith.shli %shift_right_arithmetic3A_1559, %shift_left3A_1560 : i32
    %multiple_of3A_1562 = tpu.assume_multiple %shift_left3A_1561, 8 : i32
    %dma_start3A_1563 = arith.constant 104 : i32
    %dma_start3A_1564 = arith.constant 0 : i32
    %dma_start3A_1565 = arith.constant 0 : i32
    %dma_start3A_1566 = tpu.memref_slice %arg5[%dma_start3A_1563, %dma_start3A_1564, %dma_start3A_1565] : memref<128x8x128xf32, #tpu.memory_space<vmem>> -> memref<1x8x128xf32, #tpu.memory_space<vmem>>
    %dma_start3A_1567 = tpu.memref_squeeze %dma_start3A_1566 : memref<1x8x128xf32, #tpu.memory_space<vmem>> -> memref<8x128xf32, #tpu.memory_space<vmem>>
    %dma_start3A_1568 = arith.constant 0 : i32
    %dma_start3A_1569 = tpu.memref_slice %arg2[%multiple_of3A_1562, %dma_start3A_1568] : memref<100000x128xf32, #tpu.memory_space<hbm>> -> memref<8x128xf32, #tpu.memory_space<hbm>>
    tpu.enqueue_dma source(%dma_start3A_1569 : memref<8x128xf32, #tpu.memory_space<hbm>>) target(%dma_start3A_1567 : memref<8x128xf32, #tpu.memory_space<vmem>>) target_semaphore(%arg6 : memref<!tpu.dma_semaphore, #tpu.memory_space<semaphore_mem>>)
    %get3A_1570 = arith.constant 0 : index
    %get3A_1571 = arith.constant 105 : index
    %get3A_1572 = memref.load %arg0[%get3A_1570, %get3A_1571] : memref<1x128xi32, #tpu.memory_space<smem>>
    %shift_right_arithmetic3A_1573 = arith.constant 3 : i32
    %shift_right_arithmetic3A_1574 = arith.shrsi %get3A_1572, %shift_right_arithmetic3A_1573 : i32
    %shift_left3A_1575 = arith.constant 3 : i32
    %shift_left3A_1576 = arith.shli %shift_right_arithmetic3A_1574, %shift_left3A_1575 : i32
    %multiple_of3A_1577 = tpu.assume_multiple %shift_left3A_1576, 8 : i32
    %dma_start3A_1578 = arith.constant 105 : i32
    %dma_start3A_1579 = arith.constant 0 : i32
    %dma_start3A_1580 = arith.constant 0 : i32
    %dma_start3A_1581 = tpu.memref_slice %arg5[%dma_start3A_1578, %dma_start3A_1579, %dma_start3A_1580] : memref<128x8x128xf32, #tpu.memory_space<vmem>> -> memref<1x8x128xf32, #tpu.memory_space<vmem>>
    %dma_start3A_1582 = tpu.memref_squeeze %dma_start3A_1581 : memref<1x8x128xf32, #tpu.memory_space<vmem>> -> memref<8x128xf32, #tpu.memory_space<vmem>>
    %dma_start3A_1583 = arith.constant 0 : i32
    %dma_start3A_1584 = tpu.memref_slice %arg2[%multiple_of3A_1577, %dma_start3A_1583] : memref<100000x128xf32, #tpu.memory_space<hbm>> -> memref<8x128xf32, #tpu.memory_space<hbm>>
    tpu.enqueue_dma source(%dma_start3A_1584 : memref<8x128xf32, #tpu.memory_space<hbm>>) target(%dma_start3A_1582 : memref<8x128xf32, #tpu.memory_space<vmem>>) target_semaphore(%arg6 : memref<!tpu.dma_semaphore, #tpu.memory_space<semaphore_mem>>)
    %get3A_1585 = arith.constant 0 : index
    %get3A_1586 = arith.constant 106 : index
    %get3A_1587 = memref.load %arg0[%get3A_1585, %get3A_1586] : memref<1x128xi32, #tpu.memory_space<smem>>
    %shift_right_arithmetic3A_1588 = arith.constant 3 : i32
    %shift_right_arithmetic3A_1589 = arith.shrsi %get3A_1587, %shift_right_arithmetic3A_1588 : i32
    %shift_left3A_1590 = arith.constant 3 : i32
    %shift_left3A_1591 = arith.shli %shift_right_arithmetic3A_1589, %shift_left3A_1590 : i32
    %multiple_of3A_1592 = tpu.assume_multiple %shift_left3A_1591, 8 : i32
    %dma_start3A_1593 = arith.constant 106 : i32
    %dma_start3A_1594 = arith.constant 0 : i32
    %dma_start3A_1595 = arith.constant 0 : i32
    %dma_start3A_1596 = tpu.memref_slice %arg5[%dma_start3A_1593, %dma_start3A_1594, %dma_start3A_1595] : memref<128x8x128xf32, #tpu.memory_space<vmem>> -> memref<1x8x128xf32, #tpu.memory_space<vmem>>
    %dma_start3A_1597 = tpu.memref_squeeze %dma_start3A_1596 : memref<1x8x128xf32, #tpu.memory_space<vmem>> -> memref<8x128xf32, #tpu.memory_space<vmem>>
    %dma_start3A_1598 = arith.constant 0 : i32
    %dma_start3A_1599 = tpu.memref_slice %arg2[%multiple_of3A_1592, %dma_start3A_1598] : memref<100000x128xf32, #tpu.memory_space<hbm>> -> memref<8x128xf32, #tpu.memory_space<hbm>>
    tpu.enqueue_dma source(%dma_start3A_1599 : memref<8x128xf32, #tpu.memory_space<hbm>>) target(%dma_start3A_1597 : memref<8x128xf32, #tpu.memory_space<vmem>>) target_semaphore(%arg6 : memref<!tpu.dma_semaphore, #tpu.memory_space<semaphore_mem>>)
    %get3A_1600 = arith.constant 0 : index
    %get3A_1601 = arith.constant 107 : index
    %get3A_1602 = memref.load %arg0[%get3A_1600, %get3A_1601] : memref<1x128xi32, #tpu.memory_space<smem>>
    %shift_right_arithmetic3A_1603 = arith.constant 3 : i32
    %shift_right_arithmetic3A_1604 = arith.shrsi %get3A_1602, %shift_right_arithmetic3A_1603 : i32
    %shift_left3A_1605 = arith.constant 3 : i32
    %shift_left3A_1606 = arith.shli %shift_right_arithmetic3A_1604, %shift_left3A_1605 : i32
    %multiple_of3A_1607 = tpu.assume_multiple %shift_left3A_1606, 8 : i32
    %dma_start3A_1608 = arith.constant 107 : i32
    %dma_start3A_1609 = arith.constant 0 : i32
    %dma_start3A_1610 = arith.constant 0 : i32
    %dma_start3A_1611 = tpu.memref_slice %arg5[%dma_start3A_1608, %dma_start3A_1609, %dma_start3A_1610] : memref<128x8x128xf32, #tpu.memory_space<vmem>> -> memref<1x8x128xf32, #tpu.memory_space<vmem>>
    %dma_start3A_1612 = tpu.memref_squeeze %dma_start3A_1611 : memref<1x8x128xf32, #tpu.memory_space<vmem>> -> memref<8x128xf32, #tpu.memory_space<vmem>>
    %dma_start3A_1613 = arith.constant 0 : i32
    %dma_start3A_1614 = tpu.memref_slice %arg2[%multiple_of3A_1607, %dma_start3A_1613] : memref<100000x128xf32, #tpu.memory_space<hbm>> -> memref<8x128xf32, #tpu.memory_space<hbm>>
    tpu.enqueue_dma source(%dma_start3A_1614 : memref<8x128xf32, #tpu.memory_space<hbm>>) target(%dma_start3A_1612 : memref<8x128xf32, #tpu.memory_space<vmem>>) target_semaphore(%arg6 : memref<!tpu.dma_semaphore, #tpu.memory_space<semaphore_mem>>)
    %get3A_1615 = arith.constant 0 : index
    %get3A_1616 = arith.constant 108 : index
    %get3A_1617 = memref.load %arg0[%get3A_1615, %get3A_1616] : memref<1x128xi32, #tpu.memory_space<smem>>
    %shift_right_arithmetic3A_1618 = arith.constant 3 : i32
    %shift_right_arithmetic3A_1619 = arith.shrsi %get3A_1617, %shift_right_arithmetic3A_1618 : i32
    %shift_left3A_1620 = arith.constant 3 : i32
    %shift_left3A_1621 = arith.shli %shift_right_arithmetic3A_1619, %shift_left3A_1620 : i32
    %multiple_of3A_1622 = tpu.assume_multiple %shift_left3A_1621, 8 : i32
    %dma_start3A_1623 = arith.constant 108 : i32
    %dma_start3A_1624 = arith.constant 0 : i32
    %dma_start3A_1625 = arith.constant 0 : i32
    %dma_start3A_1626 = tpu.memref_slice %arg5[%dma_start3A_1623, %dma_start3A_1624, %dma_start3A_1625] : memref<128x8x128xf32, #tpu.memory_space<vmem>> -> memref<1x8x128xf32, #tpu.memory_space<vmem>>
    %dma_start3A_1627 = tpu.memref_squeeze %dma_start3A_1626 : memref<1x8x128xf32, #tpu.memory_space<vmem>> -> memref<8x128xf32, #tpu.memory_space<vmem>>
    %dma_start3A_1628 = arith.constant 0 : i32
    %dma_start3A_1629 = tpu.memref_slice %arg2[%multiple_of3A_1622, %dma_start3A_1628] : memref<100000x128xf32, #tpu.memory_space<hbm>> -> memref<8x128xf32, #tpu.memory_space<hbm>>
    tpu.enqueue_dma source(%dma_start3A_1629 : memref<8x128xf32, #tpu.memory_space<hbm>>) target(%dma_start3A_1627 : memref<8x128xf32, #tpu.memory_space<vmem>>) target_semaphore(%arg6 : memref<!tpu.dma_semaphore, #tpu.memory_space<semaphore_mem>>)
    %get3A_1630 = arith.constant 0 : index
    %get3A_1631 = arith.constant 109 : index
    %get3A_1632 = memref.load %arg0[%get3A_1630, %get3A_1631] : memref<1x128xi32, #tpu.memory_space<smem>>
    %shift_right_arithmetic3A_1633 = arith.constant 3 : i32
    %shift_right_arithmetic3A_1634 = arith.shrsi %get3A_1632, %shift_right_arithmetic3A_1633 : i32
    %shift_left3A_1635 = arith.constant 3 : i32
    %shift_left3A_1636 = arith.shli %shift_right_arithmetic3A_1634, %shift_left3A_1635 : i32
    %multiple_of3A_1637 = tpu.assume_multiple %shift_left3A_1636, 8 : i32
    %dma_start3A_1638 = arith.constant 109 : i32
    %dma_start3A_1639 = arith.constant 0 : i32
    %dma_start3A_1640 = arith.constant 0 : i32
    %dma_start3A_1641 = tpu.memref_slice %arg5[%dma_start3A_1638, %dma_start3A_1639, %dma_start3A_1640] : memref<128x8x128xf32, #tpu.memory_space<vmem>> -> memref<1x8x128xf32, #tpu.memory_space<vmem>>
    %dma_start3A_1642 = tpu.memref_squeeze %dma_start3A_1641 : memref<1x8x128xf32, #tpu.memory_space<vmem>> -> memref<8x128xf32, #tpu.memory_space<vmem>>
    %dma_start3A_1643 = arith.constant 0 : i32
    %dma_start3A_1644 = tpu.memref_slice %arg2[%multiple_of3A_1637, %dma_start3A_1643] : memref<100000x128xf32, #tpu.memory_space<hbm>> -> memref<8x128xf32, #tpu.memory_space<hbm>>
    tpu.enqueue_dma source(%dma_start3A_1644 : memref<8x128xf32, #tpu.memory_space<hbm>>) target(%dma_start3A_1642 : memref<8x128xf32, #tpu.memory_space<vmem>>) target_semaphore(%arg6 : memref<!tpu.dma_semaphore, #tpu.memory_space<semaphore_mem>>)
    %get3A_1645 = arith.constant 0 : index
    %get3A_1646 = arith.constant 110 : index
    %get3A_1647 = memref.load %arg0[%get3A_1645, %get3A_1646] : memref<1x128xi32, #tpu.memory_space<smem>>
    %shift_right_arithmetic3A_1648 = arith.constant 3 : i32
    %shift_right_arithmetic3A_1649 = arith.shrsi %get3A_1647, %shift_right_arithmetic3A_1648 : i32
    %shift_left3A_1650 = arith.constant 3 : i32
    %shift_left3A_1651 = arith.shli %shift_right_arithmetic3A_1649, %shift_left3A_1650 : i32
    %multiple_of3A_1652 = tpu.assume_multiple %shift_left3A_1651, 8 : i32
    %dma_start3A_1653 = arith.constant 110 : i32
    %dma_start3A_1654 = arith.constant 0 : i32
    %dma_start3A_1655 = arith.constant 0 : i32
    %dma_start3A_1656 = tpu.memref_slice %arg5[%dma_start3A_1653, %dma_start3A_1654, %dma_start3A_1655] : memref<128x8x128xf32, #tpu.memory_space<vmem>> -> memref<1x8x128xf32, #tpu.memory_space<vmem>>
    %dma_start3A_1657 = tpu.memref_squeeze %dma_start3A_1656 : memref<1x8x128xf32, #tpu.memory_space<vmem>> -> memref<8x128xf32, #tpu.memory_space<vmem>>
    %dma_start3A_1658 = arith.constant 0 : i32
    %dma_start3A_1659 = tpu.memref_slice %arg2[%multiple_of3A_1652, %dma_start3A_1658] : memref<100000x128xf32, #tpu.memory_space<hbm>> -> memref<8x128xf32, #tpu.memory_space<hbm>>
    tpu.enqueue_dma source(%dma_start3A_1659 : memref<8x128xf32, #tpu.memory_space<hbm>>) target(%dma_start3A_1657 : memref<8x128xf32, #tpu.memory_space<vmem>>) target_semaphore(%arg6 : memref<!tpu.dma_semaphore, #tpu.memory_space<semaphore_mem>>)
    %get3A_1660 = arith.constant 0 : index
    %get3A_1661 = arith.constant 111 : index
    %get3A_1662 = memref.load %arg0[%get3A_1660, %get3A_1661] : memref<1x128xi32, #tpu.memory_space<smem>>
    %shift_right_arithmetic3A_1663 = arith.constant 3 : i32
    %shift_right_arithmetic3A_1664 = arith.shrsi %get3A_1662, %shift_right_arithmetic3A_1663 : i32
    %shift_left3A_1665 = arith.constant 3 : i32
    %shift_left3A_1666 = arith.shli %shift_right_arithmetic3A_1664, %shift_left3A_1665 : i32
    %multiple_of3A_1667 = tpu.assume_multiple %shift_left3A_1666, 8 : i32
    %dma_start3A_1668 = arith.constant 111 : i32
    %dma_start3A_1669 = arith.constant 0 : i32
    %dma_start3A_1670 = arith.constant 0 : i32
    %dma_start3A_1671 = tpu.memref_slice %arg5[%dma_start3A_1668, %dma_start3A_1669, %dma_start3A_1670] : memref<128x8x128xf32, #tpu.memory_space<vmem>> -> memref<1x8x128xf32, #tpu.memory_space<vmem>>
    %dma_start3A_1672 = tpu.memref_squeeze %dma_start3A_1671 : memref<1x8x128xf32, #tpu.memory_space<vmem>> -> memref<8x128xf32, #tpu.memory_space<vmem>>
    %dma_start3A_1673 = arith.constant 0 : i32
    %dma_start3A_1674 = tpu.memref_slice %arg2[%multiple_of3A_1667, %dma_start3A_1673] : memref<100000x128xf32, #tpu.memory_space<hbm>> -> memref<8x128xf32, #tpu.memory_space<hbm>>
    tpu.enqueue_dma source(%dma_start3A_1674 : memref<8x128xf32, #tpu.memory_space<hbm>>) target(%dma_start3A_1672 : memref<8x128xf32, #tpu.memory_space<vmem>>) target_semaphore(%arg6 : memref<!tpu.dma_semaphore, #tpu.memory_space<semaphore_mem>>)
    %get3A_1675 = arith.constant 0 : index
    %get3A_1676 = arith.constant 112 : index
    %get3A_1677 = memref.load %arg0[%get3A_1675, %get3A_1676] : memref<1x128xi32, #tpu.memory_space<smem>>
    %shift_right_arithmetic3A_1678 = arith.constant 3 : i32
    %shift_right_arithmetic3A_1679 = arith.shrsi %get3A_1677, %shift_right_arithmetic3A_1678 : i32
    %shift_left3A_1680 = arith.constant 3 : i32
    %shift_left3A_1681 = arith.shli %shift_right_arithmetic3A_1679, %shift_left3A_1680 : i32
    %multiple_of3A_1682 = tpu.assume_multiple %shift_left3A_1681, 8 : i32
    %dma_start3A_1683 = arith.constant 112 : i32
    %dma_start3A_1684 = arith.constant 0 : i32
    %dma_start3A_1685 = arith.constant 0 : i32
    %dma_start3A_1686 = tpu.memref_slice %arg5[%dma_start3A_1683, %dma_start3A_1684, %dma_start3A_1685] : memref<128x8x128xf32, #tpu.memory_space<vmem>> -> memref<1x8x128xf32, #tpu.memory_space<vmem>>
    %dma_start3A_1687 = tpu.memref_squeeze %dma_start3A_1686 : memref<1x8x128xf32, #tpu.memory_space<vmem>> -> memref<8x128xf32, #tpu.memory_space<vmem>>
    %dma_start3A_1688 = arith.constant 0 : i32
    %dma_start3A_1689 = tpu.memref_slice %arg2[%multiple_of3A_1682, %dma_start3A_1688] : memref<100000x128xf32, #tpu.memory_space<hbm>> -> memref<8x128xf32, #tpu.memory_space<hbm>>
    tpu.enqueue_dma source(%dma_start3A_1689 : memref<8x128xf32, #tpu.memory_space<hbm>>) target(%dma_start3A_1687 : memref<8x128xf32, #tpu.memory_space<vmem>>) target_semaphore(%arg6 : memref<!tpu.dma_semaphore, #tpu.memory_space<semaphore_mem>>)
    %get3A_1690 = arith.constant 0 : index
    %get3A_1691 = arith.constant 113 : index
    %get3A_1692 = memref.load %arg0[%get3A_1690, %get3A_1691] : memref<1x128xi32, #tpu.memory_space<smem>>
    %shift_right_arithmetic3A_1693 = arith.constant 3 : i32
    %shift_right_arithmetic3A_1694 = arith.shrsi %get3A_1692, %shift_right_arithmetic3A_1693 : i32
    %shift_left3A_1695 = arith.constant 3 : i32
    %shift_left3A_1696 = arith.shli %shift_right_arithmetic3A_1694, %shift_left3A_1695 : i32
    %multiple_of3A_1697 = tpu.assume_multiple %shift_left3A_1696, 8 : i32
    %dma_start3A_1698 = arith.constant 113 : i32
    %dma_start3A_1699 = arith.constant 0 : i32
    %dma_start3A_1700 = arith.constant 0 : i32
    %dma_start3A_1701 = tpu.memref_slice %arg5[%dma_start3A_1698, %dma_start3A_1699, %dma_start3A_1700] : memref<128x8x128xf32, #tpu.memory_space<vmem>> -> memref<1x8x128xf32, #tpu.memory_space<vmem>>
    %dma_start3A_1702 = tpu.memref_squeeze %dma_start3A_1701 : memref<1x8x128xf32, #tpu.memory_space<vmem>> -> memref<8x128xf32, #tpu.memory_space<vmem>>
    %dma_start3A_1703 = arith.constant 0 : i32
    %dma_start3A_1704 = tpu.memref_slice %arg2[%multiple_of3A_1697, %dma_start3A_1703] : memref<100000x128xf32, #tpu.memory_space<hbm>> -> memref<8x128xf32, #tpu.memory_space<hbm>>
    tpu.enqueue_dma source(%dma_start3A_1704 : memref<8x128xf32, #tpu.memory_space<hbm>>) target(%dma_start3A_1702 : memref<8x128xf32, #tpu.memory_space<vmem>>) target_semaphore(%arg6 : memref<!tpu.dma_semaphore, #tpu.memory_space<semaphore_mem>>)
    %get3A_1705 = arith.constant 0 : index
    %get3A_1706 = arith.constant 114 : index
    %get3A_1707 = memref.load %arg0[%get3A_1705, %get3A_1706] : memref<1x128xi32, #tpu.memory_space<smem>>
    %shift_right_arithmetic3A_1708 = arith.constant 3 : i32
    %shift_right_arithmetic3A_1709 = arith.shrsi %get3A_1707, %shift_right_arithmetic3A_1708 : i32
    %shift_left3A_1710 = arith.constant 3 : i32
    %shift_left3A_1711 = arith.shli %shift_right_arithmetic3A_1709, %shift_left3A_1710 : i32
    %multiple_of3A_1712 = tpu.assume_multiple %shift_left3A_1711, 8 : i32
    %dma_start3A_1713 = arith.constant 114 : i32
    %dma_start3A_1714 = arith.constant 0 : i32
    %dma_start3A_1715 = arith.constant 0 : i32
    %dma_start3A_1716 = tpu.memref_slice %arg5[%dma_start3A_1713, %dma_start3A_1714, %dma_start3A_1715] : memref<128x8x128xf32, #tpu.memory_space<vmem>> -> memref<1x8x128xf32, #tpu.memory_space<vmem>>
    %dma_start3A_1717 = tpu.memref_squeeze %dma_start3A_1716 : memref<1x8x128xf32, #tpu.memory_space<vmem>> -> memref<8x128xf32, #tpu.memory_space<vmem>>
    %dma_start3A_1718 = arith.constant 0 : i32
    %dma_start3A_1719 = tpu.memref_slice %arg2[%multiple_of3A_1712, %dma_start3A_1718] : memref<100000x128xf32, #tpu.memory_space<hbm>> -> memref<8x128xf32, #tpu.memory_space<hbm>>
    tpu.enqueue_dma source(%dma_start3A_1719 : memref<8x128xf32, #tpu.memory_space<hbm>>) target(%dma_start3A_1717 : memref<8x128xf32, #tpu.memory_space<vmem>>) target_semaphore(%arg6 : memref<!tpu.dma_semaphore, #tpu.memory_space<semaphore_mem>>)
    %get3A_1720 = arith.constant 0 : index
    %get3A_1721 = arith.constant 115 : index
    %get3A_1722 = memref.load %arg0[%get3A_1720, %get3A_1721] : memref<1x128xi32, #tpu.memory_space<smem>>
    %shift_right_arithmetic3A_1723 = arith.constant 3 : i32
    %shift_right_arithmetic3A_1724 = arith.shrsi %get3A_1722, %shift_right_arithmetic3A_1723 : i32
    %shift_left3A_1725 = arith.constant 3 : i32
    %shift_left3A_1726 = arith.shli %shift_right_arithmetic3A_1724, %shift_left3A_1725 : i32
    %multiple_of3A_1727 = tpu.assume_multiple %shift_left3A_1726, 8 : i32
    %dma_start3A_1728 = arith.constant 115 : i32
    %dma_start3A_1729 = arith.constant 0 : i32
    %dma_start3A_1730 = arith.constant 0 : i32
    %dma_start3A_1731 = tpu.memref_slice %arg5[%dma_start3A_1728, %dma_start3A_1729, %dma_start3A_1730] : memref<128x8x128xf32, #tpu.memory_space<vmem>> -> memref<1x8x128xf32, #tpu.memory_space<vmem>>
    %dma_start3A_1732 = tpu.memref_squeeze %dma_start3A_1731 : memref<1x8x128xf32, #tpu.memory_space<vmem>> -> memref<8x128xf32, #tpu.memory_space<vmem>>
    %dma_start3A_1733 = arith.constant 0 : i32
    %dma_start3A_1734 = tpu.memref_slice %arg2[%multiple_of3A_1727, %dma_start3A_1733] : memref<100000x128xf32, #tpu.memory_space<hbm>> -> memref<8x128xf32, #tpu.memory_space<hbm>>
    tpu.enqueue_dma source(%dma_start3A_1734 : memref<8x128xf32, #tpu.memory_space<hbm>>) target(%dma_start3A_1732 : memref<8x128xf32, #tpu.memory_space<vmem>>) target_semaphore(%arg6 : memref<!tpu.dma_semaphore, #tpu.memory_space<semaphore_mem>>)
    %get3A_1735 = arith.constant 0 : index
    %get3A_1736 = arith.constant 116 : index
    %get3A_1737 = memref.load %arg0[%get3A_1735, %get3A_1736] : memref<1x128xi32, #tpu.memory_space<smem>>
    %shift_right_arithmetic3A_1738 = arith.constant 3 : i32
    %shift_right_arithmetic3A_1739 = arith.shrsi %get3A_1737, %shift_right_arithmetic3A_1738 : i32
    %shift_left3A_1740 = arith.constant 3 : i32
    %shift_left3A_1741 = arith.shli %shift_right_arithmetic3A_1739, %shift_left3A_1740 : i32
    %multiple_of3A_1742 = tpu.assume_multiple %shift_left3A_1741, 8 : i32
    %dma_start3A_1743 = arith.constant 116 : i32
    %dma_start3A_1744 = arith.constant 0 : i32
    %dma_start3A_1745 = arith.constant 0 : i32
    %dma_start3A_1746 = tpu.memref_slice %arg5[%dma_start3A_1743, %dma_start3A_1744, %dma_start3A_1745] : memref<128x8x128xf32, #tpu.memory_space<vmem>> -> memref<1x8x128xf32, #tpu.memory_space<vmem>>
    %dma_start3A_1747 = tpu.memref_squeeze %dma_start3A_1746 : memref<1x8x128xf32, #tpu.memory_space<vmem>> -> memref<8x128xf32, #tpu.memory_space<vmem>>
    %dma_start3A_1748 = arith.constant 0 : i32
    %dma_start3A_1749 = tpu.memref_slice %arg2[%multiple_of3A_1742, %dma_start3A_1748] : memref<100000x128xf32, #tpu.memory_space<hbm>> -> memref<8x128xf32, #tpu.memory_space<hbm>>
    tpu.enqueue_dma source(%dma_start3A_1749 : memref<8x128xf32, #tpu.memory_space<hbm>>) target(%dma_start3A_1747 : memref<8x128xf32, #tpu.memory_space<vmem>>) target_semaphore(%arg6 : memref<!tpu.dma_semaphore, #tpu.memory_space<semaphore_mem>>)
    %get3A_1750 = arith.constant 0 : index
    %get3A_1751 = arith.constant 117 : index
    %get3A_1752 = memref.load %arg0[%get3A_1750, %get3A_1751] : memref<1x128xi32, #tpu.memory_space<smem>>
    %shift_right_arithmetic3A_1753 = arith.constant 3 : i32
    %shift_right_arithmetic3A_1754 = arith.shrsi %get3A_1752, %shift_right_arithmetic3A_1753 : i32
    %shift_left3A_1755 = arith.constant 3 : i32
    %shift_left3A_1756 = arith.shli %shift_right_arithmetic3A_1754, %shift_left3A_1755 : i32
    %multiple_of3A_1757 = tpu.assume_multiple %shift_left3A_1756, 8 : i32
    %dma_start3A_1758 = arith.constant 117 : i32
    %dma_start3A_1759 = arith.constant 0 : i32
    %dma_start3A_1760 = arith.constant 0 : i32
    %dma_start3A_1761 = tpu.memref_slice %arg5[%dma_start3A_1758, %dma_start3A_1759, %dma_start3A_1760] : memref<128x8x128xf32, #tpu.memory_space<vmem>> -> memref<1x8x128xf32, #tpu.memory_space<vmem>>
    %dma_start3A_1762 = tpu.memref_squeeze %dma_start3A_1761 : memref<1x8x128xf32, #tpu.memory_space<vmem>> -> memref<8x128xf32, #tpu.memory_space<vmem>>
    %dma_start3A_1763 = arith.constant 0 : i32
    %dma_start3A_1764 = tpu.memref_slice %arg2[%multiple_of3A_1757, %dma_start3A_1763] : memref<100000x128xf32, #tpu.memory_space<hbm>> -> memref<8x128xf32, #tpu.memory_space<hbm>>
    tpu.enqueue_dma source(%dma_start3A_1764 : memref<8x128xf32, #tpu.memory_space<hbm>>) target(%dma_start3A_1762 : memref<8x128xf32, #tpu.memory_space<vmem>>) target_semaphore(%arg6 : memref<!tpu.dma_semaphore, #tpu.memory_space<semaphore_mem>>)
    %get3A_1765 = arith.constant 0 : index
    %get3A_1766 = arith.constant 118 : index
    %get3A_1767 = memref.load %arg0[%get3A_1765, %get3A_1766] : memref<1x128xi32, #tpu.memory_space<smem>>
    %shift_right_arithmetic3A_1768 = arith.constant 3 : i32
    %shift_right_arithmetic3A_1769 = arith.shrsi %get3A_1767, %shift_right_arithmetic3A_1768 : i32
    %shift_left3A_1770 = arith.constant 3 : i32
    %shift_left3A_1771 = arith.shli %shift_right_arithmetic3A_1769, %shift_left3A_1770 : i32
    %multiple_of3A_1772 = tpu.assume_multiple %shift_left3A_1771, 8 : i32
    %dma_start3A_1773 = arith.constant 118 : i32
    %dma_start3A_1774 = arith.constant 0 : i32
    %dma_start3A_1775 = arith.constant 0 : i32
    %dma_start3A_1776 = tpu.memref_slice %arg5[%dma_start3A_1773, %dma_start3A_1774, %dma_start3A_1775] : memref<128x8x128xf32, #tpu.memory_space<vmem>> -> memref<1x8x128xf32, #tpu.memory_space<vmem>>
    %dma_start3A_1777 = tpu.memref_squeeze %dma_start3A_1776 : memref<1x8x128xf32, #tpu.memory_space<vmem>> -> memref<8x128xf32, #tpu.memory_space<vmem>>
    %dma_start3A_1778 = arith.constant 0 : i32
    %dma_start3A_1779 = tpu.memref_slice %arg2[%multiple_of3A_1772, %dma_start3A_1778] : memref<100000x128xf32, #tpu.memory_space<hbm>> -> memref<8x128xf32, #tpu.memory_space<hbm>>
    tpu.enqueue_dma source(%dma_start3A_1779 : memref<8x128xf32, #tpu.memory_space<hbm>>) target(%dma_start3A_1777 : memref<8x128xf32, #tpu.memory_space<vmem>>) target_semaphore(%arg6 : memref<!tpu.dma_semaphore, #tpu.memory_space<semaphore_mem>>)
    %get3A_1780 = arith.constant 0 : index
    %get3A_1781 = arith.constant 119 : index
    %get3A_1782 = memref.load %arg0[%get3A_1780, %get3A_1781] : memref<1x128xi32, #tpu.memory_space<smem>>
    %shift_right_arithmetic3A_1783 = arith.constant 3 : i32
    %shift_right_arithmetic3A_1784 = arith.shrsi %get3A_1782, %shift_right_arithmetic3A_1783 : i32
    %shift_left3A_1785 = arith.constant 3 : i32
    %shift_left3A_1786 = arith.shli %shift_right_arithmetic3A_1784, %shift_left3A_1785 : i32
    %multiple_of3A_1787 = tpu.assume_multiple %shift_left3A_1786, 8 : i32
    %dma_start3A_1788 = arith.constant 119 : i32
    %dma_start3A_1789 = arith.constant 0 : i32
    %dma_start3A_1790 = arith.constant 0 : i32
    %dma_start3A_1791 = tpu.memref_slice %arg5[%dma_start3A_1788, %dma_start3A_1789, %dma_start3A_1790] : memref<128x8x128xf32, #tpu.memory_space<vmem>> -> memref<1x8x128xf32, #tpu.memory_space<vmem>>
    %dma_start3A_1792 = tpu.memref_squeeze %dma_start3A_1791 : memref<1x8x128xf32, #tpu.memory_space<vmem>> -> memref<8x128xf32, #tpu.memory_space<vmem>>
    %dma_start3A_1793 = arith.constant 0 : i32
    %dma_start3A_1794 = tpu.memref_slice %arg2[%multiple_of3A_1787, %dma_start3A_1793] : memref<100000x128xf32, #tpu.memory_space<hbm>> -> memref<8x128xf32, #tpu.memory_space<hbm>>
    tpu.enqueue_dma source(%dma_start3A_1794 : memref<8x128xf32, #tpu.memory_space<hbm>>) target(%dma_start3A_1792 : memref<8x128xf32, #tpu.memory_space<vmem>>) target_semaphore(%arg6 : memref<!tpu.dma_semaphore, #tpu.memory_space<semaphore_mem>>)
    %get3A_1795 = arith.constant 0 : index
    %get3A_1796 = arith.constant 120 : index
    %get3A_1797 = memref.load %arg0[%get3A_1795, %get3A_1796] : memref<1x128xi32, #tpu.memory_space<smem>>
    %shift_right_arithmetic3A_1798 = arith.constant 3 : i32
    %shift_right_arithmetic3A_1799 = arith.shrsi %get3A_1797, %shift_right_arithmetic3A_1798 : i32
    %shift_left3A_1800 = arith.constant 3 : i32
    %shift_left3A_1801 = arith.shli %shift_right_arithmetic3A_1799, %shift_left3A_1800 : i32
    %multiple_of3A_1802 = tpu.assume_multiple %shift_left3A_1801, 8 : i32
    %dma_start3A_1803 = arith.constant 120 : i32
    %dma_start3A_1804 = arith.constant 0 : i32
    %dma_start3A_1805 = arith.constant 0 : i32
    %dma_start3A_1806 = tpu.memref_slice %arg5[%dma_start3A_1803, %dma_start3A_1804, %dma_start3A_1805] : memref<128x8x128xf32, #tpu.memory_space<vmem>> -> memref<1x8x128xf32, #tpu.memory_space<vmem>>
    %dma_start3A_1807 = tpu.memref_squeeze %dma_start3A_1806 : memref<1x8x128xf32, #tpu.memory_space<vmem>> -> memref<8x128xf32, #tpu.memory_space<vmem>>
    %dma_start3A_1808 = arith.constant 0 : i32
    %dma_start3A_1809 = tpu.memref_slice %arg2[%multiple_of3A_1802, %dma_start3A_1808] : memref<100000x128xf32, #tpu.memory_space<hbm>> -> memref<8x128xf32, #tpu.memory_space<hbm>>
    tpu.enqueue_dma source(%dma_start3A_1809 : memref<8x128xf32, #tpu.memory_space<hbm>>) target(%dma_start3A_1807 : memref<8x128xf32, #tpu.memory_space<vmem>>) target_semaphore(%arg6 : memref<!tpu.dma_semaphore, #tpu.memory_space<semaphore_mem>>)
    %get3A_1810 = arith.constant 0 : index
    %get3A_1811 = arith.constant 121 : index
    %get3A_1812 = memref.load %arg0[%get3A_1810, %get3A_1811] : memref<1x128xi32, #tpu.memory_space<smem>>
    %shift_right_arithmetic3A_1813 = arith.constant 3 : i32
    %shift_right_arithmetic3A_1814 = arith.shrsi %get3A_1812, %shift_right_arithmetic3A_1813 : i32
    %shift_left3A_1815 = arith.constant 3 : i32
    %shift_left3A_1816 = arith.shli %shift_right_arithmetic3A_1814, %shift_left3A_1815 : i32
    %multiple_of3A_1817 = tpu.assume_multiple %shift_left3A_1816, 8 : i32
    %dma_start3A_1818 = arith.constant 121 : i32
    %dma_start3A_1819 = arith.constant 0 : i32
    %dma_start3A_1820 = arith.constant 0 : i32
    %dma_start3A_1821 = tpu.memref_slice %arg5[%dma_start3A_1818, %dma_start3A_1819, %dma_start3A_1820] : memref<128x8x128xf32, #tpu.memory_space<vmem>> -> memref<1x8x128xf32, #tpu.memory_space<vmem>>
    %dma_start3A_1822 = tpu.memref_squeeze %dma_start3A_1821 : memref<1x8x128xf32, #tpu.memory_space<vmem>> -> memref<8x128xf32, #tpu.memory_space<vmem>>
    %dma_start3A_1823 = arith.constant 0 : i32
    %dma_start3A_1824 = tpu.memref_slice %arg2[%multiple_of3A_1817, %dma_start3A_1823] : memref<100000x128xf32, #tpu.memory_space<hbm>> -> memref<8x128xf32, #tpu.memory_space<hbm>>
    tpu.enqueue_dma source(%dma_start3A_1824 : memref<8x128xf32, #tpu.memory_space<hbm>>) target(%dma_start3A_1822 : memref<8x128xf32, #tpu.memory_space<vmem>>) target_semaphore(%arg6 : memref<!tpu.dma_semaphore, #tpu.memory_space<semaphore_mem>>)
    %get3A_1825 = arith.constant 0 : index
    %get3A_1826 = arith.constant 122 : index
    %get3A_1827 = memref.load %arg0[%get3A_1825, %get3A_1826] : memref<1x128xi32, #tpu.memory_space<smem>>
    %shift_right_arithmetic3A_1828 = arith.constant 3 : i32
    %shift_right_arithmetic3A_1829 = arith.shrsi %get3A_1827, %shift_right_arithmetic3A_1828 : i32
    %shift_left3A_1830 = arith.constant 3 : i32
    %shift_left3A_1831 = arith.shli %shift_right_arithmetic3A_1829, %shift_left3A_1830 : i32
    %multiple_of3A_1832 = tpu.assume_multiple %shift_left3A_1831, 8 : i32
    %dma_start3A_1833 = arith.constant 122 : i32
    %dma_start3A_1834 = arith.constant 0 : i32
    %dma_start3A_1835 = arith.constant 0 : i32
    %dma_start3A_1836 = tpu.memref_slice %arg5[%dma_start3A_1833, %dma_start3A_1834, %dma_start3A_1835] : memref<128x8x128xf32, #tpu.memory_space<vmem>> -> memref<1x8x128xf32, #tpu.memory_space<vmem>>
    %dma_start3A_1837 = tpu.memref_squeeze %dma_start3A_1836 : memref<1x8x128xf32, #tpu.memory_space<vmem>> -> memref<8x128xf32, #tpu.memory_space<vmem>>
    %dma_start3A_1838 = arith.constant 0 : i32
    %dma_start3A_1839 = tpu.memref_slice %arg2[%multiple_of3A_1832, %dma_start3A_1838] : memref<100000x128xf32, #tpu.memory_space<hbm>> -> memref<8x128xf32, #tpu.memory_space<hbm>>
    tpu.enqueue_dma source(%dma_start3A_1839 : memref<8x128xf32, #tpu.memory_space<hbm>>) target(%dma_start3A_1837 : memref<8x128xf32, #tpu.memory_space<vmem>>) target_semaphore(%arg6 : memref<!tpu.dma_semaphore, #tpu.memory_space<semaphore_mem>>)
    %get3A_1840 = arith.constant 0 : index
    %get3A_1841 = arith.constant 123 : index
    %get3A_1842 = memref.load %arg0[%get3A_1840, %get3A_1841] : memref<1x128xi32, #tpu.memory_space<smem>>
    %shift_right_arithmetic3A_1843 = arith.constant 3 : i32
    %shift_right_arithmetic3A_1844 = arith.shrsi %get3A_1842, %shift_right_arithmetic3A_1843 : i32
    %shift_left3A_1845 = arith.constant 3 : i32
    %shift_left3A_1846 = arith.shli %shift_right_arithmetic3A_1844, %shift_left3A_1845 : i32
    %multiple_of3A_1847 = tpu.assume_multiple %shift_left3A_1846, 8 : i32
    %dma_start3A_1848 = arith.constant 123 : i32
    %dma_start3A_1849 = arith.constant 0 : i32
    %dma_start3A_1850 = arith.constant 0 : i32
    %dma_start3A_1851 = tpu.memref_slice %arg5[%dma_start3A_1848, %dma_start3A_1849, %dma_start3A_1850] : memref<128x8x128xf32, #tpu.memory_space<vmem>> -> memref<1x8x128xf32, #tpu.memory_space<vmem>>
    %dma_start3A_1852 = tpu.memref_squeeze %dma_start3A_1851 : memref<1x8x128xf32, #tpu.memory_space<vmem>> -> memref<8x128xf32, #tpu.memory_space<vmem>>
    %dma_start3A_1853 = arith.constant 0 : i32
    %dma_start3A_1854 = tpu.memref_slice %arg2[%multiple_of3A_1847, %dma_start3A_1853] : memref<100000x128xf32, #tpu.memory_space<hbm>> -> memref<8x128xf32, #tpu.memory_space<hbm>>
    tpu.enqueue_dma source(%dma_start3A_1854 : memref<8x128xf32, #tpu.memory_space<hbm>>) target(%dma_start3A_1852 : memref<8x128xf32, #tpu.memory_space<vmem>>) target_semaphore(%arg6 : memref<!tpu.dma_semaphore, #tpu.memory_space<semaphore_mem>>)
    %get3A_1855 = arith.constant 0 : index
    %get3A_1856 = arith.constant 124 : index
    %get3A_1857 = memref.load %arg0[%get3A_1855, %get3A_1856] : memref<1x128xi32, #tpu.memory_space<smem>>
    %shift_right_arithmetic3A_1858 = arith.constant 3 : i32
    %shift_right_arithmetic3A_1859 = arith.shrsi %get3A_1857, %shift_right_arithmetic3A_1858 : i32
    %shift_left3A_1860 = arith.constant 3 : i32
    %shift_left3A_1861 = arith.shli %shift_right_arithmetic3A_1859, %shift_left3A_1860 : i32
    %multiple_of3A_1862 = tpu.assume_multiple %shift_left3A_1861, 8 : i32
    %dma_start3A_1863 = arith.constant 124 : i32
    %dma_start3A_1864 = arith.constant 0 : i32
    %dma_start3A_1865 = arith.constant 0 : i32
    %dma_start3A_1866 = tpu.memref_slice %arg5[%dma_start3A_1863, %dma_start3A_1864, %dma_start3A_1865] : memref<128x8x128xf32, #tpu.memory_space<vmem>> -> memref<1x8x128xf32, #tpu.memory_space<vmem>>
    %dma_start3A_1867 = tpu.memref_squeeze %dma_start3A_1866 : memref<1x8x128xf32, #tpu.memory_space<vmem>> -> memref<8x128xf32, #tpu.memory_space<vmem>>
    %dma_start3A_1868 = arith.constant 0 : i32
    %dma_start3A_1869 = tpu.memref_slice %arg2[%multiple_of3A_1862, %dma_start3A_1868] : memref<100000x128xf32, #tpu.memory_space<hbm>> -> memref<8x128xf32, #tpu.memory_space<hbm>>
    tpu.enqueue_dma source(%dma_start3A_1869 : memref<8x128xf32, #tpu.memory_space<hbm>>) target(%dma_start3A_1867 : memref<8x128xf32, #tpu.memory_space<vmem>>) target_semaphore(%arg6 : memref<!tpu.dma_semaphore, #tpu.memory_space<semaphore_mem>>)
    %get3A_1870 = arith.constant 0 : index
    %get3A_1871 = arith.constant 125 : index
    %get3A_1872 = memref.load %arg0[%get3A_1870, %get3A_1871] : memref<1x128xi32, #tpu.memory_space<smem>>
    %shift_right_arithmetic3A_1873 = arith.constant 3 : i32
    %shift_right_arithmetic3A_1874 = arith.shrsi %get3A_1872, %shift_right_arithmetic3A_1873 : i32
    %shift_left3A_1875 = arith.constant 3 : i32
    %shift_left3A_1876 = arith.shli %shift_right_arithmetic3A_1874, %shift_left3A_1875 : i32
    %multiple_of3A_1877 = tpu.assume_multiple %shift_left3A_1876, 8 : i32
    %dma_start3A_1878 = arith.constant 125 : i32
    %dma_start3A_1879 = arith.constant 0 : i32
    %dma_start3A_1880 = arith.constant 0 : i32
    %dma_start3A_1881 = tpu.memref_slice %arg5[%dma_start3A_1878, %dma_start3A_1879, %dma_start3A_1880] : memref<128x8x128xf32, #tpu.memory_space<vmem>> -> memref<1x8x128xf32, #tpu.memory_space<vmem>>
    %dma_start3A_1882 = tpu.memref_squeeze %dma_start3A_1881 : memref<1x8x128xf32, #tpu.memory_space<vmem>> -> memref<8x128xf32, #tpu.memory_space<vmem>>
    %dma_start3A_1883 = arith.constant 0 : i32
    %dma_start3A_1884 = tpu.memref_slice %arg2[%multiple_of3A_1877, %dma_start3A_1883] : memref<100000x128xf32, #tpu.memory_space<hbm>> -> memref<8x128xf32, #tpu.memory_space<hbm>>
    tpu.enqueue_dma source(%dma_start3A_1884 : memref<8x128xf32, #tpu.memory_space<hbm>>) target(%dma_start3A_1882 : memref<8x128xf32, #tpu.memory_space<vmem>>) target_semaphore(%arg6 : memref<!tpu.dma_semaphore, #tpu.memory_space<semaphore_mem>>)
    %get3A_1885 = arith.constant 0 : index
    %get3A_1886 = arith.constant 126 : index
    %get3A_1887 = memref.load %arg0[%get3A_1885, %get3A_1886] : memref<1x128xi32, #tpu.memory_space<smem>>
    %shift_right_arithmetic3A_1888 = arith.constant 3 : i32
    %shift_right_arithmetic3A_1889 = arith.shrsi %get3A_1887, %shift_right_arithmetic3A_1888 : i32
    %shift_left3A_1890 = arith.constant 3 : i32
    %shift_left3A_1891 = arith.shli %shift_right_arithmetic3A_1889, %shift_left3A_1890 : i32
    %multiple_of3A_1892 = tpu.assume_multiple %shift_left3A_1891, 8 : i32
    %dma_start3A_1893 = arith.constant 126 : i32
    %dma_start3A_1894 = arith.constant 0 : i32
    %dma_start3A_1895 = arith.constant 0 : i32
    %dma_start3A_1896 = tpu.memref_slice %arg5[%dma_start3A_1893, %dma_start3A_1894, %dma_start3A_1895] : memref<128x8x128xf32, #tpu.memory_space<vmem>> -> memref<1x8x128xf32, #tpu.memory_space<vmem>>
    %dma_start3A_1897 = tpu.memref_squeeze %dma_start3A_1896 : memref<1x8x128xf32, #tpu.memory_space<vmem>> -> memref<8x128xf32, #tpu.memory_space<vmem>>
    %dma_start3A_1898 = arith.constant 0 : i32
    %dma_start3A_1899 = tpu.memref_slice %arg2[%multiple_of3A_1892, %dma_start3A_1898] : memref<100000x128xf32, #tpu.memory_space<hbm>> -> memref<8x128xf32, #tpu.memory_space<hbm>>
    tpu.enqueue_dma source(%dma_start3A_1899 : memref<8x128xf32, #tpu.memory_space<hbm>>) target(%dma_start3A_1897 : memref<8x128xf32, #tpu.memory_space<vmem>>) target_semaphore(%arg6 : memref<!tpu.dma_semaphore, #tpu.memory_space<semaphore_mem>>)
    %get3A_1900 = arith.constant 0 : index
    %get3A_1901 = arith.constant 127 : index
    %get3A_1902 = memref.load %arg0[%get3A_1900, %get3A_1901] : memref<1x128xi32, #tpu.memory_space<smem>>
    %shift_right_arithmetic3A_1903 = arith.constant 3 : i32
    %shift_right_arithmetic3A_1904 = arith.shrsi %get3A_1902, %shift_right_arithmetic3A_1903 : i32
    %shift_left3A_1905 = arith.constant 3 : i32
    %shift_left3A_1906 = arith.shli %shift_right_arithmetic3A_1904, %shift_left3A_1905 : i32
    %multiple_of3A_1907 = tpu.assume_multiple %shift_left3A_1906, 8 : i32
    %dma_start3A_1908 = arith.constant 127 : i32
    %dma_start3A_1909 = arith.constant 0 : i32
    %dma_start3A_1910 = arith.constant 0 : i32
    %dma_start3A_1911 = tpu.memref_slice %arg5[%dma_start3A_1908, %dma_start3A_1909, %dma_start3A_1910] : memref<128x8x128xf32, #tpu.memory_space<vmem>> -> memref<1x8x128xf32, #tpu.memory_space<vmem>>
    %dma_start3A_1912 = tpu.memref_squeeze %dma_start3A_1911 : memref<1x8x128xf32, #tpu.memory_space<vmem>> -> memref<8x128xf32, #tpu.memory_space<vmem>>
    %dma_start3A_1913 = arith.constant 0 : i32
    %dma_start3A_1914 = tpu.memref_slice %arg2[%multiple_of3A_1907, %dma_start3A_1913] : memref<100000x128xf32, #tpu.memory_space<hbm>> -> memref<8x128xf32, #tpu.memory_space<hbm>>
    tpu.enqueue_dma source(%dma_start3A_1914 : memref<8x128xf32, #tpu.memory_space<hbm>>) target(%dma_start3A_1912 : memref<8x128xf32, #tpu.memory_space<vmem>>) target_semaphore(%arg6 : memref<!tpu.dma_semaphore, #tpu.memory_space<semaphore_mem>>)
    %dma_wait3A = arith.constant 0 : i32
    %dma_wait3A_1915 = arith.constant 0 : i32
    %dma_wait3A_1916 = arith.constant 0 : i32
    %dma_wait3A_1917 = tpu.memref_slice %arg5[%dma_wait3A, %dma_wait3A_1915, %dma_wait3A_1916] : memref<128x8x128xf32, #tpu.memory_space<vmem>> -> memref<1x8x128xf32, #tpu.memory_space<vmem>>
    %dma_wait3A_1918 = tpu.memref_squeeze %dma_wait3A_1917 : memref<1x8x128xf32, #tpu.memory_space<vmem>> -> memref<8x128xf32, #tpu.memory_space<vmem>>
    %dma_wait3A_1919 = arith.constant 0 : i32
    %dma_wait3A_1920 = tpu.memref_slice %arg2[%multiple_of3A, %dma_wait3A_1919] : memref<100000x128xf32, #tpu.memory_space<hbm>> -> memref<8x128xf32, #tpu.memory_space<hbm>>
    tpu.wait_dma2 semaphore(%arg6 : memref<!tpu.dma_semaphore, #tpu.memory_space<semaphore_mem>>) src(%dma_wait3A_1920 : memref<8x128xf32, #tpu.memory_space<hbm>>) dst(%dma_wait3A_1918 : memref<8x128xf32, #tpu.memory_space<vmem>>)
    %dma_wait3A_1921 = arith.constant 1 : i32
    %dma_wait3A_1922 = arith.constant 0 : i32
    %dma_wait3A_1923 = arith.constant 0 : i32
    %dma_wait3A_1924 = tpu.memref_slice %arg5[%dma_wait3A_1921, %dma_wait3A_1922, %dma_wait3A_1923] : memref<128x8x128xf32, #tpu.memory_space<vmem>> -> memref<1x8x128xf32, #tpu.memory_space<vmem>>
    %dma_wait3A_1925 = tpu.memref_squeeze %dma_wait3A_1924 : memref<1x8x128xf32, #tpu.memory_space<vmem>> -> memref<8x128xf32, #tpu.memory_space<vmem>>
    %dma_wait3A_1926 = arith.constant 0 : i32
    %dma_wait3A_1927 = tpu.memref_slice %arg2[%multiple_of3A_17, %dma_wait3A_1926] : memref<100000x128xf32, #tpu.memory_space<hbm>> -> memref<8x128xf32, #tpu.memory_space<hbm>>
    tpu.wait_dma2 semaphore(%arg6 : memref<!tpu.dma_semaphore, #tpu.memory_space<semaphore_mem>>) src(%dma_wait3A_1927 : memref<8x128xf32, #tpu.memory_space<hbm>>) dst(%dma_wait3A_1925 : memref<8x128xf32, #tpu.memory_space<vmem>>)
    %dma_wait3A_1928 = arith.constant 2 : i32
    %dma_wait3A_1929 = arith.constant 0 : i32
    %dma_wait3A_1930 = arith.constant 0 : i32
    %dma_wait3A_1931 = tpu.memref_slice %arg5[%dma_wait3A_1928, %dma_wait3A_1929, %dma_wait3A_1930] : memref<128x8x128xf32, #tpu.memory_space<vmem>> -> memref<1x8x128xf32, #tpu.memory_space<vmem>>
    %dma_wait3A_1932 = tpu.memref_squeeze %dma_wait3A_1931 : memref<1x8x128xf32, #tpu.memory_space<vmem>> -> memref<8x128xf32, #tpu.memory_space<vmem>>
    %dma_wait3A_1933 = arith.constant 0 : i32
    %dma_wait3A_1934 = tpu.memref_slice %arg2[%multiple_of3A_32, %dma_wait3A_1933] : memref<100000x128xf32, #tpu.memory_space<hbm>> -> memref<8x128xf32, #tpu.memory_space<hbm>>
    tpu.wait_dma2 semaphore(%arg6 : memref<!tpu.dma_semaphore, #tpu.memory_space<semaphore_mem>>) src(%dma_wait3A_1934 : memref<8x128xf32, #tpu.memory_space<hbm>>) dst(%dma_wait3A_1932 : memref<8x128xf32, #tpu.memory_space<vmem>>)
    %dma_wait3A_1935 = arith.constant 3 : i32
    %dma_wait3A_1936 = arith.constant 0 : i32
    %dma_wait3A_1937 = arith.constant 0 : i32
    %dma_wait3A_1938 = tpu.memref_slice %arg5[%dma_wait3A_1935, %dma_wait3A_1936, %dma_wait3A_1937] : memref<128x8x128xf32, #tpu.memory_space<vmem>> -> memref<1x8x128xf32, #tpu.memory_space<vmem>>
    %dma_wait3A_1939 = tpu.memref_squeeze %dma_wait3A_1938 : memref<1x8x128xf32, #tpu.memory_space<vmem>> -> memref<8x128xf32, #tpu.memory_space<vmem>>
    %dma_wait3A_1940 = arith.constant 0 : i32
    %dma_wait3A_1941 = tpu.memref_slice %arg2[%multiple_of3A_47, %dma_wait3A_1940] : memref<100000x128xf32, #tpu.memory_space<hbm>> -> memref<8x128xf32, #tpu.memory_space<hbm>>
    tpu.wait_dma2 semaphore(%arg6 : memref<!tpu.dma_semaphore, #tpu.memory_space<semaphore_mem>>) src(%dma_wait3A_1941 : memref<8x128xf32, #tpu.memory_space<hbm>>) dst(%dma_wait3A_1939 : memref<8x128xf32, #tpu.memory_space<vmem>>)
    %dma_wait3A_1942 = arith.constant 4 : i32
    %dma_wait3A_1943 = arith.constant 0 : i32
    %dma_wait3A_1944 = arith.constant 0 : i32
    %dma_wait3A_1945 = tpu.memref_slice %arg5[%dma_wait3A_1942, %dma_wait3A_1943, %dma_wait3A_1944] : memref<128x8x128xf32, #tpu.memory_space<vmem>> -> memref<1x8x128xf32, #tpu.memory_space<vmem>>
    %dma_wait3A_1946 = tpu.memref_squeeze %dma_wait3A_1945 : memref<1x8x128xf32, #tpu.memory_space<vmem>> -> memref<8x128xf32, #tpu.memory_space<vmem>>
    %dma_wait3A_1947 = arith.constant 0 : i32
    %dma_wait3A_1948 = tpu.memref_slice %arg2[%multiple_of3A_62, %dma_wait3A_1947] : memref<100000x128xf32, #tpu.memory_space<hbm>> -> memref<8x128xf32, #tpu.memory_space<hbm>>
    tpu.wait_dma2 semaphore(%arg6 : memref<!tpu.dma_semaphore, #tpu.memory_space<semaphore_mem>>) src(%dma_wait3A_1948 : memref<8x128xf32, #tpu.memory_space<hbm>>) dst(%dma_wait3A_1946 : memref<8x128xf32, #tpu.memory_space<vmem>>)
    %dma_wait3A_1949 = arith.constant 5 : i32
    %dma_wait3A_1950 = arith.constant 0 : i32
    %dma_wait3A_1951 = arith.constant 0 : i32
    %dma_wait3A_1952 = tpu.memref_slice %arg5[%dma_wait3A_1949, %dma_wait3A_1950, %dma_wait3A_1951] : memref<128x8x128xf32, #tpu.memory_space<vmem>> -> memref<1x8x128xf32, #tpu.memory_space<vmem>>
    %dma_wait3A_1953 = tpu.memref_squeeze %dma_wait3A_1952 : memref<1x8x128xf32, #tpu.memory_space<vmem>> -> memref<8x128xf32, #tpu.memory_space<vmem>>
    %dma_wait3A_1954 = arith.constant 0 : i32
    %dma_wait3A_1955 = tpu.memref_slice %arg2[%multiple_of3A_77, %dma_wait3A_1954] : memref<100000x128xf32, #tpu.memory_space<hbm>> -> memref<8x128xf32, #tpu.memory_space<hbm>>
    tpu.wait_dma2 semaphore(%arg6 : memref<!tpu.dma_semaphore, #tpu.memory_space<semaphore_mem>>) src(%dma_wait3A_1955 : memref<8x128xf32, #tpu.memory_space<hbm>>) dst(%dma_wait3A_1953 : memref<8x128xf32, #tpu.memory_space<vmem>>)
    %dma_wait3A_1956 = arith.constant 6 : i32
    %dma_wait3A_1957 = arith.constant 0 : i32
    %dma_wait3A_1958 = arith.constant 0 : i32
    %dma_wait3A_1959 = tpu.memref_slice %arg5[%dma_wait3A_1956, %dma_wait3A_1957, %dma_wait3A_1958] : memref<128x8x128xf32, #tpu.memory_space<vmem>> -> memref<1x8x128xf32, #tpu.memory_space<vmem>>
    %dma_wait3A_1960 = tpu.memref_squeeze %dma_wait3A_1959 : memref<1x8x128xf32, #tpu.memory_space<vmem>> -> memref<8x128xf32, #tpu.memory_space<vmem>>
    %dma_wait3A_1961 = arith.constant 0 : i32
    %dma_wait3A_1962 = tpu.memref_slice %arg2[%multiple_of3A_92, %dma_wait3A_1961] : memref<100000x128xf32, #tpu.memory_space<hbm>> -> memref<8x128xf32, #tpu.memory_space<hbm>>
    tpu.wait_dma2 semaphore(%arg6 : memref<!tpu.dma_semaphore, #tpu.memory_space<semaphore_mem>>) src(%dma_wait3A_1962 : memref<8x128xf32, #tpu.memory_space<hbm>>) dst(%dma_wait3A_1960 : memref<8x128xf32, #tpu.memory_space<vmem>>)
    %dma_wait3A_1963 = arith.constant 7 : i32
    %dma_wait3A_1964 = arith.constant 0 : i32
    %dma_wait3A_1965 = arith.constant 0 : i32
    %dma_wait3A_1966 = tpu.memref_slice %arg5[%dma_wait3A_1963, %dma_wait3A_1964, %dma_wait3A_1965] : memref<128x8x128xf32, #tpu.memory_space<vmem>> -> memref<1x8x128xf32, #tpu.memory_space<vmem>>
    %dma_wait3A_1967 = tpu.memref_squeeze %dma_wait3A_1966 : memref<1x8x128xf32, #tpu.memory_space<vmem>> -> memref<8x128xf32, #tpu.memory_space<vmem>>
    %dma_wait3A_1968 = arith.constant 0 : i32
    %dma_wait3A_1969 = tpu.memref_slice %arg2[%multiple_of3A_107, %dma_wait3A_1968] : memref<100000x128xf32, #tpu.memory_space<hbm>> -> memref<8x128xf32, #tpu.memory_space<hbm>>
    tpu.wait_dma2 semaphore(%arg6 : memref<!tpu.dma_semaphore, #tpu.memory_space<semaphore_mem>>) src(%dma_wait3A_1969 : memref<8x128xf32, #tpu.memory_space<hbm>>) dst(%dma_wait3A_1967 : memref<8x128xf32, #tpu.memory_space<vmem>>)
    %dma_wait3A_1970 = arith.constant 8 : i32
    %dma_wait3A_1971 = arith.constant 0 : i32
    %dma_wait3A_1972 = arith.constant 0 : i32
    %dma_wait3A_1973 = tpu.memref_slice %arg5[%dma_wait3A_1970, %dma_wait3A_1971, %dma_wait3A_1972] : memref<128x8x128xf32, #tpu.memory_space<vmem>> -> memref<1x8x128xf32, #tpu.memory_space<vmem>>
    %dma_wait3A_1974 = tpu.memref_squeeze %dma_wait3A_1973 : memref<1x8x128xf32, #tpu.memory_space<vmem>> -> memref<8x128xf32, #tpu.memory_space<vmem>>
    %dma_wait3A_1975 = arith.constant 0 : i32
    %dma_wait3A_1976 = tpu.memref_slice %arg2[%multiple_of3A_122, %dma_wait3A_1975] : memref<100000x128xf32, #tpu.memory_space<hbm>> -> memref<8x128xf32, #tpu.memory_space<hbm>>
    tpu.wait_dma2 semaphore(%arg6 : memref<!tpu.dma_semaphore, #tpu.memory_space<semaphore_mem>>) src(%dma_wait3A_1976 : memref<8x128xf32, #tpu.memory_space<hbm>>) dst(%dma_wait3A_1974 : memref<8x128xf32, #tpu.memory_space<vmem>>)
    %dma_wait3A_1977 = arith.constant 9 : i32
    %dma_wait3A_1978 = arith.constant 0 : i32
    %dma_wait3A_1979 = arith.constant 0 : i32
    %dma_wait3A_1980 = tpu.memref_slice %arg5[%dma_wait3A_1977, %dma_wait3A_1978, %dma_wait3A_1979] : memref<128x8x128xf32, #tpu.memory_space<vmem>> -> memref<1x8x128xf32, #tpu.memory_space<vmem>>
    %dma_wait3A_1981 = tpu.memref_squeeze %dma_wait3A_1980 : memref<1x8x128xf32, #tpu.memory_space<vmem>> -> memref<8x128xf32, #tpu.memory_space<vmem>>
    %dma_wait3A_1982 = arith.constant 0 : i32
    %dma_wait3A_1983 = tpu.memref_slice %arg2[%multiple_of3A_137, %dma_wait3A_1982] : memref<100000x128xf32, #tpu.memory_space<hbm>> -> memref<8x128xf32, #tpu.memory_space<hbm>>
    tpu.wait_dma2 semaphore(%arg6 : memref<!tpu.dma_semaphore, #tpu.memory_space<semaphore_mem>>) src(%dma_wait3A_1983 : memref<8x128xf32, #tpu.memory_space<hbm>>) dst(%dma_wait3A_1981 : memref<8x128xf32, #tpu.memory_space<vmem>>)
    %dma_wait3A_1984 = arith.constant 10 : i32
    %dma_wait3A_1985 = arith.constant 0 : i32
    %dma_wait3A_1986 = arith.constant 0 : i32
    %dma_wait3A_1987 = tpu.memref_slice %arg5[%dma_wait3A_1984, %dma_wait3A_1985, %dma_wait3A_1986] : memref<128x8x128xf32, #tpu.memory_space<vmem>> -> memref<1x8x128xf32, #tpu.memory_space<vmem>>
    %dma_wait3A_1988 = tpu.memref_squeeze %dma_wait3A_1987 : memref<1x8x128xf32, #tpu.memory_space<vmem>> -> memref<8x128xf32, #tpu.memory_space<vmem>>
    %dma_wait3A_1989 = arith.constant 0 : i32
    %dma_wait3A_1990 = tpu.memref_slice %arg2[%multiple_of3A_152, %dma_wait3A_1989] : memref<100000x128xf32, #tpu.memory_space<hbm>> -> memref<8x128xf32, #tpu.memory_space<hbm>>
    tpu.wait_dma2 semaphore(%arg6 : memref<!tpu.dma_semaphore, #tpu.memory_space<semaphore_mem>>) src(%dma_wait3A_1990 : memref<8x128xf32, #tpu.memory_space<hbm>>) dst(%dma_wait3A_1988 : memref<8x128xf32, #tpu.memory_space<vmem>>)
    %dma_wait3A_1991 = arith.constant 11 : i32
    %dma_wait3A_1992 = arith.constant 0 : i32
    %dma_wait3A_1993 = arith.constant 0 : i32
    %dma_wait3A_1994 = tpu.memref_slice %arg5[%dma_wait3A_1991, %dma_wait3A_1992, %dma_wait3A_1993] : memref<128x8x128xf32, #tpu.memory_space<vmem>> -> memref<1x8x128xf32, #tpu.memory_space<vmem>>
    %dma_wait3A_1995 = tpu.memref_squeeze %dma_wait3A_1994 : memref<1x8x128xf32, #tpu.memory_space<vmem>> -> memref<8x128xf32, #tpu.memory_space<vmem>>
    %dma_wait3A_1996 = arith.constant 0 : i32
    %dma_wait3A_1997 = tpu.memref_slice %arg2[%multiple_of3A_167, %dma_wait3A_1996] : memref<100000x128xf32, #tpu.memory_space<hbm>> -> memref<8x128xf32, #tpu.memory_space<hbm>>
    tpu.wait_dma2 semaphore(%arg6 : memref<!tpu.dma_semaphore, #tpu.memory_space<semaphore_mem>>) src(%dma_wait3A_1997 : memref<8x128xf32, #tpu.memory_space<hbm>>) dst(%dma_wait3A_1995 : memref<8x128xf32, #tpu.memory_space<vmem>>)
    %dma_wait3A_1998 = arith.constant 12 : i32
    %dma_wait3A_1999 = arith.constant 0 : i32
    %dma_wait3A_2000 = arith.constant 0 : i32
    %dma_wait3A_2001 = tpu.memref_slice %arg5[%dma_wait3A_1998, %dma_wait3A_1999, %dma_wait3A_2000] : memref<128x8x128xf32, #tpu.memory_space<vmem>> -> memref<1x8x128xf32, #tpu.memory_space<vmem>>
    %dma_wait3A_2002 = tpu.memref_squeeze %dma_wait3A_2001 : memref<1x8x128xf32, #tpu.memory_space<vmem>> -> memref<8x128xf32, #tpu.memory_space<vmem>>
    %dma_wait3A_2003 = arith.constant 0 : i32
    %dma_wait3A_2004 = tpu.memref_slice %arg2[%multiple_of3A_182, %dma_wait3A_2003] : memref<100000x128xf32, #tpu.memory_space<hbm>> -> memref<8x128xf32, #tpu.memory_space<hbm>>
    tpu.wait_dma2 semaphore(%arg6 : memref<!tpu.dma_semaphore, #tpu.memory_space<semaphore_mem>>) src(%dma_wait3A_2004 : memref<8x128xf32, #tpu.memory_space<hbm>>) dst(%dma_wait3A_2002 : memref<8x128xf32, #tpu.memory_space<vmem>>)
    %dma_wait3A_2005 = arith.constant 13 : i32
    %dma_wait3A_2006 = arith.constant 0 : i32
    %dma_wait3A_2007 = arith.constant 0 : i32
    %dma_wait3A_2008 = tpu.memref_slice %arg5[%dma_wait3A_2005, %dma_wait3A_2006, %dma_wait3A_2007] : memref<128x8x128xf32, #tpu.memory_space<vmem>> -> memref<1x8x128xf32, #tpu.memory_space<vmem>>
    %dma_wait3A_2009 = tpu.memref_squeeze %dma_wait3A_2008 : memref<1x8x128xf32, #tpu.memory_space<vmem>> -> memref<8x128xf32, #tpu.memory_space<vmem>>
    %dma_wait3A_2010 = arith.constant 0 : i32
    %dma_wait3A_2011 = tpu.memref_slice %arg2[%multiple_of3A_197, %dma_wait3A_2010] : memref<100000x128xf32, #tpu.memory_space<hbm>> -> memref<8x128xf32, #tpu.memory_space<hbm>>
    tpu.wait_dma2 semaphore(%arg6 : memref<!tpu.dma_semaphore, #tpu.memory_space<semaphore_mem>>) src(%dma_wait3A_2011 : memref<8x128xf32, #tpu.memory_space<hbm>>) dst(%dma_wait3A_2009 : memref<8x128xf32, #tpu.memory_space<vmem>>)
    %dma_wait3A_2012 = arith.constant 14 : i32
    %dma_wait3A_2013 = arith.constant 0 : i32
    %dma_wait3A_2014 = arith.constant 0 : i32
    %dma_wait3A_2015 = tpu.memref_slice %arg5[%dma_wait3A_2012, %dma_wait3A_2013, %dma_wait3A_2014] : memref<128x8x128xf32, #tpu.memory_space<vmem>> -> memref<1x8x128xf32, #tpu.memory_space<vmem>>
    %dma_wait3A_2016 = tpu.memref_squeeze %dma_wait3A_2015 : memref<1x8x128xf32, #tpu.memory_space<vmem>> -> memref<8x128xf32, #tpu.memory_space<vmem>>
    %dma_wait3A_2017 = arith.constant 0 : i32
    %dma_wait3A_2018 = tpu.memref_slice %arg2[%multiple_of3A_212, %dma_wait3A_2017] : memref<100000x128xf32, #tpu.memory_space<hbm>> -> memref<8x128xf32, #tpu.memory_space<hbm>>
    tpu.wait_dma2 semaphore(%arg6 : memref<!tpu.dma_semaphore, #tpu.memory_space<semaphore_mem>>) src(%dma_wait3A_2018 : memref<8x128xf32, #tpu.memory_space<hbm>>) dst(%dma_wait3A_2016 : memref<8x128xf32, #tpu.memory_space<vmem>>)
    %dma_wait3A_2019 = arith.constant 15 : i32
    %dma_wait3A_2020 = arith.constant 0 : i32
    %dma_wait3A_2021 = arith.constant 0 : i32
    %dma_wait3A_2022 = tpu.memref_slice %arg5[%dma_wait3A_2019, %dma_wait3A_2020, %dma_wait3A_2021] : memref<128x8x128xf32, #tpu.memory_space<vmem>> -> memref<1x8x128xf32, #tpu.memory_space<vmem>>
    %dma_wait3A_2023 = tpu.memref_squeeze %dma_wait3A_2022 : memref<1x8x128xf32, #tpu.memory_space<vmem>> -> memref<8x128xf32, #tpu.memory_space<vmem>>
    %dma_wait3A_2024 = arith.constant 0 : i32
    %dma_wait3A_2025 = tpu.memref_slice %arg2[%multiple_of3A_227, %dma_wait3A_2024] : memref<100000x128xf32, #tpu.memory_space<hbm>> -> memref<8x128xf32, #tpu.memory_space<hbm>>
    tpu.wait_dma2 semaphore(%arg6 : memref<!tpu.dma_semaphore, #tpu.memory_space<semaphore_mem>>) src(%dma_wait3A_2025 : memref<8x128xf32, #tpu.memory_space<hbm>>) dst(%dma_wait3A_2023 : memref<8x128xf32, #tpu.memory_space<vmem>>)
    %dma_wait3A_2026 = arith.constant 16 : i32
    %dma_wait3A_2027 = arith.constant 0 : i32
    %dma_wait3A_2028 = arith.constant 0 : i32
    %dma_wait3A_2029 = tpu.memref_slice %arg5[%dma_wait3A_2026, %dma_wait3A_2027, %dma_wait3A_2028] : memref<128x8x128xf32, #tpu.memory_space<vmem>> -> memref<1x8x128xf32, #tpu.memory_space<vmem>>
    %dma_wait3A_2030 = tpu.memref_squeeze %dma_wait3A_2029 : memref<1x8x128xf32, #tpu.memory_space<vmem>> -> memref<8x128xf32, #tpu.memory_space<vmem>>
    %dma_wait3A_2031 = arith.constant 0 : i32
    %dma_wait3A_2032 = tpu.memref_slice %arg2[%multiple_of3A_242, %dma_wait3A_2031] : memref<100000x128xf32, #tpu.memory_space<hbm>> -> memref<8x128xf32, #tpu.memory_space<hbm>>
    tpu.wait_dma2 semaphore(%arg6 : memref<!tpu.dma_semaphore, #tpu.memory_space<semaphore_mem>>) src(%dma_wait3A_2032 : memref<8x128xf32, #tpu.memory_space<hbm>>) dst(%dma_wait3A_2030 : memref<8x128xf32, #tpu.memory_space<vmem>>)
    %dma_wait3A_2033 = arith.constant 17 : i32
    %dma_wait3A_2034 = arith.constant 0 : i32
    %dma_wait3A_2035 = arith.constant 0 : i32
    %dma_wait3A_2036 = tpu.memref_slice %arg5[%dma_wait3A_2033, %dma_wait3A_2034, %dma_wait3A_2035] : memref<128x8x128xf32, #tpu.memory_space<vmem>> -> memref<1x8x128xf32, #tpu.memory_space<vmem>>
    %dma_wait3A_2037 = tpu.memref_squeeze %dma_wait3A_2036 : memref<1x8x128xf32, #tpu.memory_space<vmem>> -> memref<8x128xf32, #tpu.memory_space<vmem>>
    %dma_wait3A_2038 = arith.constant 0 : i32
    %dma_wait3A_2039 = tpu.memref_slice %arg2[%multiple_of3A_257, %dma_wait3A_2038] : memref<100000x128xf32, #tpu.memory_space<hbm>> -> memref<8x128xf32, #tpu.memory_space<hbm>>
    tpu.wait_dma2 semaphore(%arg6 : memref<!tpu.dma_semaphore, #tpu.memory_space<semaphore_mem>>) src(%dma_wait3A_2039 : memref<8x128xf32, #tpu.memory_space<hbm>>) dst(%dma_wait3A_2037 : memref<8x128xf32, #tpu.memory_space<vmem>>)
    %dma_wait3A_2040 = arith.constant 18 : i32
    %dma_wait3A_2041 = arith.constant 0 : i32
    %dma_wait3A_2042 = arith.constant 0 : i32
    %dma_wait3A_2043 = tpu.memref_slice %arg5[%dma_wait3A_2040, %dma_wait3A_2041, %dma_wait3A_2042] : memref<128x8x128xf32, #tpu.memory_space<vmem>> -> memref<1x8x128xf32, #tpu.memory_space<vmem>>
    %dma_wait3A_2044 = tpu.memref_squeeze %dma_wait3A_2043 : memref<1x8x128xf32, #tpu.memory_space<vmem>> -> memref<8x128xf32, #tpu.memory_space<vmem>>
    %dma_wait3A_2045 = arith.constant 0 : i32
    %dma_wait3A_2046 = tpu.memref_slice %arg2[%multiple_of3A_272, %dma_wait3A_2045] : memref<100000x128xf32, #tpu.memory_space<hbm>> -> memref<8x128xf32, #tpu.memory_space<hbm>>
    tpu.wait_dma2 semaphore(%arg6 : memref<!tpu.dma_semaphore, #tpu.memory_space<semaphore_mem>>) src(%dma_wait3A_2046 : memref<8x128xf32, #tpu.memory_space<hbm>>) dst(%dma_wait3A_2044 : memref<8x128xf32, #tpu.memory_space<vmem>>)
    %dma_wait3A_2047 = arith.constant 19 : i32
    %dma_wait3A_2048 = arith.constant 0 : i32
    %dma_wait3A_2049 = arith.constant 0 : i32
    %dma_wait3A_2050 = tpu.memref_slice %arg5[%dma_wait3A_2047, %dma_wait3A_2048, %dma_wait3A_2049] : memref<128x8x128xf32, #tpu.memory_space<vmem>> -> memref<1x8x128xf32, #tpu.memory_space<vmem>>
    %dma_wait3A_2051 = tpu.memref_squeeze %dma_wait3A_2050 : memref<1x8x128xf32, #tpu.memory_space<vmem>> -> memref<8x128xf32, #tpu.memory_space<vmem>>
    %dma_wait3A_2052 = arith.constant 0 : i32
    %dma_wait3A_2053 = tpu.memref_slice %arg2[%multiple_of3A_287, %dma_wait3A_2052] : memref<100000x128xf32, #tpu.memory_space<hbm>> -> memref<8x128xf32, #tpu.memory_space<hbm>>
    tpu.wait_dma2 semaphore(%arg6 : memref<!tpu.dma_semaphore, #tpu.memory_space<semaphore_mem>>) src(%dma_wait3A_2053 : memref<8x128xf32, #tpu.memory_space<hbm>>) dst(%dma_wait3A_2051 : memref<8x128xf32, #tpu.memory_space<vmem>>)
    %dma_wait3A_2054 = arith.constant 20 : i32
    %dma_wait3A_2055 = arith.constant 0 : i32
    %dma_wait3A_2056 = arith.constant 0 : i32
    %dma_wait3A_2057 = tpu.memref_slice %arg5[%dma_wait3A_2054, %dma_wait3A_2055, %dma_wait3A_2056] : memref<128x8x128xf32, #tpu.memory_space<vmem>> -> memref<1x8x128xf32, #tpu.memory_space<vmem>>
    %dma_wait3A_2058 = tpu.memref_squeeze %dma_wait3A_2057 : memref<1x8x128xf32, #tpu.memory_space<vmem>> -> memref<8x128xf32, #tpu.memory_space<vmem>>
    %dma_wait3A_2059 = arith.constant 0 : i32
    %dma_wait3A_2060 = tpu.memref_slice %arg2[%multiple_of3A_302, %dma_wait3A_2059] : memref<100000x128xf32, #tpu.memory_space<hbm>> -> memref<8x128xf32, #tpu.memory_space<hbm>>
    tpu.wait_dma2 semaphore(%arg6 : memref<!tpu.dma_semaphore, #tpu.memory_space<semaphore_mem>>) src(%dma_wait3A_2060 : memref<8x128xf32, #tpu.memory_space<hbm>>) dst(%dma_wait3A_2058 : memref<8x128xf32, #tpu.memory_space<vmem>>)
    %dma_wait3A_2061 = arith.constant 21 : i32
    %dma_wait3A_2062 = arith.constant 0 : i32
    %dma_wait3A_2063 = arith.constant 0 : i32
    %dma_wait3A_2064 = tpu.memref_slice %arg5[%dma_wait3A_2061, %dma_wait3A_2062, %dma_wait3A_2063] : memref<128x8x128xf32, #tpu.memory_space<vmem>> -> memref<1x8x128xf32, #tpu.memory_space<vmem>>
    %dma_wait3A_2065 = tpu.memref_squeeze %dma_wait3A_2064 : memref<1x8x128xf32, #tpu.memory_space<vmem>> -> memref<8x128xf32, #tpu.memory_space<vmem>>
    %dma_wait3A_2066 = arith.constant 0 : i32
    %dma_wait3A_2067 = tpu.memref_slice %arg2[%multiple_of3A_317, %dma_wait3A_2066] : memref<100000x128xf32, #tpu.memory_space<hbm>> -> memref<8x128xf32, #tpu.memory_space<hbm>>
    tpu.wait_dma2 semaphore(%arg6 : memref<!tpu.dma_semaphore, #tpu.memory_space<semaphore_mem>>) src(%dma_wait3A_2067 : memref<8x128xf32, #tpu.memory_space<hbm>>) dst(%dma_wait3A_2065 : memref<8x128xf32, #tpu.memory_space<vmem>>)
    %dma_wait3A_2068 = arith.constant 22 : i32
    %dma_wait3A_2069 = arith.constant 0 : i32
    %dma_wait3A_2070 = arith.constant 0 : i32
    %dma_wait3A_2071 = tpu.memref_slice %arg5[%dma_wait3A_2068, %dma_wait3A_2069, %dma_wait3A_2070] : memref<128x8x128xf32, #tpu.memory_space<vmem>> -> memref<1x8x128xf32, #tpu.memory_space<vmem>>
    %dma_wait3A_2072 = tpu.memref_squeeze %dma_wait3A_2071 : memref<1x8x128xf32, #tpu.memory_space<vmem>> -> memref<8x128xf32, #tpu.memory_space<vmem>>
    %dma_wait3A_2073 = arith.constant 0 : i32
    %dma_wait3A_2074 = tpu.memref_slice %arg2[%multiple_of3A_332, %dma_wait3A_2073] : memref<100000x128xf32, #tpu.memory_space<hbm>> -> memref<8x128xf32, #tpu.memory_space<hbm>>
    tpu.wait_dma2 semaphore(%arg6 : memref<!tpu.dma_semaphore, #tpu.memory_space<semaphore_mem>>) src(%dma_wait3A_2074 : memref<8x128xf32, #tpu.memory_space<hbm>>) dst(%dma_wait3A_2072 : memref<8x128xf32, #tpu.memory_space<vmem>>)
    %dma_wait3A_2075 = arith.constant 23 : i32
    %dma_wait3A_2076 = arith.constant 0 : i32
    %dma_wait3A_2077 = arith.constant 0 : i32
    %dma_wait3A_2078 = tpu.memref_slice %arg5[%dma_wait3A_2075, %dma_wait3A_2076, %dma_wait3A_2077] : memref<128x8x128xf32, #tpu.memory_space<vmem>> -> memref<1x8x128xf32, #tpu.memory_space<vmem>>
    %dma_wait3A_2079 = tpu.memref_squeeze %dma_wait3A_2078 : memref<1x8x128xf32, #tpu.memory_space<vmem>> -> memref<8x128xf32, #tpu.memory_space<vmem>>
    %dma_wait3A_2080 = arith.constant 0 : i32
    %dma_wait3A_2081 = tpu.memref_slice %arg2[%multiple_of3A_347, %dma_wait3A_2080] : memref<100000x128xf32, #tpu.memory_space<hbm>> -> memref<8x128xf32, #tpu.memory_space<hbm>>
    tpu.wait_dma2 semaphore(%arg6 : memref<!tpu.dma_semaphore, #tpu.memory_space<semaphore_mem>>) src(%dma_wait3A_2081 : memref<8x128xf32, #tpu.memory_space<hbm>>) dst(%dma_wait3A_2079 : memref<8x128xf32, #tpu.memory_space<vmem>>)
    %dma_wait3A_2082 = arith.constant 24 : i32
    %dma_wait3A_2083 = arith.constant 0 : i32
    %dma_wait3A_2084 = arith.constant 0 : i32
    %dma_wait3A_2085 = tpu.memref_slice %arg5[%dma_wait3A_2082, %dma_wait3A_2083, %dma_wait3A_2084] : memref<128x8x128xf32, #tpu.memory_space<vmem>> -> memref<1x8x128xf32, #tpu.memory_space<vmem>>
    %dma_wait3A_2086 = tpu.memref_squeeze %dma_wait3A_2085 : memref<1x8x128xf32, #tpu.memory_space<vmem>> -> memref<8x128xf32, #tpu.memory_space<vmem>>
    %dma_wait3A_2087 = arith.constant 0 : i32
    %dma_wait3A_2088 = tpu.memref_slice %arg2[%multiple_of3A_362, %dma_wait3A_2087] : memref<100000x128xf32, #tpu.memory_space<hbm>> -> memref<8x128xf32, #tpu.memory_space<hbm>>
    tpu.wait_dma2 semaphore(%arg6 : memref<!tpu.dma_semaphore, #tpu.memory_space<semaphore_mem>>) src(%dma_wait3A_2088 : memref<8x128xf32, #tpu.memory_space<hbm>>) dst(%dma_wait3A_2086 : memref<8x128xf32, #tpu.memory_space<vmem>>)
    %dma_wait3A_2089 = arith.constant 25 : i32
    %dma_wait3A_2090 = arith.constant 0 : i32
    %dma_wait3A_2091 = arith.constant 0 : i32
    %dma_wait3A_2092 = tpu.memref_slice %arg5[%dma_wait3A_2089, %dma_wait3A_2090, %dma_wait3A_2091] : memref<128x8x128xf32, #tpu.memory_space<vmem>> -> memref<1x8x128xf32, #tpu.memory_space<vmem>>
    %dma_wait3A_2093 = tpu.memref_squeeze %dma_wait3A_2092 : memref<1x8x128xf32, #tpu.memory_space<vmem>> -> memref<8x128xf32, #tpu.memory_space<vmem>>
    %dma_wait3A_2094 = arith.constant 0 : i32
    %dma_wait3A_2095 = tpu.memref_slice %arg2[%multiple_of3A_377, %dma_wait3A_2094] : memref<100000x128xf32, #tpu.memory_space<hbm>> -> memref<8x128xf32, #tpu.memory_space<hbm>>
    tpu.wait_dma2 semaphore(%arg6 : memref<!tpu.dma_semaphore, #tpu.memory_space<semaphore_mem>>) src(%dma_wait3A_2095 : memref<8x128xf32, #tpu.memory_space<hbm>>) dst(%dma_wait3A_2093 : memref<8x128xf32, #tpu.memory_space<vmem>>)
    %dma_wait3A_2096 = arith.constant 26 : i32
    %dma_wait3A_2097 = arith.constant 0 : i32
    %dma_wait3A_2098 = arith.constant 0 : i32
    %dma_wait3A_2099 = tpu.memref_slice %arg5[%dma_wait3A_2096, %dma_wait3A_2097, %dma_wait3A_2098] : memref<128x8x128xf32, #tpu.memory_space<vmem>> -> memref<1x8x128xf32, #tpu.memory_space<vmem>>
    %dma_wait3A_2100 = tpu.memref_squeeze %dma_wait3A_2099 : memref<1x8x128xf32, #tpu.memory_space<vmem>> -> memref<8x128xf32, #tpu.memory_space<vmem>>
    %dma_wait3A_2101 = arith.constant 0 : i32
    %dma_wait3A_2102 = tpu.memref_slice %arg2[%multiple_of3A_392, %dma_wait3A_2101] : memref<100000x128xf32, #tpu.memory_space<hbm>> -> memref<8x128xf32, #tpu.memory_space<hbm>>
    tpu.wait_dma2 semaphore(%arg6 : memref<!tpu.dma_semaphore, #tpu.memory_space<semaphore_mem>>) src(%dma_wait3A_2102 : memref<8x128xf32, #tpu.memory_space<hbm>>) dst(%dma_wait3A_2100 : memref<8x128xf32, #tpu.memory_space<vmem>>)
    %dma_wait3A_2103 = arith.constant 27 : i32
    %dma_wait3A_2104 = arith.constant 0 : i32
    %dma_wait3A_2105 = arith.constant 0 : i32
    %dma_wait3A_2106 = tpu.memref_slice %arg5[%dma_wait3A_2103, %dma_wait3A_2104, %dma_wait3A_2105] : memref<128x8x128xf32, #tpu.memory_space<vmem>> -> memref<1x8x128xf32, #tpu.memory_space<vmem>>
    %dma_wait3A_2107 = tpu.memref_squeeze %dma_wait3A_2106 : memref<1x8x128xf32, #tpu.memory_space<vmem>> -> memref<8x128xf32, #tpu.memory_space<vmem>>
    %dma_wait3A_2108 = arith.constant 0 : i32
    %dma_wait3A_2109 = tpu.memref_slice %arg2[%multiple_of3A_407, %dma_wait3A_2108] : memref<100000x128xf32, #tpu.memory_space<hbm>> -> memref<8x128xf32, #tpu.memory_space<hbm>>
    tpu.wait_dma2 semaphore(%arg6 : memref<!tpu.dma_semaphore, #tpu.memory_space<semaphore_mem>>) src(%dma_wait3A_2109 : memref<8x128xf32, #tpu.memory_space<hbm>>) dst(%dma_wait3A_2107 : memref<8x128xf32, #tpu.memory_space<vmem>>)
    %dma_wait3A_2110 = arith.constant 28 : i32
    %dma_wait3A_2111 = arith.constant 0 : i32
    %dma_wait3A_2112 = arith.constant 0 : i32
    %dma_wait3A_2113 = tpu.memref_slice %arg5[%dma_wait3A_2110, %dma_wait3A_2111, %dma_wait3A_2112] : memref<128x8x128xf32, #tpu.memory_space<vmem>> -> memref<1x8x128xf32, #tpu.memory_space<vmem>>
    %dma_wait3A_2114 = tpu.memref_squeeze %dma_wait3A_2113 : memref<1x8x128xf32, #tpu.memory_space<vmem>> -> memref<8x128xf32, #tpu.memory_space<vmem>>
    %dma_wait3A_2115 = arith.constant 0 : i32
    %dma_wait3A_2116 = tpu.memref_slice %arg2[%multiple_of3A_422, %dma_wait3A_2115] : memref<100000x128xf32, #tpu.memory_space<hbm>> -> memref<8x128xf32, #tpu.memory_space<hbm>>
    tpu.wait_dma2 semaphore(%arg6 : memref<!tpu.dma_semaphore, #tpu.memory_space<semaphore_mem>>) src(%dma_wait3A_2116 : memref<8x128xf32, #tpu.memory_space<hbm>>) dst(%dma_wait3A_2114 : memref<8x128xf32, #tpu.memory_space<vmem>>)
    %dma_wait3A_2117 = arith.constant 29 : i32
    %dma_wait3A_2118 = arith.constant 0 : i32
    %dma_wait3A_2119 = arith.constant 0 : i32
    %dma_wait3A_2120 = tpu.memref_slice %arg5[%dma_wait3A_2117, %dma_wait3A_2118, %dma_wait3A_2119] : memref<128x8x128xf32, #tpu.memory_space<vmem>> -> memref<1x8x128xf32, #tpu.memory_space<vmem>>
    %dma_wait3A_2121 = tpu.memref_squeeze %dma_wait3A_2120 : memref<1x8x128xf32, #tpu.memory_space<vmem>> -> memref<8x128xf32, #tpu.memory_space<vmem>>
    %dma_wait3A_2122 = arith.constant 0 : i32
    %dma_wait3A_2123 = tpu.memref_slice %arg2[%multiple_of3A_437, %dma_wait3A_2122] : memref<100000x128xf32, #tpu.memory_space<hbm>> -> memref<8x128xf32, #tpu.memory_space<hbm>>
    tpu.wait_dma2 semaphore(%arg6 : memref<!tpu.dma_semaphore, #tpu.memory_space<semaphore_mem>>) src(%dma_wait3A_2123 : memref<8x128xf32, #tpu.memory_space<hbm>>) dst(%dma_wait3A_2121 : memref<8x128xf32, #tpu.memory_space<vmem>>)
    %dma_wait3A_2124 = arith.constant 30 : i32
    %dma_wait3A_2125 = arith.constant 0 : i32
    %dma_wait3A_2126 = arith.constant 0 : i32
    %dma_wait3A_2127 = tpu.memref_slice %arg5[%dma_wait3A_2124, %dma_wait3A_2125, %dma_wait3A_2126] : memref<128x8x128xf32, #tpu.memory_space<vmem>> -> memref<1x8x128xf32, #tpu.memory_space<vmem>>
    %dma_wait3A_2128 = tpu.memref_squeeze %dma_wait3A_2127 : memref<1x8x128xf32, #tpu.memory_space<vmem>> -> memref<8x128xf32, #tpu.memory_space<vmem>>
    %dma_wait3A_2129 = arith.constant 0 : i32
    %dma_wait3A_2130 = tpu.memref_slice %arg2[%multiple_of3A_452, %dma_wait3A_2129] : memref<100000x128xf32, #tpu.memory_space<hbm>> -> memref<8x128xf32, #tpu.memory_space<hbm>>
    tpu.wait_dma2 semaphore(%arg6 : memref<!tpu.dma_semaphore, #tpu.memory_space<semaphore_mem>>) src(%dma_wait3A_2130 : memref<8x128xf32, #tpu.memory_space<hbm>>) dst(%dma_wait3A_2128 : memref<8x128xf32, #tpu.memory_space<vmem>>)
    %dma_wait3A_2131 = arith.constant 31 : i32
    %dma_wait3A_2132 = arith.constant 0 : i32
    %dma_wait3A_2133 = arith.constant 0 : i32
    %dma_wait3A_2134 = tpu.memref_slice %arg5[%dma_wait3A_2131, %dma_wait3A_2132, %dma_wait3A_2133] : memref<128x8x128xf32, #tpu.memory_space<vmem>> -> memref<1x8x128xf32, #tpu.memory_space<vmem>>
    %dma_wait3A_2135 = tpu.memref_squeeze %dma_wait3A_2134 : memref<1x8x128xf32, #tpu.memory_space<vmem>> -> memref<8x128xf32, #tpu.memory_space<vmem>>
    %dma_wait3A_2136 = arith.constant 0 : i32
    %dma_wait3A_2137 = tpu.memref_slice %arg2[%multiple_of3A_467, %dma_wait3A_2136] : memref<100000x128xf32, #tpu.memory_space<hbm>> -> memref<8x128xf32, #tpu.memory_space<hbm>>
    tpu.wait_dma2 semaphore(%arg6 : memref<!tpu.dma_semaphore, #tpu.memory_space<semaphore_mem>>) src(%dma_wait3A_2137 : memref<8x128xf32, #tpu.memory_space<hbm>>) dst(%dma_wait3A_2135 : memref<8x128xf32, #tpu.memory_space<vmem>>)
    %dma_wait3A_2138 = arith.constant 32 : i32
    %dma_wait3A_2139 = arith.constant 0 : i32
    %dma_wait3A_2140 = arith.constant 0 : i32
    %dma_wait3A_2141 = tpu.memref_slice %arg5[%dma_wait3A_2138, %dma_wait3A_2139, %dma_wait3A_2140] : memref<128x8x128xf32, #tpu.memory_space<vmem>> -> memref<1x8x128xf32, #tpu.memory_space<vmem>>
    %dma_wait3A_2142 = tpu.memref_squeeze %dma_wait3A_2141 : memref<1x8x128xf32, #tpu.memory_space<vmem>> -> memref<8x128xf32, #tpu.memory_space<vmem>>
    %dma_wait3A_2143 = arith.constant 0 : i32
    %dma_wait3A_2144 = tpu.memref_slice %arg2[%multiple_of3A_482, %dma_wait3A_2143] : memref<100000x128xf32, #tpu.memory_space<hbm>> -> memref<8x128xf32, #tpu.memory_space<hbm>>
    tpu.wait_dma2 semaphore(%arg6 : memref<!tpu.dma_semaphore, #tpu.memory_space<semaphore_mem>>) src(%dma_wait3A_2144 : memref<8x128xf32, #tpu.memory_space<hbm>>) dst(%dma_wait3A_2142 : memref<8x128xf32, #tpu.memory_space<vmem>>)
    %dma_wait3A_2145 = arith.constant 33 : i32
    %dma_wait3A_2146 = arith.constant 0 : i32
    %dma_wait3A_2147 = arith.constant 0 : i32
    %dma_wait3A_2148 = tpu.memref_slice %arg5[%dma_wait3A_2145, %dma_wait3A_2146, %dma_wait3A_2147] : memref<128x8x128xf32, #tpu.memory_space<vmem>> -> memref<1x8x128xf32, #tpu.memory_space<vmem>>
    %dma_wait3A_2149 = tpu.memref_squeeze %dma_wait3A_2148 : memref<1x8x128xf32, #tpu.memory_space<vmem>> -> memref<8x128xf32, #tpu.memory_space<vmem>>
    %dma_wait3A_2150 = arith.constant 0 : i32
    %dma_wait3A_2151 = tpu.memref_slice %arg2[%multiple_of3A_497, %dma_wait3A_2150] : memref<100000x128xf32, #tpu.memory_space<hbm>> -> memref<8x128xf32, #tpu.memory_space<hbm>>
    tpu.wait_dma2 semaphore(%arg6 : memref<!tpu.dma_semaphore, #tpu.memory_space<semaphore_mem>>) src(%dma_wait3A_2151 : memref<8x128xf32, #tpu.memory_space<hbm>>) dst(%dma_wait3A_2149 : memref<8x128xf32, #tpu.memory_space<vmem>>)
    %dma_wait3A_2152 = arith.constant 34 : i32
    %dma_wait3A_2153 = arith.constant 0 : i32
    %dma_wait3A_2154 = arith.constant 0 : i32
    %dma_wait3A_2155 = tpu.memref_slice %arg5[%dma_wait3A_2152, %dma_wait3A_2153, %dma_wait3A_2154] : memref<128x8x128xf32, #tpu.memory_space<vmem>> -> memref<1x8x128xf32, #tpu.memory_space<vmem>>
    %dma_wait3A_2156 = tpu.memref_squeeze %dma_wait3A_2155 : memref<1x8x128xf32, #tpu.memory_space<vmem>> -> memref<8x128xf32, #tpu.memory_space<vmem>>
    %dma_wait3A_2157 = arith.constant 0 : i32
    %dma_wait3A_2158 = tpu.memref_slice %arg2[%multiple_of3A_512, %dma_wait3A_2157] : memref<100000x128xf32, #tpu.memory_space<hbm>> -> memref<8x128xf32, #tpu.memory_space<hbm>>
    tpu.wait_dma2 semaphore(%arg6 : memref<!tpu.dma_semaphore, #tpu.memory_space<semaphore_mem>>) src(%dma_wait3A_2158 : memref<8x128xf32, #tpu.memory_space<hbm>>) dst(%dma_wait3A_2156 : memref<8x128xf32, #tpu.memory_space<vmem>>)
    %dma_wait3A_2159 = arith.constant 35 : i32
    %dma_wait3A_2160 = arith.constant 0 : i32
    %dma_wait3A_2161 = arith.constant 0 : i32
    %dma_wait3A_2162 = tpu.memref_slice %arg5[%dma_wait3A_2159, %dma_wait3A_2160, %dma_wait3A_2161] : memref<128x8x128xf32, #tpu.memory_space<vmem>> -> memref<1x8x128xf32, #tpu.memory_space<vmem>>
    %dma_wait3A_2163 = tpu.memref_squeeze %dma_wait3A_2162 : memref<1x8x128xf32, #tpu.memory_space<vmem>> -> memref<8x128xf32, #tpu.memory_space<vmem>>
    %dma_wait3A_2164 = arith.constant 0 : i32
    %dma_wait3A_2165 = tpu.memref_slice %arg2[%multiple_of3A_527, %dma_wait3A_2164] : memref<100000x128xf32, #tpu.memory_space<hbm>> -> memref<8x128xf32, #tpu.memory_space<hbm>>
    tpu.wait_dma2 semaphore(%arg6 : memref<!tpu.dma_semaphore, #tpu.memory_space<semaphore_mem>>) src(%dma_wait3A_2165 : memref<8x128xf32, #tpu.memory_space<hbm>>) dst(%dma_wait3A_2163 : memref<8x128xf32, #tpu.memory_space<vmem>>)
    %dma_wait3A_2166 = arith.constant 36 : i32
    %dma_wait3A_2167 = arith.constant 0 : i32
    %dma_wait3A_2168 = arith.constant 0 : i32
    %dma_wait3A_2169 = tpu.memref_slice %arg5[%dma_wait3A_2166, %dma_wait3A_2167, %dma_wait3A_2168] : memref<128x8x128xf32, #tpu.memory_space<vmem>> -> memref<1x8x128xf32, #tpu.memory_space<vmem>>
    %dma_wait3A_2170 = tpu.memref_squeeze %dma_wait3A_2169 : memref<1x8x128xf32, #tpu.memory_space<vmem>> -> memref<8x128xf32, #tpu.memory_space<vmem>>
    %dma_wait3A_2171 = arith.constant 0 : i32
    %dma_wait3A_2172 = tpu.memref_slice %arg2[%multiple_of3A_542, %dma_wait3A_2171] : memref<100000x128xf32, #tpu.memory_space<hbm>> -> memref<8x128xf32, #tpu.memory_space<hbm>>
    tpu.wait_dma2 semaphore(%arg6 : memref<!tpu.dma_semaphore, #tpu.memory_space<semaphore_mem>>) src(%dma_wait3A_2172 : memref<8x128xf32, #tpu.memory_space<hbm>>) dst(%dma_wait3A_2170 : memref<8x128xf32, #tpu.memory_space<vmem>>)
    %dma_wait3A_2173 = arith.constant 37 : i32
    %dma_wait3A_2174 = arith.constant 0 : i32
    %dma_wait3A_2175 = arith.constant 0 : i32
    %dma_wait3A_2176 = tpu.memref_slice %arg5[%dma_wait3A_2173, %dma_wait3A_2174, %dma_wait3A_2175] : memref<128x8x128xf32, #tpu.memory_space<vmem>> -> memref<1x8x128xf32, #tpu.memory_space<vmem>>
    %dma_wait3A_2177 = tpu.memref_squeeze %dma_wait3A_2176 : memref<1x8x128xf32, #tpu.memory_space<vmem>> -> memref<8x128xf32, #tpu.memory_space<vmem>>
    %dma_wait3A_2178 = arith.constant 0 : i32
    %dma_wait3A_2179 = tpu.memref_slice %arg2[%multiple_of3A_557, %dma_wait3A_2178] : memref<100000x128xf32, #tpu.memory_space<hbm>> -> memref<8x128xf32, #tpu.memory_space<hbm>>
    tpu.wait_dma2 semaphore(%arg6 : memref<!tpu.dma_semaphore, #tpu.memory_space<semaphore_mem>>) src(%dma_wait3A_2179 : memref<8x128xf32, #tpu.memory_space<hbm>>) dst(%dma_wait3A_2177 : memref<8x128xf32, #tpu.memory_space<vmem>>)
    %dma_wait3A_2180 = arith.constant 38 : i32
    %dma_wait3A_2181 = arith.constant 0 : i32
    %dma_wait3A_2182 = arith.constant 0 : i32
    %dma_wait3A_2183 = tpu.memref_slice %arg5[%dma_wait3A_2180, %dma_wait3A_2181, %dma_wait3A_2182] : memref<128x8x128xf32, #tpu.memory_space<vmem>> -> memref<1x8x128xf32, #tpu.memory_space<vmem>>
    %dma_wait3A_2184 = tpu.memref_squeeze %dma_wait3A_2183 : memref<1x8x128xf32, #tpu.memory_space<vmem>> -> memref<8x128xf32, #tpu.memory_space<vmem>>
    %dma_wait3A_2185 = arith.constant 0 : i32
    %dma_wait3A_2186 = tpu.memref_slice %arg2[%multiple_of3A_572, %dma_wait3A_2185] : memref<100000x128xf32, #tpu.memory_space<hbm>> -> memref<8x128xf32, #tpu.memory_space<hbm>>
    tpu.wait_dma2 semaphore(%arg6 : memref<!tpu.dma_semaphore, #tpu.memory_space<semaphore_mem>>) src(%dma_wait3A_2186 : memref<8x128xf32, #tpu.memory_space<hbm>>) dst(%dma_wait3A_2184 : memref<8x128xf32, #tpu.memory_space<vmem>>)
    %dma_wait3A_2187 = arith.constant 39 : i32
    %dma_wait3A_2188 = arith.constant 0 : i32
    %dma_wait3A_2189 = arith.constant 0 : i32
    %dma_wait3A_2190 = tpu.memref_slice %arg5[%dma_wait3A_2187, %dma_wait3A_2188, %dma_wait3A_2189] : memref<128x8x128xf32, #tpu.memory_space<vmem>> -> memref<1x8x128xf32, #tpu.memory_space<vmem>>
    %dma_wait3A_2191 = tpu.memref_squeeze %dma_wait3A_2190 : memref<1x8x128xf32, #tpu.memory_space<vmem>> -> memref<8x128xf32, #tpu.memory_space<vmem>>
    %dma_wait3A_2192 = arith.constant 0 : i32
    %dma_wait3A_2193 = tpu.memref_slice %arg2[%multiple_of3A_587, %dma_wait3A_2192] : memref<100000x128xf32, #tpu.memory_space<hbm>> -> memref<8x128xf32, #tpu.memory_space<hbm>>
    tpu.wait_dma2 semaphore(%arg6 : memref<!tpu.dma_semaphore, #tpu.memory_space<semaphore_mem>>) src(%dma_wait3A_2193 : memref<8x128xf32, #tpu.memory_space<hbm>>) dst(%dma_wait3A_2191 : memref<8x128xf32, #tpu.memory_space<vmem>>)
    %dma_wait3A_2194 = arith.constant 40 : i32
    %dma_wait3A_2195 = arith.constant 0 : i32
    %dma_wait3A_2196 = arith.constant 0 : i32
    %dma_wait3A_2197 = tpu.memref_slice %arg5[%dma_wait3A_2194, %dma_wait3A_2195, %dma_wait3A_2196] : memref<128x8x128xf32, #tpu.memory_space<vmem>> -> memref<1x8x128xf32, #tpu.memory_space<vmem>>
    %dma_wait3A_2198 = tpu.memref_squeeze %dma_wait3A_2197 : memref<1x8x128xf32, #tpu.memory_space<vmem>> -> memref<8x128xf32, #tpu.memory_space<vmem>>
    %dma_wait3A_2199 = arith.constant 0 : i32
    %dma_wait3A_2200 = tpu.memref_slice %arg2[%multiple_of3A_602, %dma_wait3A_2199] : memref<100000x128xf32, #tpu.memory_space<hbm>> -> memref<8x128xf32, #tpu.memory_space<hbm>>
    tpu.wait_dma2 semaphore(%arg6 : memref<!tpu.dma_semaphore, #tpu.memory_space<semaphore_mem>>) src(%dma_wait3A_2200 : memref<8x128xf32, #tpu.memory_space<hbm>>) dst(%dma_wait3A_2198 : memref<8x128xf32, #tpu.memory_space<vmem>>)
    %dma_wait3A_2201 = arith.constant 41 : i32
    %dma_wait3A_2202 = arith.constant 0 : i32
    %dma_wait3A_2203 = arith.constant 0 : i32
    %dma_wait3A_2204 = tpu.memref_slice %arg5[%dma_wait3A_2201, %dma_wait3A_2202, %dma_wait3A_2203] : memref<128x8x128xf32, #tpu.memory_space<vmem>> -> memref<1x8x128xf32, #tpu.memory_space<vmem>>
    %dma_wait3A_2205 = tpu.memref_squeeze %dma_wait3A_2204 : memref<1x8x128xf32, #tpu.memory_space<vmem>> -> memref<8x128xf32, #tpu.memory_space<vmem>>
    %dma_wait3A_2206 = arith.constant 0 : i32
    %dma_wait3A_2207 = tpu.memref_slice %arg2[%multiple_of3A_617, %dma_wait3A_2206] : memref<100000x128xf32, #tpu.memory_space<hbm>> -> memref<8x128xf32, #tpu.memory_space<hbm>>
    tpu.wait_dma2 semaphore(%arg6 : memref<!tpu.dma_semaphore, #tpu.memory_space<semaphore_mem>>) src(%dma_wait3A_2207 : memref<8x128xf32, #tpu.memory_space<hbm>>) dst(%dma_wait3A_2205 : memref<8x128xf32, #tpu.memory_space<vmem>>)
    %dma_wait3A_2208 = arith.constant 42 : i32
    %dma_wait3A_2209 = arith.constant 0 : i32
    %dma_wait3A_2210 = arith.constant 0 : i32
    %dma_wait3A_2211 = tpu.memref_slice %arg5[%dma_wait3A_2208, %dma_wait3A_2209, %dma_wait3A_2210] : memref<128x8x128xf32, #tpu.memory_space<vmem>> -> memref<1x8x128xf32, #tpu.memory_space<vmem>>
    %dma_wait3A_2212 = tpu.memref_squeeze %dma_wait3A_2211 : memref<1x8x128xf32, #tpu.memory_space<vmem>> -> memref<8x128xf32, #tpu.memory_space<vmem>>
    %dma_wait3A_2213 = arith.constant 0 : i32
    %dma_wait3A_2214 = tpu.memref_slice %arg2[%multiple_of3A_632, %dma_wait3A_2213] : memref<100000x128xf32, #tpu.memory_space<hbm>> -> memref<8x128xf32, #tpu.memory_space<hbm>>
    tpu.wait_dma2 semaphore(%arg6 : memref<!tpu.dma_semaphore, #tpu.memory_space<semaphore_mem>>) src(%dma_wait3A_2214 : memref<8x128xf32, #tpu.memory_space<hbm>>) dst(%dma_wait3A_2212 : memref<8x128xf32, #tpu.memory_space<vmem>>)
    %dma_wait3A_2215 = arith.constant 43 : i32
    %dma_wait3A_2216 = arith.constant 0 : i32
    %dma_wait3A_2217 = arith.constant 0 : i32
    %dma_wait3A_2218 = tpu.memref_slice %arg5[%dma_wait3A_2215, %dma_wait3A_2216, %dma_wait3A_2217] : memref<128x8x128xf32, #tpu.memory_space<vmem>> -> memref<1x8x128xf32, #tpu.memory_space<vmem>>
    %dma_wait3A_2219 = tpu.memref_squeeze %dma_wait3A_2218 : memref<1x8x128xf32, #tpu.memory_space<vmem>> -> memref<8x128xf32, #tpu.memory_space<vmem>>
    %dma_wait3A_2220 = arith.constant 0 : i32
    %dma_wait3A_2221 = tpu.memref_slice %arg2[%multiple_of3A_647, %dma_wait3A_2220] : memref<100000x128xf32, #tpu.memory_space<hbm>> -> memref<8x128xf32, #tpu.memory_space<hbm>>
    tpu.wait_dma2 semaphore(%arg6 : memref<!tpu.dma_semaphore, #tpu.memory_space<semaphore_mem>>) src(%dma_wait3A_2221 : memref<8x128xf32, #tpu.memory_space<hbm>>) dst(%dma_wait3A_2219 : memref<8x128xf32, #tpu.memory_space<vmem>>)
    %dma_wait3A_2222 = arith.constant 44 : i32
    %dma_wait3A_2223 = arith.constant 0 : i32
    %dma_wait3A_2224 = arith.constant 0 : i32
    %dma_wait3A_2225 = tpu.memref_slice %arg5[%dma_wait3A_2222, %dma_wait3A_2223, %dma_wait3A_2224] : memref<128x8x128xf32, #tpu.memory_space<vmem>> -> memref<1x8x128xf32, #tpu.memory_space<vmem>>
    %dma_wait3A_2226 = tpu.memref_squeeze %dma_wait3A_2225 : memref<1x8x128xf32, #tpu.memory_space<vmem>> -> memref<8x128xf32, #tpu.memory_space<vmem>>
    %dma_wait3A_2227 = arith.constant 0 : i32
    %dma_wait3A_2228 = tpu.memref_slice %arg2[%multiple_of3A_662, %dma_wait3A_2227] : memref<100000x128xf32, #tpu.memory_space<hbm>> -> memref<8x128xf32, #tpu.memory_space<hbm>>
    tpu.wait_dma2 semaphore(%arg6 : memref<!tpu.dma_semaphore, #tpu.memory_space<semaphore_mem>>) src(%dma_wait3A_2228 : memref<8x128xf32, #tpu.memory_space<hbm>>) dst(%dma_wait3A_2226 : memref<8x128xf32, #tpu.memory_space<vmem>>)
    %dma_wait3A_2229 = arith.constant 45 : i32
    %dma_wait3A_2230 = arith.constant 0 : i32
    %dma_wait3A_2231 = arith.constant 0 : i32
    %dma_wait3A_2232 = tpu.memref_slice %arg5[%dma_wait3A_2229, %dma_wait3A_2230, %dma_wait3A_2231] : memref<128x8x128xf32, #tpu.memory_space<vmem>> -> memref<1x8x128xf32, #tpu.memory_space<vmem>>
    %dma_wait3A_2233 = tpu.memref_squeeze %dma_wait3A_2232 : memref<1x8x128xf32, #tpu.memory_space<vmem>> -> memref<8x128xf32, #tpu.memory_space<vmem>>
    %dma_wait3A_2234 = arith.constant 0 : i32
    %dma_wait3A_2235 = tpu.memref_slice %arg2[%multiple_of3A_677, %dma_wait3A_2234] : memref<100000x128xf32, #tpu.memory_space<hbm>> -> memref<8x128xf32, #tpu.memory_space<hbm>>
    tpu.wait_dma2 semaphore(%arg6 : memref<!tpu.dma_semaphore, #tpu.memory_space<semaphore_mem>>) src(%dma_wait3A_2235 : memref<8x128xf32, #tpu.memory_space<hbm>>) dst(%dma_wait3A_2233 : memref<8x128xf32, #tpu.memory_space<vmem>>)
    %dma_wait3A_2236 = arith.constant 46 : i32
    %dma_wait3A_2237 = arith.constant 0 : i32
    %dma_wait3A_2238 = arith.constant 0 : i32
    %dma_wait3A_2239 = tpu.memref_slice %arg5[%dma_wait3A_2236, %dma_wait3A_2237, %dma_wait3A_2238] : memref<128x8x128xf32, #tpu.memory_space<vmem>> -> memref<1x8x128xf32, #tpu.memory_space<vmem>>
    %dma_wait3A_2240 = tpu.memref_squeeze %dma_wait3A_2239 : memref<1x8x128xf32, #tpu.memory_space<vmem>> -> memref<8x128xf32, #tpu.memory_space<vmem>>
    %dma_wait3A_2241 = arith.constant 0 : i32
    %dma_wait3A_2242 = tpu.memref_slice %arg2[%multiple_of3A_692, %dma_wait3A_2241] : memref<100000x128xf32, #tpu.memory_space<hbm>> -> memref<8x128xf32, #tpu.memory_space<hbm>>
    tpu.wait_dma2 semaphore(%arg6 : memref<!tpu.dma_semaphore, #tpu.memory_space<semaphore_mem>>) src(%dma_wait3A_2242 : memref<8x128xf32, #tpu.memory_space<hbm>>) dst(%dma_wait3A_2240 : memref<8x128xf32, #tpu.memory_space<vmem>>)
    %dma_wait3A_2243 = arith.constant 47 : i32
    %dma_wait3A_2244 = arith.constant 0 : i32
    %dma_wait3A_2245 = arith.constant 0 : i32
    %dma_wait3A_2246 = tpu.memref_slice %arg5[%dma_wait3A_2243, %dma_wait3A_2244, %dma_wait3A_2245] : memref<128x8x128xf32, #tpu.memory_space<vmem>> -> memref<1x8x128xf32, #tpu.memory_space<vmem>>
    %dma_wait3A_2247 = tpu.memref_squeeze %dma_wait3A_2246 : memref<1x8x128xf32, #tpu.memory_space<vmem>> -> memref<8x128xf32, #tpu.memory_space<vmem>>
    %dma_wait3A_2248 = arith.constant 0 : i32
    %dma_wait3A_2249 = tpu.memref_slice %arg2[%multiple_of3A_707, %dma_wait3A_2248] : memref<100000x128xf32, #tpu.memory_space<hbm>> -> memref<8x128xf32, #tpu.memory_space<hbm>>
    tpu.wait_dma2 semaphore(%arg6 : memref<!tpu.dma_semaphore, #tpu.memory_space<semaphore_mem>>) src(%dma_wait3A_2249 : memref<8x128xf32, #tpu.memory_space<hbm>>) dst(%dma_wait3A_2247 : memref<8x128xf32, #tpu.memory_space<vmem>>)
    %dma_wait3A_2250 = arith.constant 48 : i32
    %dma_wait3A_2251 = arith.constant 0 : i32
    %dma_wait3A_2252 = arith.constant 0 : i32
    %dma_wait3A_2253 = tpu.memref_slice %arg5[%dma_wait3A_2250, %dma_wait3A_2251, %dma_wait3A_2252] : memref<128x8x128xf32, #tpu.memory_space<vmem>> -> memref<1x8x128xf32, #tpu.memory_space<vmem>>
    %dma_wait3A_2254 = tpu.memref_squeeze %dma_wait3A_2253 : memref<1x8x128xf32, #tpu.memory_space<vmem>> -> memref<8x128xf32, #tpu.memory_space<vmem>>
    %dma_wait3A_2255 = arith.constant 0 : i32
    %dma_wait3A_2256 = tpu.memref_slice %arg2[%multiple_of3A_722, %dma_wait3A_2255] : memref<100000x128xf32, #tpu.memory_space<hbm>> -> memref<8x128xf32, #tpu.memory_space<hbm>>
    tpu.wait_dma2 semaphore(%arg6 : memref<!tpu.dma_semaphore, #tpu.memory_space<semaphore_mem>>) src(%dma_wait3A_2256 : memref<8x128xf32, #tpu.memory_space<hbm>>) dst(%dma_wait3A_2254 : memref<8x128xf32, #tpu.memory_space<vmem>>)
    %dma_wait3A_2257 = arith.constant 49 : i32
    %dma_wait3A_2258 = arith.constant 0 : i32
    %dma_wait3A_2259 = arith.constant 0 : i32
    %dma_wait3A_2260 = tpu.memref_slice %arg5[%dma_wait3A_2257, %dma_wait3A_2258, %dma_wait3A_2259] : memref<128x8x128xf32, #tpu.memory_space<vmem>> -> memref<1x8x128xf32, #tpu.memory_space<vmem>>
    %dma_wait3A_2261 = tpu.memref_squeeze %dma_wait3A_2260 : memref<1x8x128xf32, #tpu.memory_space<vmem>> -> memref<8x128xf32, #tpu.memory_space<vmem>>
    %dma_wait3A_2262 = arith.constant 0 : i32
    %dma_wait3A_2263 = tpu.memref_slice %arg2[%multiple_of3A_737, %dma_wait3A_2262] : memref<100000x128xf32, #tpu.memory_space<hbm>> -> memref<8x128xf32, #tpu.memory_space<hbm>>
    tpu.wait_dma2 semaphore(%arg6 : memref<!tpu.dma_semaphore, #tpu.memory_space<semaphore_mem>>) src(%dma_wait3A_2263 : memref<8x128xf32, #tpu.memory_space<hbm>>) dst(%dma_wait3A_2261 : memref<8x128xf32, #tpu.memory_space<vmem>>)
    %dma_wait3A_2264 = arith.constant 50 : i32
    %dma_wait3A_2265 = arith.constant 0 : i32
    %dma_wait3A_2266 = arith.constant 0 : i32
    %dma_wait3A_2267 = tpu.memref_slice %arg5[%dma_wait3A_2264, %dma_wait3A_2265, %dma_wait3A_2266] : memref<128x8x128xf32, #tpu.memory_space<vmem>> -> memref<1x8x128xf32, #tpu.memory_space<vmem>>
    %dma_wait3A_2268 = tpu.memref_squeeze %dma_wait3A_2267 : memref<1x8x128xf32, #tpu.memory_space<vmem>> -> memref<8x128xf32, #tpu.memory_space<vmem>>
    %dma_wait3A_2269 = arith.constant 0 : i32
    %dma_wait3A_2270 = tpu.memref_slice %arg2[%multiple_of3A_752, %dma_wait3A_2269] : memref<100000x128xf32, #tpu.memory_space<hbm>> -> memref<8x128xf32, #tpu.memory_space<hbm>>
    tpu.wait_dma2 semaphore(%arg6 : memref<!tpu.dma_semaphore, #tpu.memory_space<semaphore_mem>>) src(%dma_wait3A_2270 : memref<8x128xf32, #tpu.memory_space<hbm>>) dst(%dma_wait3A_2268 : memref<8x128xf32, #tpu.memory_space<vmem>>)
    %dma_wait3A_2271 = arith.constant 51 : i32
    %dma_wait3A_2272 = arith.constant 0 : i32
    %dma_wait3A_2273 = arith.constant 0 : i32
    %dma_wait3A_2274 = tpu.memref_slice %arg5[%dma_wait3A_2271, %dma_wait3A_2272, %dma_wait3A_2273] : memref<128x8x128xf32, #tpu.memory_space<vmem>> -> memref<1x8x128xf32, #tpu.memory_space<vmem>>
    %dma_wait3A_2275 = tpu.memref_squeeze %dma_wait3A_2274 : memref<1x8x128xf32, #tpu.memory_space<vmem>> -> memref<8x128xf32, #tpu.memory_space<vmem>>
    %dma_wait3A_2276 = arith.constant 0 : i32
    %dma_wait3A_2277 = tpu.memref_slice %arg2[%multiple_of3A_767, %dma_wait3A_2276] : memref<100000x128xf32, #tpu.memory_space<hbm>> -> memref<8x128xf32, #tpu.memory_space<hbm>>
    tpu.wait_dma2 semaphore(%arg6 : memref<!tpu.dma_semaphore, #tpu.memory_space<semaphore_mem>>) src(%dma_wait3A_2277 : memref<8x128xf32, #tpu.memory_space<hbm>>) dst(%dma_wait3A_2275 : memref<8x128xf32, #tpu.memory_space<vmem>>)
    %dma_wait3A_2278 = arith.constant 52 : i32
    %dma_wait3A_2279 = arith.constant 0 : i32
    %dma_wait3A_2280 = arith.constant 0 : i32
    %dma_wait3A_2281 = tpu.memref_slice %arg5[%dma_wait3A_2278, %dma_wait3A_2279, %dma_wait3A_2280] : memref<128x8x128xf32, #tpu.memory_space<vmem>> -> memref<1x8x128xf32, #tpu.memory_space<vmem>>
    %dma_wait3A_2282 = tpu.memref_squeeze %dma_wait3A_2281 : memref<1x8x128xf32, #tpu.memory_space<vmem>> -> memref<8x128xf32, #tpu.memory_space<vmem>>
    %dma_wait3A_2283 = arith.constant 0 : i32
    %dma_wait3A_2284 = tpu.memref_slice %arg2[%multiple_of3A_782, %dma_wait3A_2283] : memref<100000x128xf32, #tpu.memory_space<hbm>> -> memref<8x128xf32, #tpu.memory_space<hbm>>
    tpu.wait_dma2 semaphore(%arg6 : memref<!tpu.dma_semaphore, #tpu.memory_space<semaphore_mem>>) src(%dma_wait3A_2284 : memref<8x128xf32, #tpu.memory_space<hbm>>) dst(%dma_wait3A_2282 : memref<8x128xf32, #tpu.memory_space<vmem>>)
    %dma_wait3A_2285 = arith.constant 53 : i32
    %dma_wait3A_2286 = arith.constant 0 : i32
    %dma_wait3A_2287 = arith.constant 0 : i32
    %dma_wait3A_2288 = tpu.memref_slice %arg5[%dma_wait3A_2285, %dma_wait3A_2286, %dma_wait3A_2287] : memref<128x8x128xf32, #tpu.memory_space<vmem>> -> memref<1x8x128xf32, #tpu.memory_space<vmem>>
    %dma_wait3A_2289 = tpu.memref_squeeze %dma_wait3A_2288 : memref<1x8x128xf32, #tpu.memory_space<vmem>> -> memref<8x128xf32, #tpu.memory_space<vmem>>
    %dma_wait3A_2290 = arith.constant 0 : i32
    %dma_wait3A_2291 = tpu.memref_slice %arg2[%multiple_of3A_797, %dma_wait3A_2290] : memref<100000x128xf32, #tpu.memory_space<hbm>> -> memref<8x128xf32, #tpu.memory_space<hbm>>
    tpu.wait_dma2 semaphore(%arg6 : memref<!tpu.dma_semaphore, #tpu.memory_space<semaphore_mem>>) src(%dma_wait3A_2291 : memref<8x128xf32, #tpu.memory_space<hbm>>) dst(%dma_wait3A_2289 : memref<8x128xf32, #tpu.memory_space<vmem>>)
    %dma_wait3A_2292 = arith.constant 54 : i32
    %dma_wait3A_2293 = arith.constant 0 : i32
    %dma_wait3A_2294 = arith.constant 0 : i32
    %dma_wait3A_2295 = tpu.memref_slice %arg5[%dma_wait3A_2292, %dma_wait3A_2293, %dma_wait3A_2294] : memref<128x8x128xf32, #tpu.memory_space<vmem>> -> memref<1x8x128xf32, #tpu.memory_space<vmem>>
    %dma_wait3A_2296 = tpu.memref_squeeze %dma_wait3A_2295 : memref<1x8x128xf32, #tpu.memory_space<vmem>> -> memref<8x128xf32, #tpu.memory_space<vmem>>
    %dma_wait3A_2297 = arith.constant 0 : i32
    %dma_wait3A_2298 = tpu.memref_slice %arg2[%multiple_of3A_812, %dma_wait3A_2297] : memref<100000x128xf32, #tpu.memory_space<hbm>> -> memref<8x128xf32, #tpu.memory_space<hbm>>
    tpu.wait_dma2 semaphore(%arg6 : memref<!tpu.dma_semaphore, #tpu.memory_space<semaphore_mem>>) src(%dma_wait3A_2298 : memref<8x128xf32, #tpu.memory_space<hbm>>) dst(%dma_wait3A_2296 : memref<8x128xf32, #tpu.memory_space<vmem>>)
    %dma_wait3A_2299 = arith.constant 55 : i32
    %dma_wait3A_2300 = arith.constant 0 : i32
    %dma_wait3A_2301 = arith.constant 0 : i32
    %dma_wait3A_2302 = tpu.memref_slice %arg5[%dma_wait3A_2299, %dma_wait3A_2300, %dma_wait3A_2301] : memref<128x8x128xf32, #tpu.memory_space<vmem>> -> memref<1x8x128xf32, #tpu.memory_space<vmem>>
    %dma_wait3A_2303 = tpu.memref_squeeze %dma_wait3A_2302 : memref<1x8x128xf32, #tpu.memory_space<vmem>> -> memref<8x128xf32, #tpu.memory_space<vmem>>
    %dma_wait3A_2304 = arith.constant 0 : i32
    %dma_wait3A_2305 = tpu.memref_slice %arg2[%multiple_of3A_827, %dma_wait3A_2304] : memref<100000x128xf32, #tpu.memory_space<hbm>> -> memref<8x128xf32, #tpu.memory_space<hbm>>
    tpu.wait_dma2 semaphore(%arg6 : memref<!tpu.dma_semaphore, #tpu.memory_space<semaphore_mem>>) src(%dma_wait3A_2305 : memref<8x128xf32, #tpu.memory_space<hbm>>) dst(%dma_wait3A_2303 : memref<8x128xf32, #tpu.memory_space<vmem>>)
    %dma_wait3A_2306 = arith.constant 56 : i32
    %dma_wait3A_2307 = arith.constant 0 : i32
    %dma_wait3A_2308 = arith.constant 0 : i32
    %dma_wait3A_2309 = tpu.memref_slice %arg5[%dma_wait3A_2306, %dma_wait3A_2307, %dma_wait3A_2308] : memref<128x8x128xf32, #tpu.memory_space<vmem>> -> memref<1x8x128xf32, #tpu.memory_space<vmem>>
    %dma_wait3A_2310 = tpu.memref_squeeze %dma_wait3A_2309 : memref<1x8x128xf32, #tpu.memory_space<vmem>> -> memref<8x128xf32, #tpu.memory_space<vmem>>
    %dma_wait3A_2311 = arith.constant 0 : i32
    %dma_wait3A_2312 = tpu.memref_slice %arg2[%multiple_of3A_842, %dma_wait3A_2311] : memref<100000x128xf32, #tpu.memory_space<hbm>> -> memref<8x128xf32, #tpu.memory_space<hbm>>
    tpu.wait_dma2 semaphore(%arg6 : memref<!tpu.dma_semaphore, #tpu.memory_space<semaphore_mem>>) src(%dma_wait3A_2312 : memref<8x128xf32, #tpu.memory_space<hbm>>) dst(%dma_wait3A_2310 : memref<8x128xf32, #tpu.memory_space<vmem>>)
    %dma_wait3A_2313 = arith.constant 57 : i32
    %dma_wait3A_2314 = arith.constant 0 : i32
    %dma_wait3A_2315 = arith.constant 0 : i32
    %dma_wait3A_2316 = tpu.memref_slice %arg5[%dma_wait3A_2313, %dma_wait3A_2314, %dma_wait3A_2315] : memref<128x8x128xf32, #tpu.memory_space<vmem>> -> memref<1x8x128xf32, #tpu.memory_space<vmem>>
    %dma_wait3A_2317 = tpu.memref_squeeze %dma_wait3A_2316 : memref<1x8x128xf32, #tpu.memory_space<vmem>> -> memref<8x128xf32, #tpu.memory_space<vmem>>
    %dma_wait3A_2318 = arith.constant 0 : i32
    %dma_wait3A_2319 = tpu.memref_slice %arg2[%multiple_of3A_857, %dma_wait3A_2318] : memref<100000x128xf32, #tpu.memory_space<hbm>> -> memref<8x128xf32, #tpu.memory_space<hbm>>
    tpu.wait_dma2 semaphore(%arg6 : memref<!tpu.dma_semaphore, #tpu.memory_space<semaphore_mem>>) src(%dma_wait3A_2319 : memref<8x128xf32, #tpu.memory_space<hbm>>) dst(%dma_wait3A_2317 : memref<8x128xf32, #tpu.memory_space<vmem>>)
    %dma_wait3A_2320 = arith.constant 58 : i32
    %dma_wait3A_2321 = arith.constant 0 : i32
    %dma_wait3A_2322 = arith.constant 0 : i32
    %dma_wait3A_2323 = tpu.memref_slice %arg5[%dma_wait3A_2320, %dma_wait3A_2321, %dma_wait3A_2322] : memref<128x8x128xf32, #tpu.memory_space<vmem>> -> memref<1x8x128xf32, #tpu.memory_space<vmem>>
    %dma_wait3A_2324 = tpu.memref_squeeze %dma_wait3A_2323 : memref<1x8x128xf32, #tpu.memory_space<vmem>> -> memref<8x128xf32, #tpu.memory_space<vmem>>
    %dma_wait3A_2325 = arith.constant 0 : i32
    %dma_wait3A_2326 = tpu.memref_slice %arg2[%multiple_of3A_872, %dma_wait3A_2325] : memref<100000x128xf32, #tpu.memory_space<hbm>> -> memref<8x128xf32, #tpu.memory_space<hbm>>
    tpu.wait_dma2 semaphore(%arg6 : memref<!tpu.dma_semaphore, #tpu.memory_space<semaphore_mem>>) src(%dma_wait3A_2326 : memref<8x128xf32, #tpu.memory_space<hbm>>) dst(%dma_wait3A_2324 : memref<8x128xf32, #tpu.memory_space<vmem>>)
    %dma_wait3A_2327 = arith.constant 59 : i32
    %dma_wait3A_2328 = arith.constant 0 : i32
    %dma_wait3A_2329 = arith.constant 0 : i32
    %dma_wait3A_2330 = tpu.memref_slice %arg5[%dma_wait3A_2327, %dma_wait3A_2328, %dma_wait3A_2329] : memref<128x8x128xf32, #tpu.memory_space<vmem>> -> memref<1x8x128xf32, #tpu.memory_space<vmem>>
    %dma_wait3A_2331 = tpu.memref_squeeze %dma_wait3A_2330 : memref<1x8x128xf32, #tpu.memory_space<vmem>> -> memref<8x128xf32, #tpu.memory_space<vmem>>
    %dma_wait3A_2332 = arith.constant 0 : i32
    %dma_wait3A_2333 = tpu.memref_slice %arg2[%multiple_of3A_887, %dma_wait3A_2332] : memref<100000x128xf32, #tpu.memory_space<hbm>> -> memref<8x128xf32, #tpu.memory_space<hbm>>
    tpu.wait_dma2 semaphore(%arg6 : memref<!tpu.dma_semaphore, #tpu.memory_space<semaphore_mem>>) src(%dma_wait3A_2333 : memref<8x128xf32, #tpu.memory_space<hbm>>) dst(%dma_wait3A_2331 : memref<8x128xf32, #tpu.memory_space<vmem>>)
    %dma_wait3A_2334 = arith.constant 60 : i32
    %dma_wait3A_2335 = arith.constant 0 : i32
    %dma_wait3A_2336 = arith.constant 0 : i32
    %dma_wait3A_2337 = tpu.memref_slice %arg5[%dma_wait3A_2334, %dma_wait3A_2335, %dma_wait3A_2336] : memref<128x8x128xf32, #tpu.memory_space<vmem>> -> memref<1x8x128xf32, #tpu.memory_space<vmem>>
    %dma_wait3A_2338 = tpu.memref_squeeze %dma_wait3A_2337 : memref<1x8x128xf32, #tpu.memory_space<vmem>> -> memref<8x128xf32, #tpu.memory_space<vmem>>
    %dma_wait3A_2339 = arith.constant 0 : i32
    %dma_wait3A_2340 = tpu.memref_slice %arg2[%multiple_of3A_902, %dma_wait3A_2339] : memref<100000x128xf32, #tpu.memory_space<hbm>> -> memref<8x128xf32, #tpu.memory_space<hbm>>
    tpu.wait_dma2 semaphore(%arg6 : memref<!tpu.dma_semaphore, #tpu.memory_space<semaphore_mem>>) src(%dma_wait3A_2340 : memref<8x128xf32, #tpu.memory_space<hbm>>) dst(%dma_wait3A_2338 : memref<8x128xf32, #tpu.memory_space<vmem>>)
    %dma_wait3A_2341 = arith.constant 61 : i32
    %dma_wait3A_2342 = arith.constant 0 : i32
    %dma_wait3A_2343 = arith.constant 0 : i32
    %dma_wait3A_2344 = tpu.memref_slice %arg5[%dma_wait3A_2341, %dma_wait3A_2342, %dma_wait3A_2343] : memref<128x8x128xf32, #tpu.memory_space<vmem>> -> memref<1x8x128xf32, #tpu.memory_space<vmem>>
    %dma_wait3A_2345 = tpu.memref_squeeze %dma_wait3A_2344 : memref<1x8x128xf32, #tpu.memory_space<vmem>> -> memref<8x128xf32, #tpu.memory_space<vmem>>
    %dma_wait3A_2346 = arith.constant 0 : i32
    %dma_wait3A_2347 = tpu.memref_slice %arg2[%multiple_of3A_917, %dma_wait3A_2346] : memref<100000x128xf32, #tpu.memory_space<hbm>> -> memref<8x128xf32, #tpu.memory_space<hbm>>
    tpu.wait_dma2 semaphore(%arg6 : memref<!tpu.dma_semaphore, #tpu.memory_space<semaphore_mem>>) src(%dma_wait3A_2347 : memref<8x128xf32, #tpu.memory_space<hbm>>) dst(%dma_wait3A_2345 : memref<8x128xf32, #tpu.memory_space<vmem>>)
    %dma_wait3A_2348 = arith.constant 62 : i32
    %dma_wait3A_2349 = arith.constant 0 : i32
    %dma_wait3A_2350 = arith.constant 0 : i32
    %dma_wait3A_2351 = tpu.memref_slice %arg5[%dma_wait3A_2348, %dma_wait3A_2349, %dma_wait3A_2350] : memref<128x8x128xf32, #tpu.memory_space<vmem>> -> memref<1x8x128xf32, #tpu.memory_space<vmem>>
    %dma_wait3A_2352 = tpu.memref_squeeze %dma_wait3A_2351 : memref<1x8x128xf32, #tpu.memory_space<vmem>> -> memref<8x128xf32, #tpu.memory_space<vmem>>
    %dma_wait3A_2353 = arith.constant 0 : i32
    %dma_wait3A_2354 = tpu.memref_slice %arg2[%multiple_of3A_932, %dma_wait3A_2353] : memref<100000x128xf32, #tpu.memory_space<hbm>> -> memref<8x128xf32, #tpu.memory_space<hbm>>
    tpu.wait_dma2 semaphore(%arg6 : memref<!tpu.dma_semaphore, #tpu.memory_space<semaphore_mem>>) src(%dma_wait3A_2354 : memref<8x128xf32, #tpu.memory_space<hbm>>) dst(%dma_wait3A_2352 : memref<8x128xf32, #tpu.memory_space<vmem>>)
    %dma_wait3A_2355 = arith.constant 63 : i32
    %dma_wait3A_2356 = arith.constant 0 : i32
    %dma_wait3A_2357 = arith.constant 0 : i32
    %dma_wait3A_2358 = tpu.memref_slice %arg5[%dma_wait3A_2355, %dma_wait3A_2356, %dma_wait3A_2357] : memref<128x8x128xf32, #tpu.memory_space<vmem>> -> memref<1x8x128xf32, #tpu.memory_space<vmem>>
    %dma_wait3A_2359 = tpu.memref_squeeze %dma_wait3A_2358 : memref<1x8x128xf32, #tpu.memory_space<vmem>> -> memref<8x128xf32, #tpu.memory_space<vmem>>
    %dma_wait3A_2360 = arith.constant 0 : i32
    %dma_wait3A_2361 = tpu.memref_slice %arg2[%multiple_of3A_947, %dma_wait3A_2360] : memref<100000x128xf32, #tpu.memory_space<hbm>> -> memref<8x128xf32, #tpu.memory_space<hbm>>
    tpu.wait_dma2 semaphore(%arg6 : memref<!tpu.dma_semaphore, #tpu.memory_space<semaphore_mem>>) src(%dma_wait3A_2361 : memref<8x128xf32, #tpu.memory_space<hbm>>) dst(%dma_wait3A_2359 : memref<8x128xf32, #tpu.memory_space<vmem>>)
    %dma_wait3A_2362 = arith.constant 64 : i32
    %dma_wait3A_2363 = arith.constant 0 : i32
    %dma_wait3A_2364 = arith.constant 0 : i32
    %dma_wait3A_2365 = tpu.memref_slice %arg5[%dma_wait3A_2362, %dma_wait3A_2363, %dma_wait3A_2364] : memref<128x8x128xf32, #tpu.memory_space<vmem>> -> memref<1x8x128xf32, #tpu.memory_space<vmem>>
    %dma_wait3A_2366 = tpu.memref_squeeze %dma_wait3A_2365 : memref<1x8x128xf32, #tpu.memory_space<vmem>> -> memref<8x128xf32, #tpu.memory_space<vmem>>
    %dma_wait3A_2367 = arith.constant 0 : i32
    %dma_wait3A_2368 = tpu.memref_slice %arg2[%multiple_of3A_962, %dma_wait3A_2367] : memref<100000x128xf32, #tpu.memory_space<hbm>> -> memref<8x128xf32, #tpu.memory_space<hbm>>
    tpu.wait_dma2 semaphore(%arg6 : memref<!tpu.dma_semaphore, #tpu.memory_space<semaphore_mem>>) src(%dma_wait3A_2368 : memref<8x128xf32, #tpu.memory_space<hbm>>) dst(%dma_wait3A_2366 : memref<8x128xf32, #tpu.memory_space<vmem>>)
    %dma_wait3A_2369 = arith.constant 65 : i32
    %dma_wait3A_2370 = arith.constant 0 : i32
    %dma_wait3A_2371 = arith.constant 0 : i32
    %dma_wait3A_2372 = tpu.memref_slice %arg5[%dma_wait3A_2369, %dma_wait3A_2370, %dma_wait3A_2371] : memref<128x8x128xf32, #tpu.memory_space<vmem>> -> memref<1x8x128xf32, #tpu.memory_space<vmem>>
    %dma_wait3A_2373 = tpu.memref_squeeze %dma_wait3A_2372 : memref<1x8x128xf32, #tpu.memory_space<vmem>> -> memref<8x128xf32, #tpu.memory_space<vmem>>
    %dma_wait3A_2374 = arith.constant 0 : i32
    %dma_wait3A_2375 = tpu.memref_slice %arg2[%multiple_of3A_977, %dma_wait3A_2374] : memref<100000x128xf32, #tpu.memory_space<hbm>> -> memref<8x128xf32, #tpu.memory_space<hbm>>
    tpu.wait_dma2 semaphore(%arg6 : memref<!tpu.dma_semaphore, #tpu.memory_space<semaphore_mem>>) src(%dma_wait3A_2375 : memref<8x128xf32, #tpu.memory_space<hbm>>) dst(%dma_wait3A_2373 : memref<8x128xf32, #tpu.memory_space<vmem>>)
    %dma_wait3A_2376 = arith.constant 66 : i32
    %dma_wait3A_2377 = arith.constant 0 : i32
    %dma_wait3A_2378 = arith.constant 0 : i32
    %dma_wait3A_2379 = tpu.memref_slice %arg5[%dma_wait3A_2376, %dma_wait3A_2377, %dma_wait3A_2378] : memref<128x8x128xf32, #tpu.memory_space<vmem>> -> memref<1x8x128xf32, #tpu.memory_space<vmem>>
    %dma_wait3A_2380 = tpu.memref_squeeze %dma_wait3A_2379 : memref<1x8x128xf32, #tpu.memory_space<vmem>> -> memref<8x128xf32, #tpu.memory_space<vmem>>
    %dma_wait3A_2381 = arith.constant 0 : i32
    %dma_wait3A_2382 = tpu.memref_slice %arg2[%multiple_of3A_992, %dma_wait3A_2381] : memref<100000x128xf32, #tpu.memory_space<hbm>> -> memref<8x128xf32, #tpu.memory_space<hbm>>
    tpu.wait_dma2 semaphore(%arg6 : memref<!tpu.dma_semaphore, #tpu.memory_space<semaphore_mem>>) src(%dma_wait3A_2382 : memref<8x128xf32, #tpu.memory_space<hbm>>) dst(%dma_wait3A_2380 : memref<8x128xf32, #tpu.memory_space<vmem>>)
    %dma_wait3A_2383 = arith.constant 67 : i32
    %dma_wait3A_2384 = arith.constant 0 : i32
    %dma_wait3A_2385 = arith.constant 0 : i32
    %dma_wait3A_2386 = tpu.memref_slice %arg5[%dma_wait3A_2383, %dma_wait3A_2384, %dma_wait3A_2385] : memref<128x8x128xf32, #tpu.memory_space<vmem>> -> memref<1x8x128xf32, #tpu.memory_space<vmem>>
    %dma_wait3A_2387 = tpu.memref_squeeze %dma_wait3A_2386 : memref<1x8x128xf32, #tpu.memory_space<vmem>> -> memref<8x128xf32, #tpu.memory_space<vmem>>
    %dma_wait3A_2388 = arith.constant 0 : i32
    %dma_wait3A_2389 = tpu.memref_slice %arg2[%multiple_of3A_1007, %dma_wait3A_2388] : memref<100000x128xf32, #tpu.memory_space<hbm>> -> memref<8x128xf32, #tpu.memory_space<hbm>>
    tpu.wait_dma2 semaphore(%arg6 : memref<!tpu.dma_semaphore, #tpu.memory_space<semaphore_mem>>) src(%dma_wait3A_2389 : memref<8x128xf32, #tpu.memory_space<hbm>>) dst(%dma_wait3A_2387 : memref<8x128xf32, #tpu.memory_space<vmem>>)
    %dma_wait3A_2390 = arith.constant 68 : i32
    %dma_wait3A_2391 = arith.constant 0 : i32
    %dma_wait3A_2392 = arith.constant 0 : i32
    %dma_wait3A_2393 = tpu.memref_slice %arg5[%dma_wait3A_2390, %dma_wait3A_2391, %dma_wait3A_2392] : memref<128x8x128xf32, #tpu.memory_space<vmem>> -> memref<1x8x128xf32, #tpu.memory_space<vmem>>
    %dma_wait3A_2394 = tpu.memref_squeeze %dma_wait3A_2393 : memref<1x8x128xf32, #tpu.memory_space<vmem>> -> memref<8x128xf32, #tpu.memory_space<vmem>>
    %dma_wait3A_2395 = arith.constant 0 : i32
    %dma_wait3A_2396 = tpu.memref_slice %arg2[%multiple_of3A_1022, %dma_wait3A_2395] : memref<100000x128xf32, #tpu.memory_space<hbm>> -> memref<8x128xf32, #tpu.memory_space<hbm>>
    tpu.wait_dma2 semaphore(%arg6 : memref<!tpu.dma_semaphore, #tpu.memory_space<semaphore_mem>>) src(%dma_wait3A_2396 : memref<8x128xf32, #tpu.memory_space<hbm>>) dst(%dma_wait3A_2394 : memref<8x128xf32, #tpu.memory_space<vmem>>)
    %dma_wait3A_2397 = arith.constant 69 : i32
    %dma_wait3A_2398 = arith.constant 0 : i32
    %dma_wait3A_2399 = arith.constant 0 : i32
    %dma_wait3A_2400 = tpu.memref_slice %arg5[%dma_wait3A_2397, %dma_wait3A_2398, %dma_wait3A_2399] : memref<128x8x128xf32, #tpu.memory_space<vmem>> -> memref<1x8x128xf32, #tpu.memory_space<vmem>>
    %dma_wait3A_2401 = tpu.memref_squeeze %dma_wait3A_2400 : memref<1x8x128xf32, #tpu.memory_space<vmem>> -> memref<8x128xf32, #tpu.memory_space<vmem>>
    %dma_wait3A_2402 = arith.constant 0 : i32
    %dma_wait3A_2403 = tpu.memref_slice %arg2[%multiple_of3A_1037, %dma_wait3A_2402] : memref<100000x128xf32, #tpu.memory_space<hbm>> -> memref<8x128xf32, #tpu.memory_space<hbm>>
    tpu.wait_dma2 semaphore(%arg6 : memref<!tpu.dma_semaphore, #tpu.memory_space<semaphore_mem>>) src(%dma_wait3A_2403 : memref<8x128xf32, #tpu.memory_space<hbm>>) dst(%dma_wait3A_2401 : memref<8x128xf32, #tpu.memory_space<vmem>>)
    %dma_wait3A_2404 = arith.constant 70 : i32
    %dma_wait3A_2405 = arith.constant 0 : i32
    %dma_wait3A_2406 = arith.constant 0 : i32
    %dma_wait3A_2407 = tpu.memref_slice %arg5[%dma_wait3A_2404, %dma_wait3A_2405, %dma_wait3A_2406] : memref<128x8x128xf32, #tpu.memory_space<vmem>> -> memref<1x8x128xf32, #tpu.memory_space<vmem>>
    %dma_wait3A_2408 = tpu.memref_squeeze %dma_wait3A_2407 : memref<1x8x128xf32, #tpu.memory_space<vmem>> -> memref<8x128xf32, #tpu.memory_space<vmem>>
    %dma_wait3A_2409 = arith.constant 0 : i32
    %dma_wait3A_2410 = tpu.memref_slice %arg2[%multiple_of3A_1052, %dma_wait3A_2409] : memref<100000x128xf32, #tpu.memory_space<hbm>> -> memref<8x128xf32, #tpu.memory_space<hbm>>
    tpu.wait_dma2 semaphore(%arg6 : memref<!tpu.dma_semaphore, #tpu.memory_space<semaphore_mem>>) src(%dma_wait3A_2410 : memref<8x128xf32, #tpu.memory_space<hbm>>) dst(%dma_wait3A_2408 : memref<8x128xf32, #tpu.memory_space<vmem>>)
    %dma_wait3A_2411 = arith.constant 71 : i32
    %dma_wait3A_2412 = arith.constant 0 : i32
    %dma_wait3A_2413 = arith.constant 0 : i32
    %dma_wait3A_2414 = tpu.memref_slice %arg5[%dma_wait3A_2411, %dma_wait3A_2412, %dma_wait3A_2413] : memref<128x8x128xf32, #tpu.memory_space<vmem>> -> memref<1x8x128xf32, #tpu.memory_space<vmem>>
    %dma_wait3A_2415 = tpu.memref_squeeze %dma_wait3A_2414 : memref<1x8x128xf32, #tpu.memory_space<vmem>> -> memref<8x128xf32, #tpu.memory_space<vmem>>
    %dma_wait3A_2416 = arith.constant 0 : i32
    %dma_wait3A_2417 = tpu.memref_slice %arg2[%multiple_of3A_1067, %dma_wait3A_2416] : memref<100000x128xf32, #tpu.memory_space<hbm>> -> memref<8x128xf32, #tpu.memory_space<hbm>>
    tpu.wait_dma2 semaphore(%arg6 : memref<!tpu.dma_semaphore, #tpu.memory_space<semaphore_mem>>) src(%dma_wait3A_2417 : memref<8x128xf32, #tpu.memory_space<hbm>>) dst(%dma_wait3A_2415 : memref<8x128xf32, #tpu.memory_space<vmem>>)
    %dma_wait3A_2418 = arith.constant 72 : i32
    %dma_wait3A_2419 = arith.constant 0 : i32
    %dma_wait3A_2420 = arith.constant 0 : i32
    %dma_wait3A_2421 = tpu.memref_slice %arg5[%dma_wait3A_2418, %dma_wait3A_2419, %dma_wait3A_2420] : memref<128x8x128xf32, #tpu.memory_space<vmem>> -> memref<1x8x128xf32, #tpu.memory_space<vmem>>
    %dma_wait3A_2422 = tpu.memref_squeeze %dma_wait3A_2421 : memref<1x8x128xf32, #tpu.memory_space<vmem>> -> memref<8x128xf32, #tpu.memory_space<vmem>>
    %dma_wait3A_2423 = arith.constant 0 : i32
    %dma_wait3A_2424 = tpu.memref_slice %arg2[%multiple_of3A_1082, %dma_wait3A_2423] : memref<100000x128xf32, #tpu.memory_space<hbm>> -> memref<8x128xf32, #tpu.memory_space<hbm>>
    tpu.wait_dma2 semaphore(%arg6 : memref<!tpu.dma_semaphore, #tpu.memory_space<semaphore_mem>>) src(%dma_wait3A_2424 : memref<8x128xf32, #tpu.memory_space<hbm>>) dst(%dma_wait3A_2422 : memref<8x128xf32, #tpu.memory_space<vmem>>)
    %dma_wait3A_2425 = arith.constant 73 : i32
    %dma_wait3A_2426 = arith.constant 0 : i32
    %dma_wait3A_2427 = arith.constant 0 : i32
    %dma_wait3A_2428 = tpu.memref_slice %arg5[%dma_wait3A_2425, %dma_wait3A_2426, %dma_wait3A_2427] : memref<128x8x128xf32, #tpu.memory_space<vmem>> -> memref<1x8x128xf32, #tpu.memory_space<vmem>>
    %dma_wait3A_2429 = tpu.memref_squeeze %dma_wait3A_2428 : memref<1x8x128xf32, #tpu.memory_space<vmem>> -> memref<8x128xf32, #tpu.memory_space<vmem>>
    %dma_wait3A_2430 = arith.constant 0 : i32
    %dma_wait3A_2431 = tpu.memref_slice %arg2[%multiple_of3A_1097, %dma_wait3A_2430] : memref<100000x128xf32, #tpu.memory_space<hbm>> -> memref<8x128xf32, #tpu.memory_space<hbm>>
    tpu.wait_dma2 semaphore(%arg6 : memref<!tpu.dma_semaphore, #tpu.memory_space<semaphore_mem>>) src(%dma_wait3A_2431 : memref<8x128xf32, #tpu.memory_space<hbm>>) dst(%dma_wait3A_2429 : memref<8x128xf32, #tpu.memory_space<vmem>>)
    %dma_wait3A_2432 = arith.constant 74 : i32
    %dma_wait3A_2433 = arith.constant 0 : i32
    %dma_wait3A_2434 = arith.constant 0 : i32
    %dma_wait3A_2435 = tpu.memref_slice %arg5[%dma_wait3A_2432, %dma_wait3A_2433, %dma_wait3A_2434] : memref<128x8x128xf32, #tpu.memory_space<vmem>> -> memref<1x8x128xf32, #tpu.memory_space<vmem>>
    %dma_wait3A_2436 = tpu.memref_squeeze %dma_wait3A_2435 : memref<1x8x128xf32, #tpu.memory_space<vmem>> -> memref<8x128xf32, #tpu.memory_space<vmem>>
    %dma_wait3A_2437 = arith.constant 0 : i32
    %dma_wait3A_2438 = tpu.memref_slice %arg2[%multiple_of3A_1112, %dma_wait3A_2437] : memref<100000x128xf32, #tpu.memory_space<hbm>> -> memref<8x128xf32, #tpu.memory_space<hbm>>
    tpu.wait_dma2 semaphore(%arg6 : memref<!tpu.dma_semaphore, #tpu.memory_space<semaphore_mem>>) src(%dma_wait3A_2438 : memref<8x128xf32, #tpu.memory_space<hbm>>) dst(%dma_wait3A_2436 : memref<8x128xf32, #tpu.memory_space<vmem>>)
    %dma_wait3A_2439 = arith.constant 75 : i32
    %dma_wait3A_2440 = arith.constant 0 : i32
    %dma_wait3A_2441 = arith.constant 0 : i32
    %dma_wait3A_2442 = tpu.memref_slice %arg5[%dma_wait3A_2439, %dma_wait3A_2440, %dma_wait3A_2441] : memref<128x8x128xf32, #tpu.memory_space<vmem>> -> memref<1x8x128xf32, #tpu.memory_space<vmem>>
    %dma_wait3A_2443 = tpu.memref_squeeze %dma_wait3A_2442 : memref<1x8x128xf32, #tpu.memory_space<vmem>> -> memref<8x128xf32, #tpu.memory_space<vmem>>
    %dma_wait3A_2444 = arith.constant 0 : i32
    %dma_wait3A_2445 = tpu.memref_slice %arg2[%multiple_of3A_1127, %dma_wait3A_2444] : memref<100000x128xf32, #tpu.memory_space<hbm>> -> memref<8x128xf32, #tpu.memory_space<hbm>>
    tpu.wait_dma2 semaphore(%arg6 : memref<!tpu.dma_semaphore, #tpu.memory_space<semaphore_mem>>) src(%dma_wait3A_2445 : memref<8x128xf32, #tpu.memory_space<hbm>>) dst(%dma_wait3A_2443 : memref<8x128xf32, #tpu.memory_space<vmem>>)
    %dma_wait3A_2446 = arith.constant 76 : i32
    %dma_wait3A_2447 = arith.constant 0 : i32
    %dma_wait3A_2448 = arith.constant 0 : i32
    %dma_wait3A_2449 = tpu.memref_slice %arg5[%dma_wait3A_2446, %dma_wait3A_2447, %dma_wait3A_2448] : memref<128x8x128xf32, #tpu.memory_space<vmem>> -> memref<1x8x128xf32, #tpu.memory_space<vmem>>
    %dma_wait3A_2450 = tpu.memref_squeeze %dma_wait3A_2449 : memref<1x8x128xf32, #tpu.memory_space<vmem>> -> memref<8x128xf32, #tpu.memory_space<vmem>>
    %dma_wait3A_2451 = arith.constant 0 : i32
    %dma_wait3A_2452 = tpu.memref_slice %arg2[%multiple_of3A_1142, %dma_wait3A_2451] : memref<100000x128xf32, #tpu.memory_space<hbm>> -> memref<8x128xf32, #tpu.memory_space<hbm>>
    tpu.wait_dma2 semaphore(%arg6 : memref<!tpu.dma_semaphore, #tpu.memory_space<semaphore_mem>>) src(%dma_wait3A_2452 : memref<8x128xf32, #tpu.memory_space<hbm>>) dst(%dma_wait3A_2450 : memref<8x128xf32, #tpu.memory_space<vmem>>)
    %dma_wait3A_2453 = arith.constant 77 : i32
    %dma_wait3A_2454 = arith.constant 0 : i32
    %dma_wait3A_2455 = arith.constant 0 : i32
    %dma_wait3A_2456 = tpu.memref_slice %arg5[%dma_wait3A_2453, %dma_wait3A_2454, %dma_wait3A_2455] : memref<128x8x128xf32, #tpu.memory_space<vmem>> -> memref<1x8x128xf32, #tpu.memory_space<vmem>>
    %dma_wait3A_2457 = tpu.memref_squeeze %dma_wait3A_2456 : memref<1x8x128xf32, #tpu.memory_space<vmem>> -> memref<8x128xf32, #tpu.memory_space<vmem>>
    %dma_wait3A_2458 = arith.constant 0 : i32
    %dma_wait3A_2459 = tpu.memref_slice %arg2[%multiple_of3A_1157, %dma_wait3A_2458] : memref<100000x128xf32, #tpu.memory_space<hbm>> -> memref<8x128xf32, #tpu.memory_space<hbm>>
    tpu.wait_dma2 semaphore(%arg6 : memref<!tpu.dma_semaphore, #tpu.memory_space<semaphore_mem>>) src(%dma_wait3A_2459 : memref<8x128xf32, #tpu.memory_space<hbm>>) dst(%dma_wait3A_2457 : memref<8x128xf32, #tpu.memory_space<vmem>>)
    %dma_wait3A_2460 = arith.constant 78 : i32
    %dma_wait3A_2461 = arith.constant 0 : i32
    %dma_wait3A_2462 = arith.constant 0 : i32
    %dma_wait3A_2463 = tpu.memref_slice %arg5[%dma_wait3A_2460, %dma_wait3A_2461, %dma_wait3A_2462] : memref<128x8x128xf32, #tpu.memory_space<vmem>> -> memref<1x8x128xf32, #tpu.memory_space<vmem>>
    %dma_wait3A_2464 = tpu.memref_squeeze %dma_wait3A_2463 : memref<1x8x128xf32, #tpu.memory_space<vmem>> -> memref<8x128xf32, #tpu.memory_space<vmem>>
    %dma_wait3A_2465 = arith.constant 0 : i32
    %dma_wait3A_2466 = tpu.memref_slice %arg2[%multiple_of3A_1172, %dma_wait3A_2465] : memref<100000x128xf32, #tpu.memory_space<hbm>> -> memref<8x128xf32, #tpu.memory_space<hbm>>
    tpu.wait_dma2 semaphore(%arg6 : memref<!tpu.dma_semaphore, #tpu.memory_space<semaphore_mem>>) src(%dma_wait3A_2466 : memref<8x128xf32, #tpu.memory_space<hbm>>) dst(%dma_wait3A_2464 : memref<8x128xf32, #tpu.memory_space<vmem>>)
    %dma_wait3A_2467 = arith.constant 79 : i32
    %dma_wait3A_2468 = arith.constant 0 : i32
    %dma_wait3A_2469 = arith.constant 0 : i32
    %dma_wait3A_2470 = tpu.memref_slice %arg5[%dma_wait3A_2467, %dma_wait3A_2468, %dma_wait3A_2469] : memref<128x8x128xf32, #tpu.memory_space<vmem>> -> memref<1x8x128xf32, #tpu.memory_space<vmem>>
    %dma_wait3A_2471 = tpu.memref_squeeze %dma_wait3A_2470 : memref<1x8x128xf32, #tpu.memory_space<vmem>> -> memref<8x128xf32, #tpu.memory_space<vmem>>
    %dma_wait3A_2472 = arith.constant 0 : i32
    %dma_wait3A_2473 = tpu.memref_slice %arg2[%multiple_of3A_1187, %dma_wait3A_2472] : memref<100000x128xf32, #tpu.memory_space<hbm>> -> memref<8x128xf32, #tpu.memory_space<hbm>>
    tpu.wait_dma2 semaphore(%arg6 : memref<!tpu.dma_semaphore, #tpu.memory_space<semaphore_mem>>) src(%dma_wait3A_2473 : memref<8x128xf32, #tpu.memory_space<hbm>>) dst(%dma_wait3A_2471 : memref<8x128xf32, #tpu.memory_space<vmem>>)
    %dma_wait3A_2474 = arith.constant 80 : i32
    %dma_wait3A_2475 = arith.constant 0 : i32
    %dma_wait3A_2476 = arith.constant 0 : i32
    %dma_wait3A_2477 = tpu.memref_slice %arg5[%dma_wait3A_2474, %dma_wait3A_2475, %dma_wait3A_2476] : memref<128x8x128xf32, #tpu.memory_space<vmem>> -> memref<1x8x128xf32, #tpu.memory_space<vmem>>
    %dma_wait3A_2478 = tpu.memref_squeeze %dma_wait3A_2477 : memref<1x8x128xf32, #tpu.memory_space<vmem>> -> memref<8x128xf32, #tpu.memory_space<vmem>>
    %dma_wait3A_2479 = arith.constant 0 : i32
    %dma_wait3A_2480 = tpu.memref_slice %arg2[%multiple_of3A_1202, %dma_wait3A_2479] : memref<100000x128xf32, #tpu.memory_space<hbm>> -> memref<8x128xf32, #tpu.memory_space<hbm>>
    tpu.wait_dma2 semaphore(%arg6 : memref<!tpu.dma_semaphore, #tpu.memory_space<semaphore_mem>>) src(%dma_wait3A_2480 : memref<8x128xf32, #tpu.memory_space<hbm>>) dst(%dma_wait3A_2478 : memref<8x128xf32, #tpu.memory_space<vmem>>)
    %dma_wait3A_2481 = arith.constant 81 : i32
    %dma_wait3A_2482 = arith.constant 0 : i32
    %dma_wait3A_2483 = arith.constant 0 : i32
    %dma_wait3A_2484 = tpu.memref_slice %arg5[%dma_wait3A_2481, %dma_wait3A_2482, %dma_wait3A_2483] : memref<128x8x128xf32, #tpu.memory_space<vmem>> -> memref<1x8x128xf32, #tpu.memory_space<vmem>>
    %dma_wait3A_2485 = tpu.memref_squeeze %dma_wait3A_2484 : memref<1x8x128xf32, #tpu.memory_space<vmem>> -> memref<8x128xf32, #tpu.memory_space<vmem>>
    %dma_wait3A_2486 = arith.constant 0 : i32
    %dma_wait3A_2487 = tpu.memref_slice %arg2[%multiple_of3A_1217, %dma_wait3A_2486] : memref<100000x128xf32, #tpu.memory_space<hbm>> -> memref<8x128xf32, #tpu.memory_space<hbm>>
    tpu.wait_dma2 semaphore(%arg6 : memref<!tpu.dma_semaphore, #tpu.memory_space<semaphore_mem>>) src(%dma_wait3A_2487 : memref<8x128xf32, #tpu.memory_space<hbm>>) dst(%dma_wait3A_2485 : memref<8x128xf32, #tpu.memory_space<vmem>>)
    %dma_wait3A_2488 = arith.constant 82 : i32
    %dma_wait3A_2489 = arith.constant 0 : i32
    %dma_wait3A_2490 = arith.constant 0 : i32
    %dma_wait3A_2491 = tpu.memref_slice %arg5[%dma_wait3A_2488, %dma_wait3A_2489, %dma_wait3A_2490] : memref<128x8x128xf32, #tpu.memory_space<vmem>> -> memref<1x8x128xf32, #tpu.memory_space<vmem>>
    %dma_wait3A_2492 = tpu.memref_squeeze %dma_wait3A_2491 : memref<1x8x128xf32, #tpu.memory_space<vmem>> -> memref<8x128xf32, #tpu.memory_space<vmem>>
    %dma_wait3A_2493 = arith.constant 0 : i32
    %dma_wait3A_2494 = tpu.memref_slice %arg2[%multiple_of3A_1232, %dma_wait3A_2493] : memref<100000x128xf32, #tpu.memory_space<hbm>> -> memref<8x128xf32, #tpu.memory_space<hbm>>
    tpu.wait_dma2 semaphore(%arg6 : memref<!tpu.dma_semaphore, #tpu.memory_space<semaphore_mem>>) src(%dma_wait3A_2494 : memref<8x128xf32, #tpu.memory_space<hbm>>) dst(%dma_wait3A_2492 : memref<8x128xf32, #tpu.memory_space<vmem>>)
    %dma_wait3A_2495 = arith.constant 83 : i32
    %dma_wait3A_2496 = arith.constant 0 : i32
    %dma_wait3A_2497 = arith.constant 0 : i32
    %dma_wait3A_2498 = tpu.memref_slice %arg5[%dma_wait3A_2495, %dma_wait3A_2496, %dma_wait3A_2497] : memref<128x8x128xf32, #tpu.memory_space<vmem>> -> memref<1x8x128xf32, #tpu.memory_space<vmem>>
    %dma_wait3A_2499 = tpu.memref_squeeze %dma_wait3A_2498 : memref<1x8x128xf32, #tpu.memory_space<vmem>> -> memref<8x128xf32, #tpu.memory_space<vmem>>
    %dma_wait3A_2500 = arith.constant 0 : i32
    %dma_wait3A_2501 = tpu.memref_slice %arg2[%multiple_of3A_1247, %dma_wait3A_2500] : memref<100000x128xf32, #tpu.memory_space<hbm>> -> memref<8x128xf32, #tpu.memory_space<hbm>>
    tpu.wait_dma2 semaphore(%arg6 : memref<!tpu.dma_semaphore, #tpu.memory_space<semaphore_mem>>) src(%dma_wait3A_2501 : memref<8x128xf32, #tpu.memory_space<hbm>>) dst(%dma_wait3A_2499 : memref<8x128xf32, #tpu.memory_space<vmem>>)
    %dma_wait3A_2502 = arith.constant 84 : i32
    %dma_wait3A_2503 = arith.constant 0 : i32
    %dma_wait3A_2504 = arith.constant 0 : i32
    %dma_wait3A_2505 = tpu.memref_slice %arg5[%dma_wait3A_2502, %dma_wait3A_2503, %dma_wait3A_2504] : memref<128x8x128xf32, #tpu.memory_space<vmem>> -> memref<1x8x128xf32, #tpu.memory_space<vmem>>
    %dma_wait3A_2506 = tpu.memref_squeeze %dma_wait3A_2505 : memref<1x8x128xf32, #tpu.memory_space<vmem>> -> memref<8x128xf32, #tpu.memory_space<vmem>>
    %dma_wait3A_2507 = arith.constant 0 : i32
    %dma_wait3A_2508 = tpu.memref_slice %arg2[%multiple_of3A_1262, %dma_wait3A_2507] : memref<100000x128xf32, #tpu.memory_space<hbm>> -> memref<8x128xf32, #tpu.memory_space<hbm>>
    tpu.wait_dma2 semaphore(%arg6 : memref<!tpu.dma_semaphore, #tpu.memory_space<semaphore_mem>>) src(%dma_wait3A_2508 : memref<8x128xf32, #tpu.memory_space<hbm>>) dst(%dma_wait3A_2506 : memref<8x128xf32, #tpu.memory_space<vmem>>)
    %dma_wait3A_2509 = arith.constant 85 : i32
    %dma_wait3A_2510 = arith.constant 0 : i32
    %dma_wait3A_2511 = arith.constant 0 : i32
    %dma_wait3A_2512 = tpu.memref_slice %arg5[%dma_wait3A_2509, %dma_wait3A_2510, %dma_wait3A_2511] : memref<128x8x128xf32, #tpu.memory_space<vmem>> -> memref<1x8x128xf32, #tpu.memory_space<vmem>>
    %dma_wait3A_2513 = tpu.memref_squeeze %dma_wait3A_2512 : memref<1x8x128xf32, #tpu.memory_space<vmem>> -> memref<8x128xf32, #tpu.memory_space<vmem>>
    %dma_wait3A_2514 = arith.constant 0 : i32
    %dma_wait3A_2515 = tpu.memref_slice %arg2[%multiple_of3A_1277, %dma_wait3A_2514] : memref<100000x128xf32, #tpu.memory_space<hbm>> -> memref<8x128xf32, #tpu.memory_space<hbm>>
    tpu.wait_dma2 semaphore(%arg6 : memref<!tpu.dma_semaphore, #tpu.memory_space<semaphore_mem>>) src(%dma_wait3A_2515 : memref<8x128xf32, #tpu.memory_space<hbm>>) dst(%dma_wait3A_2513 : memref<8x128xf32, #tpu.memory_space<vmem>>)
    %dma_wait3A_2516 = arith.constant 86 : i32
    %dma_wait3A_2517 = arith.constant 0 : i32
    %dma_wait3A_2518 = arith.constant 0 : i32
    %dma_wait3A_2519 = tpu.memref_slice %arg5[%dma_wait3A_2516, %dma_wait3A_2517, %dma_wait3A_2518] : memref<128x8x128xf32, #tpu.memory_space<vmem>> -> memref<1x8x128xf32, #tpu.memory_space<vmem>>
    %dma_wait3A_2520 = tpu.memref_squeeze %dma_wait3A_2519 : memref<1x8x128xf32, #tpu.memory_space<vmem>> -> memref<8x128xf32, #tpu.memory_space<vmem>>
    %dma_wait3A_2521 = arith.constant 0 : i32
    %dma_wait3A_2522 = tpu.memref_slice %arg2[%multiple_of3A_1292, %dma_wait3A_2521] : memref<100000x128xf32, #tpu.memory_space<hbm>> -> memref<8x128xf32, #tpu.memory_space<hbm>>
    tpu.wait_dma2 semaphore(%arg6 : memref<!tpu.dma_semaphore, #tpu.memory_space<semaphore_mem>>) src(%dma_wait3A_2522 : memref<8x128xf32, #tpu.memory_space<hbm>>) dst(%dma_wait3A_2520 : memref<8x128xf32, #tpu.memory_space<vmem>>)
    %dma_wait3A_2523 = arith.constant 87 : i32
    %dma_wait3A_2524 = arith.constant 0 : i32
    %dma_wait3A_2525 = arith.constant 0 : i32
    %dma_wait3A_2526 = tpu.memref_slice %arg5[%dma_wait3A_2523, %dma_wait3A_2524, %dma_wait3A_2525] : memref<128x8x128xf32, #tpu.memory_space<vmem>> -> memref<1x8x128xf32, #tpu.memory_space<vmem>>
    %dma_wait3A_2527 = tpu.memref_squeeze %dma_wait3A_2526 : memref<1x8x128xf32, #tpu.memory_space<vmem>> -> memref<8x128xf32, #tpu.memory_space<vmem>>
    %dma_wait3A_2528 = arith.constant 0 : i32
    %dma_wait3A_2529 = tpu.memref_slice %arg2[%multiple_of3A_1307, %dma_wait3A_2528] : memref<100000x128xf32, #tpu.memory_space<hbm>> -> memref<8x128xf32, #tpu.memory_space<hbm>>
    tpu.wait_dma2 semaphore(%arg6 : memref<!tpu.dma_semaphore, #tpu.memory_space<semaphore_mem>>) src(%dma_wait3A_2529 : memref<8x128xf32, #tpu.memory_space<hbm>>) dst(%dma_wait3A_2527 : memref<8x128xf32, #tpu.memory_space<vmem>>)
    %dma_wait3A_2530 = arith.constant 88 : i32
    %dma_wait3A_2531 = arith.constant 0 : i32
    %dma_wait3A_2532 = arith.constant 0 : i32
    %dma_wait3A_2533 = tpu.memref_slice %arg5[%dma_wait3A_2530, %dma_wait3A_2531, %dma_wait3A_2532] : memref<128x8x128xf32, #tpu.memory_space<vmem>> -> memref<1x8x128xf32, #tpu.memory_space<vmem>>
    %dma_wait3A_2534 = tpu.memref_squeeze %dma_wait3A_2533 : memref<1x8x128xf32, #tpu.memory_space<vmem>> -> memref<8x128xf32, #tpu.memory_space<vmem>>
    %dma_wait3A_2535 = arith.constant 0 : i32
    %dma_wait3A_2536 = tpu.memref_slice %arg2[%multiple_of3A_1322, %dma_wait3A_2535] : memref<100000x128xf32, #tpu.memory_space<hbm>> -> memref<8x128xf32, #tpu.memory_space<hbm>>
    tpu.wait_dma2 semaphore(%arg6 : memref<!tpu.dma_semaphore, #tpu.memory_space<semaphore_mem>>) src(%dma_wait3A_2536 : memref<8x128xf32, #tpu.memory_space<hbm>>) dst(%dma_wait3A_2534 : memref<8x128xf32, #tpu.memory_space<vmem>>)
    %dma_wait3A_2537 = arith.constant 89 : i32
    %dma_wait3A_2538 = arith.constant 0 : i32
    %dma_wait3A_2539 = arith.constant 0 : i32
    %dma_wait3A_2540 = tpu.memref_slice %arg5[%dma_wait3A_2537, %dma_wait3A_2538, %dma_wait3A_2539] : memref<128x8x128xf32, #tpu.memory_space<vmem>> -> memref<1x8x128xf32, #tpu.memory_space<vmem>>
    %dma_wait3A_2541 = tpu.memref_squeeze %dma_wait3A_2540 : memref<1x8x128xf32, #tpu.memory_space<vmem>> -> memref<8x128xf32, #tpu.memory_space<vmem>>
    %dma_wait3A_2542 = arith.constant 0 : i32
    %dma_wait3A_2543 = tpu.memref_slice %arg2[%multiple_of3A_1337, %dma_wait3A_2542] : memref<100000x128xf32, #tpu.memory_space<hbm>> -> memref<8x128xf32, #tpu.memory_space<hbm>>
    tpu.wait_dma2 semaphore(%arg6 : memref<!tpu.dma_semaphore, #tpu.memory_space<semaphore_mem>>) src(%dma_wait3A_2543 : memref<8x128xf32, #tpu.memory_space<hbm>>) dst(%dma_wait3A_2541 : memref<8x128xf32, #tpu.memory_space<vmem>>)
    %dma_wait3A_2544 = arith.constant 90 : i32
    %dma_wait3A_2545 = arith.constant 0 : i32
    %dma_wait3A_2546 = arith.constant 0 : i32
    %dma_wait3A_2547 = tpu.memref_slice %arg5[%dma_wait3A_2544, %dma_wait3A_2545, %dma_wait3A_2546] : memref<128x8x128xf32, #tpu.memory_space<vmem>> -> memref<1x8x128xf32, #tpu.memory_space<vmem>>
    %dma_wait3A_2548 = tpu.memref_squeeze %dma_wait3A_2547 : memref<1x8x128xf32, #tpu.memory_space<vmem>> -> memref<8x128xf32, #tpu.memory_space<vmem>>
    %dma_wait3A_2549 = arith.constant 0 : i32
    %dma_wait3A_2550 = tpu.memref_slice %arg2[%multiple_of3A_1352, %dma_wait3A_2549] : memref<100000x128xf32, #tpu.memory_space<hbm>> -> memref<8x128xf32, #tpu.memory_space<hbm>>
    tpu.wait_dma2 semaphore(%arg6 : memref<!tpu.dma_semaphore, #tpu.memory_space<semaphore_mem>>) src(%dma_wait3A_2550 : memref<8x128xf32, #tpu.memory_space<hbm>>) dst(%dma_wait3A_2548 : memref<8x128xf32, #tpu.memory_space<vmem>>)
    %dma_wait3A_2551 = arith.constant 91 : i32
    %dma_wait3A_2552 = arith.constant 0 : i32
    %dma_wait3A_2553 = arith.constant 0 : i32
    %dma_wait3A_2554 = tpu.memref_slice %arg5[%dma_wait3A_2551, %dma_wait3A_2552, %dma_wait3A_2553] : memref<128x8x128xf32, #tpu.memory_space<vmem>> -> memref<1x8x128xf32, #tpu.memory_space<vmem>>
    %dma_wait3A_2555 = tpu.memref_squeeze %dma_wait3A_2554 : memref<1x8x128xf32, #tpu.memory_space<vmem>> -> memref<8x128xf32, #tpu.memory_space<vmem>>
    %dma_wait3A_2556 = arith.constant 0 : i32
    %dma_wait3A_2557 = tpu.memref_slice %arg2[%multiple_of3A_1367, %dma_wait3A_2556] : memref<100000x128xf32, #tpu.memory_space<hbm>> -> memref<8x128xf32, #tpu.memory_space<hbm>>
    tpu.wait_dma2 semaphore(%arg6 : memref<!tpu.dma_semaphore, #tpu.memory_space<semaphore_mem>>) src(%dma_wait3A_2557 : memref<8x128xf32, #tpu.memory_space<hbm>>) dst(%dma_wait3A_2555 : memref<8x128xf32, #tpu.memory_space<vmem>>)
    %dma_wait3A_2558 = arith.constant 92 : i32
    %dma_wait3A_2559 = arith.constant 0 : i32
    %dma_wait3A_2560 = arith.constant 0 : i32
    %dma_wait3A_2561 = tpu.memref_slice %arg5[%dma_wait3A_2558, %dma_wait3A_2559, %dma_wait3A_2560] : memref<128x8x128xf32, #tpu.memory_space<vmem>> -> memref<1x8x128xf32, #tpu.memory_space<vmem>>
    %dma_wait3A_2562 = tpu.memref_squeeze %dma_wait3A_2561 : memref<1x8x128xf32, #tpu.memory_space<vmem>> -> memref<8x128xf32, #tpu.memory_space<vmem>>
    %dma_wait3A_2563 = arith.constant 0 : i32
    %dma_wait3A_2564 = tpu.memref_slice %arg2[%multiple_of3A_1382, %dma_wait3A_2563] : memref<100000x128xf32, #tpu.memory_space<hbm>> -> memref<8x128xf32, #tpu.memory_space<hbm>>
    tpu.wait_dma2 semaphore(%arg6 : memref<!tpu.dma_semaphore, #tpu.memory_space<semaphore_mem>>) src(%dma_wait3A_2564 : memref<8x128xf32, #tpu.memory_space<hbm>>) dst(%dma_wait3A_2562 : memref<8x128xf32, #tpu.memory_space<vmem>>)
    %dma_wait3A_2565 = arith.constant 93 : i32
    %dma_wait3A_2566 = arith.constant 0 : i32
    %dma_wait3A_2567 = arith.constant 0 : i32
    %dma_wait3A_2568 = tpu.memref_slice %arg5[%dma_wait3A_2565, %dma_wait3A_2566, %dma_wait3A_2567] : memref<128x8x128xf32, #tpu.memory_space<vmem>> -> memref<1x8x128xf32, #tpu.memory_space<vmem>>
    %dma_wait3A_2569 = tpu.memref_squeeze %dma_wait3A_2568 : memref<1x8x128xf32, #tpu.memory_space<vmem>> -> memref<8x128xf32, #tpu.memory_space<vmem>>
    %dma_wait3A_2570 = arith.constant 0 : i32
    %dma_wait3A_2571 = tpu.memref_slice %arg2[%multiple_of3A_1397, %dma_wait3A_2570] : memref<100000x128xf32, #tpu.memory_space<hbm>> -> memref<8x128xf32, #tpu.memory_space<hbm>>
    tpu.wait_dma2 semaphore(%arg6 : memref<!tpu.dma_semaphore, #tpu.memory_space<semaphore_mem>>) src(%dma_wait3A_2571 : memref<8x128xf32, #tpu.memory_space<hbm>>) dst(%dma_wait3A_2569 : memref<8x128xf32, #tpu.memory_space<vmem>>)
    %dma_wait3A_2572 = arith.constant 94 : i32
    %dma_wait3A_2573 = arith.constant 0 : i32
    %dma_wait3A_2574 = arith.constant 0 : i32
    %dma_wait3A_2575 = tpu.memref_slice %arg5[%dma_wait3A_2572, %dma_wait3A_2573, %dma_wait3A_2574] : memref<128x8x128xf32, #tpu.memory_space<vmem>> -> memref<1x8x128xf32, #tpu.memory_space<vmem>>
    %dma_wait3A_2576 = tpu.memref_squeeze %dma_wait3A_2575 : memref<1x8x128xf32, #tpu.memory_space<vmem>> -> memref<8x128xf32, #tpu.memory_space<vmem>>
    %dma_wait3A_2577 = arith.constant 0 : i32
    %dma_wait3A_2578 = tpu.memref_slice %arg2[%multiple_of3A_1412, %dma_wait3A_2577] : memref<100000x128xf32, #tpu.memory_space<hbm>> -> memref<8x128xf32, #tpu.memory_space<hbm>>
    tpu.wait_dma2 semaphore(%arg6 : memref<!tpu.dma_semaphore, #tpu.memory_space<semaphore_mem>>) src(%dma_wait3A_2578 : memref<8x128xf32, #tpu.memory_space<hbm>>) dst(%dma_wait3A_2576 : memref<8x128xf32, #tpu.memory_space<vmem>>)
    %dma_wait3A_2579 = arith.constant 95 : i32
    %dma_wait3A_2580 = arith.constant 0 : i32
    %dma_wait3A_2581 = arith.constant 0 : i32
    %dma_wait3A_2582 = tpu.memref_slice %arg5[%dma_wait3A_2579, %dma_wait3A_2580, %dma_wait3A_2581] : memref<128x8x128xf32, #tpu.memory_space<vmem>> -> memref<1x8x128xf32, #tpu.memory_space<vmem>>
    %dma_wait3A_2583 = tpu.memref_squeeze %dma_wait3A_2582 : memref<1x8x128xf32, #tpu.memory_space<vmem>> -> memref<8x128xf32, #tpu.memory_space<vmem>>
    %dma_wait3A_2584 = arith.constant 0 : i32
    %dma_wait3A_2585 = tpu.memref_slice %arg2[%multiple_of3A_1427, %dma_wait3A_2584] : memref<100000x128xf32, #tpu.memory_space<hbm>> -> memref<8x128xf32, #tpu.memory_space<hbm>>
    tpu.wait_dma2 semaphore(%arg6 : memref<!tpu.dma_semaphore, #tpu.memory_space<semaphore_mem>>) src(%dma_wait3A_2585 : memref<8x128xf32, #tpu.memory_space<hbm>>) dst(%dma_wait3A_2583 : memref<8x128xf32, #tpu.memory_space<vmem>>)
    %dma_wait3A_2586 = arith.constant 96 : i32
    %dma_wait3A_2587 = arith.constant 0 : i32
    %dma_wait3A_2588 = arith.constant 0 : i32
    %dma_wait3A_2589 = tpu.memref_slice %arg5[%dma_wait3A_2586, %dma_wait3A_2587, %dma_wait3A_2588] : memref<128x8x128xf32, #tpu.memory_space<vmem>> -> memref<1x8x128xf32, #tpu.memory_space<vmem>>
    %dma_wait3A_2590 = tpu.memref_squeeze %dma_wait3A_2589 : memref<1x8x128xf32, #tpu.memory_space<vmem>> -> memref<8x128xf32, #tpu.memory_space<vmem>>
    %dma_wait3A_2591 = arith.constant 0 : i32
    %dma_wait3A_2592 = tpu.memref_slice %arg2[%multiple_of3A_1442, %dma_wait3A_2591] : memref<100000x128xf32, #tpu.memory_space<hbm>> -> memref<8x128xf32, #tpu.memory_space<hbm>>
    tpu.wait_dma2 semaphore(%arg6 : memref<!tpu.dma_semaphore, #tpu.memory_space<semaphore_mem>>) src(%dma_wait3A_2592 : memref<8x128xf32, #tpu.memory_space<hbm>>) dst(%dma_wait3A_2590 : memref<8x128xf32, #tpu.memory_space<vmem>>)
    %dma_wait3A_2593 = arith.constant 97 : i32
    %dma_wait3A_2594 = arith.constant 0 : i32
    %dma_wait3A_2595 = arith.constant 0 : i32
    %dma_wait3A_2596 = tpu.memref_slice %arg5[%dma_wait3A_2593, %dma_wait3A_2594, %dma_wait3A_2595] : memref<128x8x128xf32, #tpu.memory_space<vmem>> -> memref<1x8x128xf32, #tpu.memory_space<vmem>>
    %dma_wait3A_2597 = tpu.memref_squeeze %dma_wait3A_2596 : memref<1x8x128xf32, #tpu.memory_space<vmem>> -> memref<8x128xf32, #tpu.memory_space<vmem>>
    %dma_wait3A_2598 = arith.constant 0 : i32
    %dma_wait3A_2599 = tpu.memref_slice %arg2[%multiple_of3A_1457, %dma_wait3A_2598] : memref<100000x128xf32, #tpu.memory_space<hbm>> -> memref<8x128xf32, #tpu.memory_space<hbm>>
    tpu.wait_dma2 semaphore(%arg6 : memref<!tpu.dma_semaphore, #tpu.memory_space<semaphore_mem>>) src(%dma_wait3A_2599 : memref<8x128xf32, #tpu.memory_space<hbm>>) dst(%dma_wait3A_2597 : memref<8x128xf32, #tpu.memory_space<vmem>>)
    %dma_wait3A_2600 = arith.constant 98 : i32
    %dma_wait3A_2601 = arith.constant 0 : i32
    %dma_wait3A_2602 = arith.constant 0 : i32
    %dma_wait3A_2603 = tpu.memref_slice %arg5[%dma_wait3A_2600, %dma_wait3A_2601, %dma_wait3A_2602] : memref<128x8x128xf32, #tpu.memory_space<vmem>> -> memref<1x8x128xf32, #tpu.memory_space<vmem>>
    %dma_wait3A_2604 = tpu.memref_squeeze %dma_wait3A_2603 : memref<1x8x128xf32, #tpu.memory_space<vmem>> -> memref<8x128xf32, #tpu.memory_space<vmem>>
    %dma_wait3A_2605 = arith.constant 0 : i32
    %dma_wait3A_2606 = tpu.memref_slice %arg2[%multiple_of3A_1472, %dma_wait3A_2605] : memref<100000x128xf32, #tpu.memory_space<hbm>> -> memref<8x128xf32, #tpu.memory_space<hbm>>
    tpu.wait_dma2 semaphore(%arg6 : memref<!tpu.dma_semaphore, #tpu.memory_space<semaphore_mem>>) src(%dma_wait3A_2606 : memref<8x128xf32, #tpu.memory_space<hbm>>) dst(%dma_wait3A_2604 : memref<8x128xf32, #tpu.memory_space<vmem>>)
    %dma_wait3A_2607 = arith.constant 99 : i32
    %dma_wait3A_2608 = arith.constant 0 : i32
    %dma_wait3A_2609 = arith.constant 0 : i32
    %dma_wait3A_2610 = tpu.memref_slice %arg5[%dma_wait3A_2607, %dma_wait3A_2608, %dma_wait3A_2609] : memref<128x8x128xf32, #tpu.memory_space<vmem>> -> memref<1x8x128xf32, #tpu.memory_space<vmem>>
    %dma_wait3A_2611 = tpu.memref_squeeze %dma_wait3A_2610 : memref<1x8x128xf32, #tpu.memory_space<vmem>> -> memref<8x128xf32, #tpu.memory_space<vmem>>
    %dma_wait3A_2612 = arith.constant 0 : i32
    %dma_wait3A_2613 = tpu.memref_slice %arg2[%multiple_of3A_1487, %dma_wait3A_2612] : memref<100000x128xf32, #tpu.memory_space<hbm>> -> memref<8x128xf32, #tpu.memory_space<hbm>>
    tpu.wait_dma2 semaphore(%arg6 : memref<!tpu.dma_semaphore, #tpu.memory_space<semaphore_mem>>) src(%dma_wait3A_2613 : memref<8x128xf32, #tpu.memory_space<hbm>>) dst(%dma_wait3A_2611 : memref<8x128xf32, #tpu.memory_space<vmem>>)
    %dma_wait3A_2614 = arith.constant 100 : i32
    %dma_wait3A_2615 = arith.constant 0 : i32
    %dma_wait3A_2616 = arith.constant 0 : i32
    %dma_wait3A_2617 = tpu.memref_slice %arg5[%dma_wait3A_2614, %dma_wait3A_2615, %dma_wait3A_2616] : memref<128x8x128xf32, #tpu.memory_space<vmem>> -> memref<1x8x128xf32, #tpu.memory_space<vmem>>
    %dma_wait3A_2618 = tpu.memref_squeeze %dma_wait3A_2617 : memref<1x8x128xf32, #tpu.memory_space<vmem>> -> memref<8x128xf32, #tpu.memory_space<vmem>>
    %dma_wait3A_2619 = arith.constant 0 : i32
    %dma_wait3A_2620 = tpu.memref_slice %arg2[%multiple_of3A_1502, %dma_wait3A_2619] : memref<100000x128xf32, #tpu.memory_space<hbm>> -> memref<8x128xf32, #tpu.memory_space<hbm>>
    tpu.wait_dma2 semaphore(%arg6 : memref<!tpu.dma_semaphore, #tpu.memory_space<semaphore_mem>>) src(%dma_wait3A_2620 : memref<8x128xf32, #tpu.memory_space<hbm>>) dst(%dma_wait3A_2618 : memref<8x128xf32, #tpu.memory_space<vmem>>)
    %dma_wait3A_2621 = arith.constant 101 : i32
    %dma_wait3A_2622 = arith.constant 0 : i32
    %dma_wait3A_2623 = arith.constant 0 : i32
    %dma_wait3A_2624 = tpu.memref_slice %arg5[%dma_wait3A_2621, %dma_wait3A_2622, %dma_wait3A_2623] : memref<128x8x128xf32, #tpu.memory_space<vmem>> -> memref<1x8x128xf32, #tpu.memory_space<vmem>>
    %dma_wait3A_2625 = tpu.memref_squeeze %dma_wait3A_2624 : memref<1x8x128xf32, #tpu.memory_space<vmem>> -> memref<8x128xf32, #tpu.memory_space<vmem>>
    %dma_wait3A_2626 = arith.constant 0 : i32
    %dma_wait3A_2627 = tpu.memref_slice %arg2[%multiple_of3A_1517, %dma_wait3A_2626] : memref<100000x128xf32, #tpu.memory_space<hbm>> -> memref<8x128xf32, #tpu.memory_space<hbm>>
    tpu.wait_dma2 semaphore(%arg6 : memref<!tpu.dma_semaphore, #tpu.memory_space<semaphore_mem>>) src(%dma_wait3A_2627 : memref<8x128xf32, #tpu.memory_space<hbm>>) dst(%dma_wait3A_2625 : memref<8x128xf32, #tpu.memory_space<vmem>>)
    %dma_wait3A_2628 = arith.constant 102 : i32
    %dma_wait3A_2629 = arith.constant 0 : i32
    %dma_wait3A_2630 = arith.constant 0 : i32
    %dma_wait3A_2631 = tpu.memref_slice %arg5[%dma_wait3A_2628, %dma_wait3A_2629, %dma_wait3A_2630] : memref<128x8x128xf32, #tpu.memory_space<vmem>> -> memref<1x8x128xf32, #tpu.memory_space<vmem>>
    %dma_wait3A_2632 = tpu.memref_squeeze %dma_wait3A_2631 : memref<1x8x128xf32, #tpu.memory_space<vmem>> -> memref<8x128xf32, #tpu.memory_space<vmem>>
    %dma_wait3A_2633 = arith.constant 0 : i32
    %dma_wait3A_2634 = tpu.memref_slice %arg2[%multiple_of3A_1532, %dma_wait3A_2633] : memref<100000x128xf32, #tpu.memory_space<hbm>> -> memref<8x128xf32, #tpu.memory_space<hbm>>
    tpu.wait_dma2 semaphore(%arg6 : memref<!tpu.dma_semaphore, #tpu.memory_space<semaphore_mem>>) src(%dma_wait3A_2634 : memref<8x128xf32, #tpu.memory_space<hbm>>) dst(%dma_wait3A_2632 : memref<8x128xf32, #tpu.memory_space<vmem>>)
    %dma_wait3A_2635 = arith.constant 103 : i32
    %dma_wait3A_2636 = arith.constant 0 : i32
    %dma_wait3A_2637 = arith.constant 0 : i32
    %dma_wait3A_2638 = tpu.memref_slice %arg5[%dma_wait3A_2635, %dma_wait3A_2636, %dma_wait3A_2637] : memref<128x8x128xf32, #tpu.memory_space<vmem>> -> memref<1x8x128xf32, #tpu.memory_space<vmem>>
    %dma_wait3A_2639 = tpu.memref_squeeze %dma_wait3A_2638 : memref<1x8x128xf32, #tpu.memory_space<vmem>> -> memref<8x128xf32, #tpu.memory_space<vmem>>
    %dma_wait3A_2640 = arith.constant 0 : i32
    %dma_wait3A_2641 = tpu.memref_slice %arg2[%multiple_of3A_1547, %dma_wait3A_2640] : memref<100000x128xf32, #tpu.memory_space<hbm>> -> memref<8x128xf32, #tpu.memory_space<hbm>>
    tpu.wait_dma2 semaphore(%arg6 : memref<!tpu.dma_semaphore, #tpu.memory_space<semaphore_mem>>) src(%dma_wait3A_2641 : memref<8x128xf32, #tpu.memory_space<hbm>>) dst(%dma_wait3A_2639 : memref<8x128xf32, #tpu.memory_space<vmem>>)
    %dma_wait3A_2642 = arith.constant 104 : i32
    %dma_wait3A_2643 = arith.constant 0 : i32
    %dma_wait3A_2644 = arith.constant 0 : i32
    %dma_wait3A_2645 = tpu.memref_slice %arg5[%dma_wait3A_2642, %dma_wait3A_2643, %dma_wait3A_2644] : memref<128x8x128xf32, #tpu.memory_space<vmem>> -> memref<1x8x128xf32, #tpu.memory_space<vmem>>
    %dma_wait3A_2646 = tpu.memref_squeeze %dma_wait3A_2645 : memref<1x8x128xf32, #tpu.memory_space<vmem>> -> memref<8x128xf32, #tpu.memory_space<vmem>>
    %dma_wait3A_2647 = arith.constant 0 : i32
    %dma_wait3A_2648 = tpu.memref_slice %arg2[%multiple_of3A_1562, %dma_wait3A_2647] : memref<100000x128xf32, #tpu.memory_space<hbm>> -> memref<8x128xf32, #tpu.memory_space<hbm>>
    tpu.wait_dma2 semaphore(%arg6 : memref<!tpu.dma_semaphore, #tpu.memory_space<semaphore_mem>>) src(%dma_wait3A_2648 : memref<8x128xf32, #tpu.memory_space<hbm>>) dst(%dma_wait3A_2646 : memref<8x128xf32, #tpu.memory_space<vmem>>)
    %dma_wait3A_2649 = arith.constant 105 : i32
    %dma_wait3A_2650 = arith.constant 0 : i32
    %dma_wait3A_2651 = arith.constant 0 : i32
    %dma_wait3A_2652 = tpu.memref_slice %arg5[%dma_wait3A_2649, %dma_wait3A_2650, %dma_wait3A_2651] : memref<128x8x128xf32, #tpu.memory_space<vmem>> -> memref<1x8x128xf32, #tpu.memory_space<vmem>>
    %dma_wait3A_2653 = tpu.memref_squeeze %dma_wait3A_2652 : memref<1x8x128xf32, #tpu.memory_space<vmem>> -> memref<8x128xf32, #tpu.memory_space<vmem>>
    %dma_wait3A_2654 = arith.constant 0 : i32
    %dma_wait3A_2655 = tpu.memref_slice %arg2[%multiple_of3A_1577, %dma_wait3A_2654] : memref<100000x128xf32, #tpu.memory_space<hbm>> -> memref<8x128xf32, #tpu.memory_space<hbm>>
    tpu.wait_dma2 semaphore(%arg6 : memref<!tpu.dma_semaphore, #tpu.memory_space<semaphore_mem>>) src(%dma_wait3A_2655 : memref<8x128xf32, #tpu.memory_space<hbm>>) dst(%dma_wait3A_2653 : memref<8x128xf32, #tpu.memory_space<vmem>>)
    %dma_wait3A_2656 = arith.constant 106 : i32
    %dma_wait3A_2657 = arith.constant 0 : i32
    %dma_wait3A_2658 = arith.constant 0 : i32
    %dma_wait3A_2659 = tpu.memref_slice %arg5[%dma_wait3A_2656, %dma_wait3A_2657, %dma_wait3A_2658] : memref<128x8x128xf32, #tpu.memory_space<vmem>> -> memref<1x8x128xf32, #tpu.memory_space<vmem>>
    %dma_wait3A_2660 = tpu.memref_squeeze %dma_wait3A_2659 : memref<1x8x128xf32, #tpu.memory_space<vmem>> -> memref<8x128xf32, #tpu.memory_space<vmem>>
    %dma_wait3A_2661 = arith.constant 0 : i32
    %dma_wait3A_2662 = tpu.memref_slice %arg2[%multiple_of3A_1592, %dma_wait3A_2661] : memref<100000x128xf32, #tpu.memory_space<hbm>> -> memref<8x128xf32, #tpu.memory_space<hbm>>
    tpu.wait_dma2 semaphore(%arg6 : memref<!tpu.dma_semaphore, #tpu.memory_space<semaphore_mem>>) src(%dma_wait3A_2662 : memref<8x128xf32, #tpu.memory_space<hbm>>) dst(%dma_wait3A_2660 : memref<8x128xf32, #tpu.memory_space<vmem>>)
    %dma_wait3A_2663 = arith.constant 107 : i32
    %dma_wait3A_2664 = arith.constant 0 : i32
    %dma_wait3A_2665 = arith.constant 0 : i32
    %dma_wait3A_2666 = tpu.memref_slice %arg5[%dma_wait3A_2663, %dma_wait3A_2664, %dma_wait3A_2665] : memref<128x8x128xf32, #tpu.memory_space<vmem>> -> memref<1x8x128xf32, #tpu.memory_space<vmem>>
    %dma_wait3A_2667 = tpu.memref_squeeze %dma_wait3A_2666 : memref<1x8x128xf32, #tpu.memory_space<vmem>> -> memref<8x128xf32, #tpu.memory_space<vmem>>
    %dma_wait3A_2668 = arith.constant 0 : i32
    %dma_wait3A_2669 = tpu.memref_slice %arg2[%multiple_of3A_1607, %dma_wait3A_2668] : memref<100000x128xf32, #tpu.memory_space<hbm>> -> memref<8x128xf32, #tpu.memory_space<hbm>>
    tpu.wait_dma2 semaphore(%arg6 : memref<!tpu.dma_semaphore, #tpu.memory_space<semaphore_mem>>) src(%dma_wait3A_2669 : memref<8x128xf32, #tpu.memory_space<hbm>>) dst(%dma_wait3A_2667 : memref<8x128xf32, #tpu.memory_space<vmem>>)
    %dma_wait3A_2670 = arith.constant 108 : i32
    %dma_wait3A_2671 = arith.constant 0 : i32
    %dma_wait3A_2672 = arith.constant 0 : i32
    %dma_wait3A_2673 = tpu.memref_slice %arg5[%dma_wait3A_2670, %dma_wait3A_2671, %dma_wait3A_2672] : memref<128x8x128xf32, #tpu.memory_space<vmem>> -> memref<1x8x128xf32, #tpu.memory_space<vmem>>
    %dma_wait3A_2674 = tpu.memref_squeeze %dma_wait3A_2673 : memref<1x8x128xf32, #tpu.memory_space<vmem>> -> memref<8x128xf32, #tpu.memory_space<vmem>>
    %dma_wait3A_2675 = arith.constant 0 : i32
    %dma_wait3A_2676 = tpu.memref_slice %arg2[%multiple_of3A_1622, %dma_wait3A_2675] : memref<100000x128xf32, #tpu.memory_space<hbm>> -> memref<8x128xf32, #tpu.memory_space<hbm>>
    tpu.wait_dma2 semaphore(%arg6 : memref<!tpu.dma_semaphore, #tpu.memory_space<semaphore_mem>>) src(%dma_wait3A_2676 : memref<8x128xf32, #tpu.memory_space<hbm>>) dst(%dma_wait3A_2674 : memref<8x128xf32, #tpu.memory_space<vmem>>)
    %dma_wait3A_2677 = arith.constant 109 : i32
    %dma_wait3A_2678 = arith.constant 0 : i32
    %dma_wait3A_2679 = arith.constant 0 : i32
    %dma_wait3A_2680 = tpu.memref_slice %arg5[%dma_wait3A_2677, %dma_wait3A_2678, %dma_wait3A_2679] : memref<128x8x128xf32, #tpu.memory_space<vmem>> -> memref<1x8x128xf32, #tpu.memory_space<vmem>>
    %dma_wait3A_2681 = tpu.memref_squeeze %dma_wait3A_2680 : memref<1x8x128xf32, #tpu.memory_space<vmem>> -> memref<8x128xf32, #tpu.memory_space<vmem>>
    %dma_wait3A_2682 = arith.constant 0 : i32
    %dma_wait3A_2683 = tpu.memref_slice %arg2[%multiple_of3A_1637, %dma_wait3A_2682] : memref<100000x128xf32, #tpu.memory_space<hbm>> -> memref<8x128xf32, #tpu.memory_space<hbm>>
    tpu.wait_dma2 semaphore(%arg6 : memref<!tpu.dma_semaphore, #tpu.memory_space<semaphore_mem>>) src(%dma_wait3A_2683 : memref<8x128xf32, #tpu.memory_space<hbm>>) dst(%dma_wait3A_2681 : memref<8x128xf32, #tpu.memory_space<vmem>>)
    %dma_wait3A_2684 = arith.constant 110 : i32
    %dma_wait3A_2685 = arith.constant 0 : i32
    %dma_wait3A_2686 = arith.constant 0 : i32
    %dma_wait3A_2687 = tpu.memref_slice %arg5[%dma_wait3A_2684, %dma_wait3A_2685, %dma_wait3A_2686] : memref<128x8x128xf32, #tpu.memory_space<vmem>> -> memref<1x8x128xf32, #tpu.memory_space<vmem>>
    %dma_wait3A_2688 = tpu.memref_squeeze %dma_wait3A_2687 : memref<1x8x128xf32, #tpu.memory_space<vmem>> -> memref<8x128xf32, #tpu.memory_space<vmem>>
    %dma_wait3A_2689 = arith.constant 0 : i32
    %dma_wait3A_2690 = tpu.memref_slice %arg2[%multiple_of3A_1652, %dma_wait3A_2689] : memref<100000x128xf32, #tpu.memory_space<hbm>> -> memref<8x128xf32, #tpu.memory_space<hbm>>
    tpu.wait_dma2 semaphore(%arg6 : memref<!tpu.dma_semaphore, #tpu.memory_space<semaphore_mem>>) src(%dma_wait3A_2690 : memref<8x128xf32, #tpu.memory_space<hbm>>) dst(%dma_wait3A_2688 : memref<8x128xf32, #tpu.memory_space<vmem>>)
    %dma_wait3A_2691 = arith.constant 111 : i32
    %dma_wait3A_2692 = arith.constant 0 : i32
    %dma_wait3A_2693 = arith.constant 0 : i32
    %dma_wait3A_2694 = tpu.memref_slice %arg5[%dma_wait3A_2691, %dma_wait3A_2692, %dma_wait3A_2693] : memref<128x8x128xf32, #tpu.memory_space<vmem>> -> memref<1x8x128xf32, #tpu.memory_space<vmem>>
    %dma_wait3A_2695 = tpu.memref_squeeze %dma_wait3A_2694 : memref<1x8x128xf32, #tpu.memory_space<vmem>> -> memref<8x128xf32, #tpu.memory_space<vmem>>
    %dma_wait3A_2696 = arith.constant 0 : i32
    %dma_wait3A_2697 = tpu.memref_slice %arg2[%multiple_of3A_1667, %dma_wait3A_2696] : memref<100000x128xf32, #tpu.memory_space<hbm>> -> memref<8x128xf32, #tpu.memory_space<hbm>>
    tpu.wait_dma2 semaphore(%arg6 : memref<!tpu.dma_semaphore, #tpu.memory_space<semaphore_mem>>) src(%dma_wait3A_2697 : memref<8x128xf32, #tpu.memory_space<hbm>>) dst(%dma_wait3A_2695 : memref<8x128xf32, #tpu.memory_space<vmem>>)
    %dma_wait3A_2698 = arith.constant 112 : i32
    %dma_wait3A_2699 = arith.constant 0 : i32
    %dma_wait3A_2700 = arith.constant 0 : i32
    %dma_wait3A_2701 = tpu.memref_slice %arg5[%dma_wait3A_2698, %dma_wait3A_2699, %dma_wait3A_2700] : memref<128x8x128xf32, #tpu.memory_space<vmem>> -> memref<1x8x128xf32, #tpu.memory_space<vmem>>
    %dma_wait3A_2702 = tpu.memref_squeeze %dma_wait3A_2701 : memref<1x8x128xf32, #tpu.memory_space<vmem>> -> memref<8x128xf32, #tpu.memory_space<vmem>>
    %dma_wait3A_2703 = arith.constant 0 : i32
    %dma_wait3A_2704 = tpu.memref_slice %arg2[%multiple_of3A_1682, %dma_wait3A_2703] : memref<100000x128xf32, #tpu.memory_space<hbm>> -> memref<8x128xf32, #tpu.memory_space<hbm>>
    tpu.wait_dma2 semaphore(%arg6 : memref<!tpu.dma_semaphore, #tpu.memory_space<semaphore_mem>>) src(%dma_wait3A_2704 : memref<8x128xf32, #tpu.memory_space<hbm>>) dst(%dma_wait3A_2702 : memref<8x128xf32, #tpu.memory_space<vmem>>)
    %dma_wait3A_2705 = arith.constant 113 : i32
    %dma_wait3A_2706 = arith.constant 0 : i32
    %dma_wait3A_2707 = arith.constant 0 : i32
    %dma_wait3A_2708 = tpu.memref_slice %arg5[%dma_wait3A_2705, %dma_wait3A_2706, %dma_wait3A_2707] : memref<128x8x128xf32, #tpu.memory_space<vmem>> -> memref<1x8x128xf32, #tpu.memory_space<vmem>>
    %dma_wait3A_2709 = tpu.memref_squeeze %dma_wait3A_2708 : memref<1x8x128xf32, #tpu.memory_space<vmem>> -> memref<8x128xf32, #tpu.memory_space<vmem>>
    %dma_wait3A_2710 = arith.constant 0 : i32
    %dma_wait3A_2711 = tpu.memref_slice %arg2[%multiple_of3A_1697, %dma_wait3A_2710] : memref<100000x128xf32, #tpu.memory_space<hbm>> -> memref<8x128xf32, #tpu.memory_space<hbm>>
    tpu.wait_dma2 semaphore(%arg6 : memref<!tpu.dma_semaphore, #tpu.memory_space<semaphore_mem>>) src(%dma_wait3A_2711 : memref<8x128xf32, #tpu.memory_space<hbm>>) dst(%dma_wait3A_2709 : memref<8x128xf32, #tpu.memory_space<vmem>>)
    %dma_wait3A_2712 = arith.constant 114 : i32
    %dma_wait3A_2713 = arith.constant 0 : i32
    %dma_wait3A_2714 = arith.constant 0 : i32
    %dma_wait3A_2715 = tpu.memref_slice %arg5[%dma_wait3A_2712, %dma_wait3A_2713, %dma_wait3A_2714] : memref<128x8x128xf32, #tpu.memory_space<vmem>> -> memref<1x8x128xf32, #tpu.memory_space<vmem>>
    %dma_wait3A_2716 = tpu.memref_squeeze %dma_wait3A_2715 : memref<1x8x128xf32, #tpu.memory_space<vmem>> -> memref<8x128xf32, #tpu.memory_space<vmem>>
    %dma_wait3A_2717 = arith.constant 0 : i32
    %dma_wait3A_2718 = tpu.memref_slice %arg2[%multiple_of3A_1712, %dma_wait3A_2717] : memref<100000x128xf32, #tpu.memory_space<hbm>> -> memref<8x128xf32, #tpu.memory_space<hbm>>
    tpu.wait_dma2 semaphore(%arg6 : memref<!tpu.dma_semaphore, #tpu.memory_space<semaphore_mem>>) src(%dma_wait3A_2718 : memref<8x128xf32, #tpu.memory_space<hbm>>) dst(%dma_wait3A_2716 : memref<8x128xf32, #tpu.memory_space<vmem>>)
    %dma_wait3A_2719 = arith.constant 115 : i32
    %dma_wait3A_2720 = arith.constant 0 : i32
    %dma_wait3A_2721 = arith.constant 0 : i32
    %dma_wait3A_2722 = tpu.memref_slice %arg5[%dma_wait3A_2719, %dma_wait3A_2720, %dma_wait3A_2721] : memref<128x8x128xf32, #tpu.memory_space<vmem>> -> memref<1x8x128xf32, #tpu.memory_space<vmem>>
    %dma_wait3A_2723 = tpu.memref_squeeze %dma_wait3A_2722 : memref<1x8x128xf32, #tpu.memory_space<vmem>> -> memref<8x128xf32, #tpu.memory_space<vmem>>
    %dma_wait3A_2724 = arith.constant 0 : i32
    %dma_wait3A_2725 = tpu.memref_slice %arg2[%multiple_of3A_1727, %dma_wait3A_2724] : memref<100000x128xf32, #tpu.memory_space<hbm>> -> memref<8x128xf32, #tpu.memory_space<hbm>>
    tpu.wait_dma2 semaphore(%arg6 : memref<!tpu.dma_semaphore, #tpu.memory_space<semaphore_mem>>) src(%dma_wait3A_2725 : memref<8x128xf32, #tpu.memory_space<hbm>>) dst(%dma_wait3A_2723 : memref<8x128xf32, #tpu.memory_space<vmem>>)
    %dma_wait3A_2726 = arith.constant 116 : i32
    %dma_wait3A_2727 = arith.constant 0 : i32
    %dma_wait3A_2728 = arith.constant 0 : i32
    %dma_wait3A_2729 = tpu.memref_slice %arg5[%dma_wait3A_2726, %dma_wait3A_2727, %dma_wait3A_2728] : memref<128x8x128xf32, #tpu.memory_space<vmem>> -> memref<1x8x128xf32, #tpu.memory_space<vmem>>
    %dma_wait3A_2730 = tpu.memref_squeeze %dma_wait3A_2729 : memref<1x8x128xf32, #tpu.memory_space<vmem>> -> memref<8x128xf32, #tpu.memory_space<vmem>>
    %dma_wait3A_2731 = arith.constant 0 : i32
    %dma_wait3A_2732 = tpu.memref_slice %arg2[%multiple_of3A_1742, %dma_wait3A_2731] : memref<100000x128xf32, #tpu.memory_space<hbm>> -> memref<8x128xf32, #tpu.memory_space<hbm>>
    tpu.wait_dma2 semaphore(%arg6 : memref<!tpu.dma_semaphore, #tpu.memory_space<semaphore_mem>>) src(%dma_wait3A_2732 : memref<8x128xf32, #tpu.memory_space<hbm>>) dst(%dma_wait3A_2730 : memref<8x128xf32, #tpu.memory_space<vmem>>)
    %dma_wait3A_2733 = arith.constant 117 : i32
    %dma_wait3A_2734 = arith.constant 0 : i32
    %dma_wait3A_2735 = arith.constant 0 : i32
    %dma_wait3A_2736 = tpu.memref_slice %arg5[%dma_wait3A_2733, %dma_wait3A_2734, %dma_wait3A_2735] : memref<128x8x128xf32, #tpu.memory_space<vmem>> -> memref<1x8x128xf32, #tpu.memory_space<vmem>>
    %dma_wait3A_2737 = tpu.memref_squeeze %dma_wait3A_2736 : memref<1x8x128xf32, #tpu.memory_space<vmem>> -> memref<8x128xf32, #tpu.memory_space<vmem>>
    %dma_wait3A_2738 = arith.constant 0 : i32
    %dma_wait3A_2739 = tpu.memref_slice %arg2[%multiple_of3A_1757, %dma_wait3A_2738] : memref<100000x128xf32, #tpu.memory_space<hbm>> -> memref<8x128xf32, #tpu.memory_space<hbm>>
    tpu.wait_dma2 semaphore(%arg6 : memref<!tpu.dma_semaphore, #tpu.memory_space<semaphore_mem>>) src(%dma_wait3A_2739 : memref<8x128xf32, #tpu.memory_space<hbm>>) dst(%dma_wait3A_2737 : memref<8x128xf32, #tpu.memory_space<vmem>>)
    %dma_wait3A_2740 = arith.constant 118 : i32
    %dma_wait3A_2741 = arith.constant 0 : i32
    %dma_wait3A_2742 = arith.constant 0 : i32
    %dma_wait3A_2743 = tpu.memref_slice %arg5[%dma_wait3A_2740, %dma_wait3A_2741, %dma_wait3A_2742] : memref<128x8x128xf32, #tpu.memory_space<vmem>> -> memref<1x8x128xf32, #tpu.memory_space<vmem>>
    %dma_wait3A_2744 = tpu.memref_squeeze %dma_wait3A_2743 : memref<1x8x128xf32, #tpu.memory_space<vmem>> -> memref<8x128xf32, #tpu.memory_space<vmem>>
    %dma_wait3A_2745 = arith.constant 0 : i32
    %dma_wait3A_2746 = tpu.memref_slice %arg2[%multiple_of3A_1772, %dma_wait3A_2745] : memref<100000x128xf32, #tpu.memory_space<hbm>> -> memref<8x128xf32, #tpu.memory_space<hbm>>
    tpu.wait_dma2 semaphore(%arg6 : memref<!tpu.dma_semaphore, #tpu.memory_space<semaphore_mem>>) src(%dma_wait3A_2746 : memref<8x128xf32, #tpu.memory_space<hbm>>) dst(%dma_wait3A_2744 : memref<8x128xf32, #tpu.memory_space<vmem>>)
    %dma_wait3A_2747 = arith.constant 119 : i32
    %dma_wait3A_2748 = arith.constant 0 : i32
    %dma_wait3A_2749 = arith.constant 0 : i32
    %dma_wait3A_2750 = tpu.memref_slice %arg5[%dma_wait3A_2747, %dma_wait3A_2748, %dma_wait3A_2749] : memref<128x8x128xf32, #tpu.memory_space<vmem>> -> memref<1x8x128xf32, #tpu.memory_space<vmem>>
    %dma_wait3A_2751 = tpu.memref_squeeze %dma_wait3A_2750 : memref<1x8x128xf32, #tpu.memory_space<vmem>> -> memref<8x128xf32, #tpu.memory_space<vmem>>
    %dma_wait3A_2752 = arith.constant 0 : i32
    %dma_wait3A_2753 = tpu.memref_slice %arg2[%multiple_of3A_1787, %dma_wait3A_2752] : memref<100000x128xf32, #tpu.memory_space<hbm>> -> memref<8x128xf32, #tpu.memory_space<hbm>>
    tpu.wait_dma2 semaphore(%arg6 : memref<!tpu.dma_semaphore, #tpu.memory_space<semaphore_mem>>) src(%dma_wait3A_2753 : memref<8x128xf32, #tpu.memory_space<hbm>>) dst(%dma_wait3A_2751 : memref<8x128xf32, #tpu.memory_space<vmem>>)
    %dma_wait3A_2754 = arith.constant 120 : i32
    %dma_wait3A_2755 = arith.constant 0 : i32
    %dma_wait3A_2756 = arith.constant 0 : i32
    %dma_wait3A_2757 = tpu.memref_slice %arg5[%dma_wait3A_2754, %dma_wait3A_2755, %dma_wait3A_2756] : memref<128x8x128xf32, #tpu.memory_space<vmem>> -> memref<1x8x128xf32, #tpu.memory_space<vmem>>
    %dma_wait3A_2758 = tpu.memref_squeeze %dma_wait3A_2757 : memref<1x8x128xf32, #tpu.memory_space<vmem>> -> memref<8x128xf32, #tpu.memory_space<vmem>>
    %dma_wait3A_2759 = arith.constant 0 : i32
    %dma_wait3A_2760 = tpu.memref_slice %arg2[%multiple_of3A_1802, %dma_wait3A_2759] : memref<100000x128xf32, #tpu.memory_space<hbm>> -> memref<8x128xf32, #tpu.memory_space<hbm>>
    tpu.wait_dma2 semaphore(%arg6 : memref<!tpu.dma_semaphore, #tpu.memory_space<semaphore_mem>>) src(%dma_wait3A_2760 : memref<8x128xf32, #tpu.memory_space<hbm>>) dst(%dma_wait3A_2758 : memref<8x128xf32, #tpu.memory_space<vmem>>)
    %dma_wait3A_2761 = arith.constant 121 : i32
    %dma_wait3A_2762 = arith.constant 0 : i32
    %dma_wait3A_2763 = arith.constant 0 : i32
    %dma_wait3A_2764 = tpu.memref_slice %arg5[%dma_wait3A_2761, %dma_wait3A_2762, %dma_wait3A_2763] : memref<128x8x128xf32, #tpu.memory_space<vmem>> -> memref<1x8x128xf32, #tpu.memory_space<vmem>>
    %dma_wait3A_2765 = tpu.memref_squeeze %dma_wait3A_2764 : memref<1x8x128xf32, #tpu.memory_space<vmem>> -> memref<8x128xf32, #tpu.memory_space<vmem>>
    %dma_wait3A_2766 = arith.constant 0 : i32
    %dma_wait3A_2767 = tpu.memref_slice %arg2[%multiple_of3A_1817, %dma_wait3A_2766] : memref<100000x128xf32, #tpu.memory_space<hbm>> -> memref<8x128xf32, #tpu.memory_space<hbm>>
    tpu.wait_dma2 semaphore(%arg6 : memref<!tpu.dma_semaphore, #tpu.memory_space<semaphore_mem>>) src(%dma_wait3A_2767 : memref<8x128xf32, #tpu.memory_space<hbm>>) dst(%dma_wait3A_2765 : memref<8x128xf32, #tpu.memory_space<vmem>>)
    %dma_wait3A_2768 = arith.constant 122 : i32
    %dma_wait3A_2769 = arith.constant 0 : i32
    %dma_wait3A_2770 = arith.constant 0 : i32
    %dma_wait3A_2771 = tpu.memref_slice %arg5[%dma_wait3A_2768, %dma_wait3A_2769, %dma_wait3A_2770] : memref<128x8x128xf32, #tpu.memory_space<vmem>> -> memref<1x8x128xf32, #tpu.memory_space<vmem>>
    %dma_wait3A_2772 = tpu.memref_squeeze %dma_wait3A_2771 : memref<1x8x128xf32, #tpu.memory_space<vmem>> -> memref<8x128xf32, #tpu.memory_space<vmem>>
    %dma_wait3A_2773 = arith.constant 0 : i32
    %dma_wait3A_2774 = tpu.memref_slice %arg2[%multiple_of3A_1832, %dma_wait3A_2773] : memref<100000x128xf32, #tpu.memory_space<hbm>> -> memref<8x128xf32, #tpu.memory_space<hbm>>
    tpu.wait_dma2 semaphore(%arg6 : memref<!tpu.dma_semaphore, #tpu.memory_space<semaphore_mem>>) src(%dma_wait3A_2774 : memref<8x128xf32, #tpu.memory_space<hbm>>) dst(%dma_wait3A_2772 : memref<8x128xf32, #tpu.memory_space<vmem>>)
    %dma_wait3A_2775 = arith.constant 123 : i32
    %dma_wait3A_2776 = arith.constant 0 : i32
    %dma_wait3A_2777 = arith.constant 0 : i32
    %dma_wait3A_2778 = tpu.memref_slice %arg5[%dma_wait3A_2775, %dma_wait3A_2776, %dma_wait3A_2777] : memref<128x8x128xf32, #tpu.memory_space<vmem>> -> memref<1x8x128xf32, #tpu.memory_space<vmem>>
    %dma_wait3A_2779 = tpu.memref_squeeze %dma_wait3A_2778 : memref<1x8x128xf32, #tpu.memory_space<vmem>> -> memref<8x128xf32, #tpu.memory_space<vmem>>
    %dma_wait3A_2780 = arith.constant 0 : i32
    %dma_wait3A_2781 = tpu.memref_slice %arg2[%multiple_of3A_1847, %dma_wait3A_2780] : memref<100000x128xf32, #tpu.memory_space<hbm>> -> memref<8x128xf32, #tpu.memory_space<hbm>>
    tpu.wait_dma2 semaphore(%arg6 : memref<!tpu.dma_semaphore, #tpu.memory_space<semaphore_mem>>) src(%dma_wait3A_2781 : memref<8x128xf32, #tpu.memory_space<hbm>>) dst(%dma_wait3A_2779 : memref<8x128xf32, #tpu.memory_space<vmem>>)
    %dma_wait3A_2782 = arith.constant 124 : i32
    %dma_wait3A_2783 = arith.constant 0 : i32
    %dma_wait3A_2784 = arith.constant 0 : i32
    %dma_wait3A_2785 = tpu.memref_slice %arg5[%dma_wait3A_2782, %dma_wait3A_2783, %dma_wait3A_2784] : memref<128x8x128xf32, #tpu.memory_space<vmem>> -> memref<1x8x128xf32, #tpu.memory_space<vmem>>
    %dma_wait3A_2786 = tpu.memref_squeeze %dma_wait3A_2785 : memref<1x8x128xf32, #tpu.memory_space<vmem>> -> memref<8x128xf32, #tpu.memory_space<vmem>>
    %dma_wait3A_2787 = arith.constant 0 : i32
    %dma_wait3A_2788 = tpu.memref_slice %arg2[%multiple_of3A_1862, %dma_wait3A_2787] : memref<100000x128xf32, #tpu.memory_space<hbm>> -> memref<8x128xf32, #tpu.memory_space<hbm>>
    tpu.wait_dma2 semaphore(%arg6 : memref<!tpu.dma_semaphore, #tpu.memory_space<semaphore_mem>>) src(%dma_wait3A_2788 : memref<8x128xf32, #tpu.memory_space<hbm>>) dst(%dma_wait3A_2786 : memref<8x128xf32, #tpu.memory_space<vmem>>)
    %dma_wait3A_2789 = arith.constant 125 : i32
    %dma_wait3A_2790 = arith.constant 0 : i32
    %dma_wait3A_2791 = arith.constant 0 : i32
    %dma_wait3A_2792 = tpu.memref_slice %arg5[%dma_wait3A_2789, %dma_wait3A_2790, %dma_wait3A_2791] : memref<128x8x128xf32, #tpu.memory_space<vmem>> -> memref<1x8x128xf32, #tpu.memory_space<vmem>>
    %dma_wait3A_2793 = tpu.memref_squeeze %dma_wait3A_2792 : memref<1x8x128xf32, #tpu.memory_space<vmem>> -> memref<8x128xf32, #tpu.memory_space<vmem>>
    %dma_wait3A_2794 = arith.constant 0 : i32
    %dma_wait3A_2795 = tpu.memref_slice %arg2[%multiple_of3A_1877, %dma_wait3A_2794] : memref<100000x128xf32, #tpu.memory_space<hbm>> -> memref<8x128xf32, #tpu.memory_space<hbm>>
    tpu.wait_dma2 semaphore(%arg6 : memref<!tpu.dma_semaphore, #tpu.memory_space<semaphore_mem>>) src(%dma_wait3A_2795 : memref<8x128xf32, #tpu.memory_space<hbm>>) dst(%dma_wait3A_2793 : memref<8x128xf32, #tpu.memory_space<vmem>>)
    %dma_wait3A_2796 = arith.constant 126 : i32
    %dma_wait3A_2797 = arith.constant 0 : i32
    %dma_wait3A_2798 = arith.constant 0 : i32
    %dma_wait3A_2799 = tpu.memref_slice %arg5[%dma_wait3A_2796, %dma_wait3A_2797, %dma_wait3A_2798] : memref<128x8x128xf32, #tpu.memory_space<vmem>> -> memref<1x8x128xf32, #tpu.memory_space<vmem>>
    %dma_wait3A_2800 = tpu.memref_squeeze %dma_wait3A_2799 : memref<1x8x128xf32, #tpu.memory_space<vmem>> -> memref<8x128xf32, #tpu.memory_space<vmem>>
    %dma_wait3A_2801 = arith.constant 0 : i32
    %dma_wait3A_2802 = tpu.memref_slice %arg2[%multiple_of3A_1892, %dma_wait3A_2801] : memref<100000x128xf32, #tpu.memory_space<hbm>> -> memref<8x128xf32, #tpu.memory_space<hbm>>
    tpu.wait_dma2 semaphore(%arg6 : memref<!tpu.dma_semaphore, #tpu.memory_space<semaphore_mem>>) src(%dma_wait3A_2802 : memref<8x128xf32, #tpu.memory_space<hbm>>) dst(%dma_wait3A_2800 : memref<8x128xf32, #tpu.memory_space<vmem>>)
    %dma_wait3A_2803 = arith.constant 127 : i32
    %dma_wait3A_2804 = arith.constant 0 : i32
    %dma_wait3A_2805 = arith.constant 0 : i32
    %dma_wait3A_2806 = tpu.memref_slice %arg5[%dma_wait3A_2803, %dma_wait3A_2804, %dma_wait3A_2805] : memref<128x8x128xf32, #tpu.memory_space<vmem>> -> memref<1x8x128xf32, #tpu.memory_space<vmem>>
    %dma_wait3A_2807 = tpu.memref_squeeze %dma_wait3A_2806 : memref<1x8x128xf32, #tpu.memory_space<vmem>> -> memref<8x128xf32, #tpu.memory_space<vmem>>
    %dma_wait3A_2808 = arith.constant 0 : i32
    %dma_wait3A_2809 = tpu.memref_slice %arg2[%multiple_of3A_1907, %dma_wait3A_2808] : memref<100000x128xf32, #tpu.memory_space<hbm>> -> memref<8x128xf32, #tpu.memory_space<hbm>>
    tpu.wait_dma2 semaphore(%arg6 : memref<!tpu.dma_semaphore, #tpu.memory_space<semaphore_mem>>) src(%dma_wait3A_2809 : memref<8x128xf32, #tpu.memory_space<hbm>>) dst(%dma_wait3A_2807 : memref<8x128xf32, #tpu.memory_space<vmem>>)
    %get3A_2810 = arith.constant 0 : index
    %get3A_2811 = arith.constant 0 : index
    %get3A_2812 = arith.constant 0 : index
    %get3A_2813 = vector.load %arg5[%get3A_2810, %get3A_2811, %get3A_2812] : memref<128x8x128xf32, #tpu.memory_space<vmem>>, vector<128x8x128xf32>
    %get3A_2814 = arith.constant 0 : index
    %get3A_2815 = arith.constant 0 : index
    %get3A_2816 = vector.load %arg1[%get3A_2814, %get3A_2815] : memref<1x128xi32, #tpu.memory_space<vmem>>, vector<1x128xi32>
    %and3A = arith.constant 7 : i32
    %and3A_2817 = vector.broadcast %and3A : i32 to vector<1x128xi32>
    %and3A_2818 = arith.andi %get3A_2816, %and3A_2817 : vector<1x128xi32>
    %iota3A = tpu.iota {dimensions = array<i32: 0>} : vector<128x8x128xi32>
    %iota3A_2819 = tpu.iota {dimensions = array<i32: 1>} : vector<128x8x128xi32>
    %iota3A_2820 = tpu.iota {dimensions = array<i32: 2>} : vector<128x8x128xi32>
    %eq3A = arith.cmpi eq, %iota3A_2820, %iota3A : vector<128x8x128xi32>
    %reshape3A = vector.shape_cast %and3A_2818 : vector<1x128xi32> to vector<128xi32>
    %broadcast_in_dim3A = vector.shape_cast %reshape3A : vector<128xi32> to vector<128x1x1xi32>
    %eq3A_2821 = vector.broadcast %broadcast_in_dim3A : vector<128x1x1xi32> to vector<128x8x128xi32>
    %eq3A_2822 = arith.cmpi eq, %iota3A_2819, %eq3A_2821 : vector<128x8x128xi32>
    %and3A_2823 = arith.andi %eq3A, %eq3A_2822 : vector<128x8x128xi1>
    %jit3A = arith.constant 0.000000e+00 : f32
    %broadcast_in_dim3A_2824 = vector.broadcast %jit3A : f32 to vector<128x8x128xf32>
    %select_n3A = arith.select %and3A_2823, %get3A_2813, %broadcast_in_dim3A_2824 : vector<128x8x128xi1>, vector<128x8x128xf32>
    %reduce_sum3A = arith.constant dense<0.000000e+00> : vector<128xf32>
    %reduce_sum3A_2825 = vector.multi_reduction <add>, %select_n3A, %reduce_sum3A [1, 2] : vector<128x8x128xf32> to vector<128xf32>
    %log3A = math.log %reduce_sum3A_2825 : vector<128xf32>
    %reshape3A_2826 = vector.shape_cast %log3A : vector<128xf32> to vector<1x128xf32>
    %get3A_2827 = arith.constant 0 : index
    %get3A_2828 = arith.constant 0 : index
    %get3A_2829 = vector.load %arg3[%get3A_2827, %get3A_2828] : memref<1x128xf32, #tpu.memory_space<vmem>>, vector<1x128xf32>
    %sub3A = arith.subf %reshape3A_2826, %get3A_2829 : vector<1x128xf32>
    %swap3A = arith.constant 0 : index
    %swap3A_2830 = arith.constant 0 : index
    %swap3A_2831 = vector.load %arg4[%swap3A, %swap3A_2830] : memref<1x128xf32, #tpu.memory_space<vmem>>, vector<1x128xf32>
    tpu.vector_store %arg4[%swap3A, %swap3A_2830], %sub3A {strides = array<i32>} : memref<1x128xf32, #tpu.memory_space<vmem>>, vector<1x128xf32>,
    return
  }
}

</mosaic_0001>

<sc_bundles>
// kernel: kernel.7.cloned.1.call-start
scs
__scs_entry_jumppad:
0x0: {  	(pc) =	sbr.rel $0x88, $3  }
0x1: {  	(tag) =	ssettag $0x0;
	lr =	simm.s32 $0x1  }
0x2: {  	[smem:$0x3F9F] =	sst lr;
	_ =	strace $0xD0000000  }
0x3: {  	_ = 	snop  }
0x4: {  	_ = 	snop  }
0x5: {  	_ = 	snop  }
0x6: {  	_ = 	snop  }
0x7: {  	_ = 	snop  }
__scs_overlays_trampoline_lowered:
0x8: {  	[smem:$0x3FAE] =	sst s0  }
0x9: {  	[smem:$0x3FAF] =	sst s1  }
0xa: {  	[smem:$0x3FB0] =	sst s2  }
0xb: {  	[smem:$0x3FB1] =	sst s3  }
0xc: {  	[smem:$0x3FB2] =	sst s4  }
0xd: {  	[smem:$0x3FB3] =	sst s5  }
0xe: {  	[smem:$0x3FB4] =	sst s6  }
0xf: {  	[smem:$0x3FB5] =	sst s7  }
0x10: {  	[smem:$0x3FB6] =	sst s8  }
0x11: {  	[smem:$0x3FB7] =	sst s9;
	s0 =	simm.s32 @!p0 $0x0  }
0x12: {  	s1 =	sld [smem:$0x3F9D];
	s0 =	simm.s32 @p0 $0x1  }
0x13: {  	[smem:$0x3FB8] =	sst s0;
	s0 =	simm.s32 @!p1 $0x0  }
0x14: {  	s2 =	sld [smem:$0x3F9C];
	s0 =	simm.s32 @p1 $0x1  }
0x15: {  	[smem:$0x3FB9] =	sst s0;
	s0 =	simm.s32 @!p2 $0x0  }
0x16: {  	s3 =	sld [smem:$0x3FDB];
	s0 =	simm.s32 @p2 $0x1  }
0x17: {  	s4 =	simm.s32 $0x1BF5;
	[smem:$0x3FBB] =	sst s0  }
0x18: {  	s0 =	sld [smem:$0x3F9E];
	_ =	swait.ge [sflag:s4], $0x0  }
0x19: {  	s7 =	sld [smem:$0x3F9F]  }
0x1a: {  	s8 =	sadd.s32 $0xFFFFE003, lr  }
0x1b: {  	s9 =	sadd.s32 $0xFFFFFEF7, lr;
	s5 =	simm.s32 $0xFFFFFFFF;
	p2 =	slt.u32 s8, $0xFFFFF086  }
0x1c: {  	p1 =	slt.u32 s9, $0xF7A;
	s5 =	simm.s32 @!p2 $0x0  }
0x1d: {  	s5 =	simm.s32 @p1 $0x1;
	p0 =	seq.s32 s7, s2  }
0x1e: {  	s7 =	smul.u32 @!p0 $0xF7A, s2;
	p2 =	seq.s32 @!p0 s5, $0x0  }
0x1f: {  	s9 =	smul.u32 $0xF7A, s1;
	s8 =	simm.s32 @!p0 $0x1BF5;
	p2 =	por !p2, p0  }
0x20: {  	[sflag:s8] =	ssyncset.s32 @!p0 $0xFFFFF086;
	s6 =	sadd.s32 @!p0 s3, s7;
	s7 =	simm.s32 @!p0 $0x108  }
0x21: {  	s3 =	sadd.s32 s3, s9;
	s6 =	sadd.s32 @!p0 $0x88, s6;
	s7 =	simm.s32 @p2 $0x1082  }
0x22: {  	[simem:s7], [sflag:s8] =	dma.local @!p0 [hbm:s6], $0xF7A  }
0x23: {  	s9 =	sor.u32 $0xD0000000, s2;
	s6 =	simm.s32 $0x108;
	_ =	swait.ge @!p0 [sflag:s8], $0x0  }
0x24: {  	s3 =	sadd.s32 $0x88, s3;
	s6 =	simm.s32 @!p1 $0x1082;
	[sflag:s4] =	ssyncset.s32 $0xFFFFF086  }
0x25: {  	[simem:s6], [sflag:s4] =	dma.local [hbm:s3], $0xF7A  }
0x26: {  	[smem:$0x3F9F] =	sst s1;
	(tag) =	ssettag s2;
	_ =	strace s9  }
0x27: {  	s1 =	sld [smem:$0x3FAF]  }
0x28: {  	s2 =	sld [smem:$0x3FB0]  }
0x29: {  	s4 =	sld [smem:$0x3FB2]  }
0x2a: {  	p0 =	seq.s32 s5, $0x0;
	s5 =	sld [smem:$0x3FB3]  }
0x2b: {  	s6 =	sld [smem:$0x3FB4]  }
0x2c: {  	s7 =	sld [smem:$0x3FB5]  }
0x2d: {  	s3 =	simm.s32 $0x108;
	s8 =	sld [smem:$0x3FB6]  }
0x2e: {  	s3 =	simm.s32 @!p0 $0x1082;
	s9 =	sld [smem:$0x3FB7]  }
0x2f: {  	lr =	sadd.s32 s0, s3;
	s0 =	sld [smem:$0x3FAE]  }
0x30: {  	s3 =	sld [smem:$0x3FB1]  }
0x31: {  	[smem:$0x3FBA] =	sst s10  }
0x32: {  	s10 =	sld [smem:$0x3FB8];
	_ =	sdelay $0x3  }
0x33: {  	p0 =	seq.s32 s10, $0x1;
	s10 =	sld [smem:$0x3FBA];
	_ =	sdelay $0x3  }
0x34: {  	[smem:$0x3FBA] =	sst s10  }
0x35: {  	s10 =	sld [smem:$0x3FB9];
	_ =	sdelay $0x3  }
0x36: {  	p1 =	seq.s32 s10, $0x1;
	s10 =	sld [smem:$0x3FBA];
	_ =	sdelay $0x3  }
0x37: {  	[smem:$0x3FBA] =	sst s10  }
0x38: {  	s10 =	sld [smem:$0x3FBB]  }
0x39: {  	_ = 	snop;
	(pc) =	sbr.ind lr, $3  }
0x3a: {  	_ = 	snop  }
0x3b: {  	_ = 	snop  }
0x3c: {  	p2 =	seq.s32 s10, $0x1;
	s10 =	sld [smem:$0x3FBA]  }
0x3d: {  	_ =	shalt  }
0x3e: {  	_ =	shalt  }
0x3f: {  	_ =	shalt  }
0x40: {  	_ =	shalt  }
0x41: {  	_ =	shalt  }
0x42: {  	_ =	shalt  }
0x43: {  	_ =	shalt  }
0x44: {  	_ =	shalt  }
0x45: {  	_ =	shalt  }
0x46: {  	_ =	shalt  }
0x47: {  	_ =	shalt  }
0x48: {  	_ =	shalt  }
0x49: {  	_ =	shalt  }
0x4a: {  	_ =	shalt  }
0x4b: {  	_ =	shalt  }
0x4c: {  	_ =	shalt  }
0x4d: {  	_ =	shalt  }
0x4e: {  	_ =	shalt  }
0x4f: {  	_ =	shalt  }
0x50: {  	_ =	shalt  }
0x51: {  	_ =	shalt  }
0x52: {  	_ =	shalt  }
0x53: {  	_ =	shalt  }
0x54: {  	_ =	shalt  }
0x55: {  	_ =	shalt  }
0x56: {  	_ =	shalt  }
0x57: {  	_ =	shalt  }
0x58: {  	_ =	shalt  }
0x59: {  	_ =	shalt  }
0x5a: {  	_ =	shalt  }
0x5b: {  	_ =	shalt  }
0x5c: {  	_ =	shalt  }
0x5d: {  	_ =	shalt  }
0x5e: {  	_ =	shalt  }
0x5f: {  	_ =	shalt  }
0x60: {  	_ =	shalt  }
0x61: {  	_ =	shalt  }
0x62: {  	_ =	shalt  }
0x63: {  	_ =	shalt  }
0x64: {  	_ =	shalt  }
0x65: {  	_ =	shalt  }
0x66: {  	_ =	shalt  }
0x67: {  	_ =	shalt  }
0x68: {  	_ =	shalt  }
0x69: {  	_ =	shalt  }
0x6a: {  	_ =	shalt  }
0x6b: {  	_ =	shalt  }
0x6c: {  	_ =	shalt  }
0x6d: {  	_ =	shalt  }
0x6e: {  	_ =	shalt  }
0x6f: {  	_ =	shalt  }
0x70: {  	_ =	shalt  }
0x71: {  	_ =	shalt  }
0x72: {  	_ =	shalt  }
0x73: {  	_ =	shalt  }
0x74: {  	_ =	shalt  }
0x75: {  	_ =	shalt  }
0x76: {  	_ =	shalt  }
0x77: {  	_ =	shalt  }
0x78: {  	_ =	shalt  }
0x79: {  	_ =	shalt  }
0x7a: {  	_ =	shalt  }
0x7b: {  	_ =	shalt  }
0x7c: {  	_ =	shalt  }
0x7d: {  	_ =	shalt  }
0x7e: {  	_ =	shalt  }
0x7f: {  	_ =	shalt  }
0x80: {  	_ =	shalt  }
0x81: {  	_ =	shalt  }
0x82: {  	_ =	shalt  }
0x83: {  	_ =	shalt  }
0x84: {  	_ =	shalt  }
0x85: {  	_ =	shalt  }
0x86: {  	_ =	shalt  }
0x87: {  	_ =	shalt  }
.Lfunc_end0:
.L_simem_size_0:
called_computation_lowered:
.L_overlay_start_0:
0x88: {  	s2 =	sld [smem:$0x3FD9]  }
0x89: {  	s3 =	sld [smem:$0x3FFE];
	_ =	sdelay $0x1  }
0x8a: {  	s1 =	srdreg.scid  }
0x8b: {  	s0 =	sand.u32 $0x1, s1  }
0x8c: {  	s17 =	sshll.u32 s0, $0xA;
	s2 =	sadd.s32 s3, s2  }
0x8d: {  	s2 =	sadd.s32 s2, s17  }
0x8e: {  	[smem:$0x3FC6] =	sst s2  }
0x8f: {  	_ = 	snop  }
0x90: {  	s2 =	sld [smem:$0x3FC8];
	(tm) =	ssettm $0x1  }
0x91: {  	s18 =	sld [smem:$0x3FFB];
	_ =	sdelay $0x3  }
0x92: {  	_ =	strace s18  }
0x93: {  	s3 =	sld [smem:$0x3FFC];
	_ =	sdelay $0x3  }
0x94: {  	_ =	strace s3  }
0x95: {  	s3 =	sld [smem:$0x3FFD];
	_ =	sdelay $0x3  }
0x96: {  	_ =	strace s3  }
0x97: {  	_ =	strace $0x8FFFFFFF  }
0x98: {  	s19 =	sld [smem:$0x3FDB];
	_ =	sdelay $0x1  }
0x99: {  	s4 =	simm.s32 $_scs_section_size  }
0x9a: {  	s5 =	simm.s32 $_size__tile_overlayer_lowered;
	s6 =	simm.s32 $_tile_overlayer_lowered  }
0x9b: {  	s22 =	simm.s32 $0x1BFF;
	s21 =	sshll.u32 s6, $0x1;
	s3 =	sadd.s32 s4, s19  }
0x9c: {  	s7 =	simm.s32 $0x0;
	s20 =	sshll.u32 s5, $0x1;
	s5 =	sadd.s32 s21, s3  }
0x9d: {  	[timem:s7], [sflag:s22] =	dma.local [hbm:s5], s20  }
0x9e: {  	_ =	swait.ge [sflag:s22], s20  }
0x9f: {  	s4 =	ssub.s32 $0x0, s20;
	[sflag:s22] =	ssyncset.done $0x0  }
0xa0: {  	[sflag:s22] =	ssyncadd.s32 s4;
	_ =	sdelay $0x1  }
0xa1: {  	s23 =	simm.s32 $0x1B8B  }
0xa2: {  	_ =	swait.ge [sflag:s23], $0x1  }
0xa3: {  	[sflag:s23] =	ssyncset.done $0x0  }
0xa4: {  	s25 =	simm.s32 $0x1B8E;
	s24 =	sld [smem:$0x3FFE];
	[sflag:s23] =	ssyncadd.s32 $0xFFFFFFFF  }
0xa5: {  	s26 =	simm.s32 $execute0_lowered;
	[smem:$0x3FD2] =	sst s25  }
0xa6: {  	s5 =	sshll.u32 s26, $0x1;
	_ =	strace $0x80000046;
	[dreg:$0x1] =	wrdreg $0xFFFFFFFF  }
0xa7: {  	s28 =	simm.s32 $_size_execute0_lowered;
	s3 =	sadd.s32 s3, s5;
	[dreg:$0x0] =	wrdreg $0x0  }
0xa8: {  	s5 =	sshll.u32 s28, $0x1;
	[dreg:$0x2] =	wrdreg s3  }
0xa9: {  	[dreg:$0x3] =	wrdreg s5  }
0xaa: {  	[dreg:$0x4] =	wrdreg $0xC0  }
0xab: {  	_ =	task [dreg:s7], $0x5FFFF  }
0xac: {  	[dreg:$0x1] =	wrdreg $0xFFFFFFFF  }
0xad: {  	[dreg:$0x0] =	wrdreg $0x60  }
0xae: {  	[dreg:$0x2] =	wrdreg s2  }
0xaf: {  	[dreg:$0x3] =	wrdreg s24  }
0xb0: {  	[dreg:$0x4] =	wrdreg $0x9  }
0xb1: {  	_ =	task.clear_ibuf [dreg:s7], $0x5FFFF;
	_ =	strace $0x90000046  }
0xb2: {  	s29 =	simm.s32 $0x9;
	_ =	strace $0x80000048  }
0xb3: {  	_ =	swait.ge [sflag:s29], $0x1  }
0xb4: {  	[sflag:s29] =	ssyncadd.s32 $0xFFFFFFFF  }
0xb5: {  	_ =	strace $0x90000048  }
0xb6: {  	_ =	sfence  }
0xb7: {  	s30 =	sld [smem:$0x0];
	_ =	sdelay $0x2  }
0xb8: {  	s31 =	sshll.u32 s1, $0xD;
	s1 =	sshrl.u32 s1, $0x2  }
0xb9: {  	s3 =	sand.u32 $0x4000, s31;
	s1 =	sadd.s32 s1, s30  }
0xba: {  	s0 =	sor.u32 s3, s0;
	s1 =	sshll.u32 s1, $0x11  }
0xbb: {  	s0 =	sor.u32 s1, s0  }
0xbc: {  	s0 =	sadd.s32 $0x8F2B, s0  }
0xbd: {  	[sflag:s0] =	ssyncadd.remote.s32 $0x1  }
0xbe: {  	_ =	sfence.sel $0xFFFF  }
0xbf: {  	[dreg:$0x0] =	wrdreg $0xFFFFFFFF;
	(pc) =	sbr.abs _section_cstart, $3  }
0xc0: {  	[dreg:$0x1] =	wrdreg $0xFFFFFFFF  }
0xc1: {  	_ =	task.clear_ibuf [dreg:s7], $0x2FFFF;
	_ =	strace $0x9FFFFFFF  }
0xc2: {  	(tm) =	ssettm $0x7FFFFFFF  }
0xc3: {  	_ =	shalt  }
tec
execute0_lowered:
.L_overlay_start_1:
0x0: {  	(tag) =	ssettag $0x1  }
0x1: {  	s1 =	rddreg [dreg:$0x0]  }
0x2: {  	s4 =	rddreg [dreg:$0x1]  }
0x3: {  	s2 =	srdreg.scid;
	s0 =	rddreg [dreg:$0x2]  }
0x4: {  	s3 =	simm.s32 $0x0;
	s13 =	simm.s32 $0x6400;
	s14 =	simm.s32 $0x1  }
0x5: {  	s15 =	simm.s32 $0x2;
	s16 =	simm.s32 $0xC800;
	s5 =	sand.u32 $0x1, s2  }
0x6: {  	s18 =	simm.s32 $0xC880;
	s2 =	stileid.u32;
	s6 =	sshll.u32 s5, $0x4  }
0x7: {  	s19 =	simm.s32 $0x0;
	[smem:$0x7FF] =	sst s3;
	s6 =	sor.u32 s2, s6  }
0x8: {  	_ =	strace $0x80000047;
	s5 =	ssub.s32 $0x2, s5;
	s8 =	smul.u32 $0x5DC00, s6  }
0x9: {  	s9 =	sshrl.u32 s5, $0x1;
	s7 =	sshll.u32 s6, $0x4;
	s30 =	smul.u32 $0xBB80, s6  }
0xa: {  	s12 =	ssub.s32 s5, s9;
	s11 =	sadd.s32 s7, s4;
	s4 =	smul.u32 $0xBB8, s6  }
0xb: {  	s12 =	smax.u32 s12, $0x1;
	s31 =	sshrl.u32 s8, $0x3;
	s5 =	sadd.s32 s1, s30  }
0xc: {  	s10 =	sadd.s32 $0x1200, s11;
	s11 =	sadd.s32 $0x1400, s11;
	s6 =	sadd.s32 s1, s31  }
0xd: {  	s7 =	sadd.s32 $0x190, s4;
	s8 =	sadd.s32 $0xC8, s4;
	s17 =	sadd.s32 $0xAF0, s4  }
0xe: {  	s9 =	sadd.s32 $0x258, s4;
	s6 =	sadd.s32 $0xC80, s6;
	v0 =	vmov s17;
	s17 =	simm.s32 $0x3  }
.LBB2_1:
0xf: {  	v4 =	vimm.f32 $-3.399999950e+38  }
0x10: {  	v1 =	vimm.s32 $0x0;
	v2 =	vimm.s32 $0x0;
	v6 =	vimm.f32 $-3.399999950e+38  }
0x11: {  	v3 =	vimm.s32 $0x0;
	v8 =	vimm.f32 $-3.399999950e+38;
	v5 =	vimm.s32 $0x0  }
0x12: {  	[tilespmem:s3], [sflag:$0x1] =	stream.linear.gather [hbm4b:s5+s3], $0x6400, $0x38;
	v10 =	vimm.f32 $-3.399999950e+38;
	v7 =	vimm.s32 $0x0;
	v11 =	vimm.f32 $-3.399999950e+38;
	[tilespmem:$0xC900] =	vst v63  }
0x13: {  	v9 =	vimm.s32 $0x0;
	v12 =	vimm.f32 $-3.399999950e+38;
	v21 =	vimm.s32 $0x0;
	s20 =	simm.s32 $0x0  }
0x14: {  	v23 =	vimm.f32 $-3.399999950e+38;
	v28 =	vimm.s32 $0x0;
	v24 =	vimm.f32 $-3.399999950e+38;
	[tilespmem:s13], [sflag:$0x2] =	stream.linear.gather [hbm4b:s6+s3], $0x6400, $0x38;
	[tilespmem:$0xC900] =	vst v63  }
.LBB2_2:
0x15: {  	_ =	swait.ge [sflag:s14], $0x6400  }
0x16: {  	[sflag:s14] =	ssyncset.done $0x0  }
0x17: {  	s22 =	simm.s32 $0x0;
	[sflag:s14] =	ssyncadd.s32 $0xFFFF9C00  }
0x18: {  	v18 =	vld [tilespmem:s22+$0x80]  }
0x19: {  	v22 =	vld [tilespmem:s22+$0x90]  }
0x1a: {  	v16 =	vld [tilespmem:s22+$0xA0]  }
0x1b: {  	v17 =	vld [tilespmem:s22+$0xB0]  }
0x1c: {  	v15 =	vld [tilespmem:s22+$0x0]  }
0x1d: {  	v30 =	vld [tilespmem:s22+$0x10]  }
0x1e: {  	s21 =	smul.u32 $0x190, s20;
	v19 =	vld [tilespmem:s22+$0xC0]  }
0x1f: {  	v25 =	vld [tilespmem:s22+$0x20]  }
0x20: {  	s23 =	sadd.s32 s4, s21;
	v26 =	vld [tilespmem:s22+$0x30]  }
0x21: {  	v13 =	vmov s23;
	v27 =	vld [tilespmem:s22+$0x40]  }
0x22: {  	v20 =	vld [tilespmem:s22+$0xD0];
	v14 =	vor.u32 $0x1, v13;
	vm0 =	vgt.f32 v15, v24;
	vm1 =	vgt.f32 v30, v23  }
0x23: {  	v29 =	vsel vm0, v15, v24;
	v30 =	vsel vm1, v30, v23;
	v24 =	vsel vm1, v13, v21;
	v21 =	vld [tilespmem:s22+$0x50]  }
0x24: {  	s23 =	simm.s32 $0x400;
	v15 =	vsel vm0, v13, v28;
	v23 =	vld [tilespmem:s22+$0x60];
	vm0 =	vgt.f32 v18, v29;
	vm1 =	vgt.f32 v22, v30  }
.LBB2_3:
0x25: {  	p0 =	sne.s32 s23, $0x18C00;
	v28 =	vld [tilespmem:s22+$0x70];
	v29 =	vsel vm0, v18, v29;
	v30 =	vsel vm1, v22, v30;
	v24 =	vsel vm1, v14, v24  }
0x26: {  	vm1 =	vgt.f32 v25, v12;
	vm2 =	vgt.f32 v26, v11;
	vm3 =	vgt.f32 v27, v10;
	v31 =	vld [tilespmem:s22+$0xE0]  }
0x27: {  	v12 =	vsel vm1, v25, v12;
	v11 =	vsel vm2, v26, v11;
	v10 =	vsel vm3, v27, v10;
	v25 =	vld [tilespmem:s22+$0xF0]  }
0x28: {  	s22 =	sshra.s32 s23, $0x2;
	vm4 =	vgt.f32 v16, v12;
	vm5 =	vgt.f32 v17, v11;
	vm6 =	vgt.f32 v19, v10  }
0x29: {  	v12 =	vsel vm4, v16, v12;
	v11 =	vsel vm5, v17, v11;
	v18 =	vld [tilespmem:s22+$0x80];
	v10 =	vsel vm6, v19, v10  }
0x2a: {  	vm7 =	vgt.f32 v21, v8;
	vm8 =	vgt.f32 v23, v6;
	v22 =	vld [tilespmem:s22+$0x90];
	vm9 =	vgt.f32 v28, v4  }
0x2b: {  	v8 =	vsel vm7, v21, v8;
	v6 =	vsel vm8, v23, v6;
	v16 =	vld [tilespmem:s22+$0xA0];
	v4 =	vsel vm9, v28, v4  }
0x2c: {  	vm10 =	vgt.f32 v20, v8;
	vm11 =	vgt.f32 v31, v6;
	v17 =	vld [tilespmem:s22+$0xB0];
	vm12 =	vgt.f32 v25, v4  }
0x2d: {  	v8 =	vsel vm10, v20, v8;
	v6 =	vsel vm11, v31, v6;
	v21 =	vld [tilespmem:s22+$0x0];
	v4 =	vsel vm12, v25, v4  }
0x2e: {  	v3 =	vsel vm7, v13, v3;
	v2 =	vsel vm8, v13, v2;
	v1 =	vsel vm9, v13, v1;
	v23 =	vld [tilespmem:s22+$0x10]  }
0x2f: {  	v3 =	vsel vm10, v14, v3;
	v2 =	vsel vm11, v14, v2;
	v1 =	vsel vm12, v14, v1;
	v19 =	vld [tilespmem:s22+$0xC0]  }
0x30: {  	v9 =	vsel vm1, v13, v9;
	v7 =	vsel vm2, v13, v7;
	v5 =	vsel vm3, v13, v5;
	v25 =	vld [tilespmem:s22+$0x20]  }
.Ltmp0:
0x31: {  	v9 =	vsel vm4, v14, v9;
	v7 =	vsel vm5, v14, v7;
	v5 =	vsel vm6, v14, v5;
	v26 =	vld [tilespmem:s22+$0x30];
	(pc) =	sbr.rel @p0 .LBB2_3-.Ltmp0, $4  }
0x32: {  	v15 =	vsel vm0, v14, v15;
	v13 =	vadd.s32 $0x2, v13;
	v27 =	vld [tilespmem:s22+$0x40]  }
0x33: {  	v14 =	vor.u32 $0x1, v13;
	vm0 =	vgt.f32 v21, v29;
	vm1 =	vgt.f32 v23, v30;
	v20 =	vld [tilespmem:s22+$0xD0]  }
0x34: {  	v29 =	vsel vm0, v21, v29;
	v30 =	vsel vm1, v23, v30;
	v24 =	vsel vm1, v13, v24;
	v21 =	vld [tilespmem:s22+$0x50]  }
0x35: {  	s23 =	sadd.s32 $0x400, s23;
	v15 =	vsel vm0, v13, v15;
	vm0 =	vgt.f32 v18, v29;
	v23 =	vld [tilespmem:s22+$0x60];
	vm1 =	vgt.f32 v22, v30  }
0x36: {  	s23 =	sadd.s32 s21, s7  }
0x37: {  	v28 =	vld [tilespmem:s22+$0x70];
	s23 =	sshll.u32 s23, $0x4  }
0x38: {  	v31 =	vld [tilespmem:s22+$0xE0];
	s30 =	simm.s32 $0x0;
	s29 =	sadd.s32 s1, s23  }
0x39: {  	v32 =	vld [tilespmem:s22+$0xF0];
	v33 =	vsel vm0, v18, v29;
	v30 =	vsel vm1, v22, v30;
	[tilespmem:s30], [sflag:$0x1] =	stream.linear.gather [hbm4b:s29+s30], $0x6400, $0x38  }
0x3a: {  	v24 =	vsel vm1, v14, v24;
	vm1 =	vgt.f32 v25, v12;
	vm2 =	vgt.f32 v26, v11;
	_ =	swait.ge [sflag:s15], $0x6400  }
0x3b: {  	v15 =	vsel vm0, v14, v15;
	vm3 =	vgt.f32 v27, v10;
	v12 =	vsel vm1, v25, v12;
	[sflag:s15] =	ssyncset.done $0x0  }
0x3c: {  	s22 =	simm.s32 $0x0;
	v11 =	vsel vm2, v26, v11;
	v9 =	vsel vm1, v13, v9;
	v22 =	vsel vm3, v27, v10;
	[sflag:s15] =	ssyncadd.s32 $0xFFFF9C00  }
0x3d: {  	vm4 =	vgt.f32 v16, v12;
	vm5 =	vgt.f32 v17, v11;
	vm6 =	vgt.f32 v19, v22;
	v18 =	vld [tilespmem:s22+$0x6480]  }
0x3e: {  	v10 =	vsel vm4, v16, v12;
	v12 =	vsel vm6, v19, v22;
	vm8 =	vgt.f32 v23, v6;
	v19 =	vld [tilespmem:s22+$0x6490]  }
0x3f: {  	vm7 =	vgt.f32 v21, v8;
	vm9 =	vgt.f32 v28, v4;
	v16 =	vsel vm8, v23, v6;
	v6 =	vld [tilespmem:s22+$0x64A0]  }
0x40: {  	v11 =	vsel vm5, v17, v11;
	v8 =	vsel vm7, v21, v8;
	v21 =	vsel vm9, v28, v4;
	v17 =	vld [tilespmem:s22+$0x64B0]  }
0x41: {  	vm10 =	vgt.f32 v20, v8;
	vm11 =	vgt.f32 v31, v16;
	vm12 =	vgt.f32 v32, v21;
	v23 =	vld [tilespmem:s22+$0x6400]  }
0x42: {  	v4 =	vsel vm10, v20, v8;
	v8 =	vsel vm11, v31, v16;
	v16 =	vsel vm12, v32, v21;
	v21 =	vld [tilespmem:s22+$0x6410]  }
0x43: {  	v5 =	vsel vm3, v13, v5;
	v3 =	vsel vm7, v13, v3;
	v2 =	vsel vm8, v13, v2;
	v20 =	vld [tilespmem:s22+$0x64C0]  }
0x44: {  	v22 =	vsel vm9, v13, v1;
	v1 =	vsel vm10, v14, v3;
	v2 =	vsel vm11, v14, v2;
	v25 =	vld [tilespmem:s22+$0x6420]  }
0x45: {  	s31 =	sadd.s32 s21, s8;
	v27 =	vld [tilespmem:s22+$0x6430];
	v3 =	vsel vm12, v14, v22;
	v22 =	vsel vm2, v13, v7;
	v7 =	vsel vm4, v14, v9  }
0x46: {  	v29 =	vld [tilespmem:s22+$0x6440];
	v13 =	vsel vm6, v14, v5;
	v5 =	vmov s31;
	v9 =	vsel vm5, v14, v22  }
0x47: {  	v26 =	vld [tilespmem:s22+$0x6450];
	v14 =	vor.u32 $0x1, v5;
	vm0 =	vgt.f32 v23, v33;
	vm1 =	vgt.f32 v21, v30  }
0x48: {  	v28 =	vld [tilespmem:s22+$0x6460];
	v23 =	vsel vm0, v23, v33;
	v15 =	vsel vm0, v5, v15;
	v21 =	vsel vm1, v21, v30  }
0x49: {  	s23 =	simm.s32 $0x400;
	v22 =	vld [tilespmem:s22+$0x64D0];
	v30 =	vsel vm1, v5, v24;
	vm0 =	vgt.f32 v18, v23;
	vm1 =	vgt.f32 v19, v21  }
.LBB2_5:
0x4a: {  	p0 =	sne.s32 s23, $0x18C00;
	v24 =	vld [tilespmem:s22+$0x6470];
	v23 =	vsel vm0, v18, v23;
	v21 =	vsel vm1, v19, v21;
	v30 =	vsel vm1, v14, v30  }
0x4b: {  	vm1 =	vgt.f32 v25, v10;
	vm2 =	vgt.f32 v27, v11;
	vm3 =	vgt.f32 v29, v12;
	v31 =	vld [tilespmem:s22+$0x64E0]  }
0x4c: {  	v10 =	vsel vm1, v25, v10;
	v11 =	vsel vm2, v27, v11;
	v12 =	vsel vm3, v29, v12;
	v25 =	vld [tilespmem:s22+$0x64F0]  }
0x4d: {  	s22 =	sshra.s32 s23, $0x2;
	vm4 =	vgt.f32 v6, v10;
	vm5 =	vgt.f32 v17, v11;
	vm6 =	vgt.f32 v20, v12  }
0x4e: {  	v10 =	vsel vm4, v6, v10;
	v11 =	vsel vm5, v17, v11;
	v18 =	vld [tilespmem:s22+$0x6480];
	v12 =	vsel vm6, v20, v12  }
0x4f: {  	vm7 =	vgt.f32 v26, v4;
	vm8 =	vgt.f32 v28, v8;
	v19 =	vld [tilespmem:s22+$0x6490];
	vm9 =	vgt.f32 v24, v16  }
0x50: {  	v4 =	vsel vm7, v26, v4;
	v8 =	vsel vm8, v28, v8;
	v6 =	vld [tilespmem:s22+$0x64A0];
	v16 =	vsel vm9, v24, v16  }
0x51: {  	vm10 =	vgt.f32 v22, v4;
	vm11 =	vgt.f32 v31, v8;
	v17 =	vld [tilespmem:s22+$0x64B0];
	vm12 =	vgt.f32 v25, v16  }
0x52: {  	v4 =	vsel vm10, v22, v4;
	v8 =	vsel vm11, v31, v8;
	v24 =	vld [tilespmem:s22+$0x6400];
	v16 =	vsel vm12, v25, v16  }
0x53: {  	v1 =	vsel vm7, v5, v1;
	v2 =	vsel vm8, v5, v2;
	v3 =	vsel vm9, v5, v3;
	v26 =	vld [tilespmem:s22+$0x6410]  }
0x54: {  	v1 =	vsel vm10, v14, v1;
	v2 =	vsel vm11, v14, v2;
	v3 =	vsel vm12, v14, v3;
	v20 =	vld [tilespmem:s22+$0x64C0]  }
0x55: {  	v7 =	vsel vm1, v5, v7;
	v9 =	vsel vm2, v5, v9;
	v13 =	vsel vm3, v5, v13;
	v25 =	vld [tilespmem:s22+$0x6420]  }
.Ltmp1:
0x56: {  	v7 =	vsel vm4, v14, v7;
	v9 =	vsel vm5, v14, v9;
	v13 =	vsel vm6, v14, v13;
	v27 =	vld [tilespmem:s22+$0x6430];
	(pc) =	sbr.rel @p0 .LBB2_5-.Ltmp1, $4  }
0x57: {  	v15 =	vsel vm0, v14, v15;
	v5 =	vadd.s32 $0x2, v5;
	v29 =	vld [tilespmem:s22+$0x6440]  }
0x58: {  	v14 =	vor.u32 $0x1, v5;
	vm0 =	vgt.f32 v24, v23;
	vm1 =	vgt.f32 v26, v21;
	v22 =	vld [tilespmem:s22+$0x64D0]  }
0x59: {  	v23 =	vsel vm0, v24, v23;
	v21 =	vsel vm1, v26, v21;
	v30 =	vsel vm1, v5, v30;
	v26 =	vld [tilespmem:s22+$0x6450]  }
0x5a: {  	s23 =	sadd.s32 $0x400, s23;
	v15 =	vsel vm0, v5, v15;
	vm0 =	vgt.f32 v18, v23;
	v28 =	vld [tilespmem:s22+$0x6460];
	vm1 =	vgt.f32 v19, v21  }
0x5b: {  	v24 =	vsel vm0, v18, v23  }
0x5c: {  	v23 =	vsel vm1, v19, v21;
	v21 =	vsel vm1, v14, v30;
	vm1 =	vgt.f32 v25, v10  }
0x5d: {  	vm2 =	vgt.f32 v27, v11;
	vm3 =	vgt.f32 v29, v12;
	v10 =	vsel vm1, v25, v10  }
0x5e: {  	v60 =	vld [tilespmem:s22+$0x6470];
	v11 =	vsel vm2, v27, v11;
	v7 =	vsel vm1, v5, v7;
	v63 =	vsel vm2, v5, v9  }
0x5f: {  	v25 =	vsel vm3, v29, v12;
	vm4 =	vgt.f32 v6, v10;
	vm5 =	vgt.f32 v17, v11  }
0x60: {  	v61 =	vld [tilespmem:s22+$0x64E0];
	vm6 =	vgt.f32 v20, v25;
	v12 =	vsel vm4, v6, v10;
	v11 =	vsel vm5, v17, v11  }
0x61: {  	vm7 =	vgt.f32 v26, v4;
	v9 =	vsel vm4, v14, v7;
	v7 =	vsel vm5, v14, v63  }
0x62: {  	v27 =	vld [tilespmem:s22+$0x64F0];
	v10 =	vsel vm6, v20, v25;
	vm8 =	vgt.f32 v28, v8;
	v4 =	vsel vm7, v26, v4  }
0x63: {  	p0 =	seq.s32 s20, $0x6;
	v1 =	vsel vm7, v5, v1;
	vm9 =	vgt.f32 v60, v16;
	v6 =	vsel vm8, v28, v8  }
.Ltmp2:
0x64: {  	vm10 =	vgt.f32 v22, v4;
	v2 =	vsel vm8, v5, v2;
	v28 =	vsel vm0, v14, v15;
	(pc) =	sbr.rel @p0 .LBB2_8-.Ltmp2, $4  }
0x65: {  	v16 =	vsel vm9, v60, v16;
	vm11 =	vgt.f32 v61, v6;
	v8 =	vsel vm10, v22, v4  }
0x66: {  	v62 =	vsel vm9, v5, v3;
	v3 =	vsel vm10, v14, v1;
	v5 =	vsel vm3, v5, v13  }
0x67: {  	vm12 =	vgt.f32 v27, v16;
	v6 =	vsel vm11, v61, v6;
	v2 =	vsel vm11, v14, v2  }
0x68: {  	v5 =	vsel vm6, v14, v5;
	v4 =	vsel vm12, v27, v16;
	v1 =	vsel vm12, v14, v62  }
.Ltmp3:
0x69: {  	(pc) =	sbr.rel .LBB2_2-.Ltmp3, $4  }
0x6a: {  	s21 =	sadd.s32 s21, s9  }
0x6b: {  	s21 =	sshll.u32 s21, $0x4  }
0x6c: {  	s20 =	sadd.s32 $0x1, s20;
	s21 =	sadd.s32 s1, s21  }
0x6d: {  	[tilespmem:s13], [sflag:$0x2] =	stream.linear.gather [hbm4b:s21+s3], $0x6400, $0x38;
	[tilespmem:$0xC900] =	vst v63  }
.LBB2_8:
0x6e: {  	_ =	swait.ge [sflag:s14], $0x6400  }
0x6f: {  	[sflag:s14] =	ssyncset.done $0x0  }
0x70: {  	s20 =	simm.s32 $0x0;
	[sflag:s14] =	ssyncadd.s32 $0xFFFF9C00  }
0x71: {  	v19 =	vld [tilespmem:s20+$0x80]  }
0x72: {  	v20 =	vld [tilespmem:s20+$0x90]  }
0x73: {  	v16 =	vld [tilespmem:s20+$0xA0]  }
0x74: {  	v15 =	vld [tilespmem:s20+$0xB0]  }
0x75: {  	v14 =	vld [tilespmem:s20+$0x0]  }
0x76: {  	v22 =	vld [tilespmem:s20+$0x10]  }
0x77: {  	v17 =	vld [tilespmem:s20+$0xC0]  }
0x78: {  	v27 =	vld [tilespmem:s20+$0x20]  }
0x79: {  	v26 =	vld [tilespmem:s20+$0x30]  }
0x7a: {  	v25 =	vld [tilespmem:s20+$0x40]  }
0x7b: {  	v13 =	vor.u32 $0x1, v0;
	v18 =	vld [tilespmem:s20+$0xD0];
	vm0 =	vgt.f32 v14, v24;
	vm1 =	vgt.f32 v22, v23  }
0x7c: {  	v30 =	vsel vm0, v14, v24;
	v29 =	vsel vm1, v22, v23;
	v24 =	vsel vm1, v0, v21;
	v23 =	vld [tilespmem:s20+$0x50]  }
0x7d: {  	s21 =	simm.s32 $0x400;
	v21 =	vsel vm0, v0, v28;
	v22 =	vld [tilespmem:s20+$0x60];
	v14 =	vmovc v0;
	vm0 =	vgt.f32 v19, v30;
	vm1 =	vgt.f32 v20, v29  }
.LBB2_9:
0x7e: {  	p0 =	sne.s32 s21, $0x18C00;
	v28 =	vld [tilespmem:s20+$0x70];
	v30 =	vsel vm0, v19, v30;
	v29 =	vsel vm1, v20, v29;
	v24 =	vsel vm1, v13, v24  }
0x7f: {  	vm1 =	vgt.f32 v27, v12;
	vm2 =	vgt.f32 v26, v11;
	vm3 =	vgt.f32 v25, v10;
	v31 =	vld [tilespmem:s20+$0xE0]  }
0x80: {  	v12 =	vsel vm1, v27, v12;
	v11 =	vsel vm2, v26, v11;
	v10 =	vsel vm3, v25, v10;
	v25 =	vld [tilespmem:s20+$0xF0]  }
0x81: {  	s20 =	sshra.s32 s21, $0x2;
	vm4 =	vgt.f32 v16, v12;
	vm5 =	vgt.f32 v15, v11;
	vm6 =	vgt.f32 v17, v10  }
0x82: {  	v12 =	vsel vm4, v16, v12;
	v11 =	vsel vm5, v15, v11;
	v19 =	vld [tilespmem:s20+$0x80];
	v10 =	vsel vm6, v17, v10  }
0x83: {  	vm7 =	vgt.f32 v23, v8;
	vm8 =	vgt.f32 v22, v6;
	v20 =	vld [tilespmem:s20+$0x90];
	vm9 =	vgt.f32 v28, v4  }
0x84: {  	v8 =	vsel vm7, v23, v8;
	v6 =	vsel vm8, v22, v6;
	v16 =	vld [tilespmem:s20+$0xA0];
	v4 =	vsel vm9, v28, v4  }
0x85: {  	vm10 =	vgt.f32 v18, v8;
	vm11 =	vgt.f32 v31, v6;
	v15 =	vld [tilespmem:s20+$0xB0];
	vm12 =	vgt.f32 v25, v4  }
0x86: {  	v8 =	vsel vm10, v18, v8;
	v6 =	vsel vm11, v31, v6;
	v22 =	vld [tilespmem:s20+$0x0];
	v4 =	vsel vm12, v25, v4  }
0x87: {  	v3 =	vsel vm7, v14, v3;
	v2 =	vsel vm8, v14, v2;
	v1 =	vsel vm9, v14, v1;
	v23 =	vld [tilespmem:s20+$0x10]  }
0x88: {  	v3 =	vsel vm10, v13, v3;
	v2 =	vsel vm11, v13, v2;
	v1 =	vsel vm12, v13, v1;
	v17 =	vld [tilespmem:s20+$0xC0]  }
0x89: {  	v9 =	vsel vm1, v14, v9;
	v7 =	vsel vm2, v14, v7;
	v5 =	vsel vm3, v14, v5;
	v27 =	vld [tilespmem:s20+$0x20]  }
.Ltmp4:
0x8a: {  	v9 =	vsel vm4, v13, v9;
	v7 =	vsel vm5, v13, v7;
	v5 =	vsel vm6, v13, v5;
	v26 =	vld [tilespmem:s20+$0x30];
	(pc) =	sbr.rel @p0 .LBB2_9-.Ltmp4, $4  }
0x8b: {  	v21 =	vsel vm0, v13, v21;
	v14 =	vadd.s32 $0x2, v14;
	v25 =	vld [tilespmem:s20+$0x40]  }
0x8c: {  	v13 =	vor.u32 $0x1, v14;
	vm0 =	vgt.f32 v22, v30;
	vm1 =	vgt.f32 v23, v29;
	v18 =	vld [tilespmem:s20+$0xD0]  }
0x8d: {  	v30 =	vsel vm0, v22, v30;
	v29 =	vsel vm1, v23, v29;
	v24 =	vsel vm1, v14, v24;
	v23 =	vld [tilespmem:s20+$0x50]  }
0x8e: {  	s21 =	sadd.s32 $0x400, s21;
	v21 =	vsel vm0, v14, v21;
	vm0 =	vgt.f32 v19, v30;
	v22 =	vld [tilespmem:s20+$0x60];
	vm1 =	vgt.f32 v20, v29  }
0x8f: {  	v28 =	vld [tilespmem:s20+$0x70]  }
0x90: {  	v31 =	vld [tilespmem:s20+$0xE0];
	v19 =	vsel vm0, v19, v30  }
0x91: {  	v58 =	vld [tilespmem:s20+$0xF0];
	vm2 =	vgt.f32 v27, v12;
	v59 =	vsel vm0, v13, v21;
	[tilespmem:$0xC800] =	vst v19  }
0x92: {  	v20 =	vsel vm1, v20, v29;
	v12 =	vsel vm2, v27, v12;
	[tilespmem:$0xC880] =	vst v59  }
0x93: {  	v60 =	vsel vm1, v13, v24;
	vm6 =	vgt.f32 v26, v11;
	[tilespmem:$0xC810] =	vst v20;
	vm7 =	vgt.f32 v16, v12  }
0x94: {  	v11 =	vsel vm6, v26, v11;
	v9 =	vsel vm2, v14, v9;
	[tilespmem:$0xC890] =	vst v60;
	v12 =	vsel vm7, v16, v12  }
0x95: {  	vm8 =	vgt.f32 v25, v10;
	vm3 =	vgt.f32 v15, v11;
	v9 =	vsel vm7, v13, v9;
	[tilespmem:$0xC820] =	vst v12  }
0x96: {  	v7 =	vsel vm6, v14, v7;
	v10 =	vsel vm8, v25, v10;
	v11 =	vsel vm3, v15, v11;
	[tilespmem:$0xC8A0] =	vst v9  }
0x97: {  	vm9 =	vgt.f32 v17, v10;
	vm10 =	vgt.f32 v23, v8;
	v7 =	vsel vm3, v13, v7;
	[tilespmem:$0xC830] =	vst v11  }
0x98: {  	v5 =	vsel vm8, v14, v5;
	v61 =	vsel vm9, v17, v10;
	v8 =	vsel vm10, v23, v8;
	[tilespmem:$0xC8B0] =	vst v7  }
0x99: {  	vm11 =	vgt.f32 v22, v6;
	v5 =	vsel vm9, v13, v5;
	vm12 =	vgt.f32 v18, v8;
	[tilespmem:$0xC840] =	vst v61  }
0x9a: {  	v3 =	vsel vm10, v14, v3;
	v6 =	vsel vm11, v22, v6;
	[tilespmem:$0xC8C0] =	vst v5;
	v62 =	vsel vm12, v18, v8  }
0x9b: {  	vm13 =	vgt.f32 v28, v4;
	vm14 =	vgt.f32 v31, v6;
	v3 =	vsel vm12, v13, v3;
	[tilespmem:$0xC850] =	vst v62  }
0x9c: {  	v2 =	vsel vm11, v14, v2;
	v4 =	vsel vm13, v28, v4;
	v63 =	vsel vm14, v31, v6;
	[tilespmem:$0xC8D0] =	vst v3  }
0x9d: {  	vm15 =	vgt.f32 v58, v4;
	v2 =	vsel vm14, v13, v2;
	[tilespmem:$0xC860] =	vst v63  }
0x9e: {  	v1 =	vsel vm13, v14, v1;
	v3 =	vsel vm15, v58, v4;
	[tilespmem:$0xC8E0] =	vst v2  }
0x9f: {  	v1 =	vsel vm15, v13, v1;
	[tilespmem:$0xC870] =	vst v3  }
0xa0: {  	[tilespmem:$0xC8F0] =	vst v1  }
0xa1: {  	[hbm4b:s10+s3] =	stream.linear.scatter [tilespmem:s16], [sflag:$0x3], $0x80, $0x38;
	[tilespmem:$0xC900] =	vst v63  }
0xa2: {  	s19 =	sadd.s32 $0x1, s19;
	_ =	swait.ge [sflag:s17], $0x80  }
0xa3: {  	p0 =	sne.s32 s19, s12;
	[sflag:s17] =	ssyncset.done $0x0  }
.Ltmp5:
0xa4: {  	[sflag:s17] =	ssyncadd.s32 $0xFFFFFF80;
	(pc) =	sbr.rel @p0 .LBB2_1-.Ltmp5, $4  }
0xa5: {  	[hbm4b:s11+s3] =	stream.linear.scatter [tilespmem:s18], [sflag:$0x3], $0x80, $0x38;
	[tilespmem:$0xC900] =	vst v63  }
0xa6: {  	_ =	swait.ge [sflag:s17], $0x80  }
0xa7: {  	[sflag:s17] =	ssyncset.done $0x0  }
0xa8: {  	[sflag:s17] =	ssyncadd.s32 $0xFFFFFF80  }
0xa9: {  	_ =	sfence.sel $0x180000  }
0xaa: {  	[bflag:$0x0] =	sbarrier.arrive $0xFFFF  }
0xab: {  	p0 =	sne.s32 s2, $0x0;
	_ =	strace $0x90000047  }
0xac: {  	s0 =	sadd.s32 @!p0 $0x100000, s0;
	[bflag:$0x2] =	sbarrier.arrive $0xFFFF  }
0xad: {  	[sflag:s0] =	ssyncadd.tile.s32 @!p0 $0x1;
	_ =	shalt  }
.Lfunc_end2:
_tile_overlayer_lowered:
.L_overlay_start_2:
0xae: {  	(tag) =	ssettag $0x2  }
0xaf: {  	s0 =	rddreg [dreg:$0x0];
	s2 =	stileid.u32  }
0xb0: {  	s1 =	rddreg [dreg:$0x1];
	p0 =	sne.s32 s2, $0x0  }
0xb1: {  	s3 =	rddreg [dreg:$0x2];
	[bflag:$0x3] =	sbarrier.arrive $0xFFFF;
	s2 =	simm.s32 @!p0 $0x1C03  }
0xb2: {  	[timem:s3], [sflag:s2] =	dma.local @!p0 [hbm:s0], s1  }
0xb3: {  	s0 =	simm.s32 @!p0 $0x3  }
0xb4: {  	_ =	swait.ge @!p0 [sflag:s0], s1  }
0xb5: {  	s1 =	ssub.s32 @!p0 $0x0, s1;
	[sflag:s0] =	ssyncset.done @!p0 $0x0  }
0xb6: {  	[sflag:s0] =	ssyncadd.s32 @!p0 s1  }
0xb7: {  	[bflag:$0x3] =	sbarrier.arrive $0xFFFF  }
0xb8: {  	_ =	shalt  }

</sc_bundles>
